<compile_context>
chip_gen: v7x
topology: tpu7x:2x2x1
jax: 0.10.2.dev20260603
libtpu: 0.0.44.dev20260713+nightly
codegen_flags: <defaults>
</compile_context>

<pallas_src>
import functools

import jax
import jax.numpy as jnp
from jax import lax
from jax.experimental import pallas as pl
from jax.experimental.pallas import tpu as pltpu
from jax.experimental.pallas import tpu_sc as plsc

NUM_NEWS = 1000000
EMBED_DIM = 32
BATCH = 16384
HIST = 50
TOTAL = BATCH * HIST

NW = 32
B_PER_W = TOTAL // NW
CHUNK = 512
NCH = B_PER_W // CHUNK
NTILECOL_PER_W = B_PER_W // 128

_mesh = plsc.VectorSubcoreMesh(core_axis_name="c", subcore_axis_name="s")

@functools.partial(
    pl.kernel,
    out_type=jax.ShapeDtypeStruct((TOTAL // 32, 8, 128), jnp.float32),
    mesh=_mesh,
    scratch_types=[
        pltpu.VMEM((B_PER_W,), jnp.int32),
        pltpu.VMEM((2, CHUNK, EMBED_DIM), jnp.float32),
        pltpu.VMEM((2, EMBED_DIM, CHUNK + 1), jnp.float32),
        [pltpu.SemaphoreType.DMA for _ in range(2)],
        [pltpu.SemaphoreType.DMA for _ in range(2)],
    ],
    compiler_params=pltpu.CompilerParams(
        use_tc_tiling_on_sc=False, needs_layout_passes=False
    ),
)
def _gather_kernel(idx_hbm, table_hbm, out_hbm, idx_v, rows_v, tbuf_v, gsems, ssems):
    wid = lax.axis_index("s") * 2 + lax.axis_index("c")
    base = wid * B_PER_W
    t0 = wid * NTILECOL_PER_W

    pltpu.sync_copy(idx_hbm.at[pl.ds(base, B_PER_W)], idx_v)

    iota = lax.broadcasted_iota(jnp.int32, (16,), 0)
    d_lo = iota
    d_hi = iota + 16

    def g_start(c, b):
        pltpu.async_copy(
            table_hbm.at[idx_v.at[pl.ds(c * CHUNK, CHUNK)]], rows_v.at[b], gsems[b]
        )

    def g_wait(b):
        pltpu.make_async_copy(
            table_hbm.at[idx_v.at[pl.ds(0, CHUNK)]], rows_v.at[b], gsems[b]
        ).wait()

    def transpose(b):
        rows = rows_v.at[b]
        tb = tbuf_v.at[b]

        def body(r8, carry):
            for u in range(8):
                r = r8 * 8 + u
                col = jnp.broadcast_to(r, (16,))
                plsc.store_scatter(tb, [d_lo, col], rows[r, pl.ds(0, 16)])
                plsc.store_scatter(tb, [d_hi, col], rows[r, pl.ds(16, 16)])
            return carry

        lax.fori_loop(0, CHUNK // 8, body, 0)

    def s_fire(c, b):
        tstart = t0 + c * 4
        l = tstart // 128
        ib0 = tstart - l * 128
        for td in range(4):
            tile0 = (l * 4 + td) * 128 + ib0
            for tc4 in range(4):
                pltpu.async_copy(
                    tbuf_v.at[b, pl.ds(td * 8, 8), pl.ds(tc4 * 128, 128)],
                    out_hbm.at[tile0 + tc4],
                    ssems[b],
                )

    def s_drain(b):
        for _ in range(16):
            pltpu.make_async_copy(
                tbuf_v.at[b, pl.ds(0, 8), pl.ds(0, 128)], out_hbm.at[0], ssems[b]
            ).wait()

    g_start(0, 0)

    def group(g, carry):
        for b in range(2):
            c = g * 2 + b
            g_wait(b)

            @pl.when(c < NCH - 1)
            def _():
                g_start(c + 1, 1 - b)

            @pl.when(g >= 1)
            def _():
                s_drain(b)

            transpose(b)
            s_fire(c, b)
        return carry

    lax.fori_loop(0, NCH // 2, group, 0)
    s_drain(0)
    s_drain(1)


def kernel(news_ids, table):
    idx_flat = jnp.transpose(news_ids).reshape(TOTAL)
    out5 = _gather_kernel(idx_flat, table)
    return (
        out5.reshape(HIST, 4, 128, 8, 128)
        .transpose(2, 4, 0, 1, 3)
        .reshape(BATCH, HIST, EMBED_DIM)
    )

# --- scband reference (transcript-rebuilt; emitter-appended) ---
"""Pipeline reference for scband-news-embedding-24833500905591 (READ-ONLY COPY).

The authoritative reference and input builder live on the scoring server;
editing this copy changes nothing except your own understanding.
"""

import jax, jax.numpy as jnp
import numpy as np

NUM_NEWS = 1000000
EMBED_DIM = 32
BATCH = 16384
HIST_LEN = 50


def setup_inputs(seed: int = 0) -> dict:
    key = jax.random.key(seed)
    k1, k2 = jax.random.split(key)
    news_ids = jax.random.randint(k1, (BATCH, HIST_LEN), 0, NUM_NEWS, dtype=jnp.int64 if jax.config.jax_enable_x64 else jnp.int32).astype(jnp.int32)
    table = jax.random.normal(k2, (NUM_NEWS, EMBED_DIM), dtype=jnp.float32)
    # padding_idx=0: row 0 is zeroed (matches nn.Embedding(padding_idx=0) init behavior)
    table = table.at[0].set(0.0)
    return {"news_ids": news_ids, "table": table}


def reference(news_ids, table):
    # nn.Embedding lookup: (B, L) -> (B, L, D)
    return jnp.take(table, news_ids, axis=0)

if __name__ == "__main__":
    import jax
    _d = setup_inputs()
    print(jax.jit(kernel)(*tuple(_d.values())))

</pallas_src>

<mosaic_0001>
#map = affine_map<(d0, d1) -> (0)>
#map1 = affine_map<(d0, d1) -> (0, 0)>
#map2 = affine_map<(d0, d1) -> (0, 0, 0)>
module attributes {stable_mosaic.version = 14 : i64} {
  func.func @_gather_kernel(%arg0: i32, %arg1: i32, %arg2: memref<819200xi32, #tpu.memory_space<hbm>>, %arg3: memref<1000000x32xf32, #tpu.memory_space<hbm>>, %arg4: memref<25600x8x128xf32, #tpu.memory_space<hbm>>, %arg5: memref<25600xi32, #tpu.memory_space<vmem>>, %arg6: memref<2x512x32xf32, #tpu.memory_space<vmem>>, %arg7: memref<2x32x513xf32, #tpu.memory_space<vmem>>, %arg8: memref<!tpu.dma_semaphore, #tpu.memory_space<semaphore_mem>>, %arg9: memref<!tpu.dma_semaphore, #tpu.memory_space<semaphore_mem>>, %arg10: memref<!tpu.dma_semaphore, #tpu.memory_space<semaphore_mem>>, %arg11: memref<!tpu.dma_semaphore, #tpu.memory_space<semaphore_mem>>) attributes {dimension_semantics = [#tpu.dimension_semantics<core_parallel>, #tpu.dimension_semantics<subcore_parallel>], iteration_bounds = array<i64: 2, 16>, scalar_prefetch = 0 : i64, scratch_operands = 7 : i64, tpu.core_type = #tpu.core_type<sc_vector_subcore>, window_params = [{transform_indices = #map}, {transform_indices = #map1}, {transform_indices = #map2}]} {
    %mul3A = arith.constant 2 : i32
    %mul3A_0 = arith.muli %arg1, %mul3A : i32
    %add3A = arith.addi %mul3A_0, %arg0 : i32
    %mul3A_1 = arith.constant 25600 : i32
    %mul3A_2 = arith.muli %add3A, %mul3A_1 : i32
    %mul3A_3 = arith.constant 200 : i32
    %mul3A_4 = arith.muli %add3A, %mul3A_3 : i32
    "tpu.region"() ({
      %run_scoped3A = tpu.sem_alloc : memref<!tpu.dma_semaphore, #tpu.memory_space<semaphore_mem>>
      %dma_start3A_597 = tpu.memref_slice %arg2[%mul3A_2] : memref<819200xi32, #tpu.memory_space<hbm>> -> memref<25600xi32, #tpu.memory_space<hbm>>
      %dma_start3A_598 = tpu.memref_slice %arg2[%mul3A_2] : memref<819200xi32, #tpu.memory_space<hbm>> -> memref<25600xi32, #tpu.memory_space<hbm>>
      tpu.enqueue_dma source(%dma_start3A_598 : memref<25600xi32, #tpu.memory_space<hbm>>) target(%arg5 : memref<25600xi32, #tpu.memory_space<vmem>>) target_semaphore(%run_scoped3A : memref<!tpu.dma_semaphore, #tpu.memory_space<semaphore_mem>>)
      %dma_wait3A_599 = tpu.memref_slice %arg2[%mul3A_2] : memref<819200xi32, #tpu.memory_space<hbm>> -> memref<25600xi32, #tpu.memory_space<hbm>>
      %dma_wait3A_600 = tpu.memref_slice %arg2[%mul3A_2] : memref<819200xi32, #tpu.memory_space<hbm>> -> memref<25600xi32, #tpu.memory_space<hbm>>
      tpu.wait_dma2 semaphore(%run_scoped3A : memref<!tpu.dma_semaphore, #tpu.memory_space<semaphore_mem>>) src(%dma_wait3A_600 : memref<25600xi32, #tpu.memory_space<hbm>>) dst(%arg5 : memref<25600xi32, #tpu.memory_space<vmem>>)
      tpu.yield
    }) : () -> ()
    %iota3A = tpu.iota {dimensions = array<i32: 0>} : vector<16xi32>
    %add3A_5 = arith.constant 16 : i32
    %add3A_6 = vector.broadcast %add3A_5 : i32 to vector<16xi32>
    %add3A_7 = arith.addi %iota3A, %add3A_6 : vector<16xi32>
    %dma_start3A = arith.constant 0 : i32
    %dma_start3A_8 = arith.constant 0 : i32
    %dma_start3A_9 = arith.constant 0 : i32
    %dma_start3A_10 = tpu.memref_slice %arg6[%dma_start3A, %dma_start3A_8, %dma_start3A_9] : memref<2x512x32xf32, #tpu.memory_space<vmem>> -> memref<1x512x32xf32, #tpu.memory_space<vmem>>
    %dma_start3A_11 = tpu.memref_squeeze %dma_start3A_10 : memref<1x512x32xf32, #tpu.memory_space<vmem>> -> memref<512x32xf32, #tpu.memory_space<vmem>>
    %dma_start3A_12 = arith.constant 0 : i32
    %dma_start3A_13 = tpu.memref_slice %arg5[%dma_start3A_12] : memref<25600xi32, #tpu.memory_space<vmem>> -> memref<512xi32, #tpu.memory_space<vmem>>
    %dma_start3A_14 = arith.constant 0 : i32
    %dma_start3A_15 = arith.constant 0 : i32
    %dma_start3A_16 = tpu.memref_slice %arg3[%dma_start3A_14, %dma_start3A_15] : memref<1000000x32xf32, #tpu.memory_space<hbm>> -> memref<1000000x32xf32, #tpu.memory_space<hbm>>
    tpu.enqueue_indirect_dma source(%dma_start3A_16 : memref<1000000x32xf32, #tpu.memory_space<hbm>>) target(%dma_start3A_11 : memref<512x32xf32, #tpu.memory_space<vmem>>) offsets(%dma_start3A_13 : memref<512xi32, #tpu.memory_space<vmem>>) semaphore(%arg8 : memref<!tpu.dma_semaphore, #tpu.memory_space<semaphore_mem>>)
    %scan3A = arith.constant 0 : i32
    %scan3A_17 = arith.constant 0 : i32
    %scan3A_18 = arith.constant 25 : i32
    %scan3A_19 = arith.addi %scan3A_17, %scan3A_18 : i32
    %scan3A_20 = arith.constant 1 : i32
    scf.for %scan3A_597 = %scan3A_17 to %scan3A_19 step %scan3A_20  : i32 {
      %mul3A_598 = arith.constant 2 : i32
      %mul3A_599 = arith.muli %scan3A_597, %mul3A_598 : i32
      %add3A_600 = arith.constant 0 : i32
      %add3A_601 = arith.addi %mul3A_599, %add3A_600 : i32
      %dma_wait3A_602 = arith.constant 0 : i32
      %dma_wait3A_603 = arith.constant 0 : i32
      %dma_wait3A_604 = arith.constant 0 : i32
      %dma_wait3A_605 = tpu.memref_slice %arg6[%dma_wait3A_602, %dma_wait3A_603, %dma_wait3A_604] : memref<2x512x32xf32, #tpu.memory_space<vmem>> -> memref<1x512x32xf32, #tpu.memory_space<vmem>>
      %dma_wait3A_606 = tpu.memref_squeeze %dma_wait3A_605 : memref<1x512x32xf32, #tpu.memory_space<vmem>> -> memref<512x32xf32, #tpu.memory_space<vmem>>
      %dma_wait3A_607 = arith.constant 0 : i32
      %dma_wait3A_608 = tpu.memref_slice %arg5[%dma_wait3A_607] : memref<25600xi32, #tpu.memory_space<vmem>> -> memref<512xi32, #tpu.memory_space<vmem>>
      %dma_wait3A_609 = arith.constant 0 : i32
      %dma_wait3A_610 = arith.constant 0 : i32
      %dma_wait3A_611 = tpu.memref_slice %arg3[%dma_wait3A_609, %dma_wait3A_610] : memref<1000000x32xf32, #tpu.memory_space<hbm>> -> memref<1000000x32xf32, #tpu.memory_space<hbm>>
      tpu.wait_indirect_dma semaphore(%arg8 : memref<!tpu.dma_semaphore, #tpu.memory_space<semaphore_mem>>) src(%dma_wait3A_611 : memref<1000000x32xf32, #tpu.memory_space<hbm>>) dst(%dma_wait3A_606 : memref<512x32xf32, #tpu.memory_space<vmem>>)
      %lt3A = arith.constant 49 : i32
      %lt3A_612 = arith.cmpi slt, %add3A_601, %lt3A : i32
      %convert_element_type3A = arith.extui %lt3A_612 : i1 to i32
      %cond3A = arith.constant 0 : i32
      %cond3A_613 = arith.cmpi ne, %convert_element_type3A, %cond3A : i32
      scf.if %cond3A_613 {
        %add3A_1374 = arith.constant 1 : i32
        %add3A_1375 = arith.addi %add3A_601, %add3A_1374 : i32
        %mul3A_1376 = arith.constant 512 : i32
        %mul3A_1377 = arith.muli %add3A_1375, %mul3A_1376 : i32
        %dma_start3A_1378 = arith.constant 1 : i32
        %dma_start3A_1379 = arith.constant 0 : i32
        %dma_start3A_1380 = arith.constant 0 : i32
        %dma_start3A_1381 = tpu.memref_slice %arg6[%dma_start3A_1378, %dma_start3A_1379, %dma_start3A_1380] : memref<2x512x32xf32, #tpu.memory_space<vmem>> -> memref<1x512x32xf32, #tpu.memory_space<vmem>>
        %dma_start3A_1382 = tpu.memref_squeeze %dma_start3A_1381 : memref<1x512x32xf32, #tpu.memory_space<vmem>> -> memref<512x32xf32, #tpu.memory_space<vmem>>
        %dma_start3A_1383 = tpu.memref_slice %arg5[%mul3A_1377] : memref<25600xi32, #tpu.memory_space<vmem>> -> memref<512xi32, #tpu.memory_space<vmem>>
        %dma_start3A_1384 = arith.constant 0 : i32
        %dma_start3A_1385 = arith.constant 0 : i32
        %dma_start3A_1386 = tpu.memref_slice %arg3[%dma_start3A_1384, %dma_start3A_1385] : memref<1000000x32xf32, #tpu.memory_space<hbm>> -> memref<1000000x32xf32, #tpu.memory_space<hbm>>
        tpu.enqueue_indirect_dma source(%dma_start3A_1386 : memref<1000000x32xf32, #tpu.memory_space<hbm>>) target(%dma_start3A_1382 : memref<512x32xf32, #tpu.memory_space<vmem>>) offsets(%dma_start3A_1383 : memref<512xi32, #tpu.memory_space<vmem>>) semaphore(%arg9 : memref<!tpu.dma_semaphore, #tpu.memory_space<semaphore_mem>>)
      } else {
      }
      %ge3A = arith.constant 1 : i32
      %ge3A_614 = arith.cmpi sge, %scan3A_597, %ge3A : i32
      %convert_element_type3A_615 = arith.extui %ge3A_614 : i1 to i32
      %cond3A_616 = arith.constant 0 : i32
      %cond3A_617 = arith.cmpi ne, %convert_element_type3A_615, %cond3A_616 : i32
      scf.if %cond3A_617 {
        %dma_wait3A_1374 = arith.constant 0 : i32
        %dma_wait3A_1375 = arith.constant 0 : i32
        %dma_wait3A_1376 = arith.constant 0 : i32
        %dma_wait3A_1377 = arith.constant 0 : i32
        %dma_wait3A_1378 = tpu.memref_slice %arg7[%dma_wait3A_1374, %dma_wait3A_1376, %dma_wait3A_1377] : memref<2x32x513xf32, #tpu.memory_space<vmem>> -> memref<1x8x128xf32, #tpu.memory_space<vmem>>
        %dma_wait3A_1379 = tpu.memref_squeeze %dma_wait3A_1378 : memref<1x8x128xf32, #tpu.memory_space<vmem>> -> memref<8x128xf32, #tpu.memory_space<vmem>>
        %dma_wait3A_1380 = arith.constant 0 : i32
        %dma_wait3A_1381 = arith.constant 0 : i32
        %dma_wait3A_1382 = tpu.memref_slice %arg4[%dma_wait3A_1375, %dma_wait3A_1380, %dma_wait3A_1381] : memref<25600x8x128xf32, #tpu.memory_space<hbm>> -> memref<1x8x128xf32, #tpu.memory_space<hbm>>
        %dma_wait3A_1383 = tpu.memref_squeeze %dma_wait3A_1382 : memref<1x8x128xf32, #tpu.memory_space<hbm>> -> memref<8x128xf32, #tpu.memory_space<hbm>>
        %dma_wait3A_1384 = arith.constant 0 : i32
        %dma_wait3A_1385 = arith.constant 0 : i32
        %dma_wait3A_1386 = tpu.memref_slice %arg4[%dma_wait3A_1375, %dma_wait3A_1384, %dma_wait3A_1385] : memref<25600x8x128xf32, #tpu.memory_space<hbm>> -> memref<1x8x128xf32, #tpu.memory_space<hbm>>
        %dma_wait3A_1387 = tpu.memref_squeeze %dma_wait3A_1386 : memref<1x8x128xf32, #tpu.memory_space<hbm>> -> memref<8x128xf32, #tpu.memory_space<hbm>>
        %dma_wait3A_1388 = arith.constant 0 : i32
        %dma_wait3A_1389 = arith.constant 0 : i32
        %dma_wait3A_1390 = tpu.memref_slice %arg7[%dma_wait3A_1374, %dma_wait3A_1388, %dma_wait3A_1389] : memref<2x32x513xf32, #tpu.memory_space<vmem>> -> memref<1x8x128xf32, #tpu.memory_space<vmem>>
        %dma_wait3A_1391 = tpu.memref_squeeze %dma_wait3A_1390 : memref<1x8x128xf32, #tpu.memory_space<vmem>> -> memref<8x128xf32, #tpu.memory_space<vmem>>
        tpu.wait_dma2 semaphore(%arg10 : memref<!tpu.dma_semaphore, #tpu.memory_space<semaphore_mem>>) src(%dma_wait3A_1391 : memref<8x128xf32, #tpu.memory_space<vmem>>) dst(%dma_wait3A_1387 : memref<8x128xf32, #tpu.memory_space<hbm>>)
        %dma_wait3A_1392 = arith.constant 0 : i32
        %dma_wait3A_1393 = arith.constant 0 : i32
        %dma_wait3A_1394 = arith.constant 0 : i32
        %dma_wait3A_1395 = arith.constant 0 : i32
        %dma_wait3A_1396 = tpu.memref_slice %arg7[%dma_wait3A_1392, %dma_wait3A_1394, %dma_wait3A_1395] : memref<2x32x513xf32, #tpu.memory_space<vmem>> -> memref<1x8x128xf32, #tpu.memory_space<vmem>>
        %dma_wait3A_1397 = tpu.memref_squeeze %dma_wait3A_1396 : memref<1x8x128xf32, #tpu.memory_space<vmem>> -> memref<8x128xf32, #tpu.memory_space<vmem>>
        %dma_wait3A_1398 = arith.constant 0 : i32
        %dma_wait3A_1399 = arith.constant 0 : i32
        %dma_wait3A_1400 = tpu.memref_slice %arg4[%dma_wait3A_1393, %dma_wait3A_1398, %dma_wait3A_1399] : memref<25600x8x128xf32, #tpu.memory_space<hbm>> -> memref<1x8x128xf32, #tpu.memory_space<hbm>>
        %dma_wait3A_1401 = tpu.memref_squeeze %dma_wait3A_1400 : memref<1x8x128xf32, #tpu.memory_space<hbm>> -> memref<8x128xf32, #tpu.memory_space<hbm>>
        %dma_wait3A_1402 = arith.constant 0 : i32
        %dma_wait3A_1403 = arith.constant 0 : i32
        %dma_wait3A_1404 = tpu.memref_slice %arg4[%dma_wait3A_1393, %dma_wait3A_1402, %dma_wait3A_1403] : memref<25600x8x128xf32, #tpu.memory_space<hbm>> -> memref<1x8x128xf32, #tpu.memory_space<hbm>>
        %dma_wait3A_1405 = tpu.memref_squeeze %dma_wait3A_1404 : memref<1x8x128xf32, #tpu.memory_space<hbm>> -> memref<8x128xf32, #tpu.memory_space<hbm>>
        %dma_wait3A_1406 = arith.constant 0 : i32
        %dma_wait3A_1407 = arith.constant 0 : i32
        %dma_wait3A_1408 = tpu.memref_slice %arg7[%dma_wait3A_1392, %dma_wait3A_1406, %dma_wait3A_1407] : memref<2x32x513xf32, #tpu.memory_space<vmem>> -> memref<1x8x128xf32, #tpu.memory_space<vmem>>
        %dma_wait3A_1409 = tpu.memref_squeeze %dma_wait3A_1408 : memref<1x8x128xf32, #tpu.memory_space<vmem>> -> memref<8x128xf32, #tpu.memory_space<vmem>>
        tpu.wait_dma2 semaphore(%arg10 : memref<!tpu.dma_semaphore, #tpu.memory_space<semaphore_mem>>) src(%dma_wait3A_1409 : memref<8x128xf32, #tpu.memory_space<vmem>>) dst(%dma_wait3A_1405 : memref<8x128xf32, #tpu.memory_space<hbm>>)
        %dma_wait3A_1410 = arith.constant 0 : i32
        %dma_wait3A_1411 = arith.constant 0 : i32
        %dma_wait3A_1412 = arith.constant 0 : i32
        %dma_wait3A_1413 = arith.constant 0 : i32
        %dma_wait3A_1414 = tpu.memref_slice %arg7[%dma_wait3A_1410, %dma_wait3A_1412, %dma_wait3A_1413] : memref<2x32x513xf32, #tpu.memory_space<vmem>> -> memref<1x8x128xf32, #tpu.memory_space<vmem>>
        %dma_wait3A_1415 = tpu.memref_squeeze %dma_wait3A_1414 : memref<1x8x128xf32, #tpu.memory_space<vmem>> -> memref<8x128xf32, #tpu.memory_space<vmem>>
        %dma_wait3A_1416 = arith.constant 0 : i32
        %dma_wait3A_1417 = arith.constant 0 : i32
        %dma_wait3A_1418 = tpu.memref_slice %arg4[%dma_wait3A_1411, %dma_wait3A_1416, %dma_wait3A_1417] : memref<25600x8x128xf32, #tpu.memory_space<hbm>> -> memref<1x8x128xf32, #tpu.memory_space<hbm>>
        %dma_wait3A_1419 = tpu.memref_squeeze %dma_wait3A_1418 : memref<1x8x128xf32, #tpu.memory_space<hbm>> -> memref<8x128xf32, #tpu.memory_space<hbm>>
        %dma_wait3A_1420 = arith.constant 0 : i32
        %dma_wait3A_1421 = arith.constant 0 : i32
        %dma_wait3A_1422 = tpu.memref_slice %arg4[%dma_wait3A_1411, %dma_wait3A_1420, %dma_wait3A_1421] : memref<25600x8x128xf32, #tpu.memory_space<hbm>> -> memref<1x8x128xf32, #tpu.memory_space<hbm>>
        %dma_wait3A_1423 = tpu.memref_squeeze %dma_wait3A_1422 : memref<1x8x128xf32, #tpu.memory_space<hbm>> -> memref<8x128xf32, #tpu.memory_space<hbm>>
        %dma_wait3A_1424 = arith.constant 0 : i32
        %dma_wait3A_1425 = arith.constant 0 : i32
        %dma_wait3A_1426 = tpu.memref_slice %arg7[%dma_wait3A_1410, %dma_wait3A_1424, %dma_wait3A_1425] : memref<2x32x513xf32, #tpu.memory_space<vmem>> -> memref<1x8x128xf32, #tpu.memory_space<vmem>>
        %dma_wait3A_1427 = tpu.memref_squeeze %dma_wait3A_1426 : memref<1x8x128xf32, #tpu.memory_space<vmem>> -> memref<8x128xf32, #tpu.memory_space<vmem>>
        tpu.wait_dma2 semaphore(%arg10 : memref<!tpu.dma_semaphore, #tpu.memory_space<semaphore_mem>>) src(%dma_wait3A_1427 : memref<8x128xf32, #tpu.memory_space<vmem>>) dst(%dma_wait3A_1423 : memref<8x128xf32, #tpu.memory_space<hbm>>)
        %dma_wait3A_1428 = arith.constant 0 : i32
        %dma_wait3A_1429 = arith.constant 0 : i32
        %dma_wait3A_1430 = arith.constant 0 : i32
        %dma_wait3A_1431 = arith.constant 0 : i32
        %dma_wait3A_1432 = tpu.memref_slice %arg7[%dma_wait3A_1428, %dma_wait3A_1430, %dma_wait3A_1431] : memref<2x32x513xf32, #tpu.memory_space<vmem>> -> memref<1x8x128xf32, #tpu.memory_space<vmem>>
        %dma_wait3A_1433 = tpu.memref_squeeze %dma_wait3A_1432 : memref<1x8x128xf32, #tpu.memory_space<vmem>> -> memref<8x128xf32, #tpu.memory_space<vmem>>
        %dma_wait3A_1434 = arith.constant 0 : i32
        %dma_wait3A_1435 = arith.constant 0 : i32
        %dma_wait3A_1436 = tpu.memref_slice %arg4[%dma_wait3A_1429, %dma_wait3A_1434, %dma_wait3A_1435] : memref<25600x8x128xf32, #tpu.memory_space<hbm>> -> memref<1x8x128xf32, #tpu.memory_space<hbm>>
        %dma_wait3A_1437 = tpu.memref_squeeze %dma_wait3A_1436 : memref<1x8x128xf32, #tpu.memory_space<hbm>> -> memref<8x128xf32, #tpu.memory_space<hbm>>
        %dma_wait3A_1438 = arith.constant 0 : i32
        %dma_wait3A_1439 = arith.constant 0 : i32
        %dma_wait3A_1440 = tpu.memref_slice %arg4[%dma_wait3A_1429, %dma_wait3A_1438, %dma_wait3A_1439] : memref<25600x8x128xf32, #tpu.memory_space<hbm>> -> memref<1x8x128xf32, #tpu.memory_space<hbm>>
        %dma_wait3A_1441 = tpu.memref_squeeze %dma_wait3A_1440 : memref<1x8x128xf32, #tpu.memory_space<hbm>> -> memref<8x128xf32, #tpu.memory_space<hbm>>
        %dma_wait3A_1442 = arith.constant 0 : i32
        %dma_wait3A_1443 = arith.constant 0 : i32
        %dma_wait3A_1444 = tpu.memref_slice %arg7[%dma_wait3A_1428, %dma_wait3A_1442, %dma_wait3A_1443] : memref<2x32x513xf32, #tpu.memory_space<vmem>> -> memref<1x8x128xf32, #tpu.memory_space<vmem>>
        %dma_wait3A_1445 = tpu.memref_squeeze %dma_wait3A_1444 : memref<1x8x128xf32, #tpu.memory_space<vmem>> -> memref<8x128xf32, #tpu.memory_space<vmem>>
        tpu.wait_dma2 semaphore(%arg10 : memref<!tpu.dma_semaphore, #tpu.memory_space<semaphore_mem>>) src(%dma_wait3A_1445 : memref<8x128xf32, #tpu.memory_space<vmem>>) dst(%dma_wait3A_1441 : memref<8x128xf32, #tpu.memory_space<hbm>>)
        %dma_wait3A_1446 = arith.constant 0 : i32
        %dma_wait3A_1447 = arith.constant 0 : i32
        %dma_wait3A_1448 = arith.constant 0 : i32
        %dma_wait3A_1449 = arith.constant 0 : i32
        %dma_wait3A_1450 = tpu.memref_slice %arg7[%dma_wait3A_1446, %dma_wait3A_1448, %dma_wait3A_1449] : memref<2x32x513xf32, #tpu.memory_space<vmem>> -> memref<1x8x128xf32, #tpu.memory_space<vmem>>
        %dma_wait3A_1451 = tpu.memref_squeeze %dma_wait3A_1450 : memref<1x8x128xf32, #tpu.memory_space<vmem>> -> memref<8x128xf32, #tpu.memory_space<vmem>>
        %dma_wait3A_1452 = arith.constant 0 : i32
        %dma_wait3A_1453 = arith.constant 0 : i32
        %dma_wait3A_1454 = tpu.memref_slice %arg4[%dma_wait3A_1447, %dma_wait3A_1452, %dma_wait3A_1453] : memref<25600x8x128xf32, #tpu.memory_space<hbm>> -> memref<1x8x128xf32, #tpu.memory_space<hbm>>
        %dma_wait3A_1455 = tpu.memref_squeeze %dma_wait3A_1454 : memref<1x8x128xf32, #tpu.memory_space<hbm>> -> memref<8x128xf32, #tpu.memory_space<hbm>>
        %dma_wait3A_1456 = arith.constant 0 : i32
        %dma_wait3A_1457 = arith.constant 0 : i32
        %dma_wait3A_1458 = tpu.memref_slice %arg4[%dma_wait3A_1447, %dma_wait3A_1456, %dma_wait3A_1457] : memref<25600x8x128xf32, #tpu.memory_space<hbm>> -> memref<1x8x128xf32, #tpu.memory_space<hbm>>
        %dma_wait3A_1459 = tpu.memref_squeeze %dma_wait3A_1458 : memref<1x8x128xf32, #tpu.memory_space<hbm>> -> memref<8x128xf32, #tpu.memory_space<hbm>>
        %dma_wait3A_1460 = arith.constant 0 : i32
        %dma_wait3A_1461 = arith.constant 0 : i32
        %dma_wait3A_1462 = tpu.memref_slice %arg7[%dma_wait3A_1446, %dma_wait3A_1460, %dma_wait3A_1461] : memref<2x32x513xf32, #tpu.memory_space<vmem>> -> memref<1x8x128xf32, #tpu.memory_space<vmem>>
        %dma_wait3A_1463 = tpu.memref_squeeze %dma_wait3A_1462 : memref<1x8x128xf32, #tpu.memory_space<vmem>> -> memref<8x128xf32, #tpu.memory_space<vmem>>
        tpu.wait_dma2 semaphore(%arg10 : memref<!tpu.dma_semaphore, #tpu.memory_space<semaphore_mem>>) src(%dma_wait3A_1463 : memref<8x128xf32, #tpu.memory_space<vmem>>) dst(%dma_wait3A_1459 : memref<8x128xf32, #tpu.memory_space<hbm>>)
        %dma_wait3A_1464 = arith.constant 0 : i32
        %dma_wait3A_1465 = arith.constant 0 : i32
        %dma_wait3A_1466 = arith.constant 0 : i32
        %dma_wait3A_1467 = arith.constant 0 : i32
        %dma_wait3A_1468 = tpu.memref_slice %arg7[%dma_wait3A_1464, %dma_wait3A_1466, %dma_wait3A_1467] : memref<2x32x513xf32, #tpu.memory_space<vmem>> -> memref<1x8x128xf32, #tpu.memory_space<vmem>>
        %dma_wait3A_1469 = tpu.memref_squeeze %dma_wait3A_1468 : memref<1x8x128xf32, #tpu.memory_space<vmem>> -> memref<8x128xf32, #tpu.memory_space<vmem>>
        %dma_wait3A_1470 = arith.constant 0 : i32
        %dma_wait3A_1471 = arith.constant 0 : i32
        %dma_wait3A_1472 = tpu.memref_slice %arg4[%dma_wait3A_1465, %dma_wait3A_1470, %dma_wait3A_1471] : memref<25600x8x128xf32, #tpu.memory_space<hbm>> -> memref<1x8x128xf32, #tpu.memory_space<hbm>>
        %dma_wait3A_1473 = tpu.memref_squeeze %dma_wait3A_1472 : memref<1x8x128xf32, #tpu.memory_space<hbm>> -> memref<8x128xf32, #tpu.memory_space<hbm>>
        %dma_wait3A_1474 = arith.constant 0 : i32
        %dma_wait3A_1475 = arith.constant 0 : i32
        %dma_wait3A_1476 = tpu.memref_slice %arg4[%dma_wait3A_1465, %dma_wait3A_1474, %dma_wait3A_1475] : memref<25600x8x128xf32, #tpu.memory_space<hbm>> -> memref<1x8x128xf32, #tpu.memory_space<hbm>>
        %dma_wait3A_1477 = tpu.memref_squeeze %dma_wait3A_1476 : memref<1x8x128xf32, #tpu.memory_space<hbm>> -> memref<8x128xf32, #tpu.memory_space<hbm>>
        %dma_wait3A_1478 = arith.constant 0 : i32
        %dma_wait3A_1479 = arith.constant 0 : i32
        %dma_wait3A_1480 = tpu.memref_slice %arg7[%dma_wait3A_1464, %dma_wait3A_1478, %dma_wait3A_1479] : memref<2x32x513xf32, #tpu.memory_space<vmem>> -> memref<1x8x128xf32, #tpu.memory_space<vmem>>
        %dma_wait3A_1481 = tpu.memref_squeeze %dma_wait3A_1480 : memref<1x8x128xf32, #tpu.memory_space<vmem>> -> memref<8x128xf32, #tpu.memory_space<vmem>>
        tpu.wait_dma2 semaphore(%arg10 : memref<!tpu.dma_semaphore, #tpu.memory_space<semaphore_mem>>) src(%dma_wait3A_1481 : memref<8x128xf32, #tpu.memory_space<vmem>>) dst(%dma_wait3A_1477 : memref<8x128xf32, #tpu.memory_space<hbm>>)
        %dma_wait3A_1482 = arith.constant 0 : i32
        %dma_wait3A_1483 = arith.constant 0 : i32
        %dma_wait3A_1484 = arith.constant 0 : i32
        %dma_wait3A_1485 = arith.constant 0 : i32
        %dma_wait3A_1486 = tpu.memref_slice %arg7[%dma_wait3A_1482, %dma_wait3A_1484, %dma_wait3A_1485] : memref<2x32x513xf32, #tpu.memory_space<vmem>> -> memref<1x8x128xf32, #tpu.memory_space<vmem>>
        %dma_wait3A_1487 = tpu.memref_squeeze %dma_wait3A_1486 : memref<1x8x128xf32, #tpu.memory_space<vmem>> -> memref<8x128xf32, #tpu.memory_space<vmem>>
        %dma_wait3A_1488 = arith.constant 0 : i32
        %dma_wait3A_1489 = arith.constant 0 : i32
        %dma_wait3A_1490 = tpu.memref_slice %arg4[%dma_wait3A_1483, %dma_wait3A_1488, %dma_wait3A_1489] : memref<25600x8x128xf32, #tpu.memory_space<hbm>> -> memref<1x8x128xf32, #tpu.memory_space<hbm>>
        %dma_wait3A_1491 = tpu.memref_squeeze %dma_wait3A_1490 : memref<1x8x128xf32, #tpu.memory_space<hbm>> -> memref<8x128xf32, #tpu.memory_space<hbm>>
        %dma_wait3A_1492 = arith.constant 0 : i32
        %dma_wait3A_1493 = arith.constant 0 : i32
        %dma_wait3A_1494 = tpu.memref_slice %arg4[%dma_wait3A_1483, %dma_wait3A_1492, %dma_wait3A_1493] : memref<25600x8x128xf32, #tpu.memory_space<hbm>> -> memref<1x8x128xf32, #tpu.memory_space<hbm>>
        %dma_wait3A_1495 = tpu.memref_squeeze %dma_wait3A_1494 : memref<1x8x128xf32, #tpu.memory_space<hbm>> -> memref<8x128xf32, #tpu.memory_space<hbm>>
        %dma_wait3A_1496 = arith.constant 0 : i32
        %dma_wait3A_1497 = arith.constant 0 : i32
        %dma_wait3A_1498 = tpu.memref_slice %arg7[%dma_wait3A_1482, %dma_wait3A_1496, %dma_wait3A_1497] : memref<2x32x513xf32, #tpu.memory_space<vmem>> -> memref<1x8x128xf32, #tpu.memory_space<vmem>>
        %dma_wait3A_1499 = tpu.memref_squeeze %dma_wait3A_1498 : memref<1x8x128xf32, #tpu.memory_space<vmem>> -> memref<8x128xf32, #tpu.memory_space<vmem>>
        tpu.wait_dma2 semaphore(%arg10 : memref<!tpu.dma_semaphore, #tpu.memory_space<semaphore_mem>>) src(%dma_wait3A_1499 : memref<8x128xf32, #tpu.memory_space<vmem>>) dst(%dma_wait3A_1495 : memref<8x128xf32, #tpu.memory_space<hbm>>)
        %dma_wait3A_1500 = arith.constant 0 : i32
        %dma_wait3A_1501 = arith.constant 0 : i32
        %dma_wait3A_1502 = arith.constant 0 : i32
        %dma_wait3A_1503 = arith.constant 0 : i32
        %dma_wait3A_1504 = tpu.memref_slice %arg7[%dma_wait3A_1500, %dma_wait3A_1502, %dma_wait3A_1503] : memref<2x32x513xf32, #tpu.memory_space<vmem>> -> memref<1x8x128xf32, #tpu.memory_space<vmem>>
        %dma_wait3A_1505 = tpu.memref_squeeze %dma_wait3A_1504 : memref<1x8x128xf32, #tpu.memory_space<vmem>> -> memref<8x128xf32, #tpu.memory_space<vmem>>
        %dma_wait3A_1506 = arith.constant 0 : i32
        %dma_wait3A_1507 = arith.constant 0 : i32
        %dma_wait3A_1508 = tpu.memref_slice %arg4[%dma_wait3A_1501, %dma_wait3A_1506, %dma_wait3A_1507] : memref<25600x8x128xf32, #tpu.memory_space<hbm>> -> memref<1x8x128xf32, #tpu.memory_space<hbm>>
        %dma_wait3A_1509 = tpu.memref_squeeze %dma_wait3A_1508 : memref<1x8x128xf32, #tpu.memory_space<hbm>> -> memref<8x128xf32, #tpu.memory_space<hbm>>
        %dma_wait3A_1510 = arith.constant 0 : i32
        %dma_wait3A_1511 = arith.constant 0 : i32
        %dma_wait3A_1512 = tpu.memref_slice %arg4[%dma_wait3A_1501, %dma_wait3A_1510, %dma_wait3A_1511] : memref<25600x8x128xf32, #tpu.memory_space<hbm>> -> memref<1x8x128xf32, #tpu.memory_space<hbm>>
        %dma_wait3A_1513 = tpu.memref_squeeze %dma_wait3A_1512 : memref<1x8x128xf32, #tpu.memory_space<hbm>> -> memref<8x128xf32, #tpu.memory_space<hbm>>
        %dma_wait3A_1514 = arith.constant 0 : i32
        %dma_wait3A_1515 = arith.constant 0 : i32
        %dma_wait3A_1516 = tpu.memref_slice %arg7[%dma_wait3A_1500, %dma_wait3A_1514, %dma_wait3A_1515] : memref<2x32x513xf32, #tpu.memory_space<vmem>> -> memref<1x8x128xf32, #tpu.memory_space<vmem>>
        %dma_wait3A_1517 = tpu.memref_squeeze %dma_wait3A_1516 : memref<1x8x128xf32, #tpu.memory_space<vmem>> -> memref<8x128xf32, #tpu.memory_space<vmem>>
        tpu.wait_dma2 semaphore(%arg10 : memref<!tpu.dma_semaphore, #tpu.memory_space<semaphore_mem>>) src(%dma_wait3A_1517 : memref<8x128xf32, #tpu.memory_space<vmem>>) dst(%dma_wait3A_1513 : memref<8x128xf32, #tpu.memory_space<hbm>>)
        %dma_wait3A_1518 = arith.constant 0 : i32
        %dma_wait3A_1519 = arith.constant 0 : i32
        %dma_wait3A_1520 = arith.constant 0 : i32
        %dma_wait3A_1521 = arith.constant 0 : i32
        %dma_wait3A_1522 = tpu.memref_slice %arg7[%dma_wait3A_1518, %dma_wait3A_1520, %dma_wait3A_1521] : memref<2x32x513xf32, #tpu.memory_space<vmem>> -> memref<1x8x128xf32, #tpu.memory_space<vmem>>
        %dma_wait3A_1523 = tpu.memref_squeeze %dma_wait3A_1522 : memref<1x8x128xf32, #tpu.memory_space<vmem>> -> memref<8x128xf32, #tpu.memory_space<vmem>>
        %dma_wait3A_1524 = arith.constant 0 : i32
        %dma_wait3A_1525 = arith.constant 0 : i32
        %dma_wait3A_1526 = tpu.memref_slice %arg4[%dma_wait3A_1519, %dma_wait3A_1524, %dma_wait3A_1525] : memref<25600x8x128xf32, #tpu.memory_space<hbm>> -> memref<1x8x128xf32, #tpu.memory_space<hbm>>
        %dma_wait3A_1527 = tpu.memref_squeeze %dma_wait3A_1526 : memref<1x8x128xf32, #tpu.memory_space<hbm>> -> memref<8x128xf32, #tpu.memory_space<hbm>>
        %dma_wait3A_1528 = arith.constant 0 : i32
        %dma_wait3A_1529 = arith.constant 0 : i32
        %dma_wait3A_1530 = tpu.memref_slice %arg4[%dma_wait3A_1519, %dma_wait3A_1528, %dma_wait3A_1529] : memref<25600x8x128xf32, #tpu.memory_space<hbm>> -> memref<1x8x128xf32, #tpu.memory_space<hbm>>
        %dma_wait3A_1531 = tpu.memref_squeeze %dma_wait3A_1530 : memref<1x8x128xf32, #tpu.memory_space<hbm>> -> memref<8x128xf32, #tpu.memory_space<hbm>>
        %dma_wait3A_1532 = arith.constant 0 : i32
        %dma_wait3A_1533 = arith.constant 0 : i32
        %dma_wait3A_1534 = tpu.memref_slice %arg7[%dma_wait3A_1518, %dma_wait3A_1532, %dma_wait3A_1533] : memref<2x32x513xf32, #tpu.memory_space<vmem>> -> memref<1x8x128xf32, #tpu.memory_space<vmem>>
        %dma_wait3A_1535 = tpu.memref_squeeze %dma_wait3A_1534 : memref<1x8x128xf32, #tpu.memory_space<vmem>> -> memref<8x128xf32, #tpu.memory_space<vmem>>
        tpu.wait_dma2 semaphore(%arg10 : memref<!tpu.dma_semaphore, #tpu.memory_space<semaphore_mem>>) src(%dma_wait3A_1535 : memref<8x128xf32, #tpu.memory_space<vmem>>) dst(%dma_wait3A_1531 : memref<8x128xf32, #tpu.memory_space<hbm>>)
        %dma_wait3A_1536 = arith.constant 0 : i32
        %dma_wait3A_1537 = arith.constant 0 : i32
        %dma_wait3A_1538 = arith.constant 0 : i32
        %dma_wait3A_1539 = arith.constant 0 : i32
        %dma_wait3A_1540 = tpu.memref_slice %arg7[%dma_wait3A_1536, %dma_wait3A_1538, %dma_wait3A_1539] : memref<2x32x513xf32, #tpu.memory_space<vmem>> -> memref<1x8x128xf32, #tpu.memory_space<vmem>>
        %dma_wait3A_1541 = tpu.memref_squeeze %dma_wait3A_1540 : memref<1x8x128xf32, #tpu.memory_space<vmem>> -> memref<8x128xf32, #tpu.memory_space<vmem>>
        %dma_wait3A_1542 = arith.constant 0 : i32
        %dma_wait3A_1543 = arith.constant 0 : i32
        %dma_wait3A_1544 = tpu.memref_slice %arg4[%dma_wait3A_1537, %dma_wait3A_1542, %dma_wait3A_1543] : memref<25600x8x128xf32, #tpu.memory_space<hbm>> -> memref<1x8x128xf32, #tpu.memory_space<hbm>>
        %dma_wait3A_1545 = tpu.memref_squeeze %dma_wait3A_1544 : memref<1x8x128xf32, #tpu.memory_space<hbm>> -> memref<8x128xf32, #tpu.memory_space<hbm>>
        %dma_wait3A_1546 = arith.constant 0 : i32
        %dma_wait3A_1547 = arith.constant 0 : i32
        %dma_wait3A_1548 = tpu.memref_slice %arg4[%dma_wait3A_1537, %dma_wait3A_1546, %dma_wait3A_1547] : memref<25600x8x128xf32, #tpu.memory_space<hbm>> -> memref<1x8x128xf32, #tpu.memory_space<hbm>>
        %dma_wait3A_1549 = tpu.memref_squeeze %dma_wait3A_1548 : memref<1x8x128xf32, #tpu.memory_space<hbm>> -> memref<8x128xf32, #tpu.memory_space<hbm>>
        %dma_wait3A_1550 = arith.constant 0 : i32
        %dma_wait3A_1551 = arith.constant 0 : i32
        %dma_wait3A_1552 = tpu.memref_slice %arg7[%dma_wait3A_1536, %dma_wait3A_1550, %dma_wait3A_1551] : memref<2x32x513xf32, #tpu.memory_space<vmem>> -> memref<1x8x128xf32, #tpu.memory_space<vmem>>
        %dma_wait3A_1553 = tpu.memref_squeeze %dma_wait3A_1552 : memref<1x8x128xf32, #tpu.memory_space<vmem>> -> memref<8x128xf32, #tpu.memory_space<vmem>>
        tpu.wait_dma2 semaphore(%arg10 : memref<!tpu.dma_semaphore, #tpu.memory_space<semaphore_mem>>) src(%dma_wait3A_1553 : memref<8x128xf32, #tpu.memory_space<vmem>>) dst(%dma_wait3A_1549 : memref<8x128xf32, #tpu.memory_space<hbm>>)
        %dma_wait3A_1554 = arith.constant 0 : i32
        %dma_wait3A_1555 = arith.constant 0 : i32
        %dma_wait3A_1556 = arith.constant 0 : i32
        %dma_wait3A_1557 = arith.constant 0 : i32
        %dma_wait3A_1558 = tpu.memref_slice %arg7[%dma_wait3A_1554, %dma_wait3A_1556, %dma_wait3A_1557] : memref<2x32x513xf32, #tpu.memory_space<vmem>> -> memref<1x8x128xf32, #tpu.memory_space<vmem>>
        %dma_wait3A_1559 = tpu.memref_squeeze %dma_wait3A_1558 : memref<1x8x128xf32, #tpu.memory_space<vmem>> -> memref<8x128xf32, #tpu.memory_space<vmem>>
        %dma_wait3A_1560 = arith.constant 0 : i32
        %dma_wait3A_1561 = arith.constant 0 : i32
        %dma_wait3A_1562 = tpu.memref_slice %arg4[%dma_wait3A_1555, %dma_wait3A_1560, %dma_wait3A_1561] : memref<25600x8x128xf32, #tpu.memory_space<hbm>> -> memref<1x8x128xf32, #tpu.memory_space<hbm>>
        %dma_wait3A_1563 = tpu.memref_squeeze %dma_wait3A_1562 : memref<1x8x128xf32, #tpu.memory_space<hbm>> -> memref<8x128xf32, #tpu.memory_space<hbm>>
        %dma_wait3A_1564 = arith.constant 0 : i32
        %dma_wait3A_1565 = arith.constant 0 : i32
        %dma_wait3A_1566 = tpu.memref_slice %arg4[%dma_wait3A_1555, %dma_wait3A_1564, %dma_wait3A_1565] : memref<25600x8x128xf32, #tpu.memory_space<hbm>> -> memref<1x8x128xf32, #tpu.memory_space<hbm>>
        %dma_wait3A_1567 = tpu.memref_squeeze %dma_wait3A_1566 : memref<1x8x128xf32, #tpu.memory_space<hbm>> -> memref<8x128xf32, #tpu.memory_space<hbm>>
        %dma_wait3A_1568 = arith.constant 0 : i32
        %dma_wait3A_1569 = arith.constant 0 : i32
        %dma_wait3A_1570 = tpu.memref_slice %arg7[%dma_wait3A_1554, %dma_wait3A_1568, %dma_wait3A_1569] : memref<2x32x513xf32, #tpu.memory_space<vmem>> -> memref<1x8x128xf32, #tpu.memory_space<vmem>>
        %dma_wait3A_1571 = tpu.memref_squeeze %dma_wait3A_1570 : memref<1x8x128xf32, #tpu.memory_space<vmem>> -> memref<8x128xf32, #tpu.memory_space<vmem>>
        tpu.wait_dma2 semaphore(%arg10 : memref<!tpu.dma_semaphore, #tpu.memory_space<semaphore_mem>>) src(%dma_wait3A_1571 : memref<8x128xf32, #tpu.memory_space<vmem>>) dst(%dma_wait3A_1567 : memref<8x128xf32, #tpu.memory_space<hbm>>)
        %dma_wait3A_1572 = arith.constant 0 : i32
        %dma_wait3A_1573 = arith.constant 0 : i32
        %dma_wait3A_1574 = arith.constant 0 : i32
        %dma_wait3A_1575 = arith.constant 0 : i32
        %dma_wait3A_1576 = tpu.memref_slice %arg7[%dma_wait3A_1572, %dma_wait3A_1574, %dma_wait3A_1575] : memref<2x32x513xf32, #tpu.memory_space<vmem>> -> memref<1x8x128xf32, #tpu.memory_space<vmem>>
        %dma_wait3A_1577 = tpu.memref_squeeze %dma_wait3A_1576 : memref<1x8x128xf32, #tpu.memory_space<vmem>> -> memref<8x128xf32, #tpu.memory_space<vmem>>
        %dma_wait3A_1578 = arith.constant 0 : i32
        %dma_wait3A_1579 = arith.constant 0 : i32
        %dma_wait3A_1580 = tpu.memref_slice %arg4[%dma_wait3A_1573, %dma_wait3A_1578, %dma_wait3A_1579] : memref<25600x8x128xf32, #tpu.memory_space<hbm>> -> memref<1x8x128xf32, #tpu.memory_space<hbm>>
        %dma_wait3A_1581 = tpu.memref_squeeze %dma_wait3A_1580 : memref<1x8x128xf32, #tpu.memory_space<hbm>> -> memref<8x128xf32, #tpu.memory_space<hbm>>
        %dma_wait3A_1582 = arith.constant 0 : i32
        %dma_wait3A_1583 = arith.constant 0 : i32
        %dma_wait3A_1584 = tpu.memref_slice %arg4[%dma_wait3A_1573, %dma_wait3A_1582, %dma_wait3A_1583] : memref<25600x8x128xf32, #tpu.memory_space<hbm>> -> memref<1x8x128xf32, #tpu.memory_space<hbm>>
        %dma_wait3A_1585 = tpu.memref_squeeze %dma_wait3A_1584 : memref<1x8x128xf32, #tpu.memory_space<hbm>> -> memref<8x128xf32, #tpu.memory_space<hbm>>
        %dma_wait3A_1586 = arith.constant 0 : i32
        %dma_wait3A_1587 = arith.constant 0 : i32
        %dma_wait3A_1588 = tpu.memref_slice %arg7[%dma_wait3A_1572, %dma_wait3A_1586, %dma_wait3A_1587] : memref<2x32x513xf32, #tpu.memory_space<vmem>> -> memref<1x8x128xf32, #tpu.memory_space<vmem>>
        %dma_wait3A_1589 = tpu.memref_squeeze %dma_wait3A_1588 : memref<1x8x128xf32, #tpu.memory_space<vmem>> -> memref<8x128xf32, #tpu.memory_space<vmem>>
        tpu.wait_dma2 semaphore(%arg10 : memref<!tpu.dma_semaphore, #tpu.memory_space<semaphore_mem>>) src(%dma_wait3A_1589 : memref<8x128xf32, #tpu.memory_space<vmem>>) dst(%dma_wait3A_1585 : memref<8x128xf32, #tpu.memory_space<hbm>>)
        %dma_wait3A_1590 = arith.constant 0 : i32
        %dma_wait3A_1591 = arith.constant 0 : i32
        %dma_wait3A_1592 = arith.constant 0 : i32
        %dma_wait3A_1593 = arith.constant 0 : i32
        %dma_wait3A_1594 = tpu.memref_slice %arg7[%dma_wait3A_1590, %dma_wait3A_1592, %dma_wait3A_1593] : memref<2x32x513xf32, #tpu.memory_space<vmem>> -> memref<1x8x128xf32, #tpu.memory_space<vmem>>
        %dma_wait3A_1595 = tpu.memref_squeeze %dma_wait3A_1594 : memref<1x8x128xf32, #tpu.memory_space<vmem>> -> memref<8x128xf32, #tpu.memory_space<vmem>>
        %dma_wait3A_1596 = arith.constant 0 : i32
        %dma_wait3A_1597 = arith.constant 0 : i32
        %dma_wait3A_1598 = tpu.memref_slice %arg4[%dma_wait3A_1591, %dma_wait3A_1596, %dma_wait3A_1597] : memref<25600x8x128xf32, #tpu.memory_space<hbm>> -> memref<1x8x128xf32, #tpu.memory_space<hbm>>
        %dma_wait3A_1599 = tpu.memref_squeeze %dma_wait3A_1598 : memref<1x8x128xf32, #tpu.memory_space<hbm>> -> memref<8x128xf32, #tpu.memory_space<hbm>>
        %dma_wait3A_1600 = arith.constant 0 : i32
        %dma_wait3A_1601 = arith.constant 0 : i32
        %dma_wait3A_1602 = tpu.memref_slice %arg4[%dma_wait3A_1591, %dma_wait3A_1600, %dma_wait3A_1601] : memref<25600x8x128xf32, #tpu.memory_space<hbm>> -> memref<1x8x128xf32, #tpu.memory_space<hbm>>
        %dma_wait3A_1603 = tpu.memref_squeeze %dma_wait3A_1602 : memref<1x8x128xf32, #tpu.memory_space<hbm>> -> memref<8x128xf32, #tpu.memory_space<hbm>>
        %dma_wait3A_1604 = arith.constant 0 : i32
        %dma_wait3A_1605 = arith.constant 0 : i32
        %dma_wait3A_1606 = tpu.memref_slice %arg7[%dma_wait3A_1590, %dma_wait3A_1604, %dma_wait3A_1605] : memref<2x32x513xf32, #tpu.memory_space<vmem>> -> memref<1x8x128xf32, #tpu.memory_space<vmem>>
        %dma_wait3A_1607 = tpu.memref_squeeze %dma_wait3A_1606 : memref<1x8x128xf32, #tpu.memory_space<vmem>> -> memref<8x128xf32, #tpu.memory_space<vmem>>
        tpu.wait_dma2 semaphore(%arg10 : memref<!tpu.dma_semaphore, #tpu.memory_space<semaphore_mem>>) src(%dma_wait3A_1607 : memref<8x128xf32, #tpu.memory_space<vmem>>) dst(%dma_wait3A_1603 : memref<8x128xf32, #tpu.memory_space<hbm>>)
        %dma_wait3A_1608 = arith.constant 0 : i32
        %dma_wait3A_1609 = arith.constant 0 : i32
        %dma_wait3A_1610 = arith.constant 0 : i32
        %dma_wait3A_1611 = arith.constant 0 : i32
        %dma_wait3A_1612 = tpu.memref_slice %arg7[%dma_wait3A_1608, %dma_wait3A_1610, %dma_wait3A_1611] : memref<2x32x513xf32, #tpu.memory_space<vmem>> -> memref<1x8x128xf32, #tpu.memory_space<vmem>>
        %dma_wait3A_1613 = tpu.memref_squeeze %dma_wait3A_1612 : memref<1x8x128xf32, #tpu.memory_space<vmem>> -> memref<8x128xf32, #tpu.memory_space<vmem>>
        %dma_wait3A_1614 = arith.constant 0 : i32
        %dma_wait3A_1615 = arith.constant 0 : i32
        %dma_wait3A_1616 = tpu.memref_slice %arg4[%dma_wait3A_1609, %dma_wait3A_1614, %dma_wait3A_1615] : memref<25600x8x128xf32, #tpu.memory_space<hbm>> -> memref<1x8x128xf32, #tpu.memory_space<hbm>>
        %dma_wait3A_1617 = tpu.memref_squeeze %dma_wait3A_1616 : memref<1x8x128xf32, #tpu.memory_space<hbm>> -> memref<8x128xf32, #tpu.memory_space<hbm>>
        %dma_wait3A_1618 = arith.constant 0 : i32
        %dma_wait3A_1619 = arith.constant 0 : i32
        %dma_wait3A_1620 = tpu.memref_slice %arg4[%dma_wait3A_1609, %dma_wait3A_1618, %dma_wait3A_1619] : memref<25600x8x128xf32, #tpu.memory_space<hbm>> -> memref<1x8x128xf32, #tpu.memory_space<hbm>>
        %dma_wait3A_1621 = tpu.memref_squeeze %dma_wait3A_1620 : memref<1x8x128xf32, #tpu.memory_space<hbm>> -> memref<8x128xf32, #tpu.memory_space<hbm>>
        %dma_wait3A_1622 = arith.constant 0 : i32
        %dma_wait3A_1623 = arith.constant 0 : i32
        %dma_wait3A_1624 = tpu.memref_slice %arg7[%dma_wait3A_1608, %dma_wait3A_1622, %dma_wait3A_1623] : memref<2x32x513xf32, #tpu.memory_space<vmem>> -> memref<1x8x128xf32, #tpu.memory_space<vmem>>
        %dma_wait3A_1625 = tpu.memref_squeeze %dma_wait3A_1624 : memref<1x8x128xf32, #tpu.memory_space<vmem>> -> memref<8x128xf32, #tpu.memory_space<vmem>>
        tpu.wait_dma2 semaphore(%arg10 : memref<!tpu.dma_semaphore, #tpu.memory_space<semaphore_mem>>) src(%dma_wait3A_1625 : memref<8x128xf32, #tpu.memory_space<vmem>>) dst(%dma_wait3A_1621 : memref<8x128xf32, #tpu.memory_space<hbm>>)
        %dma_wait3A_1626 = arith.constant 0 : i32
        %dma_wait3A_1627 = arith.constant 0 : i32
        %dma_wait3A_1628 = arith.constant 0 : i32
        %dma_wait3A_1629 = arith.constant 0 : i32
        %dma_wait3A_1630 = tpu.memref_slice %arg7[%dma_wait3A_1626, %dma_wait3A_1628, %dma_wait3A_1629] : memref<2x32x513xf32, #tpu.memory_space<vmem>> -> memref<1x8x128xf32, #tpu.memory_space<vmem>>
        %dma_wait3A_1631 = tpu.memref_squeeze %dma_wait3A_1630 : memref<1x8x128xf32, #tpu.memory_space<vmem>> -> memref<8x128xf32, #tpu.memory_space<vmem>>
        %dma_wait3A_1632 = arith.constant 0 : i32
        %dma_wait3A_1633 = arith.constant 0 : i32
        %dma_wait3A_1634 = tpu.memref_slice %arg4[%dma_wait3A_1627, %dma_wait3A_1632, %dma_wait3A_1633] : memref<25600x8x128xf32, #tpu.memory_space<hbm>> -> memref<1x8x128xf32, #tpu.memory_space<hbm>>
        %dma_wait3A_1635 = tpu.memref_squeeze %dma_wait3A_1634 : memref<1x8x128xf32, #tpu.memory_space<hbm>> -> memref<8x128xf32, #tpu.memory_space<hbm>>
        %dma_wait3A_1636 = arith.constant 0 : i32
        %dma_wait3A_1637 = arith.constant 0 : i32
        %dma_wait3A_1638 = tpu.memref_slice %arg4[%dma_wait3A_1627, %dma_wait3A_1636, %dma_wait3A_1637] : memref<25600x8x128xf32, #tpu.memory_space<hbm>> -> memref<1x8x128xf32, #tpu.memory_space<hbm>>
        %dma_wait3A_1639 = tpu.memref_squeeze %dma_wait3A_1638 : memref<1x8x128xf32, #tpu.memory_space<hbm>> -> memref<8x128xf32, #tpu.memory_space<hbm>>
        %dma_wait3A_1640 = arith.constant 0 : i32
        %dma_wait3A_1641 = arith.constant 0 : i32
        %dma_wait3A_1642 = tpu.memref_slice %arg7[%dma_wait3A_1626, %dma_wait3A_1640, %dma_wait3A_1641] : memref<2x32x513xf32, #tpu.memory_space<vmem>> -> memref<1x8x128xf32, #tpu.memory_space<vmem>>
        %dma_wait3A_1643 = tpu.memref_squeeze %dma_wait3A_1642 : memref<1x8x128xf32, #tpu.memory_space<vmem>> -> memref<8x128xf32, #tpu.memory_space<vmem>>
        tpu.wait_dma2 semaphore(%arg10 : memref<!tpu.dma_semaphore, #tpu.memory_space<semaphore_mem>>) src(%dma_wait3A_1643 : memref<8x128xf32, #tpu.memory_space<vmem>>) dst(%dma_wait3A_1639 : memref<8x128xf32, #tpu.memory_space<hbm>>)
        %dma_wait3A_1644 = arith.constant 0 : i32
        %dma_wait3A_1645 = arith.constant 0 : i32
        %dma_wait3A_1646 = arith.constant 0 : i32
        %dma_wait3A_1647 = arith.constant 0 : i32
        %dma_wait3A_1648 = tpu.memref_slice %arg7[%dma_wait3A_1644, %dma_wait3A_1646, %dma_wait3A_1647] : memref<2x32x513xf32, #tpu.memory_space<vmem>> -> memref<1x8x128xf32, #tpu.memory_space<vmem>>
        %dma_wait3A_1649 = tpu.memref_squeeze %dma_wait3A_1648 : memref<1x8x128xf32, #tpu.memory_space<vmem>> -> memref<8x128xf32, #tpu.memory_space<vmem>>
        %dma_wait3A_1650 = arith.constant 0 : i32
        %dma_wait3A_1651 = arith.constant 0 : i32
        %dma_wait3A_1652 = tpu.memref_slice %arg4[%dma_wait3A_1645, %dma_wait3A_1650, %dma_wait3A_1651] : memref<25600x8x128xf32, #tpu.memory_space<hbm>> -> memref<1x8x128xf32, #tpu.memory_space<hbm>>
        %dma_wait3A_1653 = tpu.memref_squeeze %dma_wait3A_1652 : memref<1x8x128xf32, #tpu.memory_space<hbm>> -> memref<8x128xf32, #tpu.memory_space<hbm>>
        %dma_wait3A_1654 = arith.constant 0 : i32
        %dma_wait3A_1655 = arith.constant 0 : i32
        %dma_wait3A_1656 = tpu.memref_slice %arg4[%dma_wait3A_1645, %dma_wait3A_1654, %dma_wait3A_1655] : memref<25600x8x128xf32, #tpu.memory_space<hbm>> -> memref<1x8x128xf32, #tpu.memory_space<hbm>>
        %dma_wait3A_1657 = tpu.memref_squeeze %dma_wait3A_1656 : memref<1x8x128xf32, #tpu.memory_space<hbm>> -> memref<8x128xf32, #tpu.memory_space<hbm>>
        %dma_wait3A_1658 = arith.constant 0 : i32
        %dma_wait3A_1659 = arith.constant 0 : i32
        %dma_wait3A_1660 = tpu.memref_slice %arg7[%dma_wait3A_1644, %dma_wait3A_1658, %dma_wait3A_1659] : memref<2x32x513xf32, #tpu.memory_space<vmem>> -> memref<1x8x128xf32, #tpu.memory_space<vmem>>
        %dma_wait3A_1661 = tpu.memref_squeeze %dma_wait3A_1660 : memref<1x8x128xf32, #tpu.memory_space<vmem>> -> memref<8x128xf32, #tpu.memory_space<vmem>>
        tpu.wait_dma2 semaphore(%arg10 : memref<!tpu.dma_semaphore, #tpu.memory_space<semaphore_mem>>) src(%dma_wait3A_1661 : memref<8x128xf32, #tpu.memory_space<vmem>>) dst(%dma_wait3A_1657 : memref<8x128xf32, #tpu.memory_space<hbm>>)
      } else {
      }
      %scan3A_618 = arith.constant 0 : i32
      %scan3A_619 = arith.constant 0 : i32
      %scan3A_620 = arith.constant 0 : i32
      %scan3A_621 = arith.constant 0 : i32
      %scan3A_622 = arith.constant 64 : i32
      %scan3A_623 = arith.addi %scan3A_621, %scan3A_622 : i32
      %scan3A_624 = arith.constant 1 : i32
      scf.for %scan3A_1374 = %scan3A_621 to %scan3A_623 step %scan3A_624  : i32 {
        %mul3A_1375 = arith.constant 8 : i32
        %mul3A_1376 = arith.muli %scan3A_1374, %mul3A_1375 : i32
        %add3A_1377 = arith.constant 0 : i32
        %add3A_1378 = arith.addi %mul3A_1376, %add3A_1377 : i32
        %broadcast_in_dim3A = vector.broadcast %add3A_1378 : i32 to vector<16xi32>
        %get3A = arith.constant 0 : i32
        %get3A_1379 = arith.constant 0 : i32
        %get3A_1380 = tpu.memref_slice %arg6[%scan3A_619, %get3A, %get3A_1379] : memref<2x512x32xf32, #tpu.memory_space<vmem>> -> memref<1x512x32xf32, #tpu.memory_space<vmem>>
        %get3A_1381 = tpu.memref_squeeze %get3A_1380 : memref<1x512x32xf32, #tpu.memory_space<vmem>> -> memref<512x32xf32, #tpu.memory_space<vmem>>
        %get3A_1382 = arith.index_cast %add3A_1378 : i32 to index
        %get3A_1383 = arith.constant 0 : index
        %get3A_1384 = tpu.vector_load %get3A_1381[%get3A_1382, %get3A_1383] {strides = array<i32>} : memref<512x32xf32, #tpu.memory_space<vmem>>, vector<16xf32>,
        %scatter3A = arith.constant 0 : i32
        %scatter3A_1385 = arith.constant 0 : i32
        %scatter3A_1386 = tpu.memref_slice %arg7[%scan3A_620, %scatter3A, %scatter3A_1385] : memref<2x32x513xf32, #tpu.memory_space<vmem>> -> memref<1x32x513xf32, #tpu.memory_space<vmem>>
        %scatter3A_1387 = tpu.memref_squeeze %scatter3A_1386 : memref<1x32x513xf32, #tpu.memory_space<vmem>> -> memref<32x513xf32, #tpu.memory_space<vmem>>
        tpu.vector_store_idx %scatter3A_1387[%iota3A, %broadcast_in_dim3A], %get3A_1384 : memref<32x513xf32, #tpu.memory_space<vmem>>[vector<16xi32>, vector<16xi32>], vector<16xf32>,
        %get3A_1388 = arith.constant 0 : i32
        %get3A_1389 = arith.constant 0 : i32
        %get3A_1390 = tpu.memref_slice %arg6[%scan3A_619, %get3A_1388, %get3A_1389] : memref<2x512x32xf32, #tpu.memory_space<vmem>> -> memref<1x512x32xf32, #tpu.memory_space<vmem>>
        %get3A_1391 = tpu.memref_squeeze %get3A_1390 : memref<1x512x32xf32, #tpu.memory_space<vmem>> -> memref<512x32xf32, #tpu.memory_space<vmem>>
        %get3A_1392 = arith.index_cast %add3A_1378 : i32 to index
        %get3A_1393 = arith.constant 16 : index
        %get3A_1394 = tpu.vector_load %get3A_1391[%get3A_1392, %get3A_1393] {strides = array<i32>} : memref<512x32xf32, #tpu.memory_space<vmem>>, vector<16xf32>,
        %scatter3A_1395 = arith.constant 0 : i32
        %scatter3A_1396 = arith.constant 0 : i32
        %scatter3A_1397 = tpu.memref_slice %arg7[%scan3A_620, %scatter3A_1395, %scatter3A_1396] : memref<2x32x513xf32, #tpu.memory_space<vmem>> -> memref<1x32x513xf32, #tpu.memory_space<vmem>>
        %scatter3A_1398 = tpu.memref_squeeze %scatter3A_1397 : memref<1x32x513xf32, #tpu.memory_space<vmem>> -> memref<32x513xf32, #tpu.memory_space<vmem>>
        tpu.vector_store_idx %scatter3A_1398[%add3A_7, %broadcast_in_dim3A], %get3A_1394 : memref<32x513xf32, #tpu.memory_space<vmem>>[vector<16xi32>, vector<16xi32>], vector<16xf32>,
        %mul3A_1399 = arith.constant 8 : i32
        %mul3A_1400 = arith.muli %scan3A_1374, %mul3A_1399 : i32
        %add3A_1401 = arith.constant 1 : i32
        %add3A_1402 = arith.addi %mul3A_1400, %add3A_1401 : i32
        %broadcast_in_dim3A_1403 = vector.broadcast %add3A_1402 : i32 to vector<16xi32>
        %get3A_1404 = arith.constant 0 : i32
        %get3A_1405 = arith.constant 0 : i32
        %get3A_1406 = tpu.memref_slice %arg6[%scan3A_619, %get3A_1404, %get3A_1405] : memref<2x512x32xf32, #tpu.memory_space<vmem>> -> memref<1x512x32xf32, #tpu.memory_space<vmem>>
        %get3A_1407 = tpu.memref_squeeze %get3A_1406 : memref<1x512x32xf32, #tpu.memory_space<vmem>> -> memref<512x32xf32, #tpu.memory_space<vmem>>
        %get3A_1408 = arith.index_cast %add3A_1402 : i32 to index
        %get3A_1409 = arith.constant 0 : index
        %get3A_1410 = tpu.vector_load %get3A_1407[%get3A_1408, %get3A_1409] {strides = array<i32>} : memref<512x32xf32, #tpu.memory_space<vmem>>, vector<16xf32>,
        %scatter3A_1411 = arith.constant 0 : i32
        %scatter3A_1412 = arith.constant 0 : i32
        %scatter3A_1413 = tpu.memref_slice %arg7[%scan3A_620, %scatter3A_1411, %scatter3A_1412] : memref<2x32x513xf32, #tpu.memory_space<vmem>> -> memref<1x32x513xf32, #tpu.memory_space<vmem>>
        %scatter3A_1414 = tpu.memref_squeeze %scatter3A_1413 : memref<1x32x513xf32, #tpu.memory_space<vmem>> -> memref<32x513xf32, #tpu.memory_space<vmem>>
        tpu.vector_store_idx %scatter3A_1414[%iota3A, %broadcast_in_dim3A_1403], %get3A_1410 : memref<32x513xf32, #tpu.memory_space<vmem>>[vector<16xi32>, vector<16xi32>], vector<16xf32>,
        %get3A_1415 = arith.constant 0 : i32
        %get3A_1416 = arith.constant 0 : i32
        %get3A_1417 = tpu.memref_slice %arg6[%scan3A_619, %get3A_1415, %get3A_1416] : memref<2x512x32xf32, #tpu.memory_space<vmem>> -> memref<1x512x32xf32, #tpu.memory_space<vmem>>
        %get3A_1418 = tpu.memref_squeeze %get3A_1417 : memref<1x512x32xf32, #tpu.memory_space<vmem>> -> memref<512x32xf32, #tpu.memory_space<vmem>>
        %get3A_1419 = arith.index_cast %add3A_1402 : i32 to index
        %get3A_1420 = arith.constant 16 : index
        %get3A_1421 = tpu.vector_load %get3A_1418[%get3A_1419, %get3A_1420] {strides = array<i32>} : memref<512x32xf32, #tpu.memory_space<vmem>>, vector<16xf32>,
        %scatter3A_1422 = arith.constant 0 : i32
        %scatter3A_1423 = arith.constant 0 : i32
        %scatter3A_1424 = tpu.memref_slice %arg7[%scan3A_620, %scatter3A_1422, %scatter3A_1423] : memref<2x32x513xf32, #tpu.memory_space<vmem>> -> memref<1x32x513xf32, #tpu.memory_space<vmem>>
        %scatter3A_1425 = tpu.memref_squeeze %scatter3A_1424 : memref<1x32x513xf32, #tpu.memory_space<vmem>> -> memref<32x513xf32, #tpu.memory_space<vmem>>
        tpu.vector_store_idx %scatter3A_1425[%add3A_7, %broadcast_in_dim3A_1403], %get3A_1421 : memref<32x513xf32, #tpu.memory_space<vmem>>[vector<16xi32>, vector<16xi32>], vector<16xf32>,
        %mul3A_1426 = arith.constant 8 : i32
        %mul3A_1427 = arith.muli %scan3A_1374, %mul3A_1426 : i32
        %add3A_1428 = arith.constant 2 : i32
        %add3A_1429 = arith.addi %mul3A_1427, %add3A_1428 : i32
        %broadcast_in_dim3A_1430 = vector.broadcast %add3A_1429 : i32 to vector<16xi32>
        %get3A_1431 = arith.constant 0 : i32
        %get3A_1432 = arith.constant 0 : i32
        %get3A_1433 = tpu.memref_slice %arg6[%scan3A_619, %get3A_1431, %get3A_1432] : memref<2x512x32xf32, #tpu.memory_space<vmem>> -> memref<1x512x32xf32, #tpu.memory_space<vmem>>
        %get3A_1434 = tpu.memref_squeeze %get3A_1433 : memref<1x512x32xf32, #tpu.memory_space<vmem>> -> memref<512x32xf32, #tpu.memory_space<vmem>>
        %get3A_1435 = arith.index_cast %add3A_1429 : i32 to index
        %get3A_1436 = arith.constant 0 : index
        %get3A_1437 = tpu.vector_load %get3A_1434[%get3A_1435, %get3A_1436] {strides = array<i32>} : memref<512x32xf32, #tpu.memory_space<vmem>>, vector<16xf32>,
        %scatter3A_1438 = arith.constant 0 : i32
        %scatter3A_1439 = arith.constant 0 : i32
        %scatter3A_1440 = tpu.memref_slice %arg7[%scan3A_620, %scatter3A_1438, %scatter3A_1439] : memref<2x32x513xf32, #tpu.memory_space<vmem>> -> memref<1x32x513xf32, #tpu.memory_space<vmem>>
        %scatter3A_1441 = tpu.memref_squeeze %scatter3A_1440 : memref<1x32x513xf32, #tpu.memory_space<vmem>> -> memref<32x513xf32, #tpu.memory_space<vmem>>
        tpu.vector_store_idx %scatter3A_1441[%iota3A, %broadcast_in_dim3A_1430], %get3A_1437 : memref<32x513xf32, #tpu.memory_space<vmem>>[vector<16xi32>, vector<16xi32>], vector<16xf32>,
        %get3A_1442 = arith.constant 0 : i32
        %get3A_1443 = arith.constant 0 : i32
        %get3A_1444 = tpu.memref_slice %arg6[%scan3A_619, %get3A_1442, %get3A_1443] : memref<2x512x32xf32, #tpu.memory_space<vmem>> -> memref<1x512x32xf32, #tpu.memory_space<vmem>>
        %get3A_1445 = tpu.memref_squeeze %get3A_1444 : memref<1x512x32xf32, #tpu.memory_space<vmem>> -> memref<512x32xf32, #tpu.memory_space<vmem>>
        %get3A_1446 = arith.index_cast %add3A_1429 : i32 to index
        %get3A_1447 = arith.constant 16 : index
        %get3A_1448 = tpu.vector_load %get3A_1445[%get3A_1446, %get3A_1447] {strides = array<i32>} : memref<512x32xf32, #tpu.memory_space<vmem>>, vector<16xf32>,
        %scatter3A_1449 = arith.constant 0 : i32
        %scatter3A_1450 = arith.constant 0 : i32
        %scatter3A_1451 = tpu.memref_slice %arg7[%scan3A_620, %scatter3A_1449, %scatter3A_1450] : memref<2x32x513xf32, #tpu.memory_space<vmem>> -> memref<1x32x513xf32, #tpu.memory_space<vmem>>
        %scatter3A_1452 = tpu.memref_squeeze %scatter3A_1451 : memref<1x32x513xf32, #tpu.memory_space<vmem>> -> memref<32x513xf32, #tpu.memory_space<vmem>>
        tpu.vector_store_idx %scatter3A_1452[%add3A_7, %broadcast_in_dim3A_1430], %get3A_1448 : memref<32x513xf32, #tpu.memory_space<vmem>>[vector<16xi32>, vector<16xi32>], vector<16xf32>,
        %mul3A_1453 = arith.constant 8 : i32
        %mul3A_1454 = arith.muli %scan3A_1374, %mul3A_1453 : i32
        %add3A_1455 = arith.constant 3 : i32
        %add3A_1456 = arith.addi %mul3A_1454, %add3A_1455 : i32
        %broadcast_in_dim3A_1457 = vector.broadcast %add3A_1456 : i32 to vector<16xi32>
        %get3A_1458 = arith.constant 0 : i32
        %get3A_1459 = arith.constant 0 : i32
        %get3A_1460 = tpu.memref_slice %arg6[%scan3A_619, %get3A_1458, %get3A_1459] : memref<2x512x32xf32, #tpu.memory_space<vmem>> -> memref<1x512x32xf32, #tpu.memory_space<vmem>>
        %get3A_1461 = tpu.memref_squeeze %get3A_1460 : memref<1x512x32xf32, #tpu.memory_space<vmem>> -> memref<512x32xf32, #tpu.memory_space<vmem>>
        %get3A_1462 = arith.index_cast %add3A_1456 : i32 to index
        %get3A_1463 = arith.constant 0 : index
        %get3A_1464 = tpu.vector_load %get3A_1461[%get3A_1462, %get3A_1463] {strides = array<i32>} : memref<512x32xf32, #tpu.memory_space<vmem>>, vector<16xf32>,
        %scatter3A_1465 = arith.constant 0 : i32
        %scatter3A_1466 = arith.constant 0 : i32
        %scatter3A_1467 = tpu.memref_slice %arg7[%scan3A_620, %scatter3A_1465, %scatter3A_1466] : memref<2x32x513xf32, #tpu.memory_space<vmem>> -> memref<1x32x513xf32, #tpu.memory_space<vmem>>
        %scatter3A_1468 = tpu.memref_squeeze %scatter3A_1467 : memref<1x32x513xf32, #tpu.memory_space<vmem>> -> memref<32x513xf32, #tpu.memory_space<vmem>>
        tpu.vector_store_idx %scatter3A_1468[%iota3A, %broadcast_in_dim3A_1457], %get3A_1464 : memref<32x513xf32, #tpu.memory_space<vmem>>[vector<16xi32>, vector<16xi32>], vector<16xf32>,
        %get3A_1469 = arith.constant 0 : i32
        %get3A_1470 = arith.constant 0 : i32
        %get3A_1471 = tpu.memref_slice %arg6[%scan3A_619, %get3A_1469, %get3A_1470] : memref<2x512x32xf32, #tpu.memory_space<vmem>> -> memref<1x512x32xf32, #tpu.memory_space<vmem>>
        %get3A_1472 = tpu.memref_squeeze %get3A_1471 : memref<1x512x32xf32, #tpu.memory_space<vmem>> -> memref<512x32xf32, #tpu.memory_space<vmem>>
        %get3A_1473 = arith.index_cast %add3A_1456 : i32 to index
        %get3A_1474 = arith.constant 16 : index
        %get3A_1475 = tpu.vector_load %get3A_1472[%get3A_1473, %get3A_1474] {strides = array<i32>} : memref<512x32xf32, #tpu.memory_space<vmem>>, vector<16xf32>,
        %scatter3A_1476 = arith.constant 0 : i32
        %scatter3A_1477 = arith.constant 0 : i32
        %scatter3A_1478 = tpu.memref_slice %arg7[%scan3A_620, %scatter3A_1476, %scatter3A_1477] : memref<2x32x513xf32, #tpu.memory_space<vmem>> -> memref<1x32x513xf32, #tpu.memory_space<vmem>>
        %scatter3A_1479 = tpu.memref_squeeze %scatter3A_1478 : memref<1x32x513xf32, #tpu.memory_space<vmem>> -> memref<32x513xf32, #tpu.memory_space<vmem>>
        tpu.vector_store_idx %scatter3A_1479[%add3A_7, %broadcast_in_dim3A_1457], %get3A_1475 : memref<32x513xf32, #tpu.memory_space<vmem>>[vector<16xi32>, vector<16xi32>], vector<16xf32>,
        %mul3A_1480 = arith.constant 8 : i32
        %mul3A_1481 = arith.muli %scan3A_1374, %mul3A_1480 : i32
        %add3A_1482 = arith.constant 4 : i32
        %add3A_1483 = arith.addi %mul3A_1481, %add3A_1482 : i32
        %broadcast_in_dim3A_1484 = vector.broadcast %add3A_1483 : i32 to vector<16xi32>
        %get3A_1485 = arith.constant 0 : i32
        %get3A_1486 = arith.constant 0 : i32
        %get3A_1487 = tpu.memref_slice %arg6[%scan3A_619, %get3A_1485, %get3A_1486] : memref<2x512x32xf32, #tpu.memory_space<vmem>> -> memref<1x512x32xf32, #tpu.memory_space<vmem>>
        %get3A_1488 = tpu.memref_squeeze %get3A_1487 : memref<1x512x32xf32, #tpu.memory_space<vmem>> -> memref<512x32xf32, #tpu.memory_space<vmem>>
        %get3A_1489 = arith.index_cast %add3A_1483 : i32 to index
        %get3A_1490 = arith.constant 0 : index
        %get3A_1491 = tpu.vector_load %get3A_1488[%get3A_1489, %get3A_1490] {strides = array<i32>} : memref<512x32xf32, #tpu.memory_space<vmem>>, vector<16xf32>,
        %scatter3A_1492 = arith.constant 0 : i32
        %scatter3A_1493 = arith.constant 0 : i32
        %scatter3A_1494 = tpu.memref_slice %arg7[%scan3A_620, %scatter3A_1492, %scatter3A_1493] : memref<2x32x513xf32, #tpu.memory_space<vmem>> -> memref<1x32x513xf32, #tpu.memory_space<vmem>>
        %scatter3A_1495 = tpu.memref_squeeze %scatter3A_1494 : memref<1x32x513xf32, #tpu.memory_space<vmem>> -> memref<32x513xf32, #tpu.memory_space<vmem>>
        tpu.vector_store_idx %scatter3A_1495[%iota3A, %broadcast_in_dim3A_1484], %get3A_1491 : memref<32x513xf32, #tpu.memory_space<vmem>>[vector<16xi32>, vector<16xi32>], vector<16xf32>,
        %get3A_1496 = arith.constant 0 : i32
        %get3A_1497 = arith.constant 0 : i32
        %get3A_1498 = tpu.memref_slice %arg6[%scan3A_619, %get3A_1496, %get3A_1497] : memref<2x512x32xf32, #tpu.memory_space<vmem>> -> memref<1x512x32xf32, #tpu.memory_space<vmem>>
        %get3A_1499 = tpu.memref_squeeze %get3A_1498 : memref<1x512x32xf32, #tpu.memory_space<vmem>> -> memref<512x32xf32, #tpu.memory_space<vmem>>
        %get3A_1500 = arith.index_cast %add3A_1483 : i32 to index
        %get3A_1501 = arith.constant 16 : index
        %get3A_1502 = tpu.vector_load %get3A_1499[%get3A_1500, %get3A_1501] {strides = array<i32>} : memref<512x32xf32, #tpu.memory_space<vmem>>, vector<16xf32>,
        %scatter3A_1503 = arith.constant 0 : i32
        %scatter3A_1504 = arith.constant 0 : i32
        %scatter3A_1505 = tpu.memref_slice %arg7[%scan3A_620, %scatter3A_1503, %scatter3A_1504] : memref<2x32x513xf32, #tpu.memory_space<vmem>> -> memref<1x32x513xf32, #tpu.memory_space<vmem>>
        %scatter3A_1506 = tpu.memref_squeeze %scatter3A_1505 : memref<1x32x513xf32, #tpu.memory_space<vmem>> -> memref<32x513xf32, #tpu.memory_space<vmem>>
        tpu.vector_store_idx %scatter3A_1506[%add3A_7, %broadcast_in_dim3A_1484], %get3A_1502 : memref<32x513xf32, #tpu.memory_space<vmem>>[vector<16xi32>, vector<16xi32>], vector<16xf32>,
        %mul3A_1507 = arith.constant 8 : i32
        %mul3A_1508 = arith.muli %scan3A_1374, %mul3A_1507 : i32
        %add3A_1509 = arith.constant 5 : i32
        %add3A_1510 = arith.addi %mul3A_1508, %add3A_1509 : i32
        %broadcast_in_dim3A_1511 = vector.broadcast %add3A_1510 : i32 to vector<16xi32>
        %get3A_1512 = arith.constant 0 : i32
        %get3A_1513 = arith.constant 0 : i32
        %get3A_1514 = tpu.memref_slice %arg6[%scan3A_619, %get3A_1512, %get3A_1513] : memref<2x512x32xf32, #tpu.memory_space<vmem>> -> memref<1x512x32xf32, #tpu.memory_space<vmem>>
        %get3A_1515 = tpu.memref_squeeze %get3A_1514 : memref<1x512x32xf32, #tpu.memory_space<vmem>> -> memref<512x32xf32, #tpu.memory_space<vmem>>
        %get3A_1516 = arith.index_cast %add3A_1510 : i32 to index
        %get3A_1517 = arith.constant 0 : index
        %get3A_1518 = tpu.vector_load %get3A_1515[%get3A_1516, %get3A_1517] {strides = array<i32>} : memref<512x32xf32, #tpu.memory_space<vmem>>, vector<16xf32>,
        %scatter3A_1519 = arith.constant 0 : i32
        %scatter3A_1520 = arith.constant 0 : i32
        %scatter3A_1521 = tpu.memref_slice %arg7[%scan3A_620, %scatter3A_1519, %scatter3A_1520] : memref<2x32x513xf32, #tpu.memory_space<vmem>> -> memref<1x32x513xf32, #tpu.memory_space<vmem>>
        %scatter3A_1522 = tpu.memref_squeeze %scatter3A_1521 : memref<1x32x513xf32, #tpu.memory_space<vmem>> -> memref<32x513xf32, #tpu.memory_space<vmem>>
        tpu.vector_store_idx %scatter3A_1522[%iota3A, %broadcast_in_dim3A_1511], %get3A_1518 : memref<32x513xf32, #tpu.memory_space<vmem>>[vector<16xi32>, vector<16xi32>], vector<16xf32>,
        %get3A_1523 = arith.constant 0 : i32
        %get3A_1524 = arith.constant 0 : i32
        %get3A_1525 = tpu.memref_slice %arg6[%scan3A_619, %get3A_1523, %get3A_1524] : memref<2x512x32xf32, #tpu.memory_space<vmem>> -> memref<1x512x32xf32, #tpu.memory_space<vmem>>
        %get3A_1526 = tpu.memref_squeeze %get3A_1525 : memref<1x512x32xf32, #tpu.memory_space<vmem>> -> memref<512x32xf32, #tpu.memory_space<vmem>>
        %get3A_1527 = arith.index_cast %add3A_1510 : i32 to index
        %get3A_1528 = arith.constant 16 : index
        %get3A_1529 = tpu.vector_load %get3A_1526[%get3A_1527, %get3A_1528] {strides = array<i32>} : memref<512x32xf32, #tpu.memory_space<vmem>>, vector<16xf32>,
        %scatter3A_1530 = arith.constant 0 : i32
        %scatter3A_1531 = arith.constant 0 : i32
        %scatter3A_1532 = tpu.memref_slice %arg7[%scan3A_620, %scatter3A_1530, %scatter3A_1531] : memref<2x32x513xf32, #tpu.memory_space<vmem>> -> memref<1x32x513xf32, #tpu.memory_space<vmem>>
        %scatter3A_1533 = tpu.memref_squeeze %scatter3A_1532 : memref<1x32x513xf32, #tpu.memory_space<vmem>> -> memref<32x513xf32, #tpu.memory_space<vmem>>
        tpu.vector_store_idx %scatter3A_1533[%add3A_7, %broadcast_in_dim3A_1511], %get3A_1529 : memref<32x513xf32, #tpu.memory_space<vmem>>[vector<16xi32>, vector<16xi32>], vector<16xf32>,
        %mul3A_1534 = arith.constant 8 : i32
        %mul3A_1535 = arith.muli %scan3A_1374, %mul3A_1534 : i32
        %add3A_1536 = arith.constant 6 : i32
        %add3A_1537 = arith.addi %mul3A_1535, %add3A_1536 : i32
        %broadcast_in_dim3A_1538 = vector.broadcast %add3A_1537 : i32 to vector<16xi32>
        %get3A_1539 = arith.constant 0 : i32
        %get3A_1540 = arith.constant 0 : i32
        %get3A_1541 = tpu.memref_slice %arg6[%scan3A_619, %get3A_1539, %get3A_1540] : memref<2x512x32xf32, #tpu.memory_space<vmem>> -> memref<1x512x32xf32, #tpu.memory_space<vmem>>
        %get3A_1542 = tpu.memref_squeeze %get3A_1541 : memref<1x512x32xf32, #tpu.memory_space<vmem>> -> memref<512x32xf32, #tpu.memory_space<vmem>>
        %get3A_1543 = arith.index_cast %add3A_1537 : i32 to index
        %get3A_1544 = arith.constant 0 : index
        %get3A_1545 = tpu.vector_load %get3A_1542[%get3A_1543, %get3A_1544] {strides = array<i32>} : memref<512x32xf32, #tpu.memory_space<vmem>>, vector<16xf32>,
        %scatter3A_1546 = arith.constant 0 : i32
        %scatter3A_1547 = arith.constant 0 : i32
        %scatter3A_1548 = tpu.memref_slice %arg7[%scan3A_620, %scatter3A_1546, %scatter3A_1547] : memref<2x32x513xf32, #tpu.memory_space<vmem>> -> memref<1x32x513xf32, #tpu.memory_space<vmem>>
        %scatter3A_1549 = tpu.memref_squeeze %scatter3A_1548 : memref<1x32x513xf32, #tpu.memory_space<vmem>> -> memref<32x513xf32, #tpu.memory_space<vmem>>
        tpu.vector_store_idx %scatter3A_1549[%iota3A, %broadcast_in_dim3A_1538], %get3A_1545 : memref<32x513xf32, #tpu.memory_space<vmem>>[vector<16xi32>, vector<16xi32>], vector<16xf32>,
        %get3A_1550 = arith.constant 0 : i32
        %get3A_1551 = arith.constant 0 : i32
        %get3A_1552 = tpu.memref_slice %arg6[%scan3A_619, %get3A_1550, %get3A_1551] : memref<2x512x32xf32, #tpu.memory_space<vmem>> -> memref<1x512x32xf32, #tpu.memory_space<vmem>>
        %get3A_1553 = tpu.memref_squeeze %get3A_1552 : memref<1x512x32xf32, #tpu.memory_space<vmem>> -> memref<512x32xf32, #tpu.memory_space<vmem>>
        %get3A_1554 = arith.index_cast %add3A_1537 : i32 to index
        %get3A_1555 = arith.constant 16 : index
        %get3A_1556 = tpu.vector_load %get3A_1553[%get3A_1554, %get3A_1555] {strides = array<i32>} : memref<512x32xf32, #tpu.memory_space<vmem>>, vector<16xf32>,
        %scatter3A_1557 = arith.constant 0 : i32
        %scatter3A_1558 = arith.constant 0 : i32
        %scatter3A_1559 = tpu.memref_slice %arg7[%scan3A_620, %scatter3A_1557, %scatter3A_1558] : memref<2x32x513xf32, #tpu.memory_space<vmem>> -> memref<1x32x513xf32, #tpu.memory_space<vmem>>
        %scatter3A_1560 = tpu.memref_squeeze %scatter3A_1559 : memref<1x32x513xf32, #tpu.memory_space<vmem>> -> memref<32x513xf32, #tpu.memory_space<vmem>>
        tpu.vector_store_idx %scatter3A_1560[%add3A_7, %broadcast_in_dim3A_1538], %get3A_1556 : memref<32x513xf32, #tpu.memory_space<vmem>>[vector<16xi32>, vector<16xi32>], vector<16xf32>,
        %mul3A_1561 = arith.constant 8 : i32
        %mul3A_1562 = arith.muli %scan3A_1374, %mul3A_1561 : i32
        %add3A_1563 = arith.constant 7 : i32
        %add3A_1564 = arith.addi %mul3A_1562, %add3A_1563 : i32
        %broadcast_in_dim3A_1565 = vector.broadcast %add3A_1564 : i32 to vector<16xi32>
        %get3A_1566 = arith.constant 0 : i32
        %get3A_1567 = arith.constant 0 : i32
        %get3A_1568 = tpu.memref_slice %arg6[%scan3A_619, %get3A_1566, %get3A_1567] : memref<2x512x32xf32, #tpu.memory_space<vmem>> -> memref<1x512x32xf32, #tpu.memory_space<vmem>>
        %get3A_1569 = tpu.memref_squeeze %get3A_1568 : memref<1x512x32xf32, #tpu.memory_space<vmem>> -> memref<512x32xf32, #tpu.memory_space<vmem>>
        %get3A_1570 = arith.index_cast %add3A_1564 : i32 to index
        %get3A_1571 = arith.constant 0 : index
        %get3A_1572 = tpu.vector_load %get3A_1569[%get3A_1570, %get3A_1571] {strides = array<i32>} : memref<512x32xf32, #tpu.memory_space<vmem>>, vector<16xf32>,
        %scatter3A_1573 = arith.constant 0 : i32
        %scatter3A_1574 = arith.constant 0 : i32
        %scatter3A_1575 = tpu.memref_slice %arg7[%scan3A_620, %scatter3A_1573, %scatter3A_1574] : memref<2x32x513xf32, #tpu.memory_space<vmem>> -> memref<1x32x513xf32, #tpu.memory_space<vmem>>
        %scatter3A_1576 = tpu.memref_squeeze %scatter3A_1575 : memref<1x32x513xf32, #tpu.memory_space<vmem>> -> memref<32x513xf32, #tpu.memory_space<vmem>>
        tpu.vector_store_idx %scatter3A_1576[%iota3A, %broadcast_in_dim3A_1565], %get3A_1572 : memref<32x513xf32, #tpu.memory_space<vmem>>[vector<16xi32>, vector<16xi32>], vector<16xf32>,
        %get3A_1577 = arith.constant 0 : i32
        %get3A_1578 = arith.constant 0 : i32
        %get3A_1579 = tpu.memref_slice %arg6[%scan3A_619, %get3A_1577, %get3A_1578] : memref<2x512x32xf32, #tpu.memory_space<vmem>> -> memref<1x512x32xf32, #tpu.memory_space<vmem>>
        %get3A_1580 = tpu.memref_squeeze %get3A_1579 : memref<1x512x32xf32, #tpu.memory_space<vmem>> -> memref<512x32xf32, #tpu.memory_space<vmem>>
        %get3A_1581 = arith.index_cast %add3A_1564 : i32 to index
        %get3A_1582 = arith.constant 16 : index
        %get3A_1583 = tpu.vector_load %get3A_1580[%get3A_1581, %get3A_1582] {strides = array<i32>} : memref<512x32xf32, #tpu.memory_space<vmem>>, vector<16xf32>,
        %scatter3A_1584 = arith.constant 0 : i32
        %scatter3A_1585 = arith.constant 0 : i32
        %scatter3A_1586 = tpu.memref_slice %arg7[%scan3A_620, %scatter3A_1584, %scatter3A_1585] : memref<2x32x513xf32, #tpu.memory_space<vmem>> -> memref<1x32x513xf32, #tpu.memory_space<vmem>>
        %scatter3A_1587 = tpu.memref_squeeze %scatter3A_1586 : memref<1x32x513xf32, #tpu.memory_space<vmem>> -> memref<32x513xf32, #tpu.memory_space<vmem>>
        tpu.vector_store_idx %scatter3A_1587[%add3A_7, %broadcast_in_dim3A_1565], %get3A_1583 : memref<32x513xf32, #tpu.memory_space<vmem>>[vector<16xi32>, vector<16xi32>], vector<16xf32>,
      }
      %scan3A_625 = arith.constant 64 : i32
      %mul3A_626 = arith.constant 4 : i32
      %mul3A_627 = arith.muli %add3A_601, %mul3A_626 : i32
      %add3A_628 = arith.addi %mul3A_4, %mul3A_627 : i32
      %jit3A = arith.constant 128 : i32
      %div3A = arith.divsi %add3A_628, %jit3A : i32
      %sign3A = arith.constant 0 : i32
      %sign3A_629 = arith.cmpi sgt, %add3A_628, %sign3A : i32
      %sign3A_630 = arith.extui %sign3A_629 : i1 to i32
      %sign3A_631 = arith.constant 0 : i32
      %sign3A_632 = arith.cmpi slt, %add3A_628, %sign3A_631 : i32
      %sign3A_633 = arith.extui %sign3A_632 : i1 to i32
      %sign3A_634 = arith.subi %sign3A_630, %sign3A_633 : i32
      %sign3A_635 = arith.constant 0 : i32
      %sign3A_636 = arith.cmpi sgt, %jit3A, %sign3A_635 : i32
      %sign3A_637 = arith.extui %sign3A_636 : i1 to i32
      %sign3A_638 = arith.constant 0 : i32
      %sign3A_639 = arith.cmpi slt, %jit3A, %sign3A_638 : i32
      %sign3A_640 = arith.extui %sign3A_639 : i1 to i32
      %sign3A_641 = arith.subi %sign3A_637, %sign3A_640 : i32
      %ne3A = arith.cmpi ne, %sign3A_634, %sign3A_641 : i32
      %rem3A = arith.remsi %add3A_628, %jit3A : i32
      %ne3A_642 = arith.constant 0 : i32
      %ne3A_643 = arith.cmpi ne, %rem3A, %ne3A_642 : i32
      %and3A = arith.andi %ne3A, %ne3A_643 : i1
      %sub3A = arith.constant 1 : i32
      %sub3A_644 = arith.subi %div3A, %sub3A : i32
      %select_n3A = arith.select %and3A, %sub3A_644, %div3A : i32
      %mul3A_645 = arith.constant 128 : i32
      %mul3A_646 = arith.muli %select_n3A, %mul3A_645 : i32
      %sub3A_647 = arith.subi %add3A_628, %mul3A_646 : i32
      %mul3A_648 = arith.constant 4 : i32
      %mul3A_649 = arith.muli %select_n3A, %mul3A_648 : i32
      %add3A_650 = arith.constant 0 : i32
      %add3A_651 = arith.addi %mul3A_649, %add3A_650 : i32
      %mul3A_652 = arith.constant 128 : i32
      %mul3A_653 = arith.muli %add3A_651, %mul3A_652 : i32
      %add3A_654 = arith.addi %mul3A_653, %sub3A_647 : i32
      %add3A_655 = arith.constant 0 : i32
      %add3A_656 = arith.addi %add3A_654, %add3A_655 : i32
      %dma_start3A_657 = arith.constant 0 : i32
      %dma_start3A_658 = arith.constant 0 : i32
      %dma_start3A_659 = arith.constant 0 : i32
      %dma_start3A_660 = tpu.memref_slice %arg7[%dma_start3A_657, %dma_start3A_658, %dma_start3A_659] : memref<2x32x513xf32, #tpu.memory_space<vmem>> -> memref<1x8x128xf32, #tpu.memory_space<vmem>>
      %dma_start3A_661 = tpu.memref_squeeze %dma_start3A_660 : memref<1x8x128xf32, #tpu.memory_space<vmem>> -> memref<8x128xf32, #tpu.memory_space<vmem>>
      %dma_start3A_662 = arith.constant 0 : i32
      %dma_start3A_663 = arith.constant 0 : i32
      %dma_start3A_664 = tpu.memref_slice %arg4[%add3A_656, %dma_start3A_662, %dma_start3A_663] : memref<25600x8x128xf32, #tpu.memory_space<hbm>> -> memref<1x8x128xf32, #tpu.memory_space<hbm>>
      %dma_start3A_665 = tpu.memref_squeeze %dma_start3A_664 : memref<1x8x128xf32, #tpu.memory_space<hbm>> -> memref<8x128xf32, #tpu.memory_space<hbm>>
      %dma_start3A_666 = arith.constant 0 : i32
      %dma_start3A_667 = arith.constant 0 : i32
      %dma_start3A_668 = tpu.memref_slice %arg4[%add3A_656, %dma_start3A_666, %dma_start3A_667] : memref<25600x8x128xf32, #tpu.memory_space<hbm>> -> memref<1x8x128xf32, #tpu.memory_space<hbm>>
      %dma_start3A_669 = tpu.memref_squeeze %dma_start3A_668 : memref<1x8x128xf32, #tpu.memory_space<hbm>> -> memref<8x128xf32, #tpu.memory_space<hbm>>
      %dma_start3A_670 = arith.constant 0 : i32
      %dma_start3A_671 = arith.constant 0 : i32
      %dma_start3A_672 = tpu.memref_slice %arg7[%dma_start3A_657, %dma_start3A_670, %dma_start3A_671] : memref<2x32x513xf32, #tpu.memory_space<vmem>> -> memref<1x8x128xf32, #tpu.memory_space<vmem>>
      %dma_start3A_673 = tpu.memref_squeeze %dma_start3A_672 : memref<1x8x128xf32, #tpu.memory_space<vmem>> -> memref<8x128xf32, #tpu.memory_space<vmem>>
      tpu.enqueue_dma source(%dma_start3A_673 : memref<8x128xf32, #tpu.memory_space<vmem>>) target(%dma_start3A_669 : memref<8x128xf32, #tpu.memory_space<hbm>>) target_semaphore(%arg10 : memref<!tpu.dma_semaphore, #tpu.memory_space<semaphore_mem>>)
      %add3A_674 = arith.constant 1 : i32
      %add3A_675 = arith.addi %add3A_654, %add3A_674 : i32
      %dma_start3A_676 = arith.constant 0 : i32
      %dma_start3A_677 = arith.constant 0 : i32
      %dma_start3A_678 = arith.constant 128 : i32
      %dma_start3A_679 = tpu.memref_slice %arg7[%dma_start3A_676, %dma_start3A_677, %dma_start3A_678] : memref<2x32x513xf32, #tpu.memory_space<vmem>> -> memref<1x8x128xf32, #tpu.memory_space<vmem>>
      %dma_start3A_680 = tpu.memref_squeeze %dma_start3A_679 : memref<1x8x128xf32, #tpu.memory_space<vmem>> -> memref<8x128xf32, #tpu.memory_space<vmem>>
      %dma_start3A_681 = arith.constant 0 : i32
      %dma_start3A_682 = arith.constant 0 : i32
      %dma_start3A_683 = tpu.memref_slice %arg4[%add3A_675, %dma_start3A_681, %dma_start3A_682] : memref<25600x8x128xf32, #tpu.memory_space<hbm>> -> memref<1x8x128xf32, #tpu.memory_space<hbm>>
      %dma_start3A_684 = tpu.memref_squeeze %dma_start3A_683 : memref<1x8x128xf32, #tpu.memory_space<hbm>> -> memref<8x128xf32, #tpu.memory_space<hbm>>
      %dma_start3A_685 = arith.constant 0 : i32
      %dma_start3A_686 = arith.constant 0 : i32
      %dma_start3A_687 = tpu.memref_slice %arg4[%add3A_675, %dma_start3A_685, %dma_start3A_686] : memref<25600x8x128xf32, #tpu.memory_space<hbm>> -> memref<1x8x128xf32, #tpu.memory_space<hbm>>
      %dma_start3A_688 = tpu.memref_squeeze %dma_start3A_687 : memref<1x8x128xf32, #tpu.memory_space<hbm>> -> memref<8x128xf32, #tpu.memory_space<hbm>>
      %dma_start3A_689 = arith.constant 0 : i32
      %dma_start3A_690 = arith.constant 128 : i32
      %dma_start3A_691 = tpu.memref_slice %arg7[%dma_start3A_676, %dma_start3A_689, %dma_start3A_690] : memref<2x32x513xf32, #tpu.memory_space<vmem>> -> memref<1x8x128xf32, #tpu.memory_space<vmem>>
      %dma_start3A_692 = tpu.memref_squeeze %dma_start3A_691 : memref<1x8x128xf32, #tpu.memory_space<vmem>> -> memref<8x128xf32, #tpu.memory_space<vmem>>
      tpu.enqueue_dma source(%dma_start3A_692 : memref<8x128xf32, #tpu.memory_space<vmem>>) target(%dma_start3A_688 : memref<8x128xf32, #tpu.memory_space<hbm>>) target_semaphore(%arg10 : memref<!tpu.dma_semaphore, #tpu.memory_space<semaphore_mem>>)
      %add3A_693 = arith.constant 2 : i32
      %add3A_694 = arith.addi %add3A_654, %add3A_693 : i32
      %dma_start3A_695 = arith.constant 0 : i32
      %dma_start3A_696 = arith.constant 0 : i32
      %dma_start3A_697 = arith.constant 256 : i32
      %dma_start3A_698 = tpu.memref_slice %arg7[%dma_start3A_695, %dma_start3A_696, %dma_start3A_697] : memref<2x32x513xf32, #tpu.memory_space<vmem>> -> memref<1x8x128xf32, #tpu.memory_space<vmem>>
      %dma_start3A_699 = tpu.memref_squeeze %dma_start3A_698 : memref<1x8x128xf32, #tpu.memory_space<vmem>> -> memref<8x128xf32, #tpu.memory_space<vmem>>
      %dma_start3A_700 = arith.constant 0 : i32
      %dma_start3A_701 = arith.constant 0 : i32
      %dma_start3A_702 = tpu.memref_slice %arg4[%add3A_694, %dma_start3A_700, %dma_start3A_701] : memref<25600x8x128xf32, #tpu.memory_space<hbm>> -> memref<1x8x128xf32, #tpu.memory_space<hbm>>
      %dma_start3A_703 = tpu.memref_squeeze %dma_start3A_702 : memref<1x8x128xf32, #tpu.memory_space<hbm>> -> memref<8x128xf32, #tpu.memory_space<hbm>>
      %dma_start3A_704 = arith.constant 0 : i32
      %dma_start3A_705 = arith.constant 0 : i32
      %dma_start3A_706 = tpu.memref_slice %arg4[%add3A_694, %dma_start3A_704, %dma_start3A_705] : memref<25600x8x128xf32, #tpu.memory_space<hbm>> -> memref<1x8x128xf32, #tpu.memory_space<hbm>>
      %dma_start3A_707 = tpu.memref_squeeze %dma_start3A_706 : memref<1x8x128xf32, #tpu.memory_space<hbm>> -> memref<8x128xf32, #tpu.memory_space<hbm>>
      %dma_start3A_708 = arith.constant 0 : i32
      %dma_start3A_709 = arith.constant 256 : i32
      %dma_start3A_710 = tpu.memref_slice %arg7[%dma_start3A_695, %dma_start3A_708, %dma_start3A_709] : memref<2x32x513xf32, #tpu.memory_space<vmem>> -> memref<1x8x128xf32, #tpu.memory_space<vmem>>
      %dma_start3A_711 = tpu.memref_squeeze %dma_start3A_710 : memref<1x8x128xf32, #tpu.memory_space<vmem>> -> memref<8x128xf32, #tpu.memory_space<vmem>>
      tpu.enqueue_dma source(%dma_start3A_711 : memref<8x128xf32, #tpu.memory_space<vmem>>) target(%dma_start3A_707 : memref<8x128xf32, #tpu.memory_space<hbm>>) target_semaphore(%arg10 : memref<!tpu.dma_semaphore, #tpu.memory_space<semaphore_mem>>)
      %add3A_712 = arith.constant 3 : i32
      %add3A_713 = arith.addi %add3A_654, %add3A_712 : i32
      %dma_start3A_714 = arith.constant 0 : i32
      %dma_start3A_715 = arith.constant 0 : i32
      %dma_start3A_716 = arith.constant 384 : i32
      %dma_start3A_717 = tpu.memref_slice %arg7[%dma_start3A_714, %dma_start3A_715, %dma_start3A_716] : memref<2x32x513xf32, #tpu.memory_space<vmem>> -> memref<1x8x128xf32, #tpu.memory_space<vmem>>
      %dma_start3A_718 = tpu.memref_squeeze %dma_start3A_717 : memref<1x8x128xf32, #tpu.memory_space<vmem>> -> memref<8x128xf32, #tpu.memory_space<vmem>>
      %dma_start3A_719 = arith.constant 0 : i32
      %dma_start3A_720 = arith.constant 0 : i32
      %dma_start3A_721 = tpu.memref_slice %arg4[%add3A_713, %dma_start3A_719, %dma_start3A_720] : memref<25600x8x128xf32, #tpu.memory_space<hbm>> -> memref<1x8x128xf32, #tpu.memory_space<hbm>>
      %dma_start3A_722 = tpu.memref_squeeze %dma_start3A_721 : memref<1x8x128xf32, #tpu.memory_space<hbm>> -> memref<8x128xf32, #tpu.memory_space<hbm>>
      %dma_start3A_723 = arith.constant 0 : i32
      %dma_start3A_724 = arith.constant 0 : i32
      %dma_start3A_725 = tpu.memref_slice %arg4[%add3A_713, %dma_start3A_723, %dma_start3A_724] : memref<25600x8x128xf32, #tpu.memory_space<hbm>> -> memref<1x8x128xf32, #tpu.memory_space<hbm>>
      %dma_start3A_726 = tpu.memref_squeeze %dma_start3A_725 : memref<1x8x128xf32, #tpu.memory_space<hbm>> -> memref<8x128xf32, #tpu.memory_space<hbm>>
      %dma_start3A_727 = arith.constant 0 : i32
      %dma_start3A_728 = arith.constant 384 : i32
      %dma_start3A_729 = tpu.memref_slice %arg7[%dma_start3A_714, %dma_start3A_727, %dma_start3A_728] : memref<2x32x513xf32, #tpu.memory_space<vmem>> -> memref<1x8x128xf32, #tpu.memory_space<vmem>>
      %dma_start3A_730 = tpu.memref_squeeze %dma_start3A_729 : memref<1x8x128xf32, #tpu.memory_space<vmem>> -> memref<8x128xf32, #tpu.memory_space<vmem>>
      tpu.enqueue_dma source(%dma_start3A_730 : memref<8x128xf32, #tpu.memory_space<vmem>>) target(%dma_start3A_726 : memref<8x128xf32, #tpu.memory_space<hbm>>) target_semaphore(%arg10 : memref<!tpu.dma_semaphore, #tpu.memory_space<semaphore_mem>>)
      %mul3A_731 = arith.constant 4 : i32
      %mul3A_732 = arith.muli %select_n3A, %mul3A_731 : i32
      %add3A_733 = arith.constant 1 : i32
      %add3A_734 = arith.addi %mul3A_732, %add3A_733 : i32
      %mul3A_735 = arith.constant 128 : i32
      %mul3A_736 = arith.muli %add3A_734, %mul3A_735 : i32
      %add3A_737 = arith.addi %mul3A_736, %sub3A_647 : i32
      %add3A_738 = arith.constant 0 : i32
      %add3A_739 = arith.addi %add3A_737, %add3A_738 : i32
      %dma_start3A_740 = arith.constant 0 : i32
      %dma_start3A_741 = arith.constant 8 : i32
      %dma_start3A_742 = arith.constant 0 : i32
      %dma_start3A_743 = tpu.memref_slice %arg7[%dma_start3A_740, %dma_start3A_741, %dma_start3A_742] : memref<2x32x513xf32, #tpu.memory_space<vmem>> -> memref<1x8x128xf32, #tpu.memory_space<vmem>>
      %dma_start3A_744 = tpu.memref_squeeze %dma_start3A_743 : memref<1x8x128xf32, #tpu.memory_space<vmem>> -> memref<8x128xf32, #tpu.memory_space<vmem>>
      %dma_start3A_745 = arith.constant 0 : i32
      %dma_start3A_746 = arith.constant 0 : i32
      %dma_start3A_747 = tpu.memref_slice %arg4[%add3A_739, %dma_start3A_745, %dma_start3A_746] : memref<25600x8x128xf32, #tpu.memory_space<hbm>> -> memref<1x8x128xf32, #tpu.memory_space<hbm>>
      %dma_start3A_748 = tpu.memref_squeeze %dma_start3A_747 : memref<1x8x128xf32, #tpu.memory_space<hbm>> -> memref<8x128xf32, #tpu.memory_space<hbm>>
      %dma_start3A_749 = arith.constant 0 : i32
      %dma_start3A_750 = arith.constant 0 : i32
      %dma_start3A_751 = tpu.memref_slice %arg4[%add3A_739, %dma_start3A_749, %dma_start3A_750] : memref<25600x8x128xf32, #tpu.memory_space<hbm>> -> memref<1x8x128xf32, #tpu.memory_space<hbm>>
      %dma_start3A_752 = tpu.memref_squeeze %dma_start3A_751 : memref<1x8x128xf32, #tpu.memory_space<hbm>> -> memref<8x128xf32, #tpu.memory_space<hbm>>
      %dma_start3A_753 = arith.constant 8 : i32
      %dma_start3A_754 = arith.constant 0 : i32
      %dma_start3A_755 = tpu.memref_slice %arg7[%dma_start3A_740, %dma_start3A_753, %dma_start3A_754] : memref<2x32x513xf32, #tpu.memory_space<vmem>> -> memref<1x8x128xf32, #tpu.memory_space<vmem>>
      %dma_start3A_756 = tpu.memref_squeeze %dma_start3A_755 : memref<1x8x128xf32, #tpu.memory_space<vmem>> -> memref<8x128xf32, #tpu.memory_space<vmem>>
      tpu.enqueue_dma source(%dma_start3A_756 : memref<8x128xf32, #tpu.memory_space<vmem>>) target(%dma_start3A_752 : memref<8x128xf32, #tpu.memory_space<hbm>>) target_semaphore(%arg10 : memref<!tpu.dma_semaphore, #tpu.memory_space<semaphore_mem>>)
      %add3A_757 = arith.constant 1 : i32
      %add3A_758 = arith.addi %add3A_737, %add3A_757 : i32
      %dma_start3A_759 = arith.constant 0 : i32
      %dma_start3A_760 = arith.constant 8 : i32
      %dma_start3A_761 = arith.constant 128 : i32
      %dma_start3A_762 = tpu.memref_slice %arg7[%dma_start3A_759, %dma_start3A_760, %dma_start3A_761] : memref<2x32x513xf32, #tpu.memory_space<vmem>> -> memref<1x8x128xf32, #tpu.memory_space<vmem>>
      %dma_start3A_763 = tpu.memref_squeeze %dma_start3A_762 : memref<1x8x128xf32, #tpu.memory_space<vmem>> -> memref<8x128xf32, #tpu.memory_space<vmem>>
      %dma_start3A_764 = arith.constant 0 : i32
      %dma_start3A_765 = arith.constant 0 : i32
      %dma_start3A_766 = tpu.memref_slice %arg4[%add3A_758, %dma_start3A_764, %dma_start3A_765] : memref<25600x8x128xf32, #tpu.memory_space<hbm>> -> memref<1x8x128xf32, #tpu.memory_space<hbm>>
      %dma_start3A_767 = tpu.memref_squeeze %dma_start3A_766 : memref<1x8x128xf32, #tpu.memory_space<hbm>> -> memref<8x128xf32, #tpu.memory_space<hbm>>
      %dma_start3A_768 = arith.constant 0 : i32
      %dma_start3A_769 = arith.constant 0 : i32
      %dma_start3A_770 = tpu.memref_slice %arg4[%add3A_758, %dma_start3A_768, %dma_start3A_769] : memref<25600x8x128xf32, #tpu.memory_space<hbm>> -> memref<1x8x128xf32, #tpu.memory_space<hbm>>
      %dma_start3A_771 = tpu.memref_squeeze %dma_start3A_770 : memref<1x8x128xf32, #tpu.memory_space<hbm>> -> memref<8x128xf32, #tpu.memory_space<hbm>>
      %dma_start3A_772 = arith.constant 8 : i32
      %dma_start3A_773 = arith.constant 128 : i32
      %dma_start3A_774 = tpu.memref_slice %arg7[%dma_start3A_759, %dma_start3A_772, %dma_start3A_773] : memref<2x32x513xf32, #tpu.memory_space<vmem>> -> memref<1x8x128xf32, #tpu.memory_space<vmem>>
      %dma_start3A_775 = tpu.memref_squeeze %dma_start3A_774 : memref<1x8x128xf32, #tpu.memory_space<vmem>> -> memref<8x128xf32, #tpu.memory_space<vmem>>
      tpu.enqueue_dma source(%dma_start3A_775 : memref<8x128xf32, #tpu.memory_space<vmem>>) target(%dma_start3A_771 : memref<8x128xf32, #tpu.memory_space<hbm>>) target_semaphore(%arg10 : memref<!tpu.dma_semaphore, #tpu.memory_space<semaphore_mem>>)
      %add3A_776 = arith.constant 2 : i32
      %add3A_777 = arith.addi %add3A_737, %add3A_776 : i32
      %dma_start3A_778 = arith.constant 0 : i32
      %dma_start3A_779 = arith.constant 8 : i32
      %dma_start3A_780 = arith.constant 256 : i32
      %dma_start3A_781 = tpu.memref_slice %arg7[%dma_start3A_778, %dma_start3A_779, %dma_start3A_780] : memref<2x32x513xf32, #tpu.memory_space<vmem>> -> memref<1x8x128xf32, #tpu.memory_space<vmem>>
      %dma_start3A_782 = tpu.memref_squeeze %dma_start3A_781 : memref<1x8x128xf32, #tpu.memory_space<vmem>> -> memref<8x128xf32, #tpu.memory_space<vmem>>
      %dma_start3A_783 = arith.constant 0 : i32
      %dma_start3A_784 = arith.constant 0 : i32
      %dma_start3A_785 = tpu.memref_slice %arg4[%add3A_777, %dma_start3A_783, %dma_start3A_784] : memref<25600x8x128xf32, #tpu.memory_space<hbm>> -> memref<1x8x128xf32, #tpu.memory_space<hbm>>
      %dma_start3A_786 = tpu.memref_squeeze %dma_start3A_785 : memref<1x8x128xf32, #tpu.memory_space<hbm>> -> memref<8x128xf32, #tpu.memory_space<hbm>>
      %dma_start3A_787 = arith.constant 0 : i32
      %dma_start3A_788 = arith.constant 0 : i32
      %dma_start3A_789 = tpu.memref_slice %arg4[%add3A_777, %dma_start3A_787, %dma_start3A_788] : memref<25600x8x128xf32, #tpu.memory_space<hbm>> -> memref<1x8x128xf32, #tpu.memory_space<hbm>>
      %dma_start3A_790 = tpu.memref_squeeze %dma_start3A_789 : memref<1x8x128xf32, #tpu.memory_space<hbm>> -> memref<8x128xf32, #tpu.memory_space<hbm>>
      %dma_start3A_791 = arith.constant 8 : i32
      %dma_start3A_792 = arith.constant 256 : i32
      %dma_start3A_793 = tpu.memref_slice %arg7[%dma_start3A_778, %dma_start3A_791, %dma_start3A_792] : memref<2x32x513xf32, #tpu.memory_space<vmem>> -> memref<1x8x128xf32, #tpu.memory_space<vmem>>
      %dma_start3A_794 = tpu.memref_squeeze %dma_start3A_793 : memref<1x8x128xf32, #tpu.memory_space<vmem>> -> memref<8x128xf32, #tpu.memory_space<vmem>>
      tpu.enqueue_dma source(%dma_start3A_794 : memref<8x128xf32, #tpu.memory_space<vmem>>) target(%dma_start3A_790 : memref<8x128xf32, #tpu.memory_space<hbm>>) target_semaphore(%arg10 : memref<!tpu.dma_semaphore, #tpu.memory_space<semaphore_mem>>)
      %add3A_795 = arith.constant 3 : i32
      %add3A_796 = arith.addi %add3A_737, %add3A_795 : i32
      %dma_start3A_797 = arith.constant 0 : i32
      %dma_start3A_798 = arith.constant 8 : i32
      %dma_start3A_799 = arith.constant 384 : i32
      %dma_start3A_800 = tpu.memref_slice %arg7[%dma_start3A_797, %dma_start3A_798, %dma_start3A_799] : memref<2x32x513xf32, #tpu.memory_space<vmem>> -> memref<1x8x128xf32, #tpu.memory_space<vmem>>
      %dma_start3A_801 = tpu.memref_squeeze %dma_start3A_800 : memref<1x8x128xf32, #tpu.memory_space<vmem>> -> memref<8x128xf32, #tpu.memory_space<vmem>>
      %dma_start3A_802 = arith.constant 0 : i32
      %dma_start3A_803 = arith.constant 0 : i32
      %dma_start3A_804 = tpu.memref_slice %arg4[%add3A_796, %dma_start3A_802, %dma_start3A_803] : memref<25600x8x128xf32, #tpu.memory_space<hbm>> -> memref<1x8x128xf32, #tpu.memory_space<hbm>>
      %dma_start3A_805 = tpu.memref_squeeze %dma_start3A_804 : memref<1x8x128xf32, #tpu.memory_space<hbm>> -> memref<8x128xf32, #tpu.memory_space<hbm>>
      %dma_start3A_806 = arith.constant 0 : i32
      %dma_start3A_807 = arith.constant 0 : i32
      %dma_start3A_808 = tpu.memref_slice %arg4[%add3A_796, %dma_start3A_806, %dma_start3A_807] : memref<25600x8x128xf32, #tpu.memory_space<hbm>> -> memref<1x8x128xf32, #tpu.memory_space<hbm>>
      %dma_start3A_809 = tpu.memref_squeeze %dma_start3A_808 : memref<1x8x128xf32, #tpu.memory_space<hbm>> -> memref<8x128xf32, #tpu.memory_space<hbm>>
      %dma_start3A_810 = arith.constant 8 : i32
      %dma_start3A_811 = arith.constant 384 : i32
      %dma_start3A_812 = tpu.memref_slice %arg7[%dma_start3A_797, %dma_start3A_810, %dma_start3A_811] : memref<2x32x513xf32, #tpu.memory_space<vmem>> -> memref<1x8x128xf32, #tpu.memory_space<vmem>>
      %dma_start3A_813 = tpu.memref_squeeze %dma_start3A_812 : memref<1x8x128xf32, #tpu.memory_space<vmem>> -> memref<8x128xf32, #tpu.memory_space<vmem>>
      tpu.enqueue_dma source(%dma_start3A_813 : memref<8x128xf32, #tpu.memory_space<vmem>>) target(%dma_start3A_809 : memref<8x128xf32, #tpu.memory_space<hbm>>) target_semaphore(%arg10 : memref<!tpu.dma_semaphore, #tpu.memory_space<semaphore_mem>>)
      %mul3A_814 = arith.constant 4 : i32
      %mul3A_815 = arith.muli %select_n3A, %mul3A_814 : i32
      %add3A_816 = arith.constant 2 : i32
      %add3A_817 = arith.addi %mul3A_815, %add3A_816 : i32
      %mul3A_818 = arith.constant 128 : i32
      %mul3A_819 = arith.muli %add3A_817, %mul3A_818 : i32
      %add3A_820 = arith.addi %mul3A_819, %sub3A_647 : i32
      %add3A_821 = arith.constant 0 : i32
      %add3A_822 = arith.addi %add3A_820, %add3A_821 : i32
      %dma_start3A_823 = arith.constant 0 : i32
      %dma_start3A_824 = arith.constant 16 : i32
      %dma_start3A_825 = arith.constant 0 : i32
      %dma_start3A_826 = tpu.memref_slice %arg7[%dma_start3A_823, %dma_start3A_824, %dma_start3A_825] : memref<2x32x513xf32, #tpu.memory_space<vmem>> -> memref<1x8x128xf32, #tpu.memory_space<vmem>>
      %dma_start3A_827 = tpu.memref_squeeze %dma_start3A_826 : memref<1x8x128xf32, #tpu.memory_space<vmem>> -> memref<8x128xf32, #tpu.memory_space<vmem>>
      %dma_start3A_828 = arith.constant 0 : i32
      %dma_start3A_829 = arith.constant 0 : i32
      %dma_start3A_830 = tpu.memref_slice %arg4[%add3A_822, %dma_start3A_828, %dma_start3A_829] : memref<25600x8x128xf32, #tpu.memory_space<hbm>> -> memref<1x8x128xf32, #tpu.memory_space<hbm>>
      %dma_start3A_831 = tpu.memref_squeeze %dma_start3A_830 : memref<1x8x128xf32, #tpu.memory_space<hbm>> -> memref<8x128xf32, #tpu.memory_space<hbm>>
      %dma_start3A_832 = arith.constant 0 : i32
      %dma_start3A_833 = arith.constant 0 : i32
      %dma_start3A_834 = tpu.memref_slice %arg4[%add3A_822, %dma_start3A_832, %dma_start3A_833] : memref<25600x8x128xf32, #tpu.memory_space<hbm>> -> memref<1x8x128xf32, #tpu.memory_space<hbm>>
      %dma_start3A_835 = tpu.memref_squeeze %dma_start3A_834 : memref<1x8x128xf32, #tpu.memory_space<hbm>> -> memref<8x128xf32, #tpu.memory_space<hbm>>
      %dma_start3A_836 = arith.constant 16 : i32
      %dma_start3A_837 = arith.constant 0 : i32
      %dma_start3A_838 = tpu.memref_slice %arg7[%dma_start3A_823, %dma_start3A_836, %dma_start3A_837] : memref<2x32x513xf32, #tpu.memory_space<vmem>> -> memref<1x8x128xf32, #tpu.memory_space<vmem>>
      %dma_start3A_839 = tpu.memref_squeeze %dma_start3A_838 : memref<1x8x128xf32, #tpu.memory_space<vmem>> -> memref<8x128xf32, #tpu.memory_space<vmem>>
      tpu.enqueue_dma source(%dma_start3A_839 : memref<8x128xf32, #tpu.memory_space<vmem>>) target(%dma_start3A_835 : memref<8x128xf32, #tpu.memory_space<hbm>>) target_semaphore(%arg10 : memref<!tpu.dma_semaphore, #tpu.memory_space<semaphore_mem>>)
      %add3A_840 = arith.constant 1 : i32
      %add3A_841 = arith.addi %add3A_820, %add3A_840 : i32
      %dma_start3A_842 = arith.constant 0 : i32
      %dma_start3A_843 = arith.constant 16 : i32
      %dma_start3A_844 = arith.constant 128 : i32
      %dma_start3A_845 = tpu.memref_slice %arg7[%dma_start3A_842, %dma_start3A_843, %dma_start3A_844] : memref<2x32x513xf32, #tpu.memory_space<vmem>> -> memref<1x8x128xf32, #tpu.memory_space<vmem>>
      %dma_start3A_846 = tpu.memref_squeeze %dma_start3A_845 : memref<1x8x128xf32, #tpu.memory_space<vmem>> -> memref<8x128xf32, #tpu.memory_space<vmem>>
      %dma_start3A_847 = arith.constant 0 : i32
      %dma_start3A_848 = arith.constant 0 : i32
      %dma_start3A_849 = tpu.memref_slice %arg4[%add3A_841, %dma_start3A_847, %dma_start3A_848] : memref<25600x8x128xf32, #tpu.memory_space<hbm>> -> memref<1x8x128xf32, #tpu.memory_space<hbm>>
      %dma_start3A_850 = tpu.memref_squeeze %dma_start3A_849 : memref<1x8x128xf32, #tpu.memory_space<hbm>> -> memref<8x128xf32, #tpu.memory_space<hbm>>
      %dma_start3A_851 = arith.constant 0 : i32
      %dma_start3A_852 = arith.constant 0 : i32
      %dma_start3A_853 = tpu.memref_slice %arg4[%add3A_841, %dma_start3A_851, %dma_start3A_852] : memref<25600x8x128xf32, #tpu.memory_space<hbm>> -> memref<1x8x128xf32, #tpu.memory_space<hbm>>
      %dma_start3A_854 = tpu.memref_squeeze %dma_start3A_853 : memref<1x8x128xf32, #tpu.memory_space<hbm>> -> memref<8x128xf32, #tpu.memory_space<hbm>>
      %dma_start3A_855 = arith.constant 16 : i32
      %dma_start3A_856 = arith.constant 128 : i32
      %dma_start3A_857 = tpu.memref_slice %arg7[%dma_start3A_842, %dma_start3A_855, %dma_start3A_856] : memref<2x32x513xf32, #tpu.memory_space<vmem>> -> memref<1x8x128xf32, #tpu.memory_space<vmem>>
      %dma_start3A_858 = tpu.memref_squeeze %dma_start3A_857 : memref<1x8x128xf32, #tpu.memory_space<vmem>> -> memref<8x128xf32, #tpu.memory_space<vmem>>
      tpu.enqueue_dma source(%dma_start3A_858 : memref<8x128xf32, #tpu.memory_space<vmem>>) target(%dma_start3A_854 : memref<8x128xf32, #tpu.memory_space<hbm>>) target_semaphore(%arg10 : memref<!tpu.dma_semaphore, #tpu.memory_space<semaphore_mem>>)
      %add3A_859 = arith.constant 2 : i32
      %add3A_860 = arith.addi %add3A_820, %add3A_859 : i32
      %dma_start3A_861 = arith.constant 0 : i32
      %dma_start3A_862 = arith.constant 16 : i32
      %dma_start3A_863 = arith.constant 256 : i32
      %dma_start3A_864 = tpu.memref_slice %arg7[%dma_start3A_861, %dma_start3A_862, %dma_start3A_863] : memref<2x32x513xf32, #tpu.memory_space<vmem>> -> memref<1x8x128xf32, #tpu.memory_space<vmem>>
      %dma_start3A_865 = tpu.memref_squeeze %dma_start3A_864 : memref<1x8x128xf32, #tpu.memory_space<vmem>> -> memref<8x128xf32, #tpu.memory_space<vmem>>
      %dma_start3A_866 = arith.constant 0 : i32
      %dma_start3A_867 = arith.constant 0 : i32
      %dma_start3A_868 = tpu.memref_slice %arg4[%add3A_860, %dma_start3A_866, %dma_start3A_867] : memref<25600x8x128xf32, #tpu.memory_space<hbm>> -> memref<1x8x128xf32, #tpu.memory_space<hbm>>
      %dma_start3A_869 = tpu.memref_squeeze %dma_start3A_868 : memref<1x8x128xf32, #tpu.memory_space<hbm>> -> memref<8x128xf32, #tpu.memory_space<hbm>>
      %dma_start3A_870 = arith.constant 0 : i32
      %dma_start3A_871 = arith.constant 0 : i32
      %dma_start3A_872 = tpu.memref_slice %arg4[%add3A_860, %dma_start3A_870, %dma_start3A_871] : memref<25600x8x128xf32, #tpu.memory_space<hbm>> -> memref<1x8x128xf32, #tpu.memory_space<hbm>>
      %dma_start3A_873 = tpu.memref_squeeze %dma_start3A_872 : memref<1x8x128xf32, #tpu.memory_space<hbm>> -> memref<8x128xf32, #tpu.memory_space<hbm>>
      %dma_start3A_874 = arith.constant 16 : i32
      %dma_start3A_875 = arith.constant 256 : i32
      %dma_start3A_876 = tpu.memref_slice %arg7[%dma_start3A_861, %dma_start3A_874, %dma_start3A_875] : memref<2x32x513xf32, #tpu.memory_space<vmem>> -> memref<1x8x128xf32, #tpu.memory_space<vmem>>
      %dma_start3A_877 = tpu.memref_squeeze %dma_start3A_876 : memref<1x8x128xf32, #tpu.memory_space<vmem>> -> memref<8x128xf32, #tpu.memory_space<vmem>>
      tpu.enqueue_dma source(%dma_start3A_877 : memref<8x128xf32, #tpu.memory_space<vmem>>) target(%dma_start3A_873 : memref<8x128xf32, #tpu.memory_space<hbm>>) target_semaphore(%arg10 : memref<!tpu.dma_semaphore, #tpu.memory_space<semaphore_mem>>)
      %add3A_878 = arith.constant 3 : i32
      %add3A_879 = arith.addi %add3A_820, %add3A_878 : i32
      %dma_start3A_880 = arith.constant 0 : i32
      %dma_start3A_881 = arith.constant 16 : i32
      %dma_start3A_882 = arith.constant 384 : i32
      %dma_start3A_883 = tpu.memref_slice %arg7[%dma_start3A_880, %dma_start3A_881, %dma_start3A_882] : memref<2x32x513xf32, #tpu.memory_space<vmem>> -> memref<1x8x128xf32, #tpu.memory_space<vmem>>
      %dma_start3A_884 = tpu.memref_squeeze %dma_start3A_883 : memref<1x8x128xf32, #tpu.memory_space<vmem>> -> memref<8x128xf32, #tpu.memory_space<vmem>>
      %dma_start3A_885 = arith.constant 0 : i32
      %dma_start3A_886 = arith.constant 0 : i32
      %dma_start3A_887 = tpu.memref_slice %arg4[%add3A_879, %dma_start3A_885, %dma_start3A_886] : memref<25600x8x128xf32, #tpu.memory_space<hbm>> -> memref<1x8x128xf32, #tpu.memory_space<hbm>>
      %dma_start3A_888 = tpu.memref_squeeze %dma_start3A_887 : memref<1x8x128xf32, #tpu.memory_space<hbm>> -> memref<8x128xf32, #tpu.memory_space<hbm>>
      %dma_start3A_889 = arith.constant 0 : i32
      %dma_start3A_890 = arith.constant 0 : i32
      %dma_start3A_891 = tpu.memref_slice %arg4[%add3A_879, %dma_start3A_889, %dma_start3A_890] : memref<25600x8x128xf32, #tpu.memory_space<hbm>> -> memref<1x8x128xf32, #tpu.memory_space<hbm>>
      %dma_start3A_892 = tpu.memref_squeeze %dma_start3A_891 : memref<1x8x128xf32, #tpu.memory_space<hbm>> -> memref<8x128xf32, #tpu.memory_space<hbm>>
      %dma_start3A_893 = arith.constant 16 : i32
      %dma_start3A_894 = arith.constant 384 : i32
      %dma_start3A_895 = tpu.memref_slice %arg7[%dma_start3A_880, %dma_start3A_893, %dma_start3A_894] : memref<2x32x513xf32, #tpu.memory_space<vmem>> -> memref<1x8x128xf32, #tpu.memory_space<vmem>>
      %dma_start3A_896 = tpu.memref_squeeze %dma_start3A_895 : memref<1x8x128xf32, #tpu.memory_space<vmem>> -> memref<8x128xf32, #tpu.memory_space<vmem>>
      tpu.enqueue_dma source(%dma_start3A_896 : memref<8x128xf32, #tpu.memory_space<vmem>>) target(%dma_start3A_892 : memref<8x128xf32, #tpu.memory_space<hbm>>) target_semaphore(%arg10 : memref<!tpu.dma_semaphore, #tpu.memory_space<semaphore_mem>>)
      %mul3A_897 = arith.constant 4 : i32
      %mul3A_898 = arith.muli %select_n3A, %mul3A_897 : i32
      %add3A_899 = arith.constant 3 : i32
      %add3A_900 = arith.addi %mul3A_898, %add3A_899 : i32
      %mul3A_901 = arith.constant 128 : i32
      %mul3A_902 = arith.muli %add3A_900, %mul3A_901 : i32
      %add3A_903 = arith.addi %mul3A_902, %sub3A_647 : i32
      %add3A_904 = arith.constant 0 : i32
      %add3A_905 = arith.addi %add3A_903, %add3A_904 : i32
      %dma_start3A_906 = arith.constant 0 : i32
      %dma_start3A_907 = arith.constant 24 : i32
      %dma_start3A_908 = arith.constant 0 : i32
      %dma_start3A_909 = tpu.memref_slice %arg7[%dma_start3A_906, %dma_start3A_907, %dma_start3A_908] : memref<2x32x513xf32, #tpu.memory_space<vmem>> -> memref<1x8x128xf32, #tpu.memory_space<vmem>>
      %dma_start3A_910 = tpu.memref_squeeze %dma_start3A_909 : memref<1x8x128xf32, #tpu.memory_space<vmem>> -> memref<8x128xf32, #tpu.memory_space<vmem>>
      %dma_start3A_911 = arith.constant 0 : i32
      %dma_start3A_912 = arith.constant 0 : i32
      %dma_start3A_913 = tpu.memref_slice %arg4[%add3A_905, %dma_start3A_911, %dma_start3A_912] : memref<25600x8x128xf32, #tpu.memory_space<hbm>> -> memref<1x8x128xf32, #tpu.memory_space<hbm>>
      %dma_start3A_914 = tpu.memref_squeeze %dma_start3A_913 : memref<1x8x128xf32, #tpu.memory_space<hbm>> -> memref<8x128xf32, #tpu.memory_space<hbm>>
      %dma_start3A_915 = arith.constant 0 : i32
      %dma_start3A_916 = arith.constant 0 : i32
      %dma_start3A_917 = tpu.memref_slice %arg4[%add3A_905, %dma_start3A_915, %dma_start3A_916] : memref<25600x8x128xf32, #tpu.memory_space<hbm>> -> memref<1x8x128xf32, #tpu.memory_space<hbm>>
      %dma_start3A_918 = tpu.memref_squeeze %dma_start3A_917 : memref<1x8x128xf32, #tpu.memory_space<hbm>> -> memref<8x128xf32, #tpu.memory_space<hbm>>
      %dma_start3A_919 = arith.constant 24 : i32
      %dma_start3A_920 = arith.constant 0 : i32
      %dma_start3A_921 = tpu.memref_slice %arg7[%dma_start3A_906, %dma_start3A_919, %dma_start3A_920] : memref<2x32x513xf32, #tpu.memory_space<vmem>> -> memref<1x8x128xf32, #tpu.memory_space<vmem>>
      %dma_start3A_922 = tpu.memref_squeeze %dma_start3A_921 : memref<1x8x128xf32, #tpu.memory_space<vmem>> -> memref<8x128xf32, #tpu.memory_space<vmem>>
      tpu.enqueue_dma source(%dma_start3A_922 : memref<8x128xf32, #tpu.memory_space<vmem>>) target(%dma_start3A_918 : memref<8x128xf32, #tpu.memory_space<hbm>>) target_semaphore(%arg10 : memref<!tpu.dma_semaphore, #tpu.memory_space<semaphore_mem>>)
      %add3A_923 = arith.constant 1 : i32
      %add3A_924 = arith.addi %add3A_903, %add3A_923 : i32
      %dma_start3A_925 = arith.constant 0 : i32
      %dma_start3A_926 = arith.constant 24 : i32
      %dma_start3A_927 = arith.constant 128 : i32
      %dma_start3A_928 = tpu.memref_slice %arg7[%dma_start3A_925, %dma_start3A_926, %dma_start3A_927] : memref<2x32x513xf32, #tpu.memory_space<vmem>> -> memref<1x8x128xf32, #tpu.memory_space<vmem>>
      %dma_start3A_929 = tpu.memref_squeeze %dma_start3A_928 : memref<1x8x128xf32, #tpu.memory_space<vmem>> -> memref<8x128xf32, #tpu.memory_space<vmem>>
      %dma_start3A_930 = arith.constant 0 : i32
      %dma_start3A_931 = arith.constant 0 : i32
      %dma_start3A_932 = tpu.memref_slice %arg4[%add3A_924, %dma_start3A_930, %dma_start3A_931] : memref<25600x8x128xf32, #tpu.memory_space<hbm>> -> memref<1x8x128xf32, #tpu.memory_space<hbm>>
      %dma_start3A_933 = tpu.memref_squeeze %dma_start3A_932 : memref<1x8x128xf32, #tpu.memory_space<hbm>> -> memref<8x128xf32, #tpu.memory_space<hbm>>
      %dma_start3A_934 = arith.constant 0 : i32
      %dma_start3A_935 = arith.constant 0 : i32
      %dma_start3A_936 = tpu.memref_slice %arg4[%add3A_924, %dma_start3A_934, %dma_start3A_935] : memref<25600x8x128xf32, #tpu.memory_space<hbm>> -> memref<1x8x128xf32, #tpu.memory_space<hbm>>
      %dma_start3A_937 = tpu.memref_squeeze %dma_start3A_936 : memref<1x8x128xf32, #tpu.memory_space<hbm>> -> memref<8x128xf32, #tpu.memory_space<hbm>>
      %dma_start3A_938 = arith.constant 24 : i32
      %dma_start3A_939 = arith.constant 128 : i32
      %dma_start3A_940 = tpu.memref_slice %arg7[%dma_start3A_925, %dma_start3A_938, %dma_start3A_939] : memref<2x32x513xf32, #tpu.memory_space<vmem>> -> memref<1x8x128xf32, #tpu.memory_space<vmem>>
      %dma_start3A_941 = tpu.memref_squeeze %dma_start3A_940 : memref<1x8x128xf32, #tpu.memory_space<vmem>> -> memref<8x128xf32, #tpu.memory_space<vmem>>
      tpu.enqueue_dma source(%dma_start3A_941 : memref<8x128xf32, #tpu.memory_space<vmem>>) target(%dma_start3A_937 : memref<8x128xf32, #tpu.memory_space<hbm>>) target_semaphore(%arg10 : memref<!tpu.dma_semaphore, #tpu.memory_space<semaphore_mem>>)
      %add3A_942 = arith.constant 2 : i32
      %add3A_943 = arith.addi %add3A_903, %add3A_942 : i32
      %dma_start3A_944 = arith.constant 0 : i32
      %dma_start3A_945 = arith.constant 24 : i32
      %dma_start3A_946 = arith.constant 256 : i32
      %dma_start3A_947 = tpu.memref_slice %arg7[%dma_start3A_944, %dma_start3A_945, %dma_start3A_946] : memref<2x32x513xf32, #tpu.memory_space<vmem>> -> memref<1x8x128xf32, #tpu.memory_space<vmem>>
      %dma_start3A_948 = tpu.memref_squeeze %dma_start3A_947 : memref<1x8x128xf32, #tpu.memory_space<vmem>> -> memref<8x128xf32, #tpu.memory_space<vmem>>
      %dma_start3A_949 = arith.constant 0 : i32
      %dma_start3A_950 = arith.constant 0 : i32
      %dma_start3A_951 = tpu.memref_slice %arg4[%add3A_943, %dma_start3A_949, %dma_start3A_950] : memref<25600x8x128xf32, #tpu.memory_space<hbm>> -> memref<1x8x128xf32, #tpu.memory_space<hbm>>
      %dma_start3A_952 = tpu.memref_squeeze %dma_start3A_951 : memref<1x8x128xf32, #tpu.memory_space<hbm>> -> memref<8x128xf32, #tpu.memory_space<hbm>>
      %dma_start3A_953 = arith.constant 0 : i32
      %dma_start3A_954 = arith.constant 0 : i32
      %dma_start3A_955 = tpu.memref_slice %arg4[%add3A_943, %dma_start3A_953, %dma_start3A_954] : memref<25600x8x128xf32, #tpu.memory_space<hbm>> -> memref<1x8x128xf32, #tpu.memory_space<hbm>>
      %dma_start3A_956 = tpu.memref_squeeze %dma_start3A_955 : memref<1x8x128xf32, #tpu.memory_space<hbm>> -> memref<8x128xf32, #tpu.memory_space<hbm>>
      %dma_start3A_957 = arith.constant 24 : i32
      %dma_start3A_958 = arith.constant 256 : i32
      %dma_start3A_959 = tpu.memref_slice %arg7[%dma_start3A_944, %dma_start3A_957, %dma_start3A_958] : memref<2x32x513xf32, #tpu.memory_space<vmem>> -> memref<1x8x128xf32, #tpu.memory_space<vmem>>
      %dma_start3A_960 = tpu.memref_squeeze %dma_start3A_959 : memref<1x8x128xf32, #tpu.memory_space<vmem>> -> memref<8x128xf32, #tpu.memory_space<vmem>>
      tpu.enqueue_dma source(%dma_start3A_960 : memref<8x128xf32, #tpu.memory_space<vmem>>) target(%dma_start3A_956 : memref<8x128xf32, #tpu.memory_space<hbm>>) target_semaphore(%arg10 : memref<!tpu.dma_semaphore, #tpu.memory_space<semaphore_mem>>)
      %add3A_961 = arith.constant 3 : i32
      %add3A_962 = arith.addi %add3A_903, %add3A_961 : i32
      %dma_start3A_963 = arith.constant 0 : i32
      %dma_start3A_964 = arith.constant 24 : i32
      %dma_start3A_965 = arith.constant 384 : i32
      %dma_start3A_966 = tpu.memref_slice %arg7[%dma_start3A_963, %dma_start3A_964, %dma_start3A_965] : memref<2x32x513xf32, #tpu.memory_space<vmem>> -> memref<1x8x128xf32, #tpu.memory_space<vmem>>
      %dma_start3A_967 = tpu.memref_squeeze %dma_start3A_966 : memref<1x8x128xf32, #tpu.memory_space<vmem>> -> memref<8x128xf32, #tpu.memory_space<vmem>>
      %dma_start3A_968 = arith.constant 0 : i32
      %dma_start3A_969 = arith.constant 0 : i32
      %dma_start3A_970 = tpu.memref_slice %arg4[%add3A_962, %dma_start3A_968, %dma_start3A_969] : memref<25600x8x128xf32, #tpu.memory_space<hbm>> -> memref<1x8x128xf32, #tpu.memory_space<hbm>>
      %dma_start3A_971 = tpu.memref_squeeze %dma_start3A_970 : memref<1x8x128xf32, #tpu.memory_space<hbm>> -> memref<8x128xf32, #tpu.memory_space<hbm>>
      %dma_start3A_972 = arith.constant 0 : i32
      %dma_start3A_973 = arith.constant 0 : i32
      %dma_start3A_974 = tpu.memref_slice %arg4[%add3A_962, %dma_start3A_972, %dma_start3A_973] : memref<25600x8x128xf32, #tpu.memory_space<hbm>> -> memref<1x8x128xf32, #tpu.memory_space<hbm>>
      %dma_start3A_975 = tpu.memref_squeeze %dma_start3A_974 : memref<1x8x128xf32, #tpu.memory_space<hbm>> -> memref<8x128xf32, #tpu.memory_space<hbm>>
      %dma_start3A_976 = arith.constant 24 : i32
      %dma_start3A_977 = arith.constant 384 : i32
      %dma_start3A_978 = tpu.memref_slice %arg7[%dma_start3A_963, %dma_start3A_976, %dma_start3A_977] : memref<2x32x513xf32, #tpu.memory_space<vmem>> -> memref<1x8x128xf32, #tpu.memory_space<vmem>>
      %dma_start3A_979 = tpu.memref_squeeze %dma_start3A_978 : memref<1x8x128xf32, #tpu.memory_space<vmem>> -> memref<8x128xf32, #tpu.memory_space<vmem>>
      tpu.enqueue_dma source(%dma_start3A_979 : memref<8x128xf32, #tpu.memory_space<vmem>>) target(%dma_start3A_975 : memref<8x128xf32, #tpu.memory_space<hbm>>) target_semaphore(%arg10 : memref<!tpu.dma_semaphore, #tpu.memory_space<semaphore_mem>>)
      %mul3A_980 = arith.constant 2 : i32
      %mul3A_981 = arith.muli %scan3A_597, %mul3A_980 : i32
      %add3A_982 = arith.constant 1 : i32
      %add3A_983 = arith.addi %mul3A_981, %add3A_982 : i32
      %dma_wait3A_984 = arith.constant 1 : i32
      %dma_wait3A_985 = arith.constant 0 : i32
      %dma_wait3A_986 = arith.constant 0 : i32
      %dma_wait3A_987 = tpu.memref_slice %arg6[%dma_wait3A_984, %dma_wait3A_985, %dma_wait3A_986] : memref<2x512x32xf32, #tpu.memory_space<vmem>> -> memref<1x512x32xf32, #tpu.memory_space<vmem>>
      %dma_wait3A_988 = tpu.memref_squeeze %dma_wait3A_987 : memref<1x512x32xf32, #tpu.memory_space<vmem>> -> memref<512x32xf32, #tpu.memory_space<vmem>>
      %dma_wait3A_989 = arith.constant 0 : i32
      %dma_wait3A_990 = tpu.memref_slice %arg5[%dma_wait3A_989] : memref<25600xi32, #tpu.memory_space<vmem>> -> memref<512xi32, #tpu.memory_space<vmem>>
      %dma_wait3A_991 = arith.constant 0 : i32
      %dma_wait3A_992 = arith.constant 0 : i32
      %dma_wait3A_993 = tpu.memref_slice %arg3[%dma_wait3A_991, %dma_wait3A_992] : memref<1000000x32xf32, #tpu.memory_space<hbm>> -> memref<1000000x32xf32, #tpu.memory_space<hbm>>
      tpu.wait_indirect_dma semaphore(%arg9 : memref<!tpu.dma_semaphore, #tpu.memory_space<semaphore_mem>>) src(%dma_wait3A_993 : memref<1000000x32xf32, #tpu.memory_space<hbm>>) dst(%dma_wait3A_988 : memref<512x32xf32, #tpu.memory_space<vmem>>)
      %lt3A_994 = arith.constant 49 : i32
      %lt3A_995 = arith.cmpi slt, %add3A_983, %lt3A_994 : i32
      %convert_element_type3A_996 = arith.extui %lt3A_995 : i1 to i32
      %cond3A_997 = arith.constant 0 : i32
      %cond3A_998 = arith.cmpi ne, %convert_element_type3A_996, %cond3A_997 : i32
      scf.if %cond3A_998 {
        %add3A_1374 = arith.constant 1 : i32
        %add3A_1375 = arith.addi %add3A_983, %add3A_1374 : i32
        %mul3A_1376 = arith.constant 512 : i32
        %mul3A_1377 = arith.muli %add3A_1375, %mul3A_1376 : i32
        %dma_start3A_1378 = arith.constant 0 : i32
        %dma_start3A_1379 = arith.constant 0 : i32
        %dma_start3A_1380 = arith.constant 0 : i32
        %dma_start3A_1381 = tpu.memref_slice %arg6[%dma_start3A_1378, %dma_start3A_1379, %dma_start3A_1380] : memref<2x512x32xf32, #tpu.memory_space<vmem>> -> memref<1x512x32xf32, #tpu.memory_space<vmem>>
        %dma_start3A_1382 = tpu.memref_squeeze %dma_start3A_1381 : memref<1x512x32xf32, #tpu.memory_space<vmem>> -> memref<512x32xf32, #tpu.memory_space<vmem>>
        %dma_start3A_1383 = tpu.memref_slice %arg5[%mul3A_1377] : memref<25600xi32, #tpu.memory_space<vmem>> -> memref<512xi32, #tpu.memory_space<vmem>>
        %dma_start3A_1384 = arith.constant 0 : i32
        %dma_start3A_1385 = arith.constant 0 : i32
        %dma_start3A_1386 = tpu.memref_slice %arg3[%dma_start3A_1384, %dma_start3A_1385] : memref<1000000x32xf32, #tpu.memory_space<hbm>> -> memref<1000000x32xf32, #tpu.memory_space<hbm>>
        tpu.enqueue_indirect_dma source(%dma_start3A_1386 : memref<1000000x32xf32, #tpu.memory_space<hbm>>) target(%dma_start3A_1382 : memref<512x32xf32, #tpu.memory_space<vmem>>) offsets(%dma_start3A_1383 : memref<512xi32, #tpu.memory_space<vmem>>) semaphore(%arg8 : memref<!tpu.dma_semaphore, #tpu.memory_space<semaphore_mem>>)
      } else {
      }
      %ge3A_999 = arith.constant 1 : i32
      %ge3A_1000 = arith.cmpi sge, %scan3A_597, %ge3A_999 : i32
      %convert_element_type3A_1001 = arith.extui %ge3A_1000 : i1 to i32
      %cond3A_1002 = arith.constant 0 : i32
      %cond3A_1003 = arith.cmpi ne, %convert_element_type3A_1001, %cond3A_1002 : i32
      scf.if %cond3A_1003 {
        %dma_wait3A_1374 = arith.constant 1 : i32
        %dma_wait3A_1375 = arith.constant 0 : i32
        %dma_wait3A_1376 = arith.constant 0 : i32
        %dma_wait3A_1377 = arith.constant 0 : i32
        %dma_wait3A_1378 = tpu.memref_slice %arg7[%dma_wait3A_1374, %dma_wait3A_1376, %dma_wait3A_1377] : memref<2x32x513xf32, #tpu.memory_space<vmem>> -> memref<1x8x128xf32, #tpu.memory_space<vmem>>
        %dma_wait3A_1379 = tpu.memref_squeeze %dma_wait3A_1378 : memref<1x8x128xf32, #tpu.memory_space<vmem>> -> memref<8x128xf32, #tpu.memory_space<vmem>>
        %dma_wait3A_1380 = arith.constant 0 : i32
        %dma_wait3A_1381 = arith.constant 0 : i32
        %dma_wait3A_1382 = tpu.memref_slice %arg4[%dma_wait3A_1375, %dma_wait3A_1380, %dma_wait3A_1381] : memref<25600x8x128xf32, #tpu.memory_space<hbm>> -> memref<1x8x128xf32, #tpu.memory_space<hbm>>
        %dma_wait3A_1383 = tpu.memref_squeeze %dma_wait3A_1382 : memref<1x8x128xf32, #tpu.memory_space<hbm>> -> memref<8x128xf32, #tpu.memory_space<hbm>>
        %dma_wait3A_1384 = arith.constant 0 : i32
        %dma_wait3A_1385 = arith.constant 0 : i32
        %dma_wait3A_1386 = tpu.memref_slice %arg4[%dma_wait3A_1375, %dma_wait3A_1384, %dma_wait3A_1385] : memref<25600x8x128xf32, #tpu.memory_space<hbm>> -> memref<1x8x128xf32, #tpu.memory_space<hbm>>
        %dma_wait3A_1387 = tpu.memref_squeeze %dma_wait3A_1386 : memref<1x8x128xf32, #tpu.memory_space<hbm>> -> memref<8x128xf32, #tpu.memory_space<hbm>>
        %dma_wait3A_1388 = arith.constant 0 : i32
        %dma_wait3A_1389 = arith.constant 0 : i32
        %dma_wait3A_1390 = tpu.memref_slice %arg7[%dma_wait3A_1374, %dma_wait3A_1388, %dma_wait3A_1389] : memref<2x32x513xf32, #tpu.memory_space<vmem>> -> memref<1x8x128xf32, #tpu.memory_space<vmem>>
        %dma_wait3A_1391 = tpu.memref_squeeze %dma_wait3A_1390 : memref<1x8x128xf32, #tpu.memory_space<vmem>> -> memref<8x128xf32, #tpu.memory_space<vmem>>
        tpu.wait_dma2 semaphore(%arg11 : memref<!tpu.dma_semaphore, #tpu.memory_space<semaphore_mem>>) src(%dma_wait3A_1391 : memref<8x128xf32, #tpu.memory_space<vmem>>) dst(%dma_wait3A_1387 : memref<8x128xf32, #tpu.memory_space<hbm>>)
        %dma_wait3A_1392 = arith.constant 1 : i32
        %dma_wait3A_1393 = arith.constant 0 : i32
        %dma_wait3A_1394 = arith.constant 0 : i32
        %dma_wait3A_1395 = arith.constant 0 : i32
        %dma_wait3A_1396 = tpu.memref_slice %arg7[%dma_wait3A_1392, %dma_wait3A_1394, %dma_wait3A_1395] : memref<2x32x513xf32, #tpu.memory_space<vmem>> -> memref<1x8x128xf32, #tpu.memory_space<vmem>>
        %dma_wait3A_1397 = tpu.memref_squeeze %dma_wait3A_1396 : memref<1x8x128xf32, #tpu.memory_space<vmem>> -> memref<8x128xf32, #tpu.memory_space<vmem>>
        %dma_wait3A_1398 = arith.constant 0 : i32
        %dma_wait3A_1399 = arith.constant 0 : i32
        %dma_wait3A_1400 = tpu.memref_slice %arg4[%dma_wait3A_1393, %dma_wait3A_1398, %dma_wait3A_1399] : memref<25600x8x128xf32, #tpu.memory_space<hbm>> -> memref<1x8x128xf32, #tpu.memory_space<hbm>>
        %dma_wait3A_1401 = tpu.memref_squeeze %dma_wait3A_1400 : memref<1x8x128xf32, #tpu.memory_space<hbm>> -> memref<8x128xf32, #tpu.memory_space<hbm>>
        %dma_wait3A_1402 = arith.constant 0 : i32
        %dma_wait3A_1403 = arith.constant 0 : i32
        %dma_wait3A_1404 = tpu.memref_slice %arg4[%dma_wait3A_1393, %dma_wait3A_1402, %dma_wait3A_1403] : memref<25600x8x128xf32, #tpu.memory_space<hbm>> -> memref<1x8x128xf32, #tpu.memory_space<hbm>>
        %dma_wait3A_1405 = tpu.memref_squeeze %dma_wait3A_1404 : memref<1x8x128xf32, #tpu.memory_space<hbm>> -> memref<8x128xf32, #tpu.memory_space<hbm>>
        %dma_wait3A_1406 = arith.constant 0 : i32
        %dma_wait3A_1407 = arith.constant 0 : i32
        %dma_wait3A_1408 = tpu.memref_slice %arg7[%dma_wait3A_1392, %dma_wait3A_1406, %dma_wait3A_1407] : memref<2x32x513xf32, #tpu.memory_space<vmem>> -> memref<1x8x128xf32, #tpu.memory_space<vmem>>
        %dma_wait3A_1409 = tpu.memref_squeeze %dma_wait3A_1408 : memref<1x8x128xf32, #tpu.memory_space<vmem>> -> memref<8x128xf32, #tpu.memory_space<vmem>>
        tpu.wait_dma2 semaphore(%arg11 : memref<!tpu.dma_semaphore, #tpu.memory_space<semaphore_mem>>) src(%dma_wait3A_1409 : memref<8x128xf32, #tpu.memory_space<vmem>>) dst(%dma_wait3A_1405 : memref<8x128xf32, #tpu.memory_space<hbm>>)
        %dma_wait3A_1410 = arith.constant 1 : i32
        %dma_wait3A_1411 = arith.constant 0 : i32
        %dma_wait3A_1412 = arith.constant 0 : i32
        %dma_wait3A_1413 = arith.constant 0 : i32
        %dma_wait3A_1414 = tpu.memref_slice %arg7[%dma_wait3A_1410, %dma_wait3A_1412, %dma_wait3A_1413] : memref<2x32x513xf32, #tpu.memory_space<vmem>> -> memref<1x8x128xf32, #tpu.memory_space<vmem>>
        %dma_wait3A_1415 = tpu.memref_squeeze %dma_wait3A_1414 : memref<1x8x128xf32, #tpu.memory_space<vmem>> -> memref<8x128xf32, #tpu.memory_space<vmem>>
        %dma_wait3A_1416 = arith.constant 0 : i32
        %dma_wait3A_1417 = arith.constant 0 : i32
        %dma_wait3A_1418 = tpu.memref_slice %arg4[%dma_wait3A_1411, %dma_wait3A_1416, %dma_wait3A_1417] : memref<25600x8x128xf32, #tpu.memory_space<hbm>> -> memref<1x8x128xf32, #tpu.memory_space<hbm>>
        %dma_wait3A_1419 = tpu.memref_squeeze %dma_wait3A_1418 : memref<1x8x128xf32, #tpu.memory_space<hbm>> -> memref<8x128xf32, #tpu.memory_space<hbm>>
        %dma_wait3A_1420 = arith.constant 0 : i32
        %dma_wait3A_1421 = arith.constant 0 : i32
        %dma_wait3A_1422 = tpu.memref_slice %arg4[%dma_wait3A_1411, %dma_wait3A_1420, %dma_wait3A_1421] : memref<25600x8x128xf32, #tpu.memory_space<hbm>> -> memref<1x8x128xf32, #tpu.memory_space<hbm>>
        %dma_wait3A_1423 = tpu.memref_squeeze %dma_wait3A_1422 : memref<1x8x128xf32, #tpu.memory_space<hbm>> -> memref<8x128xf32, #tpu.memory_space<hbm>>
        %dma_wait3A_1424 = arith.constant 0 : i32
        %dma_wait3A_1425 = arith.constant 0 : i32
        %dma_wait3A_1426 = tpu.memref_slice %arg7[%dma_wait3A_1410, %dma_wait3A_1424, %dma_wait3A_1425] : memref<2x32x513xf32, #tpu.memory_space<vmem>> -> memref<1x8x128xf32, #tpu.memory_space<vmem>>
        %dma_wait3A_1427 = tpu.memref_squeeze %dma_wait3A_1426 : memref<1x8x128xf32, #tpu.memory_space<vmem>> -> memref<8x128xf32, #tpu.memory_space<vmem>>
        tpu.wait_dma2 semaphore(%arg11 : memref<!tpu.dma_semaphore, #tpu.memory_space<semaphore_mem>>) src(%dma_wait3A_1427 : memref<8x128xf32, #tpu.memory_space<vmem>>) dst(%dma_wait3A_1423 : memref<8x128xf32, #tpu.memory_space<hbm>>)
        %dma_wait3A_1428 = arith.constant 1 : i32
        %dma_wait3A_1429 = arith.constant 0 : i32
        %dma_wait3A_1430 = arith.constant 0 : i32
        %dma_wait3A_1431 = arith.constant 0 : i32
        %dma_wait3A_1432 = tpu.memref_slice %arg7[%dma_wait3A_1428, %dma_wait3A_1430, %dma_wait3A_1431] : memref<2x32x513xf32, #tpu.memory_space<vmem>> -> memref<1x8x128xf32, #tpu.memory_space<vmem>>
        %dma_wait3A_1433 = tpu.memref_squeeze %dma_wait3A_1432 : memref<1x8x128xf32, #tpu.memory_space<vmem>> -> memref<8x128xf32, #tpu.memory_space<vmem>>
        %dma_wait3A_1434 = arith.constant 0 : i32
        %dma_wait3A_1435 = arith.constant 0 : i32
        %dma_wait3A_1436 = tpu.memref_slice %arg4[%dma_wait3A_1429, %dma_wait3A_1434, %dma_wait3A_1435] : memref<25600x8x128xf32, #tpu.memory_space<hbm>> -> memref<1x8x128xf32, #tpu.memory_space<hbm>>
        %dma_wait3A_1437 = tpu.memref_squeeze %dma_wait3A_1436 : memref<1x8x128xf32, #tpu.memory_space<hbm>> -> memref<8x128xf32, #tpu.memory_space<hbm>>
        %dma_wait3A_1438 = arith.constant 0 : i32
        %dma_wait3A_1439 = arith.constant 0 : i32
        %dma_wait3A_1440 = tpu.memref_slice %arg4[%dma_wait3A_1429, %dma_wait3A_1438, %dma_wait3A_1439] : memref<25600x8x128xf32, #tpu.memory_space<hbm>> -> memref<1x8x128xf32, #tpu.memory_space<hbm>>
        %dma_wait3A_1441 = tpu.memref_squeeze %dma_wait3A_1440 : memref<1x8x128xf32, #tpu.memory_space<hbm>> -> memref<8x128xf32, #tpu.memory_space<hbm>>
        %dma_wait3A_1442 = arith.constant 0 : i32
        %dma_wait3A_1443 = arith.constant 0 : i32
        %dma_wait3A_1444 = tpu.memref_slice %arg7[%dma_wait3A_1428, %dma_wait3A_1442, %dma_wait3A_1443] : memref<2x32x513xf32, #tpu.memory_space<vmem>> -> memref<1x8x128xf32, #tpu.memory_space<vmem>>
        %dma_wait3A_1445 = tpu.memref_squeeze %dma_wait3A_1444 : memref<1x8x128xf32, #tpu.memory_space<vmem>> -> memref<8x128xf32, #tpu.memory_space<vmem>>
        tpu.wait_dma2 semaphore(%arg11 : memref<!tpu.dma_semaphore, #tpu.memory_space<semaphore_mem>>) src(%dma_wait3A_1445 : memref<8x128xf32, #tpu.memory_space<vmem>>) dst(%dma_wait3A_1441 : memref<8x128xf32, #tpu.memory_space<hbm>>)
        %dma_wait3A_1446 = arith.constant 1 : i32
        %dma_wait3A_1447 = arith.constant 0 : i32
        %dma_wait3A_1448 = arith.constant 0 : i32
        %dma_wait3A_1449 = arith.constant 0 : i32
        %dma_wait3A_1450 = tpu.memref_slice %arg7[%dma_wait3A_1446, %dma_wait3A_1448, %dma_wait3A_1449] : memref<2x32x513xf32, #tpu.memory_space<vmem>> -> memref<1x8x128xf32, #tpu.memory_space<vmem>>
        %dma_wait3A_1451 = tpu.memref_squeeze %dma_wait3A_1450 : memref<1x8x128xf32, #tpu.memory_space<vmem>> -> memref<8x128xf32, #tpu.memory_space<vmem>>
        %dma_wait3A_1452 = arith.constant 0 : i32
        %dma_wait3A_1453 = arith.constant 0 : i32
        %dma_wait3A_1454 = tpu.memref_slice %arg4[%dma_wait3A_1447, %dma_wait3A_1452, %dma_wait3A_1453] : memref<25600x8x128xf32, #tpu.memory_space<hbm>> -> memref<1x8x128xf32, #tpu.memory_space<hbm>>
        %dma_wait3A_1455 = tpu.memref_squeeze %dma_wait3A_1454 : memref<1x8x128xf32, #tpu.memory_space<hbm>> -> memref<8x128xf32, #tpu.memory_space<hbm>>
        %dma_wait3A_1456 = arith.constant 0 : i32
        %dma_wait3A_1457 = arith.constant 0 : i32
        %dma_wait3A_1458 = tpu.memref_slice %arg4[%dma_wait3A_1447, %dma_wait3A_1456, %dma_wait3A_1457] : memref<25600x8x128xf32, #tpu.memory_space<hbm>> -> memref<1x8x128xf32, #tpu.memory_space<hbm>>
        %dma_wait3A_1459 = tpu.memref_squeeze %dma_wait3A_1458 : memref<1x8x128xf32, #tpu.memory_space<hbm>> -> memref<8x128xf32, #tpu.memory_space<hbm>>
        %dma_wait3A_1460 = arith.constant 0 : i32
        %dma_wait3A_1461 = arith.constant 0 : i32
        %dma_wait3A_1462 = tpu.memref_slice %arg7[%dma_wait3A_1446, %dma_wait3A_1460, %dma_wait3A_1461] : memref<2x32x513xf32, #tpu.memory_space<vmem>> -> memref<1x8x128xf32, #tpu.memory_space<vmem>>
        %dma_wait3A_1463 = tpu.memref_squeeze %dma_wait3A_1462 : memref<1x8x128xf32, #tpu.memory_space<vmem>> -> memref<8x128xf32, #tpu.memory_space<vmem>>
        tpu.wait_dma2 semaphore(%arg11 : memref<!tpu.dma_semaphore, #tpu.memory_space<semaphore_mem>>) src(%dma_wait3A_1463 : memref<8x128xf32, #tpu.memory_space<vmem>>) dst(%dma_wait3A_1459 : memref<8x128xf32, #tpu.memory_space<hbm>>)
        %dma_wait3A_1464 = arith.constant 1 : i32
        %dma_wait3A_1465 = arith.constant 0 : i32
        %dma_wait3A_1466 = arith.constant 0 : i32
        %dma_wait3A_1467 = arith.constant 0 : i32
        %dma_wait3A_1468 = tpu.memref_slice %arg7[%dma_wait3A_1464, %dma_wait3A_1466, %dma_wait3A_1467] : memref<2x32x513xf32, #tpu.memory_space<vmem>> -> memref<1x8x128xf32, #tpu.memory_space<vmem>>
        %dma_wait3A_1469 = tpu.memref_squeeze %dma_wait3A_1468 : memref<1x8x128xf32, #tpu.memory_space<vmem>> -> memref<8x128xf32, #tpu.memory_space<vmem>>
        %dma_wait3A_1470 = arith.constant 0 : i32
        %dma_wait3A_1471 = arith.constant 0 : i32
        %dma_wait3A_1472 = tpu.memref_slice %arg4[%dma_wait3A_1465, %dma_wait3A_1470, %dma_wait3A_1471] : memref<25600x8x128xf32, #tpu.memory_space<hbm>> -> memref<1x8x128xf32, #tpu.memory_space<hbm>>
        %dma_wait3A_1473 = tpu.memref_squeeze %dma_wait3A_1472 : memref<1x8x128xf32, #tpu.memory_space<hbm>> -> memref<8x128xf32, #tpu.memory_space<hbm>>
        %dma_wait3A_1474 = arith.constant 0 : i32
        %dma_wait3A_1475 = arith.constant 0 : i32
        %dma_wait3A_1476 = tpu.memref_slice %arg4[%dma_wait3A_1465, %dma_wait3A_1474, %dma_wait3A_1475] : memref<25600x8x128xf32, #tpu.memory_space<hbm>> -> memref<1x8x128xf32, #tpu.memory_space<hbm>>
        %dma_wait3A_1477 = tpu.memref_squeeze %dma_wait3A_1476 : memref<1x8x128xf32, #tpu.memory_space<hbm>> -> memref<8x128xf32, #tpu.memory_space<hbm>>
        %dma_wait3A_1478 = arith.constant 0 : i32
        %dma_wait3A_1479 = arith.constant 0 : i32
        %dma_wait3A_1480 = tpu.memref_slice %arg7[%dma_wait3A_1464, %dma_wait3A_1478, %dma_wait3A_1479] : memref<2x32x513xf32, #tpu.memory_space<vmem>> -> memref<1x8x128xf32, #tpu.memory_space<vmem>>
        %dma_wait3A_1481 = tpu.memref_squeeze %dma_wait3A_1480 : memref<1x8x128xf32, #tpu.memory_space<vmem>> -> memref<8x128xf32, #tpu.memory_space<vmem>>
        tpu.wait_dma2 semaphore(%arg11 : memref<!tpu.dma_semaphore, #tpu.memory_space<semaphore_mem>>) src(%dma_wait3A_1481 : memref<8x128xf32, #tpu.memory_space<vmem>>) dst(%dma_wait3A_1477 : memref<8x128xf32, #tpu.memory_space<hbm>>)
        %dma_wait3A_1482 = arith.constant 1 : i32
        %dma_wait3A_1483 = arith.constant 0 : i32
        %dma_wait3A_1484 = arith.constant 0 : i32
        %dma_wait3A_1485 = arith.constant 0 : i32
        %dma_wait3A_1486 = tpu.memref_slice %arg7[%dma_wait3A_1482, %dma_wait3A_1484, %dma_wait3A_1485] : memref<2x32x513xf32, #tpu.memory_space<vmem>> -> memref<1x8x128xf32, #tpu.memory_space<vmem>>
        %dma_wait3A_1487 = tpu.memref_squeeze %dma_wait3A_1486 : memref<1x8x128xf32, #tpu.memory_space<vmem>> -> memref<8x128xf32, #tpu.memory_space<vmem>>
        %dma_wait3A_1488 = arith.constant 0 : i32
        %dma_wait3A_1489 = arith.constant 0 : i32
        %dma_wait3A_1490 = tpu.memref_slice %arg4[%dma_wait3A_1483, %dma_wait3A_1488, %dma_wait3A_1489] : memref<25600x8x128xf32, #tpu.memory_space<hbm>> -> memref<1x8x128xf32, #tpu.memory_space<hbm>>
        %dma_wait3A_1491 = tpu.memref_squeeze %dma_wait3A_1490 : memref<1x8x128xf32, #tpu.memory_space<hbm>> -> memref<8x128xf32, #tpu.memory_space<hbm>>
        %dma_wait3A_1492 = arith.constant 0 : i32
        %dma_wait3A_1493 = arith.constant 0 : i32
        %dma_wait3A_1494 = tpu.memref_slice %arg4[%dma_wait3A_1483, %dma_wait3A_1492, %dma_wait3A_1493] : memref<25600x8x128xf32, #tpu.memory_space<hbm>> -> memref<1x8x128xf32, #tpu.memory_space<hbm>>
        %dma_wait3A_1495 = tpu.memref_squeeze %dma_wait3A_1494 : memref<1x8x128xf32, #tpu.memory_space<hbm>> -> memref<8x128xf32, #tpu.memory_space<hbm>>
        %dma_wait3A_1496 = arith.constant 0 : i32
        %dma_wait3A_1497 = arith.constant 0 : i32
        %dma_wait3A_1498 = tpu.memref_slice %arg7[%dma_wait3A_1482, %dma_wait3A_1496, %dma_wait3A_1497] : memref<2x32x513xf32, #tpu.memory_space<vmem>> -> memref<1x8x128xf32, #tpu.memory_space<vmem>>
        %dma_wait3A_1499 = tpu.memref_squeeze %dma_wait3A_1498 : memref<1x8x128xf32, #tpu.memory_space<vmem>> -> memref<8x128xf32, #tpu.memory_space<vmem>>
        tpu.wait_dma2 semaphore(%arg11 : memref<!tpu.dma_semaphore, #tpu.memory_space<semaphore_mem>>) src(%dma_wait3A_1499 : memref<8x128xf32, #tpu.memory_space<vmem>>) dst(%dma_wait3A_1495 : memref<8x128xf32, #tpu.memory_space<hbm>>)
        %dma_wait3A_1500 = arith.constant 1 : i32
        %dma_wait3A_1501 = arith.constant 0 : i32
        %dma_wait3A_1502 = arith.constant 0 : i32
        %dma_wait3A_1503 = arith.constant 0 : i32
        %dma_wait3A_1504 = tpu.memref_slice %arg7[%dma_wait3A_1500, %dma_wait3A_1502, %dma_wait3A_1503] : memref<2x32x513xf32, #tpu.memory_space<vmem>> -> memref<1x8x128xf32, #tpu.memory_space<vmem>>
        %dma_wait3A_1505 = tpu.memref_squeeze %dma_wait3A_1504 : memref<1x8x128xf32, #tpu.memory_space<vmem>> -> memref<8x128xf32, #tpu.memory_space<vmem>>
        %dma_wait3A_1506 = arith.constant 0 : i32
        %dma_wait3A_1507 = arith.constant 0 : i32
        %dma_wait3A_1508 = tpu.memref_slice %arg4[%dma_wait3A_1501, %dma_wait3A_1506, %dma_wait3A_1507] : memref<25600x8x128xf32, #tpu.memory_space<hbm>> -> memref<1x8x128xf32, #tpu.memory_space<hbm>>
        %dma_wait3A_1509 = tpu.memref_squeeze %dma_wait3A_1508 : memref<1x8x128xf32, #tpu.memory_space<hbm>> -> memref<8x128xf32, #tpu.memory_space<hbm>>
        %dma_wait3A_1510 = arith.constant 0 : i32
        %dma_wait3A_1511 = arith.constant 0 : i32
        %dma_wait3A_1512 = tpu.memref_slice %arg4[%dma_wait3A_1501, %dma_wait3A_1510, %dma_wait3A_1511] : memref<25600x8x128xf32, #tpu.memory_space<hbm>> -> memref<1x8x128xf32, #tpu.memory_space<hbm>>
        %dma_wait3A_1513 = tpu.memref_squeeze %dma_wait3A_1512 : memref<1x8x128xf32, #tpu.memory_space<hbm>> -> memref<8x128xf32, #tpu.memory_space<hbm>>
        %dma_wait3A_1514 = arith.constant 0 : i32
        %dma_wait3A_1515 = arith.constant 0 : i32
        %dma_wait3A_1516 = tpu.memref_slice %arg7[%dma_wait3A_1500, %dma_wait3A_1514, %dma_wait3A_1515] : memref<2x32x513xf32, #tpu.memory_space<vmem>> -> memref<1x8x128xf32, #tpu.memory_space<vmem>>
        %dma_wait3A_1517 = tpu.memref_squeeze %dma_wait3A_1516 : memref<1x8x128xf32, #tpu.memory_space<vmem>> -> memref<8x128xf32, #tpu.memory_space<vmem>>
        tpu.wait_dma2 semaphore(%arg11 : memref<!tpu.dma_semaphore, #tpu.memory_space<semaphore_mem>>) src(%dma_wait3A_1517 : memref<8x128xf32, #tpu.memory_space<vmem>>) dst(%dma_wait3A_1513 : memref<8x128xf32, #tpu.memory_space<hbm>>)
        %dma_wait3A_1518 = arith.constant 1 : i32
        %dma_wait3A_1519 = arith.constant 0 : i32
        %dma_wait3A_1520 = arith.constant 0 : i32
        %dma_wait3A_1521 = arith.constant 0 : i32
        %dma_wait3A_1522 = tpu.memref_slice %arg7[%dma_wait3A_1518, %dma_wait3A_1520, %dma_wait3A_1521] : memref<2x32x513xf32, #tpu.memory_space<vmem>> -> memref<1x8x128xf32, #tpu.memory_space<vmem>>
        %dma_wait3A_1523 = tpu.memref_squeeze %dma_wait3A_1522 : memref<1x8x128xf32, #tpu.memory_space<vmem>> -> memref<8x128xf32, #tpu.memory_space<vmem>>
        %dma_wait3A_1524 = arith.constant 0 : i32
        %dma_wait3A_1525 = arith.constant 0 : i32
        %dma_wait3A_1526 = tpu.memref_slice %arg4[%dma_wait3A_1519, %dma_wait3A_1524, %dma_wait3A_1525] : memref<25600x8x128xf32, #tpu.memory_space<hbm>> -> memref<1x8x128xf32, #tpu.memory_space<hbm>>
        %dma_wait3A_1527 = tpu.memref_squeeze %dma_wait3A_1526 : memref<1x8x128xf32, #tpu.memory_space<hbm>> -> memref<8x128xf32, #tpu.memory_space<hbm>>
        %dma_wait3A_1528 = arith.constant 0 : i32
        %dma_wait3A_1529 = arith.constant 0 : i32
        %dma_wait3A_1530 = tpu.memref_slice %arg4[%dma_wait3A_1519, %dma_wait3A_1528, %dma_wait3A_1529] : memref<25600x8x128xf32, #tpu.memory_space<hbm>> -> memref<1x8x128xf32, #tpu.memory_space<hbm>>
        %dma_wait3A_1531 = tpu.memref_squeeze %dma_wait3A_1530 : memref<1x8x128xf32, #tpu.memory_space<hbm>> -> memref<8x128xf32, #tpu.memory_space<hbm>>
        %dma_wait3A_1532 = arith.constant 0 : i32
        %dma_wait3A_1533 = arith.constant 0 : i32
        %dma_wait3A_1534 = tpu.memref_slice %arg7[%dma_wait3A_1518, %dma_wait3A_1532, %dma_wait3A_1533] : memref<2x32x513xf32, #tpu.memory_space<vmem>> -> memref<1x8x128xf32, #tpu.memory_space<vmem>>
        %dma_wait3A_1535 = tpu.memref_squeeze %dma_wait3A_1534 : memref<1x8x128xf32, #tpu.memory_space<vmem>> -> memref<8x128xf32, #tpu.memory_space<vmem>>
        tpu.wait_dma2 semaphore(%arg11 : memref<!tpu.dma_semaphore, #tpu.memory_space<semaphore_mem>>) src(%dma_wait3A_1535 : memref<8x128xf32, #tpu.memory_space<vmem>>) dst(%dma_wait3A_1531 : memref<8x128xf32, #tpu.memory_space<hbm>>)
        %dma_wait3A_1536 = arith.constant 1 : i32
        %dma_wait3A_1537 = arith.constant 0 : i32
        %dma_wait3A_1538 = arith.constant 0 : i32
        %dma_wait3A_1539 = arith.constant 0 : i32
        %dma_wait3A_1540 = tpu.memref_slice %arg7[%dma_wait3A_1536, %dma_wait3A_1538, %dma_wait3A_1539] : memref<2x32x513xf32, #tpu.memory_space<vmem>> -> memref<1x8x128xf32, #tpu.memory_space<vmem>>
        %dma_wait3A_1541 = tpu.memref_squeeze %dma_wait3A_1540 : memref<1x8x128xf32, #tpu.memory_space<vmem>> -> memref<8x128xf32, #tpu.memory_space<vmem>>
        %dma_wait3A_1542 = arith.constant 0 : i32
        %dma_wait3A_1543 = arith.constant 0 : i32
        %dma_wait3A_1544 = tpu.memref_slice %arg4[%dma_wait3A_1537, %dma_wait3A_1542, %dma_wait3A_1543] : memref<25600x8x128xf32, #tpu.memory_space<hbm>> -> memref<1x8x128xf32, #tpu.memory_space<hbm>>
        %dma_wait3A_1545 = tpu.memref_squeeze %dma_wait3A_1544 : memref<1x8x128xf32, #tpu.memory_space<hbm>> -> memref<8x128xf32, #tpu.memory_space<hbm>>
        %dma_wait3A_1546 = arith.constant 0 : i32
        %dma_wait3A_1547 = arith.constant 0 : i32
        %dma_wait3A_1548 = tpu.memref_slice %arg4[%dma_wait3A_1537, %dma_wait3A_1546, %dma_wait3A_1547] : memref<25600x8x128xf32, #tpu.memory_space<hbm>> -> memref<1x8x128xf32, #tpu.memory_space<hbm>>
        %dma_wait3A_1549 = tpu.memref_squeeze %dma_wait3A_1548 : memref<1x8x128xf32, #tpu.memory_space<hbm>> -> memref<8x128xf32, #tpu.memory_space<hbm>>
        %dma_wait3A_1550 = arith.constant 0 : i32
        %dma_wait3A_1551 = arith.constant 0 : i32
        %dma_wait3A_1552 = tpu.memref_slice %arg7[%dma_wait3A_1536, %dma_wait3A_1550, %dma_wait3A_1551] : memref<2x32x513xf32, #tpu.memory_space<vmem>> -> memref<1x8x128xf32, #tpu.memory_space<vmem>>
        %dma_wait3A_1553 = tpu.memref_squeeze %dma_wait3A_1552 : memref<1x8x128xf32, #tpu.memory_space<vmem>> -> memref<8x128xf32, #tpu.memory_space<vmem>>
        tpu.wait_dma2 semaphore(%arg11 : memref<!tpu.dma_semaphore, #tpu.memory_space<semaphore_mem>>) src(%dma_wait3A_1553 : memref<8x128xf32, #tpu.memory_space<vmem>>) dst(%dma_wait3A_1549 : memref<8x128xf32, #tpu.memory_space<hbm>>)
        %dma_wait3A_1554 = arith.constant 1 : i32
        %dma_wait3A_1555 = arith.constant 0 : i32
        %dma_wait3A_1556 = arith.constant 0 : i32
        %dma_wait3A_1557 = arith.constant 0 : i32
        %dma_wait3A_1558 = tpu.memref_slice %arg7[%dma_wait3A_1554, %dma_wait3A_1556, %dma_wait3A_1557] : memref<2x32x513xf32, #tpu.memory_space<vmem>> -> memref<1x8x128xf32, #tpu.memory_space<vmem>>
        %dma_wait3A_1559 = tpu.memref_squeeze %dma_wait3A_1558 : memref<1x8x128xf32, #tpu.memory_space<vmem>> -> memref<8x128xf32, #tpu.memory_space<vmem>>
        %dma_wait3A_1560 = arith.constant 0 : i32
        %dma_wait3A_1561 = arith.constant 0 : i32
        %dma_wait3A_1562 = tpu.memref_slice %arg4[%dma_wait3A_1555, %dma_wait3A_1560, %dma_wait3A_1561] : memref<25600x8x128xf32, #tpu.memory_space<hbm>> -> memref<1x8x128xf32, #tpu.memory_space<hbm>>
        %dma_wait3A_1563 = tpu.memref_squeeze %dma_wait3A_1562 : memref<1x8x128xf32, #tpu.memory_space<hbm>> -> memref<8x128xf32, #tpu.memory_space<hbm>>
        %dma_wait3A_1564 = arith.constant 0 : i32
        %dma_wait3A_1565 = arith.constant 0 : i32
        %dma_wait3A_1566 = tpu.memref_slice %arg4[%dma_wait3A_1555, %dma_wait3A_1564, %dma_wait3A_1565] : memref<25600x8x128xf32, #tpu.memory_space<hbm>> -> memref<1x8x128xf32, #tpu.memory_space<hbm>>
        %dma_wait3A_1567 = tpu.memref_squeeze %dma_wait3A_1566 : memref<1x8x128xf32, #tpu.memory_space<hbm>> -> memref<8x128xf32, #tpu.memory_space<hbm>>
        %dma_wait3A_1568 = arith.constant 0 : i32
        %dma_wait3A_1569 = arith.constant 0 : i32
        %dma_wait3A_1570 = tpu.memref_slice %arg7[%dma_wait3A_1554, %dma_wait3A_1568, %dma_wait3A_1569] : memref<2x32x513xf32, #tpu.memory_space<vmem>> -> memref<1x8x128xf32, #tpu.memory_space<vmem>>
        %dma_wait3A_1571 = tpu.memref_squeeze %dma_wait3A_1570 : memref<1x8x128xf32, #tpu.memory_space<vmem>> -> memref<8x128xf32, #tpu.memory_space<vmem>>
        tpu.wait_dma2 semaphore(%arg11 : memref<!tpu.dma_semaphore, #tpu.memory_space<semaphore_mem>>) src(%dma_wait3A_1571 : memref<8x128xf32, #tpu.memory_space<vmem>>) dst(%dma_wait3A_1567 : memref<8x128xf32, #tpu.memory_space<hbm>>)
        %dma_wait3A_1572 = arith.constant 1 : i32
        %dma_wait3A_1573 = arith.constant 0 : i32
        %dma_wait3A_1574 = arith.constant 0 : i32
        %dma_wait3A_1575 = arith.constant 0 : i32
        %dma_wait3A_1576 = tpu.memref_slice %arg7[%dma_wait3A_1572, %dma_wait3A_1574, %dma_wait3A_1575] : memref<2x32x513xf32, #tpu.memory_space<vmem>> -> memref<1x8x128xf32, #tpu.memory_space<vmem>>
        %dma_wait3A_1577 = tpu.memref_squeeze %dma_wait3A_1576 : memref<1x8x128xf32, #tpu.memory_space<vmem>> -> memref<8x128xf32, #tpu.memory_space<vmem>>
        %dma_wait3A_1578 = arith.constant 0 : i32
        %dma_wait3A_1579 = arith.constant 0 : i32
        %dma_wait3A_1580 = tpu.memref_slice %arg4[%dma_wait3A_1573, %dma_wait3A_1578, %dma_wait3A_1579] : memref<25600x8x128xf32, #tpu.memory_space<hbm>> -> memref<1x8x128xf32, #tpu.memory_space<hbm>>
        %dma_wait3A_1581 = tpu.memref_squeeze %dma_wait3A_1580 : memref<1x8x128xf32, #tpu.memory_space<hbm>> -> memref<8x128xf32, #tpu.memory_space<hbm>>
        %dma_wait3A_1582 = arith.constant 0 : i32
        %dma_wait3A_1583 = arith.constant 0 : i32
        %dma_wait3A_1584 = tpu.memref_slice %arg4[%dma_wait3A_1573, %dma_wait3A_1582, %dma_wait3A_1583] : memref<25600x8x128xf32, #tpu.memory_space<hbm>> -> memref<1x8x128xf32, #tpu.memory_space<hbm>>
        %dma_wait3A_1585 = tpu.memref_squeeze %dma_wait3A_1584 : memref<1x8x128xf32, #tpu.memory_space<hbm>> -> memref<8x128xf32, #tpu.memory_space<hbm>>
        %dma_wait3A_1586 = arith.constant 0 : i32
        %dma_wait3A_1587 = arith.constant 0 : i32
        %dma_wait3A_1588 = tpu.memref_slice %arg7[%dma_wait3A_1572, %dma_wait3A_1586, %dma_wait3A_1587] : memref<2x32x513xf32, #tpu.memory_space<vmem>> -> memref<1x8x128xf32, #tpu.memory_space<vmem>>
        %dma_wait3A_1589 = tpu.memref_squeeze %dma_wait3A_1588 : memref<1x8x128xf32, #tpu.memory_space<vmem>> -> memref<8x128xf32, #tpu.memory_space<vmem>>
        tpu.wait_dma2 semaphore(%arg11 : memref<!tpu.dma_semaphore, #tpu.memory_space<semaphore_mem>>) src(%dma_wait3A_1589 : memref<8x128xf32, #tpu.memory_space<vmem>>) dst(%dma_wait3A_1585 : memref<8x128xf32, #tpu.memory_space<hbm>>)
        %dma_wait3A_1590 = arith.constant 1 : i32
        %dma_wait3A_1591 = arith.constant 0 : i32
        %dma_wait3A_1592 = arith.constant 0 : i32
        %dma_wait3A_1593 = arith.constant 0 : i32
        %dma_wait3A_1594 = tpu.memref_slice %arg7[%dma_wait3A_1590, %dma_wait3A_1592, %dma_wait3A_1593] : memref<2x32x513xf32, #tpu.memory_space<vmem>> -> memref<1x8x128xf32, #tpu.memory_space<vmem>>
        %dma_wait3A_1595 = tpu.memref_squeeze %dma_wait3A_1594 : memref<1x8x128xf32, #tpu.memory_space<vmem>> -> memref<8x128xf32, #tpu.memory_space<vmem>>
        %dma_wait3A_1596 = arith.constant 0 : i32
        %dma_wait3A_1597 = arith.constant 0 : i32
        %dma_wait3A_1598 = tpu.memref_slice %arg4[%dma_wait3A_1591, %dma_wait3A_1596, %dma_wait3A_1597] : memref<25600x8x128xf32, #tpu.memory_space<hbm>> -> memref<1x8x128xf32, #tpu.memory_space<hbm>>
        %dma_wait3A_1599 = tpu.memref_squeeze %dma_wait3A_1598 : memref<1x8x128xf32, #tpu.memory_space<hbm>> -> memref<8x128xf32, #tpu.memory_space<hbm>>
        %dma_wait3A_1600 = arith.constant 0 : i32
        %dma_wait3A_1601 = arith.constant 0 : i32
        %dma_wait3A_1602 = tpu.memref_slice %arg4[%dma_wait3A_1591, %dma_wait3A_1600, %dma_wait3A_1601] : memref<25600x8x128xf32, #tpu.memory_space<hbm>> -> memref<1x8x128xf32, #tpu.memory_space<hbm>>
        %dma_wait3A_1603 = tpu.memref_squeeze %dma_wait3A_1602 : memref<1x8x128xf32, #tpu.memory_space<hbm>> -> memref<8x128xf32, #tpu.memory_space<hbm>>
        %dma_wait3A_1604 = arith.constant 0 : i32
        %dma_wait3A_1605 = arith.constant 0 : i32
        %dma_wait3A_1606 = tpu.memref_slice %arg7[%dma_wait3A_1590, %dma_wait3A_1604, %dma_wait3A_1605] : memref<2x32x513xf32, #tpu.memory_space<vmem>> -> memref<1x8x128xf32, #tpu.memory_space<vmem>>
        %dma_wait3A_1607 = tpu.memref_squeeze %dma_wait3A_1606 : memref<1x8x128xf32, #tpu.memory_space<vmem>> -> memref<8x128xf32, #tpu.memory_space<vmem>>
        tpu.wait_dma2 semaphore(%arg11 : memref<!tpu.dma_semaphore, #tpu.memory_space<semaphore_mem>>) src(%dma_wait3A_1607 : memref<8x128xf32, #tpu.memory_space<vmem>>) dst(%dma_wait3A_1603 : memref<8x128xf32, #tpu.memory_space<hbm>>)
        %dma_wait3A_1608 = arith.constant 1 : i32
        %dma_wait3A_1609 = arith.constant 0 : i32
        %dma_wait3A_1610 = arith.constant 0 : i32
        %dma_wait3A_1611 = arith.constant 0 : i32
        %dma_wait3A_1612 = tpu.memref_slice %arg7[%dma_wait3A_1608, %dma_wait3A_1610, %dma_wait3A_1611] : memref<2x32x513xf32, #tpu.memory_space<vmem>> -> memref<1x8x128xf32, #tpu.memory_space<vmem>>
        %dma_wait3A_1613 = tpu.memref_squeeze %dma_wait3A_1612 : memref<1x8x128xf32, #tpu.memory_space<vmem>> -> memref<8x128xf32, #tpu.memory_space<vmem>>
        %dma_wait3A_1614 = arith.constant 0 : i32
        %dma_wait3A_1615 = arith.constant 0 : i32
        %dma_wait3A_1616 = tpu.memref_slice %arg4[%dma_wait3A_1609, %dma_wait3A_1614, %dma_wait3A_1615] : memref<25600x8x128xf32, #tpu.memory_space<hbm>> -> memref<1x8x128xf32, #tpu.memory_space<hbm>>
        %dma_wait3A_1617 = tpu.memref_squeeze %dma_wait3A_1616 : memref<1x8x128xf32, #tpu.memory_space<hbm>> -> memref<8x128xf32, #tpu.memory_space<hbm>>
        %dma_wait3A_1618 = arith.constant 0 : i32
        %dma_wait3A_1619 = arith.constant 0 : i32
        %dma_wait3A_1620 = tpu.memref_slice %arg4[%dma_wait3A_1609, %dma_wait3A_1618, %dma_wait3A_1619] : memref<25600x8x128xf32, #tpu.memory_space<hbm>> -> memref<1x8x128xf32, #tpu.memory_space<hbm>>
        %dma_wait3A_1621 = tpu.memref_squeeze %dma_wait3A_1620 : memref<1x8x128xf32, #tpu.memory_space<hbm>> -> memref<8x128xf32, #tpu.memory_space<hbm>>
        %dma_wait3A_1622 = arith.constant 0 : i32
        %dma_wait3A_1623 = arith.constant 0 : i32
        %dma_wait3A_1624 = tpu.memref_slice %arg7[%dma_wait3A_1608, %dma_wait3A_1622, %dma_wait3A_1623] : memref<2x32x513xf32, #tpu.memory_space<vmem>> -> memref<1x8x128xf32, #tpu.memory_space<vmem>>
        %dma_wait3A_1625 = tpu.memref_squeeze %dma_wait3A_1624 : memref<1x8x128xf32, #tpu.memory_space<vmem>> -> memref<8x128xf32, #tpu.memory_space<vmem>>
        tpu.wait_dma2 semaphore(%arg11 : memref<!tpu.dma_semaphore, #tpu.memory_space<semaphore_mem>>) src(%dma_wait3A_1625 : memref<8x128xf32, #tpu.memory_space<vmem>>) dst(%dma_wait3A_1621 : memref<8x128xf32, #tpu.memory_space<hbm>>)
        %dma_wait3A_1626 = arith.constant 1 : i32
        %dma_wait3A_1627 = arith.constant 0 : i32
        %dma_wait3A_1628 = arith.constant 0 : i32
        %dma_wait3A_1629 = arith.constant 0 : i32
        %dma_wait3A_1630 = tpu.memref_slice %arg7[%dma_wait3A_1626, %dma_wait3A_1628, %dma_wait3A_1629] : memref<2x32x513xf32, #tpu.memory_space<vmem>> -> memref<1x8x128xf32, #tpu.memory_space<vmem>>
        %dma_wait3A_1631 = tpu.memref_squeeze %dma_wait3A_1630 : memref<1x8x128xf32, #tpu.memory_space<vmem>> -> memref<8x128xf32, #tpu.memory_space<vmem>>
        %dma_wait3A_1632 = arith.constant 0 : i32
        %dma_wait3A_1633 = arith.constant 0 : i32
        %dma_wait3A_1634 = tpu.memref_slice %arg4[%dma_wait3A_1627, %dma_wait3A_1632, %dma_wait3A_1633] : memref<25600x8x128xf32, #tpu.memory_space<hbm>> -> memref<1x8x128xf32, #tpu.memory_space<hbm>>
        %dma_wait3A_1635 = tpu.memref_squeeze %dma_wait3A_1634 : memref<1x8x128xf32, #tpu.memory_space<hbm>> -> memref<8x128xf32, #tpu.memory_space<hbm>>
        %dma_wait3A_1636 = arith.constant 0 : i32
        %dma_wait3A_1637 = arith.constant 0 : i32
        %dma_wait3A_1638 = tpu.memref_slice %arg4[%dma_wait3A_1627, %dma_wait3A_1636, %dma_wait3A_1637] : memref<25600x8x128xf32, #tpu.memory_space<hbm>> -> memref<1x8x128xf32, #tpu.memory_space<hbm>>
        %dma_wait3A_1639 = tpu.memref_squeeze %dma_wait3A_1638 : memref<1x8x128xf32, #tpu.memory_space<hbm>> -> memref<8x128xf32, #tpu.memory_space<hbm>>
        %dma_wait3A_1640 = arith.constant 0 : i32
        %dma_wait3A_1641 = arith.constant 0 : i32
        %dma_wait3A_1642 = tpu.memref_slice %arg7[%dma_wait3A_1626, %dma_wait3A_1640, %dma_wait3A_1641] : memref<2x32x513xf32, #tpu.memory_space<vmem>> -> memref<1x8x128xf32, #tpu.memory_space<vmem>>
        %dma_wait3A_1643 = tpu.memref_squeeze %dma_wait3A_1642 : memref<1x8x128xf32, #tpu.memory_space<vmem>> -> memref<8x128xf32, #tpu.memory_space<vmem>>
        tpu.wait_dma2 semaphore(%arg11 : memref<!tpu.dma_semaphore, #tpu.memory_space<semaphore_mem>>) src(%dma_wait3A_1643 : memref<8x128xf32, #tpu.memory_space<vmem>>) dst(%dma_wait3A_1639 : memref<8x128xf32, #tpu.memory_space<hbm>>)
        %dma_wait3A_1644 = arith.constant 1 : i32
        %dma_wait3A_1645 = arith.constant 0 : i32
        %dma_wait3A_1646 = arith.constant 0 : i32
        %dma_wait3A_1647 = arith.constant 0 : i32
        %dma_wait3A_1648 = tpu.memref_slice %arg7[%dma_wait3A_1644, %dma_wait3A_1646, %dma_wait3A_1647] : memref<2x32x513xf32, #tpu.memory_space<vmem>> -> memref<1x8x128xf32, #tpu.memory_space<vmem>>
        %dma_wait3A_1649 = tpu.memref_squeeze %dma_wait3A_1648 : memref<1x8x128xf32, #tpu.memory_space<vmem>> -> memref<8x128xf32, #tpu.memory_space<vmem>>
        %dma_wait3A_1650 = arith.constant 0 : i32
        %dma_wait3A_1651 = arith.constant 0 : i32
        %dma_wait3A_1652 = tpu.memref_slice %arg4[%dma_wait3A_1645, %dma_wait3A_1650, %dma_wait3A_1651] : memref<25600x8x128xf32, #tpu.memory_space<hbm>> -> memref<1x8x128xf32, #tpu.memory_space<hbm>>
        %dma_wait3A_1653 = tpu.memref_squeeze %dma_wait3A_1652 : memref<1x8x128xf32, #tpu.memory_space<hbm>> -> memref<8x128xf32, #tpu.memory_space<hbm>>
        %dma_wait3A_1654 = arith.constant 0 : i32
        %dma_wait3A_1655 = arith.constant 0 : i32
        %dma_wait3A_1656 = tpu.memref_slice %arg4[%dma_wait3A_1645, %dma_wait3A_1654, %dma_wait3A_1655] : memref<25600x8x128xf32, #tpu.memory_space<hbm>> -> memref<1x8x128xf32, #tpu.memory_space<hbm>>
        %dma_wait3A_1657 = tpu.memref_squeeze %dma_wait3A_1656 : memref<1x8x128xf32, #tpu.memory_space<hbm>> -> memref<8x128xf32, #tpu.memory_space<hbm>>
        %dma_wait3A_1658 = arith.constant 0 : i32
        %dma_wait3A_1659 = arith.constant 0 : i32
        %dma_wait3A_1660 = tpu.memref_slice %arg7[%dma_wait3A_1644, %dma_wait3A_1658, %dma_wait3A_1659] : memref<2x32x513xf32, #tpu.memory_space<vmem>> -> memref<1x8x128xf32, #tpu.memory_space<vmem>>
        %dma_wait3A_1661 = tpu.memref_squeeze %dma_wait3A_1660 : memref<1x8x128xf32, #tpu.memory_space<vmem>> -> memref<8x128xf32, #tpu.memory_space<vmem>>
        tpu.wait_dma2 semaphore(%arg11 : memref<!tpu.dma_semaphore, #tpu.memory_space<semaphore_mem>>) src(%dma_wait3A_1661 : memref<8x128xf32, #tpu.memory_space<vmem>>) dst(%dma_wait3A_1657 : memref<8x128xf32, #tpu.memory_space<hbm>>)
      } else {
      }
      %scan3A_1004 = arith.constant 0 : i32
      %scan3A_1005 = arith.constant 1 : i32
      %scan3A_1006 = arith.constant 1 : i32
      %scan3A_1007 = arith.constant 0 : i32
      %scan3A_1008 = arith.constant 64 : i32
      %scan3A_1009 = arith.addi %scan3A_1007, %scan3A_1008 : i32
      %scan3A_1010 = arith.constant 1 : i32
      scf.for %scan3A_1374 = %scan3A_1007 to %scan3A_1009 step %scan3A_1010  : i32 {
        %mul3A_1375 = arith.constant 8 : i32
        %mul3A_1376 = arith.muli %scan3A_1374, %mul3A_1375 : i32
        %add3A_1377 = arith.constant 0 : i32
        %add3A_1378 = arith.addi %mul3A_1376, %add3A_1377 : i32
        %broadcast_in_dim3A = vector.broadcast %add3A_1378 : i32 to vector<16xi32>
        %get3A = arith.constant 0 : i32
        %get3A_1379 = arith.constant 0 : i32
        %get3A_1380 = tpu.memref_slice %arg6[%scan3A_1005, %get3A, %get3A_1379] : memref<2x512x32xf32, #tpu.memory_space<vmem>> -> memref<1x512x32xf32, #tpu.memory_space<vmem>>
        %get3A_1381 = tpu.memref_squeeze %get3A_1380 : memref<1x512x32xf32, #tpu.memory_space<vmem>> -> memref<512x32xf32, #tpu.memory_space<vmem>>
        %get3A_1382 = arith.index_cast %add3A_1378 : i32 to index
        %get3A_1383 = arith.constant 0 : index
        %get3A_1384 = tpu.vector_load %get3A_1381[%get3A_1382, %get3A_1383] {strides = array<i32>} : memref<512x32xf32, #tpu.memory_space<vmem>>, vector<16xf32>,
        %scatter3A = arith.constant 0 : i32
        %scatter3A_1385 = arith.constant 0 : i32
        %scatter3A_1386 = tpu.memref_slice %arg7[%scan3A_1006, %scatter3A, %scatter3A_1385] : memref<2x32x513xf32, #tpu.memory_space<vmem>> -> memref<1x32x513xf32, #tpu.memory_space<vmem>>
        %scatter3A_1387 = tpu.memref_squeeze %scatter3A_1386 : memref<1x32x513xf32, #tpu.memory_space<vmem>> -> memref<32x513xf32, #tpu.memory_space<vmem>>
        tpu.vector_store_idx %scatter3A_1387[%iota3A, %broadcast_in_dim3A], %get3A_1384 : memref<32x513xf32, #tpu.memory_space<vmem>>[vector<16xi32>, vector<16xi32>], vector<16xf32>,
        %get3A_1388 = arith.constant 0 : i32
        %get3A_1389 = arith.constant 0 : i32
        %get3A_1390 = tpu.memref_slice %arg6[%scan3A_1005, %get3A_1388, %get3A_1389] : memref<2x512x32xf32, #tpu.memory_space<vmem>> -> memref<1x512x32xf32, #tpu.memory_space<vmem>>
        %get3A_1391 = tpu.memref_squeeze %get3A_1390 : memref<1x512x32xf32, #tpu.memory_space<vmem>> -> memref<512x32xf32, #tpu.memory_space<vmem>>
        %get3A_1392 = arith.index_cast %add3A_1378 : i32 to index
        %get3A_1393 = arith.constant 16 : index
        %get3A_1394 = tpu.vector_load %get3A_1391[%get3A_1392, %get3A_1393] {strides = array<i32>} : memref<512x32xf32, #tpu.memory_space<vmem>>, vector<16xf32>,
        %scatter3A_1395 = arith.constant 0 : i32
        %scatter3A_1396 = arith.constant 0 : i32
        %scatter3A_1397 = tpu.memref_slice %arg7[%scan3A_1006, %scatter3A_1395, %scatter3A_1396] : memref<2x32x513xf32, #tpu.memory_space<vmem>> -> memref<1x32x513xf32, #tpu.memory_space<vmem>>
        %scatter3A_1398 = tpu.memref_squeeze %scatter3A_1397 : memref<1x32x513xf32, #tpu.memory_space<vmem>> -> memref<32x513xf32, #tpu.memory_space<vmem>>
        tpu.vector_store_idx %scatter3A_1398[%add3A_7, %broadcast_in_dim3A], %get3A_1394 : memref<32x513xf32, #tpu.memory_space<vmem>>[vector<16xi32>, vector<16xi32>], vector<16xf32>,
        %mul3A_1399 = arith.constant 8 : i32
        %mul3A_1400 = arith.muli %scan3A_1374, %mul3A_1399 : i32
        %add3A_1401 = arith.constant 1 : i32
        %add3A_1402 = arith.addi %mul3A_1400, %add3A_1401 : i32
        %broadcast_in_dim3A_1403 = vector.broadcast %add3A_1402 : i32 to vector<16xi32>
        %get3A_1404 = arith.constant 0 : i32
        %get3A_1405 = arith.constant 0 : i32
        %get3A_1406 = tpu.memref_slice %arg6[%scan3A_1005, %get3A_1404, %get3A_1405] : memref<2x512x32xf32, #tpu.memory_space<vmem>> -> memref<1x512x32xf32, #tpu.memory_space<vmem>>
        %get3A_1407 = tpu.memref_squeeze %get3A_1406 : memref<1x512x32xf32, #tpu.memory_space<vmem>> -> memref<512x32xf32, #tpu.memory_space<vmem>>
        %get3A_1408 = arith.index_cast %add3A_1402 : i32 to index
        %get3A_1409 = arith.constant 0 : index
        %get3A_1410 = tpu.vector_load %get3A_1407[%get3A_1408, %get3A_1409] {strides = array<i32>} : memref<512x32xf32, #tpu.memory_space<vmem>>, vector<16xf32>,
        %scatter3A_1411 = arith.constant 0 : i32
        %scatter3A_1412 = arith.constant 0 : i32
        %scatter3A_1413 = tpu.memref_slice %arg7[%scan3A_1006, %scatter3A_1411, %scatter3A_1412] : memref<2x32x513xf32, #tpu.memory_space<vmem>> -> memref<1x32x513xf32, #tpu.memory_space<vmem>>
        %scatter3A_1414 = tpu.memref_squeeze %scatter3A_1413 : memref<1x32x513xf32, #tpu.memory_space<vmem>> -> memref<32x513xf32, #tpu.memory_space<vmem>>
        tpu.vector_store_idx %scatter3A_1414[%iota3A, %broadcast_in_dim3A_1403], %get3A_1410 : memref<32x513xf32, #tpu.memory_space<vmem>>[vector<16xi32>, vector<16xi32>], vector<16xf32>,
        %get3A_1415 = arith.constant 0 : i32
        %get3A_1416 = arith.constant 0 : i32
        %get3A_1417 = tpu.memref_slice %arg6[%scan3A_1005, %get3A_1415, %get3A_1416] : memref<2x512x32xf32, #tpu.memory_space<vmem>> -> memref<1x512x32xf32, #tpu.memory_space<vmem>>
        %get3A_1418 = tpu.memref_squeeze %get3A_1417 : memref<1x512x32xf32, #tpu.memory_space<vmem>> -> memref<512x32xf32, #tpu.memory_space<vmem>>
        %get3A_1419 = arith.index_cast %add3A_1402 : i32 to index
        %get3A_1420 = arith.constant 16 : index
        %get3A_1421 = tpu.vector_load %get3A_1418[%get3A_1419, %get3A_1420] {strides = array<i32>} : memref<512x32xf32, #tpu.memory_space<vmem>>, vector<16xf32>,
        %scatter3A_1422 = arith.constant 0 : i32
        %scatter3A_1423 = arith.constant 0 : i32
        %scatter3A_1424 = tpu.memref_slice %arg7[%scan3A_1006, %scatter3A_1422, %scatter3A_1423] : memref<2x32x513xf32, #tpu.memory_space<vmem>> -> memref<1x32x513xf32, #tpu.memory_space<vmem>>
        %scatter3A_1425 = tpu.memref_squeeze %scatter3A_1424 : memref<1x32x513xf32, #tpu.memory_space<vmem>> -> memref<32x513xf32, #tpu.memory_space<vmem>>
        tpu.vector_store_idx %scatter3A_1425[%add3A_7, %broadcast_in_dim3A_1403], %get3A_1421 : memref<32x513xf32, #tpu.memory_space<vmem>>[vector<16xi32>, vector<16xi32>], vector<16xf32>,
        %mul3A_1426 = arith.constant 8 : i32
        %mul3A_1427 = arith.muli %scan3A_1374, %mul3A_1426 : i32
        %add3A_1428 = arith.constant 2 : i32
        %add3A_1429 = arith.addi %mul3A_1427, %add3A_1428 : i32
        %broadcast_in_dim3A_1430 = vector.broadcast %add3A_1429 : i32 to vector<16xi32>
        %get3A_1431 = arith.constant 0 : i32
        %get3A_1432 = arith.constant 0 : i32
        %get3A_1433 = tpu.memref_slice %arg6[%scan3A_1005, %get3A_1431, %get3A_1432] : memref<2x512x32xf32, #tpu.memory_space<vmem>> -> memref<1x512x32xf32, #tpu.memory_space<vmem>>
        %get3A_1434 = tpu.memref_squeeze %get3A_1433 : memref<1x512x32xf32, #tpu.memory_space<vmem>> -> memref<512x32xf32, #tpu.memory_space<vmem>>
        %get3A_1435 = arith.index_cast %add3A_1429 : i32 to index
        %get3A_1436 = arith.constant 0 : index
        %get3A_1437 = tpu.vector_load %get3A_1434[%get3A_1435, %get3A_1436] {strides = array<i32>} : memref<512x32xf32, #tpu.memory_space<vmem>>, vector<16xf32>,
        %scatter3A_1438 = arith.constant 0 : i32
        %scatter3A_1439 = arith.constant 0 : i32
        %scatter3A_1440 = tpu.memref_slice %arg7[%scan3A_1006, %scatter3A_1438, %scatter3A_1439] : memref<2x32x513xf32, #tpu.memory_space<vmem>> -> memref<1x32x513xf32, #tpu.memory_space<vmem>>
        %scatter3A_1441 = tpu.memref_squeeze %scatter3A_1440 : memref<1x32x513xf32, #tpu.memory_space<vmem>> -> memref<32x513xf32, #tpu.memory_space<vmem>>
        tpu.vector_store_idx %scatter3A_1441[%iota3A, %broadcast_in_dim3A_1430], %get3A_1437 : memref<32x513xf32, #tpu.memory_space<vmem>>[vector<16xi32>, vector<16xi32>], vector<16xf32>,
        %get3A_1442 = arith.constant 0 : i32
        %get3A_1443 = arith.constant 0 : i32
        %get3A_1444 = tpu.memref_slice %arg6[%scan3A_1005, %get3A_1442, %get3A_1443] : memref<2x512x32xf32, #tpu.memory_space<vmem>> -> memref<1x512x32xf32, #tpu.memory_space<vmem>>
        %get3A_1445 = tpu.memref_squeeze %get3A_1444 : memref<1x512x32xf32, #tpu.memory_space<vmem>> -> memref<512x32xf32, #tpu.memory_space<vmem>>
        %get3A_1446 = arith.index_cast %add3A_1429 : i32 to index
        %get3A_1447 = arith.constant 16 : index
        %get3A_1448 = tpu.vector_load %get3A_1445[%get3A_1446, %get3A_1447] {strides = array<i32>} : memref<512x32xf32, #tpu.memory_space<vmem>>, vector<16xf32>,
        %scatter3A_1449 = arith.constant 0 : i32
        %scatter3A_1450 = arith.constant 0 : i32
        %scatter3A_1451 = tpu.memref_slice %arg7[%scan3A_1006, %scatter3A_1449, %scatter3A_1450] : memref<2x32x513xf32, #tpu.memory_space<vmem>> -> memref<1x32x513xf32, #tpu.memory_space<vmem>>
        %scatter3A_1452 = tpu.memref_squeeze %scatter3A_1451 : memref<1x32x513xf32, #tpu.memory_space<vmem>> -> memref<32x513xf32, #tpu.memory_space<vmem>>
        tpu.vector_store_idx %scatter3A_1452[%add3A_7, %broadcast_in_dim3A_1430], %get3A_1448 : memref<32x513xf32, #tpu.memory_space<vmem>>[vector<16xi32>, vector<16xi32>], vector<16xf32>,
        %mul3A_1453 = arith.constant 8 : i32
        %mul3A_1454 = arith.muli %scan3A_1374, %mul3A_1453 : i32
        %add3A_1455 = arith.constant 3 : i32
        %add3A_1456 = arith.addi %mul3A_1454, %add3A_1455 : i32
        %broadcast_in_dim3A_1457 = vector.broadcast %add3A_1456 : i32 to vector<16xi32>
        %get3A_1458 = arith.constant 0 : i32
        %get3A_1459 = arith.constant 0 : i32
        %get3A_1460 = tpu.memref_slice %arg6[%scan3A_1005, %get3A_1458, %get3A_1459] : memref<2x512x32xf32, #tpu.memory_space<vmem>> -> memref<1x512x32xf32, #tpu.memory_space<vmem>>
        %get3A_1461 = tpu.memref_squeeze %get3A_1460 : memref<1x512x32xf32, #tpu.memory_space<vmem>> -> memref<512x32xf32, #tpu.memory_space<vmem>>
        %get3A_1462 = arith.index_cast %add3A_1456 : i32 to index
        %get3A_1463 = arith.constant 0 : index
        %get3A_1464 = tpu.vector_load %get3A_1461[%get3A_1462, %get3A_1463] {strides = array<i32>} : memref<512x32xf32, #tpu.memory_space<vmem>>, vector<16xf32>,
        %scatter3A_1465 = arith.constant 0 : i32
        %scatter3A_1466 = arith.constant 0 : i32
        %scatter3A_1467 = tpu.memref_slice %arg7[%scan3A_1006, %scatter3A_1465, %scatter3A_1466] : memref<2x32x513xf32, #tpu.memory_space<vmem>> -> memref<1x32x513xf32, #tpu.memory_space<vmem>>
        %scatter3A_1468 = tpu.memref_squeeze %scatter3A_1467 : memref<1x32x513xf32, #tpu.memory_space<vmem>> -> memref<32x513xf32, #tpu.memory_space<vmem>>
        tpu.vector_store_idx %scatter3A_1468[%iota3A, %broadcast_in_dim3A_1457], %get3A_1464 : memref<32x513xf32, #tpu.memory_space<vmem>>[vector<16xi32>, vector<16xi32>], vector<16xf32>,
        %get3A_1469 = arith.constant 0 : i32
        %get3A_1470 = arith.constant 0 : i32
        %get3A_1471 = tpu.memref_slice %arg6[%scan3A_1005, %get3A_1469, %get3A_1470] : memref<2x512x32xf32, #tpu.memory_space<vmem>> -> memref<1x512x32xf32, #tpu.memory_space<vmem>>
        %get3A_1472 = tpu.memref_squeeze %get3A_1471 : memref<1x512x32xf32, #tpu.memory_space<vmem>> -> memref<512x32xf32, #tpu.memory_space<vmem>>
        %get3A_1473 = arith.index_cast %add3A_1456 : i32 to index
        %get3A_1474 = arith.constant 16 : index
        %get3A_1475 = tpu.vector_load %get3A_1472[%get3A_1473, %get3A_1474] {strides = array<i32>} : memref<512x32xf32, #tpu.memory_space<vmem>>, vector<16xf32>,
        %scatter3A_1476 = arith.constant 0 : i32
        %scatter3A_1477 = arith.constant 0 : i32
        %scatter3A_1478 = tpu.memref_slice %arg7[%scan3A_1006, %scatter3A_1476, %scatter3A_1477] : memref<2x32x513xf32, #tpu.memory_space<vmem>> -> memref<1x32x513xf32, #tpu.memory_space<vmem>>
        %scatter3A_1479 = tpu.memref_squeeze %scatter3A_1478 : memref<1x32x513xf32, #tpu.memory_space<vmem>> -> memref<32x513xf32, #tpu.memory_space<vmem>>
        tpu.vector_store_idx %scatter3A_1479[%add3A_7, %broadcast_in_dim3A_1457], %get3A_1475 : memref<32x513xf32, #tpu.memory_space<vmem>>[vector<16xi32>, vector<16xi32>], vector<16xf32>,
        %mul3A_1480 = arith.constant 8 : i32
        %mul3A_1481 = arith.muli %scan3A_1374, %mul3A_1480 : i32
        %add3A_1482 = arith.constant 4 : i32
        %add3A_1483 = arith.addi %mul3A_1481, %add3A_1482 : i32
        %broadcast_in_dim3A_1484 = vector.broadcast %add3A_1483 : i32 to vector<16xi32>
        %get3A_1485 = arith.constant 0 : i32
        %get3A_1486 = arith.constant 0 : i32
        %get3A_1487 = tpu.memref_slice %arg6[%scan3A_1005, %get3A_1485, %get3A_1486] : memref<2x512x32xf32, #tpu.memory_space<vmem>> -> memref<1x512x32xf32, #tpu.memory_space<vmem>>
        %get3A_1488 = tpu.memref_squeeze %get3A_1487 : memref<1x512x32xf32, #tpu.memory_space<vmem>> -> memref<512x32xf32, #tpu.memory_space<vmem>>
        %get3A_1489 = arith.index_cast %add3A_1483 : i32 to index
        %get3A_1490 = arith.constant 0 : index
        %get3A_1491 = tpu.vector_load %get3A_1488[%get3A_1489, %get3A_1490] {strides = array<i32>} : memref<512x32xf32, #tpu.memory_space<vmem>>, vector<16xf32>,
        %scatter3A_1492 = arith.constant 0 : i32
        %scatter3A_1493 = arith.constant 0 : i32
        %scatter3A_1494 = tpu.memref_slice %arg7[%scan3A_1006, %scatter3A_1492, %scatter3A_1493] : memref<2x32x513xf32, #tpu.memory_space<vmem>> -> memref<1x32x513xf32, #tpu.memory_space<vmem>>
        %scatter3A_1495 = tpu.memref_squeeze %scatter3A_1494 : memref<1x32x513xf32, #tpu.memory_space<vmem>> -> memref<32x513xf32, #tpu.memory_space<vmem>>
        tpu.vector_store_idx %scatter3A_1495[%iota3A, %broadcast_in_dim3A_1484], %get3A_1491 : memref<32x513xf32, #tpu.memory_space<vmem>>[vector<16xi32>, vector<16xi32>], vector<16xf32>,
        %get3A_1496 = arith.constant 0 : i32
        %get3A_1497 = arith.constant 0 : i32
        %get3A_1498 = tpu.memref_slice %arg6[%scan3A_1005, %get3A_1496, %get3A_1497] : memref<2x512x32xf32, #tpu.memory_space<vmem>> -> memref<1x512x32xf32, #tpu.memory_space<vmem>>
        %get3A_1499 = tpu.memref_squeeze %get3A_1498 : memref<1x512x32xf32, #tpu.memory_space<vmem>> -> memref<512x32xf32, #tpu.memory_space<vmem>>
        %get3A_1500 = arith.index_cast %add3A_1483 : i32 to index
        %get3A_1501 = arith.constant 16 : index
        %get3A_1502 = tpu.vector_load %get3A_1499[%get3A_1500, %get3A_1501] {strides = array<i32>} : memref<512x32xf32, #tpu.memory_space<vmem>>, vector<16xf32>,
        %scatter3A_1503 = arith.constant 0 : i32
        %scatter3A_1504 = arith.constant 0 : i32
        %scatter3A_1505 = tpu.memref_slice %arg7[%scan3A_1006, %scatter3A_1503, %scatter3A_1504] : memref<2x32x513xf32, #tpu.memory_space<vmem>> -> memref<1x32x513xf32, #tpu.memory_space<vmem>>
        %scatter3A_1506 = tpu.memref_squeeze %scatter3A_1505 : memref<1x32x513xf32, #tpu.memory_space<vmem>> -> memref<32x513xf32, #tpu.memory_space<vmem>>
        tpu.vector_store_idx %scatter3A_1506[%add3A_7, %broadcast_in_dim3A_1484], %get3A_1502 : memref<32x513xf32, #tpu.memory_space<vmem>>[vector<16xi32>, vector<16xi32>], vector<16xf32>,
        %mul3A_1507 = arith.constant 8 : i32
        %mul3A_1508 = arith.muli %scan3A_1374, %mul3A_1507 : i32
        %add3A_1509 = arith.constant 5 : i32
        %add3A_1510 = arith.addi %mul3A_1508, %add3A_1509 : i32
        %broadcast_in_dim3A_1511 = vector.broadcast %add3A_1510 : i32 to vector<16xi32>
        %get3A_1512 = arith.constant 0 : i32
        %get3A_1513 = arith.constant 0 : i32
        %get3A_1514 = tpu.memref_slice %arg6[%scan3A_1005, %get3A_1512, %get3A_1513] : memref<2x512x32xf32, #tpu.memory_space<vmem>> -> memref<1x512x32xf32, #tpu.memory_space<vmem>>
        %get3A_1515 = tpu.memref_squeeze %get3A_1514 : memref<1x512x32xf32, #tpu.memory_space<vmem>> -> memref<512x32xf32, #tpu.memory_space<vmem>>
        %get3A_1516 = arith.index_cast %add3A_1510 : i32 to index
        %get3A_1517 = arith.constant 0 : index
        %get3A_1518 = tpu.vector_load %get3A_1515[%get3A_1516, %get3A_1517] {strides = array<i32>} : memref<512x32xf32, #tpu.memory_space<vmem>>, vector<16xf32>,
        %scatter3A_1519 = arith.constant 0 : i32
        %scatter3A_1520 = arith.constant 0 : i32
        %scatter3A_1521 = tpu.memref_slice %arg7[%scan3A_1006, %scatter3A_1519, %scatter3A_1520] : memref<2x32x513xf32, #tpu.memory_space<vmem>> -> memref<1x32x513xf32, #tpu.memory_space<vmem>>
        %scatter3A_1522 = tpu.memref_squeeze %scatter3A_1521 : memref<1x32x513xf32, #tpu.memory_space<vmem>> -> memref<32x513xf32, #tpu.memory_space<vmem>>
        tpu.vector_store_idx %scatter3A_1522[%iota3A, %broadcast_in_dim3A_1511], %get3A_1518 : memref<32x513xf32, #tpu.memory_space<vmem>>[vector<16xi32>, vector<16xi32>], vector<16xf32>,
        %get3A_1523 = arith.constant 0 : i32
        %get3A_1524 = arith.constant 0 : i32
        %get3A_1525 = tpu.memref_slice %arg6[%scan3A_1005, %get3A_1523, %get3A_1524] : memref<2x512x32xf32, #tpu.memory_space<vmem>> -> memref<1x512x32xf32, #tpu.memory_space<vmem>>
        %get3A_1526 = tpu.memref_squeeze %get3A_1525 : memref<1x512x32xf32, #tpu.memory_space<vmem>> -> memref<512x32xf32, #tpu.memory_space<vmem>>
        %get3A_1527 = arith.index_cast %add3A_1510 : i32 to index
        %get3A_1528 = arith.constant 16 : index
        %get3A_1529 = tpu.vector_load %get3A_1526[%get3A_1527, %get3A_1528] {strides = array<i32>} : memref<512x32xf32, #tpu.memory_space<vmem>>, vector<16xf32>,
        %scatter3A_1530 = arith.constant 0 : i32
        %scatter3A_1531 = arith.constant 0 : i32
        %scatter3A_1532 = tpu.memref_slice %arg7[%scan3A_1006, %scatter3A_1530, %scatter3A_1531] : memref<2x32x513xf32, #tpu.memory_space<vmem>> -> memref<1x32x513xf32, #tpu.memory_space<vmem>>
        %scatter3A_1533 = tpu.memref_squeeze %scatter3A_1532 : memref<1x32x513xf32, #tpu.memory_space<vmem>> -> memref<32x513xf32, #tpu.memory_space<vmem>>
        tpu.vector_store_idx %scatter3A_1533[%add3A_7, %broadcast_in_dim3A_1511], %get3A_1529 : memref<32x513xf32, #tpu.memory_space<vmem>>[vector<16xi32>, vector<16xi32>], vector<16xf32>,
        %mul3A_1534 = arith.constant 8 : i32
        %mul3A_1535 = arith.muli %scan3A_1374, %mul3A_1534 : i32
        %add3A_1536 = arith.constant 6 : i32
        %add3A_1537 = arith.addi %mul3A_1535, %add3A_1536 : i32
        %broadcast_in_dim3A_1538 = vector.broadcast %add3A_1537 : i32 to vector<16xi32>
        %get3A_1539 = arith.constant 0 : i32
        %get3A_1540 = arith.constant 0 : i32
        %get3A_1541 = tpu.memref_slice %arg6[%scan3A_1005, %get3A_1539, %get3A_1540] : memref<2x512x32xf32, #tpu.memory_space<vmem>> -> memref<1x512x32xf32, #tpu.memory_space<vmem>>
        %get3A_1542 = tpu.memref_squeeze %get3A_1541 : memref<1x512x32xf32, #tpu.memory_space<vmem>> -> memref<512x32xf32, #tpu.memory_space<vmem>>
        %get3A_1543 = arith.index_cast %add3A_1537 : i32 to index
        %get3A_1544 = arith.constant 0 : index
        %get3A_1545 = tpu.vector_load %get3A_1542[%get3A_1543, %get3A_1544] {strides = array<i32>} : memref<512x32xf32, #tpu.memory_space<vmem>>, vector<16xf32>,
        %scatter3A_1546 = arith.constant 0 : i32
        %scatter3A_1547 = arith.constant 0 : i32
        %scatter3A_1548 = tpu.memref_slice %arg7[%scan3A_1006, %scatter3A_1546, %scatter3A_1547] : memref<2x32x513xf32, #tpu.memory_space<vmem>> -> memref<1x32x513xf32, #tpu.memory_space<vmem>>
        %scatter3A_1549 = tpu.memref_squeeze %scatter3A_1548 : memref<1x32x513xf32, #tpu.memory_space<vmem>> -> memref<32x513xf32, #tpu.memory_space<vmem>>
        tpu.vector_store_idx %scatter3A_1549[%iota3A, %broadcast_in_dim3A_1538], %get3A_1545 : memref<32x513xf32, #tpu.memory_space<vmem>>[vector<16xi32>, vector<16xi32>], vector<16xf32>,
        %get3A_1550 = arith.constant 0 : i32
        %get3A_1551 = arith.constant 0 : i32
        %get3A_1552 = tpu.memref_slice %arg6[%scan3A_1005, %get3A_1550, %get3A_1551] : memref<2x512x32xf32, #tpu.memory_space<vmem>> -> memref<1x512x32xf32, #tpu.memory_space<vmem>>
        %get3A_1553 = tpu.memref_squeeze %get3A_1552 : memref<1x512x32xf32, #tpu.memory_space<vmem>> -> memref<512x32xf32, #tpu.memory_space<vmem>>
        %get3A_1554 = arith.index_cast %add3A_1537 : i32 to index
        %get3A_1555 = arith.constant 16 : index
        %get3A_1556 = tpu.vector_load %get3A_1553[%get3A_1554, %get3A_1555] {strides = array<i32>} : memref<512x32xf32, #tpu.memory_space<vmem>>, vector<16xf32>,
        %scatter3A_1557 = arith.constant 0 : i32
        %scatter3A_1558 = arith.constant 0 : i32
        %scatter3A_1559 = tpu.memref_slice %arg7[%scan3A_1006, %scatter3A_1557, %scatter3A_1558] : memref<2x32x513xf32, #tpu.memory_space<vmem>> -> memref<1x32x513xf32, #tpu.memory_space<vmem>>
        %scatter3A_1560 = tpu.memref_squeeze %scatter3A_1559 : memref<1x32x513xf32, #tpu.memory_space<vmem>> -> memref<32x513xf32, #tpu.memory_space<vmem>>
        tpu.vector_store_idx %scatter3A_1560[%add3A_7, %broadcast_in_dim3A_1538], %get3A_1556 : memref<32x513xf32, #tpu.memory_space<vmem>>[vector<16xi32>, vector<16xi32>], vector<16xf32>,
        %mul3A_1561 = arith.constant 8 : i32
        %mul3A_1562 = arith.muli %scan3A_1374, %mul3A_1561 : i32
        %add3A_1563 = arith.constant 7 : i32
        %add3A_1564 = arith.addi %mul3A_1562, %add3A_1563 : i32
        %broadcast_in_dim3A_1565 = vector.broadcast %add3A_1564 : i32 to vector<16xi32>
        %get3A_1566 = arith.constant 0 : i32
        %get3A_1567 = arith.constant 0 : i32
        %get3A_1568 = tpu.memref_slice %arg6[%scan3A_1005, %get3A_1566, %get3A_1567] : memref<2x512x32xf32, #tpu.memory_space<vmem>> -> memref<1x512x32xf32, #tpu.memory_space<vmem>>
        %get3A_1569 = tpu.memref_squeeze %get3A_1568 : memref<1x512x32xf32, #tpu.memory_space<vmem>> -> memref<512x32xf32, #tpu.memory_space<vmem>>
        %get3A_1570 = arith.index_cast %add3A_1564 : i32 to index
        %get3A_1571 = arith.constant 0 : index
        %get3A_1572 = tpu.vector_load %get3A_1569[%get3A_1570, %get3A_1571] {strides = array<i32>} : memref<512x32xf32, #tpu.memory_space<vmem>>, vector<16xf32>,
        %scatter3A_1573 = arith.constant 0 : i32
        %scatter3A_1574 = arith.constant 0 : i32
        %scatter3A_1575 = tpu.memref_slice %arg7[%scan3A_1006, %scatter3A_1573, %scatter3A_1574] : memref<2x32x513xf32, #tpu.memory_space<vmem>> -> memref<1x32x513xf32, #tpu.memory_space<vmem>>
        %scatter3A_1576 = tpu.memref_squeeze %scatter3A_1575 : memref<1x32x513xf32, #tpu.memory_space<vmem>> -> memref<32x513xf32, #tpu.memory_space<vmem>>
        tpu.vector_store_idx %scatter3A_1576[%iota3A, %broadcast_in_dim3A_1565], %get3A_1572 : memref<32x513xf32, #tpu.memory_space<vmem>>[vector<16xi32>, vector<16xi32>], vector<16xf32>,
        %get3A_1577 = arith.constant 0 : i32
        %get3A_1578 = arith.constant 0 : i32
        %get3A_1579 = tpu.memref_slice %arg6[%scan3A_1005, %get3A_1577, %get3A_1578] : memref<2x512x32xf32, #tpu.memory_space<vmem>> -> memref<1x512x32xf32, #tpu.memory_space<vmem>>
        %get3A_1580 = tpu.memref_squeeze %get3A_1579 : memref<1x512x32xf32, #tpu.memory_space<vmem>> -> memref<512x32xf32, #tpu.memory_space<vmem>>
        %get3A_1581 = arith.index_cast %add3A_1564 : i32 to index
        %get3A_1582 = arith.constant 16 : index
        %get3A_1583 = tpu.vector_load %get3A_1580[%get3A_1581, %get3A_1582] {strides = array<i32>} : memref<512x32xf32, #tpu.memory_space<vmem>>, vector<16xf32>,
        %scatter3A_1584 = arith.constant 0 : i32
        %scatter3A_1585 = arith.constant 0 : i32
        %scatter3A_1586 = tpu.memref_slice %arg7[%scan3A_1006, %scatter3A_1584, %scatter3A_1585] : memref<2x32x513xf32, #tpu.memory_space<vmem>> -> memref<1x32x513xf32, #tpu.memory_space<vmem>>
        %scatter3A_1587 = tpu.memref_squeeze %scatter3A_1586 : memref<1x32x513xf32, #tpu.memory_space<vmem>> -> memref<32x513xf32, #tpu.memory_space<vmem>>
        tpu.vector_store_idx %scatter3A_1587[%add3A_7, %broadcast_in_dim3A_1565], %get3A_1583 : memref<32x513xf32, #tpu.memory_space<vmem>>[vector<16xi32>, vector<16xi32>], vector<16xf32>,
      }
      %scan3A_1011 = arith.constant 64 : i32
      %mul3A_1012 = arith.constant 4 : i32
      %mul3A_1013 = arith.muli %add3A_983, %mul3A_1012 : i32
      %add3A_1014 = arith.addi %mul3A_4, %mul3A_1013 : i32
      %jit3A_1015 = arith.constant 128 : i32
      %div3A_1016 = arith.divsi %add3A_1014, %jit3A_1015 : i32
      %sign3A_1017 = arith.constant 0 : i32
      %sign3A_1018 = arith.cmpi sgt, %add3A_1014, %sign3A_1017 : i32
      %sign3A_1019 = arith.extui %sign3A_1018 : i1 to i32
      %sign3A_1020 = arith.constant 0 : i32
      %sign3A_1021 = arith.cmpi slt, %add3A_1014, %sign3A_1020 : i32
      %sign3A_1022 = arith.extui %sign3A_1021 : i1 to i32
      %sign3A_1023 = arith.subi %sign3A_1019, %sign3A_1022 : i32
      %sign3A_1024 = arith.constant 0 : i32
      %sign3A_1025 = arith.cmpi sgt, %jit3A_1015, %sign3A_1024 : i32
      %sign3A_1026 = arith.extui %sign3A_1025 : i1 to i32
      %sign3A_1027 = arith.constant 0 : i32
      %sign3A_1028 = arith.cmpi slt, %jit3A_1015, %sign3A_1027 : i32
      %sign3A_1029 = arith.extui %sign3A_1028 : i1 to i32
      %sign3A_1030 = arith.subi %sign3A_1026, %sign3A_1029 : i32
      %ne3A_1031 = arith.cmpi ne, %sign3A_1023, %sign3A_1030 : i32
      %rem3A_1032 = arith.remsi %add3A_1014, %jit3A_1015 : i32
      %ne3A_1033 = arith.constant 0 : i32
      %ne3A_1034 = arith.cmpi ne, %rem3A_1032, %ne3A_1033 : i32
      %and3A_1035 = arith.andi %ne3A_1031, %ne3A_1034 : i1
      %sub3A_1036 = arith.constant 1 : i32
      %sub3A_1037 = arith.subi %div3A_1016, %sub3A_1036 : i32
      %select_n3A_1038 = arith.select %and3A_1035, %sub3A_1037, %div3A_1016 : i32
      %mul3A_1039 = arith.constant 128 : i32
      %mul3A_1040 = arith.muli %select_n3A_1038, %mul3A_1039 : i32
      %sub3A_1041 = arith.subi %add3A_1014, %mul3A_1040 : i32
      %mul3A_1042 = arith.constant 4 : i32
      %mul3A_1043 = arith.muli %select_n3A_1038, %mul3A_1042 : i32
      %add3A_1044 = arith.constant 0 : i32
      %add3A_1045 = arith.addi %mul3A_1043, %add3A_1044 : i32
      %mul3A_1046 = arith.constant 128 : i32
      %mul3A_1047 = arith.muli %add3A_1045, %mul3A_1046 : i32
      %add3A_1048 = arith.addi %mul3A_1047, %sub3A_1041 : i32
      %add3A_1049 = arith.constant 0 : i32
      %add3A_1050 = arith.addi %add3A_1048, %add3A_1049 : i32
      %dma_start3A_1051 = arith.constant 1 : i32
      %dma_start3A_1052 = arith.constant 0 : i32
      %dma_start3A_1053 = arith.constant 0 : i32
      %dma_start3A_1054 = tpu.memref_slice %arg7[%dma_start3A_1051, %dma_start3A_1052, %dma_start3A_1053] : memref<2x32x513xf32, #tpu.memory_space<vmem>> -> memref<1x8x128xf32, #tpu.memory_space<vmem>>
      %dma_start3A_1055 = tpu.memref_squeeze %dma_start3A_1054 : memref<1x8x128xf32, #tpu.memory_space<vmem>> -> memref<8x128xf32, #tpu.memory_space<vmem>>
      %dma_start3A_1056 = arith.constant 0 : i32
      %dma_start3A_1057 = arith.constant 0 : i32
      %dma_start3A_1058 = tpu.memref_slice %arg4[%add3A_1050, %dma_start3A_1056, %dma_start3A_1057] : memref<25600x8x128xf32, #tpu.memory_space<hbm>> -> memref<1x8x128xf32, #tpu.memory_space<hbm>>
      %dma_start3A_1059 = tpu.memref_squeeze %dma_start3A_1058 : memref<1x8x128xf32, #tpu.memory_space<hbm>> -> memref<8x128xf32, #tpu.memory_space<hbm>>
      %dma_start3A_1060 = arith.constant 0 : i32
      %dma_start3A_1061 = arith.constant 0 : i32
      %dma_start3A_1062 = tpu.memref_slice %arg4[%add3A_1050, %dma_start3A_1060, %dma_start3A_1061] : memref<25600x8x128xf32, #tpu.memory_space<hbm>> -> memref<1x8x128xf32, #tpu.memory_space<hbm>>
      %dma_start3A_1063 = tpu.memref_squeeze %dma_start3A_1062 : memref<1x8x128xf32, #tpu.memory_space<hbm>> -> memref<8x128xf32, #tpu.memory_space<hbm>>
      %dma_start3A_1064 = arith.constant 0 : i32
      %dma_start3A_1065 = arith.constant 0 : i32
      %dma_start3A_1066 = tpu.memref_slice %arg7[%dma_start3A_1051, %dma_start3A_1064, %dma_start3A_1065] : memref<2x32x513xf32, #tpu.memory_space<vmem>> -> memref<1x8x128xf32, #tpu.memory_space<vmem>>
      %dma_start3A_1067 = tpu.memref_squeeze %dma_start3A_1066 : memref<1x8x128xf32, #tpu.memory_space<vmem>> -> memref<8x128xf32, #tpu.memory_space<vmem>>
      tpu.enqueue_dma source(%dma_start3A_1067 : memref<8x128xf32, #tpu.memory_space<vmem>>) target(%dma_start3A_1063 : memref<8x128xf32, #tpu.memory_space<hbm>>) target_semaphore(%arg11 : memref<!tpu.dma_semaphore, #tpu.memory_space<semaphore_mem>>)
      %add3A_1068 = arith.constant 1 : i32
      %add3A_1069 = arith.addi %add3A_1048, %add3A_1068 : i32
      %dma_start3A_1070 = arith.constant 1 : i32
      %dma_start3A_1071 = arith.constant 0 : i32
      %dma_start3A_1072 = arith.constant 128 : i32
      %dma_start3A_1073 = tpu.memref_slice %arg7[%dma_start3A_1070, %dma_start3A_1071, %dma_start3A_1072] : memref<2x32x513xf32, #tpu.memory_space<vmem>> -> memref<1x8x128xf32, #tpu.memory_space<vmem>>
      %dma_start3A_1074 = tpu.memref_squeeze %dma_start3A_1073 : memref<1x8x128xf32, #tpu.memory_space<vmem>> -> memref<8x128xf32, #tpu.memory_space<vmem>>
      %dma_start3A_1075 = arith.constant 0 : i32
      %dma_start3A_1076 = arith.constant 0 : i32
      %dma_start3A_1077 = tpu.memref_slice %arg4[%add3A_1069, %dma_start3A_1075, %dma_start3A_1076] : memref<25600x8x128xf32, #tpu.memory_space<hbm>> -> memref<1x8x128xf32, #tpu.memory_space<hbm>>
      %dma_start3A_1078 = tpu.memref_squeeze %dma_start3A_1077 : memref<1x8x128xf32, #tpu.memory_space<hbm>> -> memref<8x128xf32, #tpu.memory_space<hbm>>
      %dma_start3A_1079 = arith.constant 0 : i32
      %dma_start3A_1080 = arith.constant 0 : i32
      %dma_start3A_1081 = tpu.memref_slice %arg4[%add3A_1069, %dma_start3A_1079, %dma_start3A_1080] : memref<25600x8x128xf32, #tpu.memory_space<hbm>> -> memref<1x8x128xf32, #tpu.memory_space<hbm>>
      %dma_start3A_1082 = tpu.memref_squeeze %dma_start3A_1081 : memref<1x8x128xf32, #tpu.memory_space<hbm>> -> memref<8x128xf32, #tpu.memory_space<hbm>>
      %dma_start3A_1083 = arith.constant 0 : i32
      %dma_start3A_1084 = arith.constant 128 : i32
      %dma_start3A_1085 = tpu.memref_slice %arg7[%dma_start3A_1070, %dma_start3A_1083, %dma_start3A_1084] : memref<2x32x513xf32, #tpu.memory_space<vmem>> -> memref<1x8x128xf32, #tpu.memory_space<vmem>>
      %dma_start3A_1086 = tpu.memref_squeeze %dma_start3A_1085 : memref<1x8x128xf32, #tpu.memory_space<vmem>> -> memref<8x128xf32, #tpu.memory_space<vmem>>
      tpu.enqueue_dma source(%dma_start3A_1086 : memref<8x128xf32, #tpu.memory_space<vmem>>) target(%dma_start3A_1082 : memref<8x128xf32, #tpu.memory_space<hbm>>) target_semaphore(%arg11 : memref<!tpu.dma_semaphore, #tpu.memory_space<semaphore_mem>>)
      %add3A_1087 = arith.constant 2 : i32
      %add3A_1088 = arith.addi %add3A_1048, %add3A_1087 : i32
      %dma_start3A_1089 = arith.constant 1 : i32
      %dma_start3A_1090 = arith.constant 0 : i32
      %dma_start3A_1091 = arith.constant 256 : i32
      %dma_start3A_1092 = tpu.memref_slice %arg7[%dma_start3A_1089, %dma_start3A_1090, %dma_start3A_1091] : memref<2x32x513xf32, #tpu.memory_space<vmem>> -> memref<1x8x128xf32, #tpu.memory_space<vmem>>
      %dma_start3A_1093 = tpu.memref_squeeze %dma_start3A_1092 : memref<1x8x128xf32, #tpu.memory_space<vmem>> -> memref<8x128xf32, #tpu.memory_space<vmem>>
      %dma_start3A_1094 = arith.constant 0 : i32
      %dma_start3A_1095 = arith.constant 0 : i32
      %dma_start3A_1096 = tpu.memref_slice %arg4[%add3A_1088, %dma_start3A_1094, %dma_start3A_1095] : memref<25600x8x128xf32, #tpu.memory_space<hbm>> -> memref<1x8x128xf32, #tpu.memory_space<hbm>>
      %dma_start3A_1097 = tpu.memref_squeeze %dma_start3A_1096 : memref<1x8x128xf32, #tpu.memory_space<hbm>> -> memref<8x128xf32, #tpu.memory_space<hbm>>
      %dma_start3A_1098 = arith.constant 0 : i32
      %dma_start3A_1099 = arith.constant 0 : i32
      %dma_start3A_1100 = tpu.memref_slice %arg4[%add3A_1088, %dma_start3A_1098, %dma_start3A_1099] : memref<25600x8x128xf32, #tpu.memory_space<hbm>> -> memref<1x8x128xf32, #tpu.memory_space<hbm>>
      %dma_start3A_1101 = tpu.memref_squeeze %dma_start3A_1100 : memref<1x8x128xf32, #tpu.memory_space<hbm>> -> memref<8x128xf32, #tpu.memory_space<hbm>>
      %dma_start3A_1102 = arith.constant 0 : i32
      %dma_start3A_1103 = arith.constant 256 : i32
      %dma_start3A_1104 = tpu.memref_slice %arg7[%dma_start3A_1089, %dma_start3A_1102, %dma_start3A_1103] : memref<2x32x513xf32, #tpu.memory_space<vmem>> -> memref<1x8x128xf32, #tpu.memory_space<vmem>>
      %dma_start3A_1105 = tpu.memref_squeeze %dma_start3A_1104 : memref<1x8x128xf32, #tpu.memory_space<vmem>> -> memref<8x128xf32, #tpu.memory_space<vmem>>
      tpu.enqueue_dma source(%dma_start3A_1105 : memref<8x128xf32, #tpu.memory_space<vmem>>) target(%dma_start3A_1101 : memref<8x128xf32, #tpu.memory_space<hbm>>) target_semaphore(%arg11 : memref<!tpu.dma_semaphore, #tpu.memory_space<semaphore_mem>>)
      %add3A_1106 = arith.constant 3 : i32
      %add3A_1107 = arith.addi %add3A_1048, %add3A_1106 : i32
      %dma_start3A_1108 = arith.constant 1 : i32
      %dma_start3A_1109 = arith.constant 0 : i32
      %dma_start3A_1110 = arith.constant 384 : i32
      %dma_start3A_1111 = tpu.memref_slice %arg7[%dma_start3A_1108, %dma_start3A_1109, %dma_start3A_1110] : memref<2x32x513xf32, #tpu.memory_space<vmem>> -> memref<1x8x128xf32, #tpu.memory_space<vmem>>
      %dma_start3A_1112 = tpu.memref_squeeze %dma_start3A_1111 : memref<1x8x128xf32, #tpu.memory_space<vmem>> -> memref<8x128xf32, #tpu.memory_space<vmem>>
      %dma_start3A_1113 = arith.constant 0 : i32
      %dma_start3A_1114 = arith.constant 0 : i32
      %dma_start3A_1115 = tpu.memref_slice %arg4[%add3A_1107, %dma_start3A_1113, %dma_start3A_1114] : memref<25600x8x128xf32, #tpu.memory_space<hbm>> -> memref<1x8x128xf32, #tpu.memory_space<hbm>>
      %dma_start3A_1116 = tpu.memref_squeeze %dma_start3A_1115 : memref<1x8x128xf32, #tpu.memory_space<hbm>> -> memref<8x128xf32, #tpu.memory_space<hbm>>
      %dma_start3A_1117 = arith.constant 0 : i32
      %dma_start3A_1118 = arith.constant 0 : i32
      %dma_start3A_1119 = tpu.memref_slice %arg4[%add3A_1107, %dma_start3A_1117, %dma_start3A_1118] : memref<25600x8x128xf32, #tpu.memory_space<hbm>> -> memref<1x8x128xf32, #tpu.memory_space<hbm>>
      %dma_start3A_1120 = tpu.memref_squeeze %dma_start3A_1119 : memref<1x8x128xf32, #tpu.memory_space<hbm>> -> memref<8x128xf32, #tpu.memory_space<hbm>>
      %dma_start3A_1121 = arith.constant 0 : i32
      %dma_start3A_1122 = arith.constant 384 : i32
      %dma_start3A_1123 = tpu.memref_slice %arg7[%dma_start3A_1108, %dma_start3A_1121, %dma_start3A_1122] : memref<2x32x513xf32, #tpu.memory_space<vmem>> -> memref<1x8x128xf32, #tpu.memory_space<vmem>>
      %dma_start3A_1124 = tpu.memref_squeeze %dma_start3A_1123 : memref<1x8x128xf32, #tpu.memory_space<vmem>> -> memref<8x128xf32, #tpu.memory_space<vmem>>
      tpu.enqueue_dma source(%dma_start3A_1124 : memref<8x128xf32, #tpu.memory_space<vmem>>) target(%dma_start3A_1120 : memref<8x128xf32, #tpu.memory_space<hbm>>) target_semaphore(%arg11 : memref<!tpu.dma_semaphore, #tpu.memory_space<semaphore_mem>>)
      %mul3A_1125 = arith.constant 4 : i32
      %mul3A_1126 = arith.muli %select_n3A_1038, %mul3A_1125 : i32
      %add3A_1127 = arith.constant 1 : i32
      %add3A_1128 = arith.addi %mul3A_1126, %add3A_1127 : i32
      %mul3A_1129 = arith.constant 128 : i32
      %mul3A_1130 = arith.muli %add3A_1128, %mul3A_1129 : i32
      %add3A_1131 = arith.addi %mul3A_1130, %sub3A_1041 : i32
      %add3A_1132 = arith.constant 0 : i32
      %add3A_1133 = arith.addi %add3A_1131, %add3A_1132 : i32
      %dma_start3A_1134 = arith.constant 1 : i32
      %dma_start3A_1135 = arith.constant 8 : i32
      %dma_start3A_1136 = arith.constant 0 : i32
      %dma_start3A_1137 = tpu.memref_slice %arg7[%dma_start3A_1134, %dma_start3A_1135, %dma_start3A_1136] : memref<2x32x513xf32, #tpu.memory_space<vmem>> -> memref<1x8x128xf32, #tpu.memory_space<vmem>>
      %dma_start3A_1138 = tpu.memref_squeeze %dma_start3A_1137 : memref<1x8x128xf32, #tpu.memory_space<vmem>> -> memref<8x128xf32, #tpu.memory_space<vmem>>
      %dma_start3A_1139 = arith.constant 0 : i32
      %dma_start3A_1140 = arith.constant 0 : i32
      %dma_start3A_1141 = tpu.memref_slice %arg4[%add3A_1133, %dma_start3A_1139, %dma_start3A_1140] : memref<25600x8x128xf32, #tpu.memory_space<hbm>> -> memref<1x8x128xf32, #tpu.memory_space<hbm>>
      %dma_start3A_1142 = tpu.memref_squeeze %dma_start3A_1141 : memref<1x8x128xf32, #tpu.memory_space<hbm>> -> memref<8x128xf32, #tpu.memory_space<hbm>>
      %dma_start3A_1143 = arith.constant 0 : i32
      %dma_start3A_1144 = arith.constant 0 : i32
      %dma_start3A_1145 = tpu.memref_slice %arg4[%add3A_1133, %dma_start3A_1143, %dma_start3A_1144] : memref<25600x8x128xf32, #tpu.memory_space<hbm>> -> memref<1x8x128xf32, #tpu.memory_space<hbm>>
      %dma_start3A_1146 = tpu.memref_squeeze %dma_start3A_1145 : memref<1x8x128xf32, #tpu.memory_space<hbm>> -> memref<8x128xf32, #tpu.memory_space<hbm>>
      %dma_start3A_1147 = arith.constant 8 : i32
      %dma_start3A_1148 = arith.constant 0 : i32
      %dma_start3A_1149 = tpu.memref_slice %arg7[%dma_start3A_1134, %dma_start3A_1147, %dma_start3A_1148] : memref<2x32x513xf32, #tpu.memory_space<vmem>> -> memref<1x8x128xf32, #tpu.memory_space<vmem>>
      %dma_start3A_1150 = tpu.memref_squeeze %dma_start3A_1149 : memref<1x8x128xf32, #tpu.memory_space<vmem>> -> memref<8x128xf32, #tpu.memory_space<vmem>>
      tpu.enqueue_dma source(%dma_start3A_1150 : memref<8x128xf32, #tpu.memory_space<vmem>>) target(%dma_start3A_1146 : memref<8x128xf32, #tpu.memory_space<hbm>>) target_semaphore(%arg11 : memref<!tpu.dma_semaphore, #tpu.memory_space<semaphore_mem>>)
      %add3A_1151 = arith.constant 1 : i32
      %add3A_1152 = arith.addi %add3A_1131, %add3A_1151 : i32
      %dma_start3A_1153 = arith.constant 1 : i32
      %dma_start3A_1154 = arith.constant 8 : i32
      %dma_start3A_1155 = arith.constant 128 : i32
      %dma_start3A_1156 = tpu.memref_slice %arg7[%dma_start3A_1153, %dma_start3A_1154, %dma_start3A_1155] : memref<2x32x513xf32, #tpu.memory_space<vmem>> -> memref<1x8x128xf32, #tpu.memory_space<vmem>>
      %dma_start3A_1157 = tpu.memref_squeeze %dma_start3A_1156 : memref<1x8x128xf32, #tpu.memory_space<vmem>> -> memref<8x128xf32, #tpu.memory_space<vmem>>
      %dma_start3A_1158 = arith.constant 0 : i32
      %dma_start3A_1159 = arith.constant 0 : i32
      %dma_start3A_1160 = tpu.memref_slice %arg4[%add3A_1152, %dma_start3A_1158, %dma_start3A_1159] : memref<25600x8x128xf32, #tpu.memory_space<hbm>> -> memref<1x8x128xf32, #tpu.memory_space<hbm>>
      %dma_start3A_1161 = tpu.memref_squeeze %dma_start3A_1160 : memref<1x8x128xf32, #tpu.memory_space<hbm>> -> memref<8x128xf32, #tpu.memory_space<hbm>>
      %dma_start3A_1162 = arith.constant 0 : i32
      %dma_start3A_1163 = arith.constant 0 : i32
      %dma_start3A_1164 = tpu.memref_slice %arg4[%add3A_1152, %dma_start3A_1162, %dma_start3A_1163] : memref<25600x8x128xf32, #tpu.memory_space<hbm>> -> memref<1x8x128xf32, #tpu.memory_space<hbm>>
      %dma_start3A_1165 = tpu.memref_squeeze %dma_start3A_1164 : memref<1x8x128xf32, #tpu.memory_space<hbm>> -> memref<8x128xf32, #tpu.memory_space<hbm>>
      %dma_start3A_1166 = arith.constant 8 : i32
      %dma_start3A_1167 = arith.constant 128 : i32
      %dma_start3A_1168 = tpu.memref_slice %arg7[%dma_start3A_1153, %dma_start3A_1166, %dma_start3A_1167] : memref<2x32x513xf32, #tpu.memory_space<vmem>> -> memref<1x8x128xf32, #tpu.memory_space<vmem>>
      %dma_start3A_1169 = tpu.memref_squeeze %dma_start3A_1168 : memref<1x8x128xf32, #tpu.memory_space<vmem>> -> memref<8x128xf32, #tpu.memory_space<vmem>>
      tpu.enqueue_dma source(%dma_start3A_1169 : memref<8x128xf32, #tpu.memory_space<vmem>>) target(%dma_start3A_1165 : memref<8x128xf32, #tpu.memory_space<hbm>>) target_semaphore(%arg11 : memref<!tpu.dma_semaphore, #tpu.memory_space<semaphore_mem>>)
      %add3A_1170 = arith.constant 2 : i32
      %add3A_1171 = arith.addi %add3A_1131, %add3A_1170 : i32
      %dma_start3A_1172 = arith.constant 1 : i32
      %dma_start3A_1173 = arith.constant 8 : i32
      %dma_start3A_1174 = arith.constant 256 : i32
      %dma_start3A_1175 = tpu.memref_slice %arg7[%dma_start3A_1172, %dma_start3A_1173, %dma_start3A_1174] : memref<2x32x513xf32, #tpu.memory_space<vmem>> -> memref<1x8x128xf32, #tpu.memory_space<vmem>>
      %dma_start3A_1176 = tpu.memref_squeeze %dma_start3A_1175 : memref<1x8x128xf32, #tpu.memory_space<vmem>> -> memref<8x128xf32, #tpu.memory_space<vmem>>
      %dma_start3A_1177 = arith.constant 0 : i32
      %dma_start3A_1178 = arith.constant 0 : i32
      %dma_start3A_1179 = tpu.memref_slice %arg4[%add3A_1171, %dma_start3A_1177, %dma_start3A_1178] : memref<25600x8x128xf32, #tpu.memory_space<hbm>> -> memref<1x8x128xf32, #tpu.memory_space<hbm>>
      %dma_start3A_1180 = tpu.memref_squeeze %dma_start3A_1179 : memref<1x8x128xf32, #tpu.memory_space<hbm>> -> memref<8x128xf32, #tpu.memory_space<hbm>>
      %dma_start3A_1181 = arith.constant 0 : i32
      %dma_start3A_1182 = arith.constant 0 : i32
      %dma_start3A_1183 = tpu.memref_slice %arg4[%add3A_1171, %dma_start3A_1181, %dma_start3A_1182] : memref<25600x8x128xf32, #tpu.memory_space<hbm>> -> memref<1x8x128xf32, #tpu.memory_space<hbm>>
      %dma_start3A_1184 = tpu.memref_squeeze %dma_start3A_1183 : memref<1x8x128xf32, #tpu.memory_space<hbm>> -> memref<8x128xf32, #tpu.memory_space<hbm>>
      %dma_start3A_1185 = arith.constant 8 : i32
      %dma_start3A_1186 = arith.constant 256 : i32
      %dma_start3A_1187 = tpu.memref_slice %arg7[%dma_start3A_1172, %dma_start3A_1185, %dma_start3A_1186] : memref<2x32x513xf32, #tpu.memory_space<vmem>> -> memref<1x8x128xf32, #tpu.memory_space<vmem>>
      %dma_start3A_1188 = tpu.memref_squeeze %dma_start3A_1187 : memref<1x8x128xf32, #tpu.memory_space<vmem>> -> memref<8x128xf32, #tpu.memory_space<vmem>>
      tpu.enqueue_dma source(%dma_start3A_1188 : memref<8x128xf32, #tpu.memory_space<vmem>>) target(%dma_start3A_1184 : memref<8x128xf32, #tpu.memory_space<hbm>>) target_semaphore(%arg11 : memref<!tpu.dma_semaphore, #tpu.memory_space<semaphore_mem>>)
      %add3A_1189 = arith.constant 3 : i32
      %add3A_1190 = arith.addi %add3A_1131, %add3A_1189 : i32
      %dma_start3A_1191 = arith.constant 1 : i32
      %dma_start3A_1192 = arith.constant 8 : i32
      %dma_start3A_1193 = arith.constant 384 : i32
      %dma_start3A_1194 = tpu.memref_slice %arg7[%dma_start3A_1191, %dma_start3A_1192, %dma_start3A_1193] : memref<2x32x513xf32, #tpu.memory_space<vmem>> -> memref<1x8x128xf32, #tpu.memory_space<vmem>>
      %dma_start3A_1195 = tpu.memref_squeeze %dma_start3A_1194 : memref<1x8x128xf32, #tpu.memory_space<vmem>> -> memref<8x128xf32, #tpu.memory_space<vmem>>
      %dma_start3A_1196 = arith.constant 0 : i32
      %dma_start3A_1197 = arith.constant 0 : i32
      %dma_start3A_1198 = tpu.memref_slice %arg4[%add3A_1190, %dma_start3A_1196, %dma_start3A_1197] : memref<25600x8x128xf32, #tpu.memory_space<hbm>> -> memref<1x8x128xf32, #tpu.memory_space<hbm>>
      %dma_start3A_1199 = tpu.memref_squeeze %dma_start3A_1198 : memref<1x8x128xf32, #tpu.memory_space<hbm>> -> memref<8x128xf32, #tpu.memory_space<hbm>>
      %dma_start3A_1200 = arith.constant 0 : i32
      %dma_start3A_1201 = arith.constant 0 : i32
      %dma_start3A_1202 = tpu.memref_slice %arg4[%add3A_1190, %dma_start3A_1200, %dma_start3A_1201] : memref<25600x8x128xf32, #tpu.memory_space<hbm>> -> memref<1x8x128xf32, #tpu.memory_space<hbm>>
      %dma_start3A_1203 = tpu.memref_squeeze %dma_start3A_1202 : memref<1x8x128xf32, #tpu.memory_space<hbm>> -> memref<8x128xf32, #tpu.memory_space<hbm>>
      %dma_start3A_1204 = arith.constant 8 : i32
      %dma_start3A_1205 = arith.constant 384 : i32
      %dma_start3A_1206 = tpu.memref_slice %arg7[%dma_start3A_1191, %dma_start3A_1204, %dma_start3A_1205] : memref<2x32x513xf32, #tpu.memory_space<vmem>> -> memref<1x8x128xf32, #tpu.memory_space<vmem>>
      %dma_start3A_1207 = tpu.memref_squeeze %dma_start3A_1206 : memref<1x8x128xf32, #tpu.memory_space<vmem>> -> memref<8x128xf32, #tpu.memory_space<vmem>>
      tpu.enqueue_dma source(%dma_start3A_1207 : memref<8x128xf32, #tpu.memory_space<vmem>>) target(%dma_start3A_1203 : memref<8x128xf32, #tpu.memory_space<hbm>>) target_semaphore(%arg11 : memref<!tpu.dma_semaphore, #tpu.memory_space<semaphore_mem>>)
      %mul3A_1208 = arith.constant 4 : i32
      %mul3A_1209 = arith.muli %select_n3A_1038, %mul3A_1208 : i32
      %add3A_1210 = arith.constant 2 : i32
      %add3A_1211 = arith.addi %mul3A_1209, %add3A_1210 : i32
      %mul3A_1212 = arith.constant 128 : i32
      %mul3A_1213 = arith.muli %add3A_1211, %mul3A_1212 : i32
      %add3A_1214 = arith.addi %mul3A_1213, %sub3A_1041 : i32
      %add3A_1215 = arith.constant 0 : i32
      %add3A_1216 = arith.addi %add3A_1214, %add3A_1215 : i32
      %dma_start3A_1217 = arith.constant 1 : i32
      %dma_start3A_1218 = arith.constant 16 : i32
      %dma_start3A_1219 = arith.constant 0 : i32
      %dma_start3A_1220 = tpu.memref_slice %arg7[%dma_start3A_1217, %dma_start3A_1218, %dma_start3A_1219] : memref<2x32x513xf32, #tpu.memory_space<vmem>> -> memref<1x8x128xf32, #tpu.memory_space<vmem>>
      %dma_start3A_1221 = tpu.memref_squeeze %dma_start3A_1220 : memref<1x8x128xf32, #tpu.memory_space<vmem>> -> memref<8x128xf32, #tpu.memory_space<vmem>>
      %dma_start3A_1222 = arith.constant 0 : i32
      %dma_start3A_1223 = arith.constant 0 : i32
      %dma_start3A_1224 = tpu.memref_slice %arg4[%add3A_1216, %dma_start3A_1222, %dma_start3A_1223] : memref<25600x8x128xf32, #tpu.memory_space<hbm>> -> memref<1x8x128xf32, #tpu.memory_space<hbm>>
      %dma_start3A_1225 = tpu.memref_squeeze %dma_start3A_1224 : memref<1x8x128xf32, #tpu.memory_space<hbm>> -> memref<8x128xf32, #tpu.memory_space<hbm>>
      %dma_start3A_1226 = arith.constant 0 : i32
      %dma_start3A_1227 = arith.constant 0 : i32
      %dma_start3A_1228 = tpu.memref_slice %arg4[%add3A_1216, %dma_start3A_1226, %dma_start3A_1227] : memref<25600x8x128xf32, #tpu.memory_space<hbm>> -> memref<1x8x128xf32, #tpu.memory_space<hbm>>
      %dma_start3A_1229 = tpu.memref_squeeze %dma_start3A_1228 : memref<1x8x128xf32, #tpu.memory_space<hbm>> -> memref<8x128xf32, #tpu.memory_space<hbm>>
      %dma_start3A_1230 = arith.constant 16 : i32
      %dma_start3A_1231 = arith.constant 0 : i32
      %dma_start3A_1232 = tpu.memref_slice %arg7[%dma_start3A_1217, %dma_start3A_1230, %dma_start3A_1231] : memref<2x32x513xf32, #tpu.memory_space<vmem>> -> memref<1x8x128xf32, #tpu.memory_space<vmem>>
      %dma_start3A_1233 = tpu.memref_squeeze %dma_start3A_1232 : memref<1x8x128xf32, #tpu.memory_space<vmem>> -> memref<8x128xf32, #tpu.memory_space<vmem>>
      tpu.enqueue_dma source(%dma_start3A_1233 : memref<8x128xf32, #tpu.memory_space<vmem>>) target(%dma_start3A_1229 : memref<8x128xf32, #tpu.memory_space<hbm>>) target_semaphore(%arg11 : memref<!tpu.dma_semaphore, #tpu.memory_space<semaphore_mem>>)
      %add3A_1234 = arith.constant 1 : i32
      %add3A_1235 = arith.addi %add3A_1214, %add3A_1234 : i32
      %dma_start3A_1236 = arith.constant 1 : i32
      %dma_start3A_1237 = arith.constant 16 : i32
      %dma_start3A_1238 = arith.constant 128 : i32
      %dma_start3A_1239 = tpu.memref_slice %arg7[%dma_start3A_1236, %dma_start3A_1237, %dma_start3A_1238] : memref<2x32x513xf32, #tpu.memory_space<vmem>> -> memref<1x8x128xf32, #tpu.memory_space<vmem>>
      %dma_start3A_1240 = tpu.memref_squeeze %dma_start3A_1239 : memref<1x8x128xf32, #tpu.memory_space<vmem>> -> memref<8x128xf32, #tpu.memory_space<vmem>>
      %dma_start3A_1241 = arith.constant 0 : i32
      %dma_start3A_1242 = arith.constant 0 : i32
      %dma_start3A_1243 = tpu.memref_slice %arg4[%add3A_1235, %dma_start3A_1241, %dma_start3A_1242] : memref<25600x8x128xf32, #tpu.memory_space<hbm>> -> memref<1x8x128xf32, #tpu.memory_space<hbm>>
      %dma_start3A_1244 = tpu.memref_squeeze %dma_start3A_1243 : memref<1x8x128xf32, #tpu.memory_space<hbm>> -> memref<8x128xf32, #tpu.memory_space<hbm>>
      %dma_start3A_1245 = arith.constant 0 : i32
      %dma_start3A_1246 = arith.constant 0 : i32
      %dma_start3A_1247 = tpu.memref_slice %arg4[%add3A_1235, %dma_start3A_1245, %dma_start3A_1246] : memref<25600x8x128xf32, #tpu.memory_space<hbm>> -> memref<1x8x128xf32, #tpu.memory_space<hbm>>
      %dma_start3A_1248 = tpu.memref_squeeze %dma_start3A_1247 : memref<1x8x128xf32, #tpu.memory_space<hbm>> -> memref<8x128xf32, #tpu.memory_space<hbm>>
      %dma_start3A_1249 = arith.constant 16 : i32
      %dma_start3A_1250 = arith.constant 128 : i32
      %dma_start3A_1251 = tpu.memref_slice %arg7[%dma_start3A_1236, %dma_start3A_1249, %dma_start3A_1250] : memref<2x32x513xf32, #tpu.memory_space<vmem>> -> memref<1x8x128xf32, #tpu.memory_space<vmem>>
      %dma_start3A_1252 = tpu.memref_squeeze %dma_start3A_1251 : memref<1x8x128xf32, #tpu.memory_space<vmem>> -> memref<8x128xf32, #tpu.memory_space<vmem>>
      tpu.enqueue_dma source(%dma_start3A_1252 : memref<8x128xf32, #tpu.memory_space<vmem>>) target(%dma_start3A_1248 : memref<8x128xf32, #tpu.memory_space<hbm>>) target_semaphore(%arg11 : memref<!tpu.dma_semaphore, #tpu.memory_space<semaphore_mem>>)
      %add3A_1253 = arith.constant 2 : i32
      %add3A_1254 = arith.addi %add3A_1214, %add3A_1253 : i32
      %dma_start3A_1255 = arith.constant 1 : i32
      %dma_start3A_1256 = arith.constant 16 : i32
      %dma_start3A_1257 = arith.constant 256 : i32
      %dma_start3A_1258 = tpu.memref_slice %arg7[%dma_start3A_1255, %dma_start3A_1256, %dma_start3A_1257] : memref<2x32x513xf32, #tpu.memory_space<vmem>> -> memref<1x8x128xf32, #tpu.memory_space<vmem>>
      %dma_start3A_1259 = tpu.memref_squeeze %dma_start3A_1258 : memref<1x8x128xf32, #tpu.memory_space<vmem>> -> memref<8x128xf32, #tpu.memory_space<vmem>>
      %dma_start3A_1260 = arith.constant 0 : i32
      %dma_start3A_1261 = arith.constant 0 : i32
      %dma_start3A_1262 = tpu.memref_slice %arg4[%add3A_1254, %dma_start3A_1260, %dma_start3A_1261] : memref<25600x8x128xf32, #tpu.memory_space<hbm>> -> memref<1x8x128xf32, #tpu.memory_space<hbm>>
      %dma_start3A_1263 = tpu.memref_squeeze %dma_start3A_1262 : memref<1x8x128xf32, #tpu.memory_space<hbm>> -> memref<8x128xf32, #tpu.memory_space<hbm>>
      %dma_start3A_1264 = arith.constant 0 : i32
      %dma_start3A_1265 = arith.constant 0 : i32
      %dma_start3A_1266 = tpu.memref_slice %arg4[%add3A_1254, %dma_start3A_1264, %dma_start3A_1265] : memref<25600x8x128xf32, #tpu.memory_space<hbm>> -> memref<1x8x128xf32, #tpu.memory_space<hbm>>
      %dma_start3A_1267 = tpu.memref_squeeze %dma_start3A_1266 : memref<1x8x128xf32, #tpu.memory_space<hbm>> -> memref<8x128xf32, #tpu.memory_space<hbm>>
      %dma_start3A_1268 = arith.constant 16 : i32
      %dma_start3A_1269 = arith.constant 256 : i32
      %dma_start3A_1270 = tpu.memref_slice %arg7[%dma_start3A_1255, %dma_start3A_1268, %dma_start3A_1269] : memref<2x32x513xf32, #tpu.memory_space<vmem>> -> memref<1x8x128xf32, #tpu.memory_space<vmem>>
      %dma_start3A_1271 = tpu.memref_squeeze %dma_start3A_1270 : memref<1x8x128xf32, #tpu.memory_space<vmem>> -> memref<8x128xf32, #tpu.memory_space<vmem>>
      tpu.enqueue_dma source(%dma_start3A_1271 : memref<8x128xf32, #tpu.memory_space<vmem>>) target(%dma_start3A_1267 : memref<8x128xf32, #tpu.memory_space<hbm>>) target_semaphore(%arg11 : memref<!tpu.dma_semaphore, #tpu.memory_space<semaphore_mem>>)
      %add3A_1272 = arith.constant 3 : i32
      %add3A_1273 = arith.addi %add3A_1214, %add3A_1272 : i32
      %dma_start3A_1274 = arith.constant 1 : i32
      %dma_start3A_1275 = arith.constant 16 : i32
      %dma_start3A_1276 = arith.constant 384 : i32
      %dma_start3A_1277 = tpu.memref_slice %arg7[%dma_start3A_1274, %dma_start3A_1275, %dma_start3A_1276] : memref<2x32x513xf32, #tpu.memory_space<vmem>> -> memref<1x8x128xf32, #tpu.memory_space<vmem>>
      %dma_start3A_1278 = tpu.memref_squeeze %dma_start3A_1277 : memref<1x8x128xf32, #tpu.memory_space<vmem>> -> memref<8x128xf32, #tpu.memory_space<vmem>>
      %dma_start3A_1279 = arith.constant 0 : i32
      %dma_start3A_1280 = arith.constant 0 : i32
      %dma_start3A_1281 = tpu.memref_slice %arg4[%add3A_1273, %dma_start3A_1279, %dma_start3A_1280] : memref<25600x8x128xf32, #tpu.memory_space<hbm>> -> memref<1x8x128xf32, #tpu.memory_space<hbm>>
      %dma_start3A_1282 = tpu.memref_squeeze %dma_start3A_1281 : memref<1x8x128xf32, #tpu.memory_space<hbm>> -> memref<8x128xf32, #tpu.memory_space<hbm>>
      %dma_start3A_1283 = arith.constant 0 : i32
      %dma_start3A_1284 = arith.constant 0 : i32
      %dma_start3A_1285 = tpu.memref_slice %arg4[%add3A_1273, %dma_start3A_1283, %dma_start3A_1284] : memref<25600x8x128xf32, #tpu.memory_space<hbm>> -> memref<1x8x128xf32, #tpu.memory_space<hbm>>
      %dma_start3A_1286 = tpu.memref_squeeze %dma_start3A_1285 : memref<1x8x128xf32, #tpu.memory_space<hbm>> -> memref<8x128xf32, #tpu.memory_space<hbm>>
      %dma_start3A_1287 = arith.constant 16 : i32
      %dma_start3A_1288 = arith.constant 384 : i32
      %dma_start3A_1289 = tpu.memref_slice %arg7[%dma_start3A_1274, %dma_start3A_1287, %dma_start3A_1288] : memref<2x32x513xf32, #tpu.memory_space<vmem>> -> memref<1x8x128xf32, #tpu.memory_space<vmem>>
      %dma_start3A_1290 = tpu.memref_squeeze %dma_start3A_1289 : memref<1x8x128xf32, #tpu.memory_space<vmem>> -> memref<8x128xf32, #tpu.memory_space<vmem>>
      tpu.enqueue_dma source(%dma_start3A_1290 : memref<8x128xf32, #tpu.memory_space<vmem>>) target(%dma_start3A_1286 : memref<8x128xf32, #tpu.memory_space<hbm>>) target_semaphore(%arg11 : memref<!tpu.dma_semaphore, #tpu.memory_space<semaphore_mem>>)
      %mul3A_1291 = arith.constant 4 : i32
      %mul3A_1292 = arith.muli %select_n3A_1038, %mul3A_1291 : i32
      %add3A_1293 = arith.constant 3 : i32
      %add3A_1294 = arith.addi %mul3A_1292, %add3A_1293 : i32
      %mul3A_1295 = arith.constant 128 : i32
      %mul3A_1296 = arith.muli %add3A_1294, %mul3A_1295 : i32
      %add3A_1297 = arith.addi %mul3A_1296, %sub3A_1041 : i32
      %add3A_1298 = arith.constant 0 : i32
      %add3A_1299 = arith.addi %add3A_1297, %add3A_1298 : i32
      %dma_start3A_1300 = arith.constant 1 : i32
      %dma_start3A_1301 = arith.constant 24 : i32
      %dma_start3A_1302 = arith.constant 0 : i32
      %dma_start3A_1303 = tpu.memref_slice %arg7[%dma_start3A_1300, %dma_start3A_1301, %dma_start3A_1302] : memref<2x32x513xf32, #tpu.memory_space<vmem>> -> memref<1x8x128xf32, #tpu.memory_space<vmem>>
      %dma_start3A_1304 = tpu.memref_squeeze %dma_start3A_1303 : memref<1x8x128xf32, #tpu.memory_space<vmem>> -> memref<8x128xf32, #tpu.memory_space<vmem>>
      %dma_start3A_1305 = arith.constant 0 : i32
      %dma_start3A_1306 = arith.constant 0 : i32
      %dma_start3A_1307 = tpu.memref_slice %arg4[%add3A_1299, %dma_start3A_1305, %dma_start3A_1306] : memref<25600x8x128xf32, #tpu.memory_space<hbm>> -> memref<1x8x128xf32, #tpu.memory_space<hbm>>
      %dma_start3A_1308 = tpu.memref_squeeze %dma_start3A_1307 : memref<1x8x128xf32, #tpu.memory_space<hbm>> -> memref<8x128xf32, #tpu.memory_space<hbm>>
      %dma_start3A_1309 = arith.constant 0 : i32
      %dma_start3A_1310 = arith.constant 0 : i32
      %dma_start3A_1311 = tpu.memref_slice %arg4[%add3A_1299, %dma_start3A_1309, %dma_start3A_1310] : memref<25600x8x128xf32, #tpu.memory_space<hbm>> -> memref<1x8x128xf32, #tpu.memory_space<hbm>>
      %dma_start3A_1312 = tpu.memref_squeeze %dma_start3A_1311 : memref<1x8x128xf32, #tpu.memory_space<hbm>> -> memref<8x128xf32, #tpu.memory_space<hbm>>
      %dma_start3A_1313 = arith.constant 24 : i32
      %dma_start3A_1314 = arith.constant 0 : i32
      %dma_start3A_1315 = tpu.memref_slice %arg7[%dma_start3A_1300, %dma_start3A_1313, %dma_start3A_1314] : memref<2x32x513xf32, #tpu.memory_space<vmem>> -> memref<1x8x128xf32, #tpu.memory_space<vmem>>
      %dma_start3A_1316 = tpu.memref_squeeze %dma_start3A_1315 : memref<1x8x128xf32, #tpu.memory_space<vmem>> -> memref<8x128xf32, #tpu.memory_space<vmem>>
      tpu.enqueue_dma source(%dma_start3A_1316 : memref<8x128xf32, #tpu.memory_space<vmem>>) target(%dma_start3A_1312 : memref<8x128xf32, #tpu.memory_space<hbm>>) target_semaphore(%arg11 : memref<!tpu.dma_semaphore, #tpu.memory_space<semaphore_mem>>)
      %add3A_1317 = arith.constant 1 : i32
      %add3A_1318 = arith.addi %add3A_1297, %add3A_1317 : i32
      %dma_start3A_1319 = arith.constant 1 : i32
      %dma_start3A_1320 = arith.constant 24 : i32
      %dma_start3A_1321 = arith.constant 128 : i32
      %dma_start3A_1322 = tpu.memref_slice %arg7[%dma_start3A_1319, %dma_start3A_1320, %dma_start3A_1321] : memref<2x32x513xf32, #tpu.memory_space<vmem>> -> memref<1x8x128xf32, #tpu.memory_space<vmem>>
      %dma_start3A_1323 = tpu.memref_squeeze %dma_start3A_1322 : memref<1x8x128xf32, #tpu.memory_space<vmem>> -> memref<8x128xf32, #tpu.memory_space<vmem>>
      %dma_start3A_1324 = arith.constant 0 : i32
      %dma_start3A_1325 = arith.constant 0 : i32
      %dma_start3A_1326 = tpu.memref_slice %arg4[%add3A_1318, %dma_start3A_1324, %dma_start3A_1325] : memref<25600x8x128xf32, #tpu.memory_space<hbm>> -> memref<1x8x128xf32, #tpu.memory_space<hbm>>
      %dma_start3A_1327 = tpu.memref_squeeze %dma_start3A_1326 : memref<1x8x128xf32, #tpu.memory_space<hbm>> -> memref<8x128xf32, #tpu.memory_space<hbm>>
      %dma_start3A_1328 = arith.constant 0 : i32
      %dma_start3A_1329 = arith.constant 0 : i32
      %dma_start3A_1330 = tpu.memref_slice %arg4[%add3A_1318, %dma_start3A_1328, %dma_start3A_1329] : memref<25600x8x128xf32, #tpu.memory_space<hbm>> -> memref<1x8x128xf32, #tpu.memory_space<hbm>>
      %dma_start3A_1331 = tpu.memref_squeeze %dma_start3A_1330 : memref<1x8x128xf32, #tpu.memory_space<hbm>> -> memref<8x128xf32, #tpu.memory_space<hbm>>
      %dma_start3A_1332 = arith.constant 24 : i32
      %dma_start3A_1333 = arith.constant 128 : i32
      %dma_start3A_1334 = tpu.memref_slice %arg7[%dma_start3A_1319, %dma_start3A_1332, %dma_start3A_1333] : memref<2x32x513xf32, #tpu.memory_space<vmem>> -> memref<1x8x128xf32, #tpu.memory_space<vmem>>
      %dma_start3A_1335 = tpu.memref_squeeze %dma_start3A_1334 : memref<1x8x128xf32, #tpu.memory_space<vmem>> -> memref<8x128xf32, #tpu.memory_space<vmem>>
      tpu.enqueue_dma source(%dma_start3A_1335 : memref<8x128xf32, #tpu.memory_space<vmem>>) target(%dma_start3A_1331 : memref<8x128xf32, #tpu.memory_space<hbm>>) target_semaphore(%arg11 : memref<!tpu.dma_semaphore, #tpu.memory_space<semaphore_mem>>)
      %add3A_1336 = arith.constant 2 : i32
      %add3A_1337 = arith.addi %add3A_1297, %add3A_1336 : i32
      %dma_start3A_1338 = arith.constant 1 : i32
      %dma_start3A_1339 = arith.constant 24 : i32
      %dma_start3A_1340 = arith.constant 256 : i32
      %dma_start3A_1341 = tpu.memref_slice %arg7[%dma_start3A_1338, %dma_start3A_1339, %dma_start3A_1340] : memref<2x32x513xf32, #tpu.memory_space<vmem>> -> memref<1x8x128xf32, #tpu.memory_space<vmem>>
      %dma_start3A_1342 = tpu.memref_squeeze %dma_start3A_1341 : memref<1x8x128xf32, #tpu.memory_space<vmem>> -> memref<8x128xf32, #tpu.memory_space<vmem>>
      %dma_start3A_1343 = arith.constant 0 : i32
      %dma_start3A_1344 = arith.constant 0 : i32
      %dma_start3A_1345 = tpu.memref_slice %arg4[%add3A_1337, %dma_start3A_1343, %dma_start3A_1344] : memref<25600x8x128xf32, #tpu.memory_space<hbm>> -> memref<1x8x128xf32, #tpu.memory_space<hbm>>
      %dma_start3A_1346 = tpu.memref_squeeze %dma_start3A_1345 : memref<1x8x128xf32, #tpu.memory_space<hbm>> -> memref<8x128xf32, #tpu.memory_space<hbm>>
      %dma_start3A_1347 = arith.constant 0 : i32
      %dma_start3A_1348 = arith.constant 0 : i32
      %dma_start3A_1349 = tpu.memref_slice %arg4[%add3A_1337, %dma_start3A_1347, %dma_start3A_1348] : memref<25600x8x128xf32, #tpu.memory_space<hbm>> -> memref<1x8x128xf32, #tpu.memory_space<hbm>>
      %dma_start3A_1350 = tpu.memref_squeeze %dma_start3A_1349 : memref<1x8x128xf32, #tpu.memory_space<hbm>> -> memref<8x128xf32, #tpu.memory_space<hbm>>
      %dma_start3A_1351 = arith.constant 24 : i32
      %dma_start3A_1352 = arith.constant 256 : i32
      %dma_start3A_1353 = tpu.memref_slice %arg7[%dma_start3A_1338, %dma_start3A_1351, %dma_start3A_1352] : memref<2x32x513xf32, #tpu.memory_space<vmem>> -> memref<1x8x128xf32, #tpu.memory_space<vmem>>
      %dma_start3A_1354 = tpu.memref_squeeze %dma_start3A_1353 : memref<1x8x128xf32, #tpu.memory_space<vmem>> -> memref<8x128xf32, #tpu.memory_space<vmem>>
      tpu.enqueue_dma source(%dma_start3A_1354 : memref<8x128xf32, #tpu.memory_space<vmem>>) target(%dma_start3A_1350 : memref<8x128xf32, #tpu.memory_space<hbm>>) target_semaphore(%arg11 : memref<!tpu.dma_semaphore, #tpu.memory_space<semaphore_mem>>)
      %add3A_1355 = arith.constant 3 : i32
      %add3A_1356 = arith.addi %add3A_1297, %add3A_1355 : i32
      %dma_start3A_1357 = arith.constant 1 : i32
      %dma_start3A_1358 = arith.constant 24 : i32
      %dma_start3A_1359 = arith.constant 384 : i32
      %dma_start3A_1360 = tpu.memref_slice %arg7[%dma_start3A_1357, %dma_start3A_1358, %dma_start3A_1359] : memref<2x32x513xf32, #tpu.memory_space<vmem>> -> memref<1x8x128xf32, #tpu.memory_space<vmem>>
      %dma_start3A_1361 = tpu.memref_squeeze %dma_start3A_1360 : memref<1x8x128xf32, #tpu.memory_space<vmem>> -> memref<8x128xf32, #tpu.memory_space<vmem>>
      %dma_start3A_1362 = arith.constant 0 : i32
      %dma_start3A_1363 = arith.constant 0 : i32
      %dma_start3A_1364 = tpu.memref_slice %arg4[%add3A_1356, %dma_start3A_1362, %dma_start3A_1363] : memref<25600x8x128xf32, #tpu.memory_space<hbm>> -> memref<1x8x128xf32, #tpu.memory_space<hbm>>
      %dma_start3A_1365 = tpu.memref_squeeze %dma_start3A_1364 : memref<1x8x128xf32, #tpu.memory_space<hbm>> -> memref<8x128xf32, #tpu.memory_space<hbm>>
      %dma_start3A_1366 = arith.constant 0 : i32
      %dma_start3A_1367 = arith.constant 0 : i32
      %dma_start3A_1368 = tpu.memref_slice %arg4[%add3A_1356, %dma_start3A_1366, %dma_start3A_1367] : memref<25600x8x128xf32, #tpu.memory_space<hbm>> -> memref<1x8x128xf32, #tpu.memory_space<hbm>>
      %dma_start3A_1369 = tpu.memref_squeeze %dma_start3A_1368 : memref<1x8x128xf32, #tpu.memory_space<hbm>> -> memref<8x128xf32, #tpu.memory_space<hbm>>
      %dma_start3A_1370 = arith.constant 24 : i32
      %dma_start3A_1371 = arith.constant 384 : i32
      %dma_start3A_1372 = tpu.memref_slice %arg7[%dma_start3A_1357, %dma_start3A_1370, %dma_start3A_1371] : memref<2x32x513xf32, #tpu.memory_space<vmem>> -> memref<1x8x128xf32, #tpu.memory_space<vmem>>
      %dma_start3A_1373 = tpu.memref_squeeze %dma_start3A_1372 : memref<1x8x128xf32, #tpu.memory_space<vmem>> -> memref<8x128xf32, #tpu.memory_space<vmem>>
      tpu.enqueue_dma source(%dma_start3A_1373 : memref<8x128xf32, #tpu.memory_space<vmem>>) target(%dma_start3A_1369 : memref<8x128xf32, #tpu.memory_space<hbm>>) target_semaphore(%arg11 : memref<!tpu.dma_semaphore, #tpu.memory_space<semaphore_mem>>)
    }
    %scan3A_21 = arith.constant 25 : i32
    %dma_wait3A = arith.constant 0 : i32
    %dma_wait3A_22 = arith.constant 0 : i32
    %dma_wait3A_23 = arith.constant 0 : i32
    %dma_wait3A_24 = arith.constant 0 : i32
    %dma_wait3A_25 = tpu.memref_slice %arg7[%dma_wait3A, %dma_wait3A_23, %dma_wait3A_24] : memref<2x32x513xf32, #tpu.memory_space<vmem>> -> memref<1x8x128xf32, #tpu.memory_space<vmem>>
    %dma_wait3A_26 = tpu.memref_squeeze %dma_wait3A_25 : memref<1x8x128xf32, #tpu.memory_space<vmem>> -> memref<8x128xf32, #tpu.memory_space<vmem>>
    %dma_wait3A_27 = arith.constant 0 : i32
    %dma_wait3A_28 = arith.constant 0 : i32
    %dma_wait3A_29 = tpu.memref_slice %arg4[%dma_wait3A_22, %dma_wait3A_27, %dma_wait3A_28] : memref<25600x8x128xf32, #tpu.memory_space<hbm>> -> memref<1x8x128xf32, #tpu.memory_space<hbm>>
    %dma_wait3A_30 = tpu.memref_squeeze %dma_wait3A_29 : memref<1x8x128xf32, #tpu.memory_space<hbm>> -> memref<8x128xf32, #tpu.memory_space<hbm>>
    %dma_wait3A_31 = arith.constant 0 : i32
    %dma_wait3A_32 = arith.constant 0 : i32
    %dma_wait3A_33 = tpu.memref_slice %arg4[%dma_wait3A_22, %dma_wait3A_31, %dma_wait3A_32] : memref<25600x8x128xf32, #tpu.memory_space<hbm>> -> memref<1x8x128xf32, #tpu.memory_space<hbm>>
    %dma_wait3A_34 = tpu.memref_squeeze %dma_wait3A_33 : memref<1x8x128xf32, #tpu.memory_space<hbm>> -> memref<8x128xf32, #tpu.memory_space<hbm>>
    %dma_wait3A_35 = arith.constant 0 : i32
    %dma_wait3A_36 = arith.constant 0 : i32
    %dma_wait3A_37 = tpu.memref_slice %arg7[%dma_wait3A, %dma_wait3A_35, %dma_wait3A_36] : memref<2x32x513xf32, #tpu.memory_space<vmem>> -> memref<1x8x128xf32, #tpu.memory_space<vmem>>
    %dma_wait3A_38 = tpu.memref_squeeze %dma_wait3A_37 : memref<1x8x128xf32, #tpu.memory_space<vmem>> -> memref<8x128xf32, #tpu.memory_space<vmem>>
    tpu.wait_dma2 semaphore(%arg10 : memref<!tpu.dma_semaphore, #tpu.memory_space<semaphore_mem>>) src(%dma_wait3A_38 : memref<8x128xf32, #tpu.memory_space<vmem>>) dst(%dma_wait3A_34 : memref<8x128xf32, #tpu.memory_space<hbm>>)
    %dma_wait3A_39 = arith.constant 0 : i32
    %dma_wait3A_40 = arith.constant 0 : i32
    %dma_wait3A_41 = arith.constant 0 : i32
    %dma_wait3A_42 = arith.constant 0 : i32
    %dma_wait3A_43 = tpu.memref_slice %arg7[%dma_wait3A_39, %dma_wait3A_41, %dma_wait3A_42] : memref<2x32x513xf32, #tpu.memory_space<vmem>> -> memref<1x8x128xf32, #tpu.memory_space<vmem>>
    %dma_wait3A_44 = tpu.memref_squeeze %dma_wait3A_43 : memref<1x8x128xf32, #tpu.memory_space<vmem>> -> memref<8x128xf32, #tpu.memory_space<vmem>>
    %dma_wait3A_45 = arith.constant 0 : i32
    %dma_wait3A_46 = arith.constant 0 : i32
    %dma_wait3A_47 = tpu.memref_slice %arg4[%dma_wait3A_40, %dma_wait3A_45, %dma_wait3A_46] : memref<25600x8x128xf32, #tpu.memory_space<hbm>> -> memref<1x8x128xf32, #tpu.memory_space<hbm>>
    %dma_wait3A_48 = tpu.memref_squeeze %dma_wait3A_47 : memref<1x8x128xf32, #tpu.memory_space<hbm>> -> memref<8x128xf32, #tpu.memory_space<hbm>>
    %dma_wait3A_49 = arith.constant 0 : i32
    %dma_wait3A_50 = arith.constant 0 : i32
    %dma_wait3A_51 = tpu.memref_slice %arg4[%dma_wait3A_40, %dma_wait3A_49, %dma_wait3A_50] : memref<25600x8x128xf32, #tpu.memory_space<hbm>> -> memref<1x8x128xf32, #tpu.memory_space<hbm>>
    %dma_wait3A_52 = tpu.memref_squeeze %dma_wait3A_51 : memref<1x8x128xf32, #tpu.memory_space<hbm>> -> memref<8x128xf32, #tpu.memory_space<hbm>>
    %dma_wait3A_53 = arith.constant 0 : i32
    %dma_wait3A_54 = arith.constant 0 : i32
    %dma_wait3A_55 = tpu.memref_slice %arg7[%dma_wait3A_39, %dma_wait3A_53, %dma_wait3A_54] : memref<2x32x513xf32, #tpu.memory_space<vmem>> -> memref<1x8x128xf32, #tpu.memory_space<vmem>>
    %dma_wait3A_56 = tpu.memref_squeeze %dma_wait3A_55 : memref<1x8x128xf32, #tpu.memory_space<vmem>> -> memref<8x128xf32, #tpu.memory_space<vmem>>
    tpu.wait_dma2 semaphore(%arg10 : memref<!tpu.dma_semaphore, #tpu.memory_space<semaphore_mem>>) src(%dma_wait3A_56 : memref<8x128xf32, #tpu.memory_space<vmem>>) dst(%dma_wait3A_52 : memref<8x128xf32, #tpu.memory_space<hbm>>)
    %dma_wait3A_57 = arith.constant 0 : i32
    %dma_wait3A_58 = arith.constant 0 : i32
    %dma_wait3A_59 = arith.constant 0 : i32
    %dma_wait3A_60 = arith.constant 0 : i32
    %dma_wait3A_61 = tpu.memref_slice %arg7[%dma_wait3A_57, %dma_wait3A_59, %dma_wait3A_60] : memref<2x32x513xf32, #tpu.memory_space<vmem>> -> memref<1x8x128xf32, #tpu.memory_space<vmem>>
    %dma_wait3A_62 = tpu.memref_squeeze %dma_wait3A_61 : memref<1x8x128xf32, #tpu.memory_space<vmem>> -> memref<8x128xf32, #tpu.memory_space<vmem>>
    %dma_wait3A_63 = arith.constant 0 : i32
    %dma_wait3A_64 = arith.constant 0 : i32
    %dma_wait3A_65 = tpu.memref_slice %arg4[%dma_wait3A_58, %dma_wait3A_63, %dma_wait3A_64] : memref<25600x8x128xf32, #tpu.memory_space<hbm>> -> memref<1x8x128xf32, #tpu.memory_space<hbm>>
    %dma_wait3A_66 = tpu.memref_squeeze %dma_wait3A_65 : memref<1x8x128xf32, #tpu.memory_space<hbm>> -> memref<8x128xf32, #tpu.memory_space<hbm>>
    %dma_wait3A_67 = arith.constant 0 : i32
    %dma_wait3A_68 = arith.constant 0 : i32
    %dma_wait3A_69 = tpu.memref_slice %arg4[%dma_wait3A_58, %dma_wait3A_67, %dma_wait3A_68] : memref<25600x8x128xf32, #tpu.memory_space<hbm>> -> memref<1x8x128xf32, #tpu.memory_space<hbm>>
    %dma_wait3A_70 = tpu.memref_squeeze %dma_wait3A_69 : memref<1x8x128xf32, #tpu.memory_space<hbm>> -> memref<8x128xf32, #tpu.memory_space<hbm>>
    %dma_wait3A_71 = arith.constant 0 : i32
    %dma_wait3A_72 = arith.constant 0 : i32
    %dma_wait3A_73 = tpu.memref_slice %arg7[%dma_wait3A_57, %dma_wait3A_71, %dma_wait3A_72] : memref<2x32x513xf32, #tpu.memory_space<vmem>> -> memref<1x8x128xf32, #tpu.memory_space<vmem>>
    %dma_wait3A_74 = tpu.memref_squeeze %dma_wait3A_73 : memref<1x8x128xf32, #tpu.memory_space<vmem>> -> memref<8x128xf32, #tpu.memory_space<vmem>>
    tpu.wait_dma2 semaphore(%arg10 : memref<!tpu.dma_semaphore, #tpu.memory_space<semaphore_mem>>) src(%dma_wait3A_74 : memref<8x128xf32, #tpu.memory_space<vmem>>) dst(%dma_wait3A_70 : memref<8x128xf32, #tpu.memory_space<hbm>>)
    %dma_wait3A_75 = arith.constant 0 : i32
    %dma_wait3A_76 = arith.constant 0 : i32
    %dma_wait3A_77 = arith.constant 0 : i32
    %dma_wait3A_78 = arith.constant 0 : i32
    %dma_wait3A_79 = tpu.memref_slice %arg7[%dma_wait3A_75, %dma_wait3A_77, %dma_wait3A_78] : memref<2x32x513xf32, #tpu.memory_space<vmem>> -> memref<1x8x128xf32, #tpu.memory_space<vmem>>
    %dma_wait3A_80 = tpu.memref_squeeze %dma_wait3A_79 : memref<1x8x128xf32, #tpu.memory_space<vmem>> -> memref<8x128xf32, #tpu.memory_space<vmem>>
    %dma_wait3A_81 = arith.constant 0 : i32
    %dma_wait3A_82 = arith.constant 0 : i32
    %dma_wait3A_83 = tpu.memref_slice %arg4[%dma_wait3A_76, %dma_wait3A_81, %dma_wait3A_82] : memref<25600x8x128xf32, #tpu.memory_space<hbm>> -> memref<1x8x128xf32, #tpu.memory_space<hbm>>
    %dma_wait3A_84 = tpu.memref_squeeze %dma_wait3A_83 : memref<1x8x128xf32, #tpu.memory_space<hbm>> -> memref<8x128xf32, #tpu.memory_space<hbm>>
    %dma_wait3A_85 = arith.constant 0 : i32
    %dma_wait3A_86 = arith.constant 0 : i32
    %dma_wait3A_87 = tpu.memref_slice %arg4[%dma_wait3A_76, %dma_wait3A_85, %dma_wait3A_86] : memref<25600x8x128xf32, #tpu.memory_space<hbm>> -> memref<1x8x128xf32, #tpu.memory_space<hbm>>
    %dma_wait3A_88 = tpu.memref_squeeze %dma_wait3A_87 : memref<1x8x128xf32, #tpu.memory_space<hbm>> -> memref<8x128xf32, #tpu.memory_space<hbm>>
    %dma_wait3A_89 = arith.constant 0 : i32
    %dma_wait3A_90 = arith.constant 0 : i32
    %dma_wait3A_91 = tpu.memref_slice %arg7[%dma_wait3A_75, %dma_wait3A_89, %dma_wait3A_90] : memref<2x32x513xf32, #tpu.memory_space<vmem>> -> memref<1x8x128xf32, #tpu.memory_space<vmem>>
    %dma_wait3A_92 = tpu.memref_squeeze %dma_wait3A_91 : memref<1x8x128xf32, #tpu.memory_space<vmem>> -> memref<8x128xf32, #tpu.memory_space<vmem>>
    tpu.wait_dma2 semaphore(%arg10 : memref<!tpu.dma_semaphore, #tpu.memory_space<semaphore_mem>>) src(%dma_wait3A_92 : memref<8x128xf32, #tpu.memory_space<vmem>>) dst(%dma_wait3A_88 : memref<8x128xf32, #tpu.memory_space<hbm>>)
    %dma_wait3A_93 = arith.constant 0 : i32
    %dma_wait3A_94 = arith.constant 0 : i32
    %dma_wait3A_95 = arith.constant 0 : i32
    %dma_wait3A_96 = arith.constant 0 : i32
    %dma_wait3A_97 = tpu.memref_slice %arg7[%dma_wait3A_93, %dma_wait3A_95, %dma_wait3A_96] : memref<2x32x513xf32, #tpu.memory_space<vmem>> -> memref<1x8x128xf32, #tpu.memory_space<vmem>>
    %dma_wait3A_98 = tpu.memref_squeeze %dma_wait3A_97 : memref<1x8x128xf32, #tpu.memory_space<vmem>> -> memref<8x128xf32, #tpu.memory_space<vmem>>
    %dma_wait3A_99 = arith.constant 0 : i32
    %dma_wait3A_100 = arith.constant 0 : i32
    %dma_wait3A_101 = tpu.memref_slice %arg4[%dma_wait3A_94, %dma_wait3A_99, %dma_wait3A_100] : memref<25600x8x128xf32, #tpu.memory_space<hbm>> -> memref<1x8x128xf32, #tpu.memory_space<hbm>>
    %dma_wait3A_102 = tpu.memref_squeeze %dma_wait3A_101 : memref<1x8x128xf32, #tpu.memory_space<hbm>> -> memref<8x128xf32, #tpu.memory_space<hbm>>
    %dma_wait3A_103 = arith.constant 0 : i32
    %dma_wait3A_104 = arith.constant 0 : i32
    %dma_wait3A_105 = tpu.memref_slice %arg4[%dma_wait3A_94, %dma_wait3A_103, %dma_wait3A_104] : memref<25600x8x128xf32, #tpu.memory_space<hbm>> -> memref<1x8x128xf32, #tpu.memory_space<hbm>>
    %dma_wait3A_106 = tpu.memref_squeeze %dma_wait3A_105 : memref<1x8x128xf32, #tpu.memory_space<hbm>> -> memref<8x128xf32, #tpu.memory_space<hbm>>
    %dma_wait3A_107 = arith.constant 0 : i32
    %dma_wait3A_108 = arith.constant 0 : i32
    %dma_wait3A_109 = tpu.memref_slice %arg7[%dma_wait3A_93, %dma_wait3A_107, %dma_wait3A_108] : memref<2x32x513xf32, #tpu.memory_space<vmem>> -> memref<1x8x128xf32, #tpu.memory_space<vmem>>
    %dma_wait3A_110 = tpu.memref_squeeze %dma_wait3A_109 : memref<1x8x128xf32, #tpu.memory_space<vmem>> -> memref<8x128xf32, #tpu.memory_space<vmem>>
    tpu.wait_dma2 semaphore(%arg10 : memref<!tpu.dma_semaphore, #tpu.memory_space<semaphore_mem>>) src(%dma_wait3A_110 : memref<8x128xf32, #tpu.memory_space<vmem>>) dst(%dma_wait3A_106 : memref<8x128xf32, #tpu.memory_space<hbm>>)
    %dma_wait3A_111 = arith.constant 0 : i32
    %dma_wait3A_112 = arith.constant 0 : i32
    %dma_wait3A_113 = arith.constant 0 : i32
    %dma_wait3A_114 = arith.constant 0 : i32
    %dma_wait3A_115 = tpu.memref_slice %arg7[%dma_wait3A_111, %dma_wait3A_113, %dma_wait3A_114] : memref<2x32x513xf32, #tpu.memory_space<vmem>> -> memref<1x8x128xf32, #tpu.memory_space<vmem>>
    %dma_wait3A_116 = tpu.memref_squeeze %dma_wait3A_115 : memref<1x8x128xf32, #tpu.memory_space<vmem>> -> memref<8x128xf32, #tpu.memory_space<vmem>>
    %dma_wait3A_117 = arith.constant 0 : i32
    %dma_wait3A_118 = arith.constant 0 : i32
    %dma_wait3A_119 = tpu.memref_slice %arg4[%dma_wait3A_112, %dma_wait3A_117, %dma_wait3A_118] : memref<25600x8x128xf32, #tpu.memory_space<hbm>> -> memref<1x8x128xf32, #tpu.memory_space<hbm>>
    %dma_wait3A_120 = tpu.memref_squeeze %dma_wait3A_119 : memref<1x8x128xf32, #tpu.memory_space<hbm>> -> memref<8x128xf32, #tpu.memory_space<hbm>>
    %dma_wait3A_121 = arith.constant 0 : i32
    %dma_wait3A_122 = arith.constant 0 : i32
    %dma_wait3A_123 = tpu.memref_slice %arg4[%dma_wait3A_112, %dma_wait3A_121, %dma_wait3A_122] : memref<25600x8x128xf32, #tpu.memory_space<hbm>> -> memref<1x8x128xf32, #tpu.memory_space<hbm>>
    %dma_wait3A_124 = tpu.memref_squeeze %dma_wait3A_123 : memref<1x8x128xf32, #tpu.memory_space<hbm>> -> memref<8x128xf32, #tpu.memory_space<hbm>>
    %dma_wait3A_125 = arith.constant 0 : i32
    %dma_wait3A_126 = arith.constant 0 : i32
    %dma_wait3A_127 = tpu.memref_slice %arg7[%dma_wait3A_111, %dma_wait3A_125, %dma_wait3A_126] : memref<2x32x513xf32, #tpu.memory_space<vmem>> -> memref<1x8x128xf32, #tpu.memory_space<vmem>>
    %dma_wait3A_128 = tpu.memref_squeeze %dma_wait3A_127 : memref<1x8x128xf32, #tpu.memory_space<vmem>> -> memref<8x128xf32, #tpu.memory_space<vmem>>
    tpu.wait_dma2 semaphore(%arg10 : memref<!tpu.dma_semaphore, #tpu.memory_space<semaphore_mem>>) src(%dma_wait3A_128 : memref<8x128xf32, #tpu.memory_space<vmem>>) dst(%dma_wait3A_124 : memref<8x128xf32, #tpu.memory_space<hbm>>)
    %dma_wait3A_129 = arith.constant 0 : i32
    %dma_wait3A_130 = arith.constant 0 : i32
    %dma_wait3A_131 = arith.constant 0 : i32
    %dma_wait3A_132 = arith.constant 0 : i32
    %dma_wait3A_133 = tpu.memref_slice %arg7[%dma_wait3A_129, %dma_wait3A_131, %dma_wait3A_132] : memref<2x32x513xf32, #tpu.memory_space<vmem>> -> memref<1x8x128xf32, #tpu.memory_space<vmem>>
    %dma_wait3A_134 = tpu.memref_squeeze %dma_wait3A_133 : memref<1x8x128xf32, #tpu.memory_space<vmem>> -> memref<8x128xf32, #tpu.memory_space<vmem>>
    %dma_wait3A_135 = arith.constant 0 : i32
    %dma_wait3A_136 = arith.constant 0 : i32
    %dma_wait3A_137 = tpu.memref_slice %arg4[%dma_wait3A_130, %dma_wait3A_135, %dma_wait3A_136] : memref<25600x8x128xf32, #tpu.memory_space<hbm>> -> memref<1x8x128xf32, #tpu.memory_space<hbm>>
    %dma_wait3A_138 = tpu.memref_squeeze %dma_wait3A_137 : memref<1x8x128xf32, #tpu.memory_space<hbm>> -> memref<8x128xf32, #tpu.memory_space<hbm>>
    %dma_wait3A_139 = arith.constant 0 : i32
    %dma_wait3A_140 = arith.constant 0 : i32
    %dma_wait3A_141 = tpu.memref_slice %arg4[%dma_wait3A_130, %dma_wait3A_139, %dma_wait3A_140] : memref<25600x8x128xf32, #tpu.memory_space<hbm>> -> memref<1x8x128xf32, #tpu.memory_space<hbm>>
    %dma_wait3A_142 = tpu.memref_squeeze %dma_wait3A_141 : memref<1x8x128xf32, #tpu.memory_space<hbm>> -> memref<8x128xf32, #tpu.memory_space<hbm>>
    %dma_wait3A_143 = arith.constant 0 : i32
    %dma_wait3A_144 = arith.constant 0 : i32
    %dma_wait3A_145 = tpu.memref_slice %arg7[%dma_wait3A_129, %dma_wait3A_143, %dma_wait3A_144] : memref<2x32x513xf32, #tpu.memory_space<vmem>> -> memref<1x8x128xf32, #tpu.memory_space<vmem>>
    %dma_wait3A_146 = tpu.memref_squeeze %dma_wait3A_145 : memref<1x8x128xf32, #tpu.memory_space<vmem>> -> memref<8x128xf32, #tpu.memory_space<vmem>>
    tpu.wait_dma2 semaphore(%arg10 : memref<!tpu.dma_semaphore, #tpu.memory_space<semaphore_mem>>) src(%dma_wait3A_146 : memref<8x128xf32, #tpu.memory_space<vmem>>) dst(%dma_wait3A_142 : memref<8x128xf32, #tpu.memory_space<hbm>>)
    %dma_wait3A_147 = arith.constant 0 : i32
    %dma_wait3A_148 = arith.constant 0 : i32
    %dma_wait3A_149 = arith.constant 0 : i32
    %dma_wait3A_150 = arith.constant 0 : i32
    %dma_wait3A_151 = tpu.memref_slice %arg7[%dma_wait3A_147, %dma_wait3A_149, %dma_wait3A_150] : memref<2x32x513xf32, #tpu.memory_space<vmem>> -> memref<1x8x128xf32, #tpu.memory_space<vmem>>
    %dma_wait3A_152 = tpu.memref_squeeze %dma_wait3A_151 : memref<1x8x128xf32, #tpu.memory_space<vmem>> -> memref<8x128xf32, #tpu.memory_space<vmem>>
    %dma_wait3A_153 = arith.constant 0 : i32
    %dma_wait3A_154 = arith.constant 0 : i32
    %dma_wait3A_155 = tpu.memref_slice %arg4[%dma_wait3A_148, %dma_wait3A_153, %dma_wait3A_154] : memref<25600x8x128xf32, #tpu.memory_space<hbm>> -> memref<1x8x128xf32, #tpu.memory_space<hbm>>
    %dma_wait3A_156 = tpu.memref_squeeze %dma_wait3A_155 : memref<1x8x128xf32, #tpu.memory_space<hbm>> -> memref<8x128xf32, #tpu.memory_space<hbm>>
    %dma_wait3A_157 = arith.constant 0 : i32
    %dma_wait3A_158 = arith.constant 0 : i32
    %dma_wait3A_159 = tpu.memref_slice %arg4[%dma_wait3A_148, %dma_wait3A_157, %dma_wait3A_158] : memref<25600x8x128xf32, #tpu.memory_space<hbm>> -> memref<1x8x128xf32, #tpu.memory_space<hbm>>
    %dma_wait3A_160 = tpu.memref_squeeze %dma_wait3A_159 : memref<1x8x128xf32, #tpu.memory_space<hbm>> -> memref<8x128xf32, #tpu.memory_space<hbm>>
    %dma_wait3A_161 = arith.constant 0 : i32
    %dma_wait3A_162 = arith.constant 0 : i32
    %dma_wait3A_163 = tpu.memref_slice %arg7[%dma_wait3A_147, %dma_wait3A_161, %dma_wait3A_162] : memref<2x32x513xf32, #tpu.memory_space<vmem>> -> memref<1x8x128xf32, #tpu.memory_space<vmem>>
    %dma_wait3A_164 = tpu.memref_squeeze %dma_wait3A_163 : memref<1x8x128xf32, #tpu.memory_space<vmem>> -> memref<8x128xf32, #tpu.memory_space<vmem>>
    tpu.wait_dma2 semaphore(%arg10 : memref<!tpu.dma_semaphore, #tpu.memory_space<semaphore_mem>>) src(%dma_wait3A_164 : memref<8x128xf32, #tpu.memory_space<vmem>>) dst(%dma_wait3A_160 : memref<8x128xf32, #tpu.memory_space<hbm>>)
    %dma_wait3A_165 = arith.constant 0 : i32
    %dma_wait3A_166 = arith.constant 0 : i32
    %dma_wait3A_167 = arith.constant 0 : i32
    %dma_wait3A_168 = arith.constant 0 : i32
    %dma_wait3A_169 = tpu.memref_slice %arg7[%dma_wait3A_165, %dma_wait3A_167, %dma_wait3A_168] : memref<2x32x513xf32, #tpu.memory_space<vmem>> -> memref<1x8x128xf32, #tpu.memory_space<vmem>>
    %dma_wait3A_170 = tpu.memref_squeeze %dma_wait3A_169 : memref<1x8x128xf32, #tpu.memory_space<vmem>> -> memref<8x128xf32, #tpu.memory_space<vmem>>
    %dma_wait3A_171 = arith.constant 0 : i32
    %dma_wait3A_172 = arith.constant 0 : i32
    %dma_wait3A_173 = tpu.memref_slice %arg4[%dma_wait3A_166, %dma_wait3A_171, %dma_wait3A_172] : memref<25600x8x128xf32, #tpu.memory_space<hbm>> -> memref<1x8x128xf32, #tpu.memory_space<hbm>>
    %dma_wait3A_174 = tpu.memref_squeeze %dma_wait3A_173 : memref<1x8x128xf32, #tpu.memory_space<hbm>> -> memref<8x128xf32, #tpu.memory_space<hbm>>
    %dma_wait3A_175 = arith.constant 0 : i32
    %dma_wait3A_176 = arith.constant 0 : i32
    %dma_wait3A_177 = tpu.memref_slice %arg4[%dma_wait3A_166, %dma_wait3A_175, %dma_wait3A_176] : memref<25600x8x128xf32, #tpu.memory_space<hbm>> -> memref<1x8x128xf32, #tpu.memory_space<hbm>>
    %dma_wait3A_178 = tpu.memref_squeeze %dma_wait3A_177 : memref<1x8x128xf32, #tpu.memory_space<hbm>> -> memref<8x128xf32, #tpu.memory_space<hbm>>
    %dma_wait3A_179 = arith.constant 0 : i32
    %dma_wait3A_180 = arith.constant 0 : i32
    %dma_wait3A_181 = tpu.memref_slice %arg7[%dma_wait3A_165, %dma_wait3A_179, %dma_wait3A_180] : memref<2x32x513xf32, #tpu.memory_space<vmem>> -> memref<1x8x128xf32, #tpu.memory_space<vmem>>
    %dma_wait3A_182 = tpu.memref_squeeze %dma_wait3A_181 : memref<1x8x128xf32, #tpu.memory_space<vmem>> -> memref<8x128xf32, #tpu.memory_space<vmem>>
    tpu.wait_dma2 semaphore(%arg10 : memref<!tpu.dma_semaphore, #tpu.memory_space<semaphore_mem>>) src(%dma_wait3A_182 : memref<8x128xf32, #tpu.memory_space<vmem>>) dst(%dma_wait3A_178 : memref<8x128xf32, #tpu.memory_space<hbm>>)
    %dma_wait3A_183 = arith.constant 0 : i32
    %dma_wait3A_184 = arith.constant 0 : i32
    %dma_wait3A_185 = arith.constant 0 : i32
    %dma_wait3A_186 = arith.constant 0 : i32
    %dma_wait3A_187 = tpu.memref_slice %arg7[%dma_wait3A_183, %dma_wait3A_185, %dma_wait3A_186] : memref<2x32x513xf32, #tpu.memory_space<vmem>> -> memref<1x8x128xf32, #tpu.memory_space<vmem>>
    %dma_wait3A_188 = tpu.memref_squeeze %dma_wait3A_187 : memref<1x8x128xf32, #tpu.memory_space<vmem>> -> memref<8x128xf32, #tpu.memory_space<vmem>>
    %dma_wait3A_189 = arith.constant 0 : i32
    %dma_wait3A_190 = arith.constant 0 : i32
    %dma_wait3A_191 = tpu.memref_slice %arg4[%dma_wait3A_184, %dma_wait3A_189, %dma_wait3A_190] : memref<25600x8x128xf32, #tpu.memory_space<hbm>> -> memref<1x8x128xf32, #tpu.memory_space<hbm>>
    %dma_wait3A_192 = tpu.memref_squeeze %dma_wait3A_191 : memref<1x8x128xf32, #tpu.memory_space<hbm>> -> memref<8x128xf32, #tpu.memory_space<hbm>>
    %dma_wait3A_193 = arith.constant 0 : i32
    %dma_wait3A_194 = arith.constant 0 : i32
    %dma_wait3A_195 = tpu.memref_slice %arg4[%dma_wait3A_184, %dma_wait3A_193, %dma_wait3A_194] : memref<25600x8x128xf32, #tpu.memory_space<hbm>> -> memref<1x8x128xf32, #tpu.memory_space<hbm>>
    %dma_wait3A_196 = tpu.memref_squeeze %dma_wait3A_195 : memref<1x8x128xf32, #tpu.memory_space<hbm>> -> memref<8x128xf32, #tpu.memory_space<hbm>>
    %dma_wait3A_197 = arith.constant 0 : i32
    %dma_wait3A_198 = arith.constant 0 : i32
    %dma_wait3A_199 = tpu.memref_slice %arg7[%dma_wait3A_183, %dma_wait3A_197, %dma_wait3A_198] : memref<2x32x513xf32, #tpu.memory_space<vmem>> -> memref<1x8x128xf32, #tpu.memory_space<vmem>>
    %dma_wait3A_200 = tpu.memref_squeeze %dma_wait3A_199 : memref<1x8x128xf32, #tpu.memory_space<vmem>> -> memref<8x128xf32, #tpu.memory_space<vmem>>
    tpu.wait_dma2 semaphore(%arg10 : memref<!tpu.dma_semaphore, #tpu.memory_space<semaphore_mem>>) src(%dma_wait3A_200 : memref<8x128xf32, #tpu.memory_space<vmem>>) dst(%dma_wait3A_196 : memref<8x128xf32, #tpu.memory_space<hbm>>)
    %dma_wait3A_201 = arith.constant 0 : i32
    %dma_wait3A_202 = arith.constant 0 : i32
    %dma_wait3A_203 = arith.constant 0 : i32
    %dma_wait3A_204 = arith.constant 0 : i32
    %dma_wait3A_205 = tpu.memref_slice %arg7[%dma_wait3A_201, %dma_wait3A_203, %dma_wait3A_204] : memref<2x32x513xf32, #tpu.memory_space<vmem>> -> memref<1x8x128xf32, #tpu.memory_space<vmem>>
    %dma_wait3A_206 = tpu.memref_squeeze %dma_wait3A_205 : memref<1x8x128xf32, #tpu.memory_space<vmem>> -> memref<8x128xf32, #tpu.memory_space<vmem>>
    %dma_wait3A_207 = arith.constant 0 : i32
    %dma_wait3A_208 = arith.constant 0 : i32
    %dma_wait3A_209 = tpu.memref_slice %arg4[%dma_wait3A_202, %dma_wait3A_207, %dma_wait3A_208] : memref<25600x8x128xf32, #tpu.memory_space<hbm>> -> memref<1x8x128xf32, #tpu.memory_space<hbm>>
    %dma_wait3A_210 = tpu.memref_squeeze %dma_wait3A_209 : memref<1x8x128xf32, #tpu.memory_space<hbm>> -> memref<8x128xf32, #tpu.memory_space<hbm>>
    %dma_wait3A_211 = arith.constant 0 : i32
    %dma_wait3A_212 = arith.constant 0 : i32
    %dma_wait3A_213 = tpu.memref_slice %arg4[%dma_wait3A_202, %dma_wait3A_211, %dma_wait3A_212] : memref<25600x8x128xf32, #tpu.memory_space<hbm>> -> memref<1x8x128xf32, #tpu.memory_space<hbm>>
    %dma_wait3A_214 = tpu.memref_squeeze %dma_wait3A_213 : memref<1x8x128xf32, #tpu.memory_space<hbm>> -> memref<8x128xf32, #tpu.memory_space<hbm>>
    %dma_wait3A_215 = arith.constant 0 : i32
    %dma_wait3A_216 = arith.constant 0 : i32
    %dma_wait3A_217 = tpu.memref_slice %arg7[%dma_wait3A_201, %dma_wait3A_215, %dma_wait3A_216] : memref<2x32x513xf32, #tpu.memory_space<vmem>> -> memref<1x8x128xf32, #tpu.memory_space<vmem>>
    %dma_wait3A_218 = tpu.memref_squeeze %dma_wait3A_217 : memref<1x8x128xf32, #tpu.memory_space<vmem>> -> memref<8x128xf32, #tpu.memory_space<vmem>>
    tpu.wait_dma2 semaphore(%arg10 : memref<!tpu.dma_semaphore, #tpu.memory_space<semaphore_mem>>) src(%dma_wait3A_218 : memref<8x128xf32, #tpu.memory_space<vmem>>) dst(%dma_wait3A_214 : memref<8x128xf32, #tpu.memory_space<hbm>>)
    %dma_wait3A_219 = arith.constant 0 : i32
    %dma_wait3A_220 = arith.constant 0 : i32
    %dma_wait3A_221 = arith.constant 0 : i32
    %dma_wait3A_222 = arith.constant 0 : i32
    %dma_wait3A_223 = tpu.memref_slice %arg7[%dma_wait3A_219, %dma_wait3A_221, %dma_wait3A_222] : memref<2x32x513xf32, #tpu.memory_space<vmem>> -> memref<1x8x128xf32, #tpu.memory_space<vmem>>
    %dma_wait3A_224 = tpu.memref_squeeze %dma_wait3A_223 : memref<1x8x128xf32, #tpu.memory_space<vmem>> -> memref<8x128xf32, #tpu.memory_space<vmem>>
    %dma_wait3A_225 = arith.constant 0 : i32
    %dma_wait3A_226 = arith.constant 0 : i32
    %dma_wait3A_227 = tpu.memref_slice %arg4[%dma_wait3A_220, %dma_wait3A_225, %dma_wait3A_226] : memref<25600x8x128xf32, #tpu.memory_space<hbm>> -> memref<1x8x128xf32, #tpu.memory_space<hbm>>
    %dma_wait3A_228 = tpu.memref_squeeze %dma_wait3A_227 : memref<1x8x128xf32, #tpu.memory_space<hbm>> -> memref<8x128xf32, #tpu.memory_space<hbm>>
    %dma_wait3A_229 = arith.constant 0 : i32
    %dma_wait3A_230 = arith.constant 0 : i32
    %dma_wait3A_231 = tpu.memref_slice %arg4[%dma_wait3A_220, %dma_wait3A_229, %dma_wait3A_230] : memref<25600x8x128xf32, #tpu.memory_space<hbm>> -> memref<1x8x128xf32, #tpu.memory_space<hbm>>
    %dma_wait3A_232 = tpu.memref_squeeze %dma_wait3A_231 : memref<1x8x128xf32, #tpu.memory_space<hbm>> -> memref<8x128xf32, #tpu.memory_space<hbm>>
    %dma_wait3A_233 = arith.constant 0 : i32
    %dma_wait3A_234 = arith.constant 0 : i32
    %dma_wait3A_235 = tpu.memref_slice %arg7[%dma_wait3A_219, %dma_wait3A_233, %dma_wait3A_234] : memref<2x32x513xf32, #tpu.memory_space<vmem>> -> memref<1x8x128xf32, #tpu.memory_space<vmem>>
    %dma_wait3A_236 = tpu.memref_squeeze %dma_wait3A_235 : memref<1x8x128xf32, #tpu.memory_space<vmem>> -> memref<8x128xf32, #tpu.memory_space<vmem>>
    tpu.wait_dma2 semaphore(%arg10 : memref<!tpu.dma_semaphore, #tpu.memory_space<semaphore_mem>>) src(%dma_wait3A_236 : memref<8x128xf32, #tpu.memory_space<vmem>>) dst(%dma_wait3A_232 : memref<8x128xf32, #tpu.memory_space<hbm>>)
    %dma_wait3A_237 = arith.constant 0 : i32
    %dma_wait3A_238 = arith.constant 0 : i32
    %dma_wait3A_239 = arith.constant 0 : i32
    %dma_wait3A_240 = arith.constant 0 : i32
    %dma_wait3A_241 = tpu.memref_slice %arg7[%dma_wait3A_237, %dma_wait3A_239, %dma_wait3A_240] : memref<2x32x513xf32, #tpu.memory_space<vmem>> -> memref<1x8x128xf32, #tpu.memory_space<vmem>>
    %dma_wait3A_242 = tpu.memref_squeeze %dma_wait3A_241 : memref<1x8x128xf32, #tpu.memory_space<vmem>> -> memref<8x128xf32, #tpu.memory_space<vmem>>
    %dma_wait3A_243 = arith.constant 0 : i32
    %dma_wait3A_244 = arith.constant 0 : i32
    %dma_wait3A_245 = tpu.memref_slice %arg4[%dma_wait3A_238, %dma_wait3A_243, %dma_wait3A_244] : memref<25600x8x128xf32, #tpu.memory_space<hbm>> -> memref<1x8x128xf32, #tpu.memory_space<hbm>>
    %dma_wait3A_246 = tpu.memref_squeeze %dma_wait3A_245 : memref<1x8x128xf32, #tpu.memory_space<hbm>> -> memref<8x128xf32, #tpu.memory_space<hbm>>
    %dma_wait3A_247 = arith.constant 0 : i32
    %dma_wait3A_248 = arith.constant 0 : i32
    %dma_wait3A_249 = tpu.memref_slice %arg4[%dma_wait3A_238, %dma_wait3A_247, %dma_wait3A_248] : memref<25600x8x128xf32, #tpu.memory_space<hbm>> -> memref<1x8x128xf32, #tpu.memory_space<hbm>>
    %dma_wait3A_250 = tpu.memref_squeeze %dma_wait3A_249 : memref<1x8x128xf32, #tpu.memory_space<hbm>> -> memref<8x128xf32, #tpu.memory_space<hbm>>
    %dma_wait3A_251 = arith.constant 0 : i32
    %dma_wait3A_252 = arith.constant 0 : i32
    %dma_wait3A_253 = tpu.memref_slice %arg7[%dma_wait3A_237, %dma_wait3A_251, %dma_wait3A_252] : memref<2x32x513xf32, #tpu.memory_space<vmem>> -> memref<1x8x128xf32, #tpu.memory_space<vmem>>
    %dma_wait3A_254 = tpu.memref_squeeze %dma_wait3A_253 : memref<1x8x128xf32, #tpu.memory_space<vmem>> -> memref<8x128xf32, #tpu.memory_space<vmem>>
    tpu.wait_dma2 semaphore(%arg10 : memref<!tpu.dma_semaphore, #tpu.memory_space<semaphore_mem>>) src(%dma_wait3A_254 : memref<8x128xf32, #tpu.memory_space<vmem>>) dst(%dma_wait3A_250 : memref<8x128xf32, #tpu.memory_space<hbm>>)
    %dma_wait3A_255 = arith.constant 0 : i32
    %dma_wait3A_256 = arith.constant 0 : i32
    %dma_wait3A_257 = arith.constant 0 : i32
    %dma_wait3A_258 = arith.constant 0 : i32
    %dma_wait3A_259 = tpu.memref_slice %arg7[%dma_wait3A_255, %dma_wait3A_257, %dma_wait3A_258] : memref<2x32x513xf32, #tpu.memory_space<vmem>> -> memref<1x8x128xf32, #tpu.memory_space<vmem>>
    %dma_wait3A_260 = tpu.memref_squeeze %dma_wait3A_259 : memref<1x8x128xf32, #tpu.memory_space<vmem>> -> memref<8x128xf32, #tpu.memory_space<vmem>>
    %dma_wait3A_261 = arith.constant 0 : i32
    %dma_wait3A_262 = arith.constant 0 : i32
    %dma_wait3A_263 = tpu.memref_slice %arg4[%dma_wait3A_256, %dma_wait3A_261, %dma_wait3A_262] : memref<25600x8x128xf32, #tpu.memory_space<hbm>> -> memref<1x8x128xf32, #tpu.memory_space<hbm>>
    %dma_wait3A_264 = tpu.memref_squeeze %dma_wait3A_263 : memref<1x8x128xf32, #tpu.memory_space<hbm>> -> memref<8x128xf32, #tpu.memory_space<hbm>>
    %dma_wait3A_265 = arith.constant 0 : i32
    %dma_wait3A_266 = arith.constant 0 : i32
    %dma_wait3A_267 = tpu.memref_slice %arg4[%dma_wait3A_256, %dma_wait3A_265, %dma_wait3A_266] : memref<25600x8x128xf32, #tpu.memory_space<hbm>> -> memref<1x8x128xf32, #tpu.memory_space<hbm>>
    %dma_wait3A_268 = tpu.memref_squeeze %dma_wait3A_267 : memref<1x8x128xf32, #tpu.memory_space<hbm>> -> memref<8x128xf32, #tpu.memory_space<hbm>>
    %dma_wait3A_269 = arith.constant 0 : i32
    %dma_wait3A_270 = arith.constant 0 : i32
    %dma_wait3A_271 = tpu.memref_slice %arg7[%dma_wait3A_255, %dma_wait3A_269, %dma_wait3A_270] : memref<2x32x513xf32, #tpu.memory_space<vmem>> -> memref<1x8x128xf32, #tpu.memory_space<vmem>>
    %dma_wait3A_272 = tpu.memref_squeeze %dma_wait3A_271 : memref<1x8x128xf32, #tpu.memory_space<vmem>> -> memref<8x128xf32, #tpu.memory_space<vmem>>
    tpu.wait_dma2 semaphore(%arg10 : memref<!tpu.dma_semaphore, #tpu.memory_space<semaphore_mem>>) src(%dma_wait3A_272 : memref<8x128xf32, #tpu.memory_space<vmem>>) dst(%dma_wait3A_268 : memref<8x128xf32, #tpu.memory_space<hbm>>)
    %dma_wait3A_273 = arith.constant 0 : i32
    %dma_wait3A_274 = arith.constant 0 : i32
    %dma_wait3A_275 = arith.constant 0 : i32
    %dma_wait3A_276 = arith.constant 0 : i32
    %dma_wait3A_277 = tpu.memref_slice %arg7[%dma_wait3A_273, %dma_wait3A_275, %dma_wait3A_276] : memref<2x32x513xf32, #tpu.memory_space<vmem>> -> memref<1x8x128xf32, #tpu.memory_space<vmem>>
    %dma_wait3A_278 = tpu.memref_squeeze %dma_wait3A_277 : memref<1x8x128xf32, #tpu.memory_space<vmem>> -> memref<8x128xf32, #tpu.memory_space<vmem>>
    %dma_wait3A_279 = arith.constant 0 : i32
    %dma_wait3A_280 = arith.constant 0 : i32
    %dma_wait3A_281 = tpu.memref_slice %arg4[%dma_wait3A_274, %dma_wait3A_279, %dma_wait3A_280] : memref<25600x8x128xf32, #tpu.memory_space<hbm>> -> memref<1x8x128xf32, #tpu.memory_space<hbm>>
    %dma_wait3A_282 = tpu.memref_squeeze %dma_wait3A_281 : memref<1x8x128xf32, #tpu.memory_space<hbm>> -> memref<8x128xf32, #tpu.memory_space<hbm>>
    %dma_wait3A_283 = arith.constant 0 : i32
    %dma_wait3A_284 = arith.constant 0 : i32
    %dma_wait3A_285 = tpu.memref_slice %arg4[%dma_wait3A_274, %dma_wait3A_283, %dma_wait3A_284] : memref<25600x8x128xf32, #tpu.memory_space<hbm>> -> memref<1x8x128xf32, #tpu.memory_space<hbm>>
    %dma_wait3A_286 = tpu.memref_squeeze %dma_wait3A_285 : memref<1x8x128xf32, #tpu.memory_space<hbm>> -> memref<8x128xf32, #tpu.memory_space<hbm>>
    %dma_wait3A_287 = arith.constant 0 : i32
    %dma_wait3A_288 = arith.constant 0 : i32
    %dma_wait3A_289 = tpu.memref_slice %arg7[%dma_wait3A_273, %dma_wait3A_287, %dma_wait3A_288] : memref<2x32x513xf32, #tpu.memory_space<vmem>> -> memref<1x8x128xf32, #tpu.memory_space<vmem>>
    %dma_wait3A_290 = tpu.memref_squeeze %dma_wait3A_289 : memref<1x8x128xf32, #tpu.memory_space<vmem>> -> memref<8x128xf32, #tpu.memory_space<vmem>>
    tpu.wait_dma2 semaphore(%arg10 : memref<!tpu.dma_semaphore, #tpu.memory_space<semaphore_mem>>) src(%dma_wait3A_290 : memref<8x128xf32, #tpu.memory_space<vmem>>) dst(%dma_wait3A_286 : memref<8x128xf32, #tpu.memory_space<hbm>>)
    %dma_wait3A_291 = arith.constant 0 : i32
    %dma_wait3A_292 = arith.constant 0 : i32
    %dma_wait3A_293 = arith.constant 0 : i32
    %dma_wait3A_294 = arith.constant 0 : i32
    %dma_wait3A_295 = tpu.memref_slice %arg7[%dma_wait3A_291, %dma_wait3A_293, %dma_wait3A_294] : memref<2x32x513xf32, #tpu.memory_space<vmem>> -> memref<1x8x128xf32, #tpu.memory_space<vmem>>
    %dma_wait3A_296 = tpu.memref_squeeze %dma_wait3A_295 : memref<1x8x128xf32, #tpu.memory_space<vmem>> -> memref<8x128xf32, #tpu.memory_space<vmem>>
    %dma_wait3A_297 = arith.constant 0 : i32
    %dma_wait3A_298 = arith.constant 0 : i32
    %dma_wait3A_299 = tpu.memref_slice %arg4[%dma_wait3A_292, %dma_wait3A_297, %dma_wait3A_298] : memref<25600x8x128xf32, #tpu.memory_space<hbm>> -> memref<1x8x128xf32, #tpu.memory_space<hbm>>
    %dma_wait3A_300 = tpu.memref_squeeze %dma_wait3A_299 : memref<1x8x128xf32, #tpu.memory_space<hbm>> -> memref<8x128xf32, #tpu.memory_space<hbm>>
    %dma_wait3A_301 = arith.constant 0 : i32
    %dma_wait3A_302 = arith.constant 0 : i32
    %dma_wait3A_303 = tpu.memref_slice %arg4[%dma_wait3A_292, %dma_wait3A_301, %dma_wait3A_302] : memref<25600x8x128xf32, #tpu.memory_space<hbm>> -> memref<1x8x128xf32, #tpu.memory_space<hbm>>
    %dma_wait3A_304 = tpu.memref_squeeze %dma_wait3A_303 : memref<1x8x128xf32, #tpu.memory_space<hbm>> -> memref<8x128xf32, #tpu.memory_space<hbm>>
    %dma_wait3A_305 = arith.constant 0 : i32
    %dma_wait3A_306 = arith.constant 0 : i32
    %dma_wait3A_307 = tpu.memref_slice %arg7[%dma_wait3A_291, %dma_wait3A_305, %dma_wait3A_306] : memref<2x32x513xf32, #tpu.memory_space<vmem>> -> memref<1x8x128xf32, #tpu.memory_space<vmem>>
    %dma_wait3A_308 = tpu.memref_squeeze %dma_wait3A_307 : memref<1x8x128xf32, #tpu.memory_space<vmem>> -> memref<8x128xf32, #tpu.memory_space<vmem>>
    tpu.wait_dma2 semaphore(%arg10 : memref<!tpu.dma_semaphore, #tpu.memory_space<semaphore_mem>>) src(%dma_wait3A_308 : memref<8x128xf32, #tpu.memory_space<vmem>>) dst(%dma_wait3A_304 : memref<8x128xf32, #tpu.memory_space<hbm>>)
    %dma_wait3A_309 = arith.constant 1 : i32
    %dma_wait3A_310 = arith.constant 0 : i32
    %dma_wait3A_311 = arith.constant 0 : i32
    %dma_wait3A_312 = arith.constant 0 : i32
    %dma_wait3A_313 = tpu.memref_slice %arg7[%dma_wait3A_309, %dma_wait3A_311, %dma_wait3A_312] : memref<2x32x513xf32, #tpu.memory_space<vmem>> -> memref<1x8x128xf32, #tpu.memory_space<vmem>>
    %dma_wait3A_314 = tpu.memref_squeeze %dma_wait3A_313 : memref<1x8x128xf32, #tpu.memory_space<vmem>> -> memref<8x128xf32, #tpu.memory_space<vmem>>
    %dma_wait3A_315 = arith.constant 0 : i32
    %dma_wait3A_316 = arith.constant 0 : i32
    %dma_wait3A_317 = tpu.memref_slice %arg4[%dma_wait3A_310, %dma_wait3A_315, %dma_wait3A_316] : memref<25600x8x128xf32, #tpu.memory_space<hbm>> -> memref<1x8x128xf32, #tpu.memory_space<hbm>>
    %dma_wait3A_318 = tpu.memref_squeeze %dma_wait3A_317 : memref<1x8x128xf32, #tpu.memory_space<hbm>> -> memref<8x128xf32, #tpu.memory_space<hbm>>
    %dma_wait3A_319 = arith.constant 0 : i32
    %dma_wait3A_320 = arith.constant 0 : i32
    %dma_wait3A_321 = tpu.memref_slice %arg4[%dma_wait3A_310, %dma_wait3A_319, %dma_wait3A_320] : memref<25600x8x128xf32, #tpu.memory_space<hbm>> -> memref<1x8x128xf32, #tpu.memory_space<hbm>>
    %dma_wait3A_322 = tpu.memref_squeeze %dma_wait3A_321 : memref<1x8x128xf32, #tpu.memory_space<hbm>> -> memref<8x128xf32, #tpu.memory_space<hbm>>
    %dma_wait3A_323 = arith.constant 0 : i32
    %dma_wait3A_324 = arith.constant 0 : i32
    %dma_wait3A_325 = tpu.memref_slice %arg7[%dma_wait3A_309, %dma_wait3A_323, %dma_wait3A_324] : memref<2x32x513xf32, #tpu.memory_space<vmem>> -> memref<1x8x128xf32, #tpu.memory_space<vmem>>
    %dma_wait3A_326 = tpu.memref_squeeze %dma_wait3A_325 : memref<1x8x128xf32, #tpu.memory_space<vmem>> -> memref<8x128xf32, #tpu.memory_space<vmem>>
    tpu.wait_dma2 semaphore(%arg11 : memref<!tpu.dma_semaphore, #tpu.memory_space<semaphore_mem>>) src(%dma_wait3A_326 : memref<8x128xf32, #tpu.memory_space<vmem>>) dst(%dma_wait3A_322 : memref<8x128xf32, #tpu.memory_space<hbm>>)
    %dma_wait3A_327 = arith.constant 1 : i32
    %dma_wait3A_328 = arith.constant 0 : i32
    %dma_wait3A_329 = arith.constant 0 : i32
    %dma_wait3A_330 = arith.constant 0 : i32
    %dma_wait3A_331 = tpu.memref_slice %arg7[%dma_wait3A_327, %dma_wait3A_329, %dma_wait3A_330] : memref<2x32x513xf32, #tpu.memory_space<vmem>> -> memref<1x8x128xf32, #tpu.memory_space<vmem>>
    %dma_wait3A_332 = tpu.memref_squeeze %dma_wait3A_331 : memref<1x8x128xf32, #tpu.memory_space<vmem>> -> memref<8x128xf32, #tpu.memory_space<vmem>>
    %dma_wait3A_333 = arith.constant 0 : i32
    %dma_wait3A_334 = arith.constant 0 : i32
    %dma_wait3A_335 = tpu.memref_slice %arg4[%dma_wait3A_328, %dma_wait3A_333, %dma_wait3A_334] : memref<25600x8x128xf32, #tpu.memory_space<hbm>> -> memref<1x8x128xf32, #tpu.memory_space<hbm>>
    %dma_wait3A_336 = tpu.memref_squeeze %dma_wait3A_335 : memref<1x8x128xf32, #tpu.memory_space<hbm>> -> memref<8x128xf32, #tpu.memory_space<hbm>>
    %dma_wait3A_337 = arith.constant 0 : i32
    %dma_wait3A_338 = arith.constant 0 : i32
    %dma_wait3A_339 = tpu.memref_slice %arg4[%dma_wait3A_328, %dma_wait3A_337, %dma_wait3A_338] : memref<25600x8x128xf32, #tpu.memory_space<hbm>> -> memref<1x8x128xf32, #tpu.memory_space<hbm>>
    %dma_wait3A_340 = tpu.memref_squeeze %dma_wait3A_339 : memref<1x8x128xf32, #tpu.memory_space<hbm>> -> memref<8x128xf32, #tpu.memory_space<hbm>>
    %dma_wait3A_341 = arith.constant 0 : i32
    %dma_wait3A_342 = arith.constant 0 : i32
    %dma_wait3A_343 = tpu.memref_slice %arg7[%dma_wait3A_327, %dma_wait3A_341, %dma_wait3A_342] : memref<2x32x513xf32, #tpu.memory_space<vmem>> -> memref<1x8x128xf32, #tpu.memory_space<vmem>>
    %dma_wait3A_344 = tpu.memref_squeeze %dma_wait3A_343 : memref<1x8x128xf32, #tpu.memory_space<vmem>> -> memref<8x128xf32, #tpu.memory_space<vmem>>
    tpu.wait_dma2 semaphore(%arg11 : memref<!tpu.dma_semaphore, #tpu.memory_space<semaphore_mem>>) src(%dma_wait3A_344 : memref<8x128xf32, #tpu.memory_space<vmem>>) dst(%dma_wait3A_340 : memref<8x128xf32, #tpu.memory_space<hbm>>)
    %dma_wait3A_345 = arith.constant 1 : i32
    %dma_wait3A_346 = arith.constant 0 : i32
    %dma_wait3A_347 = arith.constant 0 : i32
    %dma_wait3A_348 = arith.constant 0 : i32
    %dma_wait3A_349 = tpu.memref_slice %arg7[%dma_wait3A_345, %dma_wait3A_347, %dma_wait3A_348] : memref<2x32x513xf32, #tpu.memory_space<vmem>> -> memref<1x8x128xf32, #tpu.memory_space<vmem>>
    %dma_wait3A_350 = tpu.memref_squeeze %dma_wait3A_349 : memref<1x8x128xf32, #tpu.memory_space<vmem>> -> memref<8x128xf32, #tpu.memory_space<vmem>>
    %dma_wait3A_351 = arith.constant 0 : i32
    %dma_wait3A_352 = arith.constant 0 : i32
    %dma_wait3A_353 = tpu.memref_slice %arg4[%dma_wait3A_346, %dma_wait3A_351, %dma_wait3A_352] : memref<25600x8x128xf32, #tpu.memory_space<hbm>> -> memref<1x8x128xf32, #tpu.memory_space<hbm>>
    %dma_wait3A_354 = tpu.memref_squeeze %dma_wait3A_353 : memref<1x8x128xf32, #tpu.memory_space<hbm>> -> memref<8x128xf32, #tpu.memory_space<hbm>>
    %dma_wait3A_355 = arith.constant 0 : i32
    %dma_wait3A_356 = arith.constant 0 : i32
    %dma_wait3A_357 = tpu.memref_slice %arg4[%dma_wait3A_346, %dma_wait3A_355, %dma_wait3A_356] : memref<25600x8x128xf32, #tpu.memory_space<hbm>> -> memref<1x8x128xf32, #tpu.memory_space<hbm>>
    %dma_wait3A_358 = tpu.memref_squeeze %dma_wait3A_357 : memref<1x8x128xf32, #tpu.memory_space<hbm>> -> memref<8x128xf32, #tpu.memory_space<hbm>>
    %dma_wait3A_359 = arith.constant 0 : i32
    %dma_wait3A_360 = arith.constant 0 : i32
    %dma_wait3A_361 = tpu.memref_slice %arg7[%dma_wait3A_345, %dma_wait3A_359, %dma_wait3A_360] : memref<2x32x513xf32, #tpu.memory_space<vmem>> -> memref<1x8x128xf32, #tpu.memory_space<vmem>>
    %dma_wait3A_362 = tpu.memref_squeeze %dma_wait3A_361 : memref<1x8x128xf32, #tpu.memory_space<vmem>> -> memref<8x128xf32, #tpu.memory_space<vmem>>
    tpu.wait_dma2 semaphore(%arg11 : memref<!tpu.dma_semaphore, #tpu.memory_space<semaphore_mem>>) src(%dma_wait3A_362 : memref<8x128xf32, #tpu.memory_space<vmem>>) dst(%dma_wait3A_358 : memref<8x128xf32, #tpu.memory_space<hbm>>)
    %dma_wait3A_363 = arith.constant 1 : i32
    %dma_wait3A_364 = arith.constant 0 : i32
    %dma_wait3A_365 = arith.constant 0 : i32
    %dma_wait3A_366 = arith.constant 0 : i32
    %dma_wait3A_367 = tpu.memref_slice %arg7[%dma_wait3A_363, %dma_wait3A_365, %dma_wait3A_366] : memref<2x32x513xf32, #tpu.memory_space<vmem>> -> memref<1x8x128xf32, #tpu.memory_space<vmem>>
    %dma_wait3A_368 = tpu.memref_squeeze %dma_wait3A_367 : memref<1x8x128xf32, #tpu.memory_space<vmem>> -> memref<8x128xf32, #tpu.memory_space<vmem>>
    %dma_wait3A_369 = arith.constant 0 : i32
    %dma_wait3A_370 = arith.constant 0 : i32
    %dma_wait3A_371 = tpu.memref_slice %arg4[%dma_wait3A_364, %dma_wait3A_369, %dma_wait3A_370] : memref<25600x8x128xf32, #tpu.memory_space<hbm>> -> memref<1x8x128xf32, #tpu.memory_space<hbm>>
    %dma_wait3A_372 = tpu.memref_squeeze %dma_wait3A_371 : memref<1x8x128xf32, #tpu.memory_space<hbm>> -> memref<8x128xf32, #tpu.memory_space<hbm>>
    %dma_wait3A_373 = arith.constant 0 : i32
    %dma_wait3A_374 = arith.constant 0 : i32
    %dma_wait3A_375 = tpu.memref_slice %arg4[%dma_wait3A_364, %dma_wait3A_373, %dma_wait3A_374] : memref<25600x8x128xf32, #tpu.memory_space<hbm>> -> memref<1x8x128xf32, #tpu.memory_space<hbm>>
    %dma_wait3A_376 = tpu.memref_squeeze %dma_wait3A_375 : memref<1x8x128xf32, #tpu.memory_space<hbm>> -> memref<8x128xf32, #tpu.memory_space<hbm>>
    %dma_wait3A_377 = arith.constant 0 : i32
    %dma_wait3A_378 = arith.constant 0 : i32
    %dma_wait3A_379 = tpu.memref_slice %arg7[%dma_wait3A_363, %dma_wait3A_377, %dma_wait3A_378] : memref<2x32x513xf32, #tpu.memory_space<vmem>> -> memref<1x8x128xf32, #tpu.memory_space<vmem>>
    %dma_wait3A_380 = tpu.memref_squeeze %dma_wait3A_379 : memref<1x8x128xf32, #tpu.memory_space<vmem>> -> memref<8x128xf32, #tpu.memory_space<vmem>>
    tpu.wait_dma2 semaphore(%arg11 : memref<!tpu.dma_semaphore, #tpu.memory_space<semaphore_mem>>) src(%dma_wait3A_380 : memref<8x128xf32, #tpu.memory_space<vmem>>) dst(%dma_wait3A_376 : memref<8x128xf32, #tpu.memory_space<hbm>>)
    %dma_wait3A_381 = arith.constant 1 : i32
    %dma_wait3A_382 = arith.constant 0 : i32
    %dma_wait3A_383 = arith.constant 0 : i32
    %dma_wait3A_384 = arith.constant 0 : i32
    %dma_wait3A_385 = tpu.memref_slice %arg7[%dma_wait3A_381, %dma_wait3A_383, %dma_wait3A_384] : memref<2x32x513xf32, #tpu.memory_space<vmem>> -> memref<1x8x128xf32, #tpu.memory_space<vmem>>
    %dma_wait3A_386 = tpu.memref_squeeze %dma_wait3A_385 : memref<1x8x128xf32, #tpu.memory_space<vmem>> -> memref<8x128xf32, #tpu.memory_space<vmem>>
    %dma_wait3A_387 = arith.constant 0 : i32
    %dma_wait3A_388 = arith.constant 0 : i32
    %dma_wait3A_389 = tpu.memref_slice %arg4[%dma_wait3A_382, %dma_wait3A_387, %dma_wait3A_388] : memref<25600x8x128xf32, #tpu.memory_space<hbm>> -> memref<1x8x128xf32, #tpu.memory_space<hbm>>
    %dma_wait3A_390 = tpu.memref_squeeze %dma_wait3A_389 : memref<1x8x128xf32, #tpu.memory_space<hbm>> -> memref<8x128xf32, #tpu.memory_space<hbm>>
    %dma_wait3A_391 = arith.constant 0 : i32
    %dma_wait3A_392 = arith.constant 0 : i32
    %dma_wait3A_393 = tpu.memref_slice %arg4[%dma_wait3A_382, %dma_wait3A_391, %dma_wait3A_392] : memref<25600x8x128xf32, #tpu.memory_space<hbm>> -> memref<1x8x128xf32, #tpu.memory_space<hbm>>
    %dma_wait3A_394 = tpu.memref_squeeze %dma_wait3A_393 : memref<1x8x128xf32, #tpu.memory_space<hbm>> -> memref<8x128xf32, #tpu.memory_space<hbm>>
    %dma_wait3A_395 = arith.constant 0 : i32
    %dma_wait3A_396 = arith.constant 0 : i32
    %dma_wait3A_397 = tpu.memref_slice %arg7[%dma_wait3A_381, %dma_wait3A_395, %dma_wait3A_396] : memref<2x32x513xf32, #tpu.memory_space<vmem>> -> memref<1x8x128xf32, #tpu.memory_space<vmem>>
    %dma_wait3A_398 = tpu.memref_squeeze %dma_wait3A_397 : memref<1x8x128xf32, #tpu.memory_space<vmem>> -> memref<8x128xf32, #tpu.memory_space<vmem>>
    tpu.wait_dma2 semaphore(%arg11 : memref<!tpu.dma_semaphore, #tpu.memory_space<semaphore_mem>>) src(%dma_wait3A_398 : memref<8x128xf32, #tpu.memory_space<vmem>>) dst(%dma_wait3A_394 : memref<8x128xf32, #tpu.memory_space<hbm>>)
    %dma_wait3A_399 = arith.constant 1 : i32
    %dma_wait3A_400 = arith.constant 0 : i32
    %dma_wait3A_401 = arith.constant 0 : i32
    %dma_wait3A_402 = arith.constant 0 : i32
    %dma_wait3A_403 = tpu.memref_slice %arg7[%dma_wait3A_399, %dma_wait3A_401, %dma_wait3A_402] : memref<2x32x513xf32, #tpu.memory_space<vmem>> -> memref<1x8x128xf32, #tpu.memory_space<vmem>>
    %dma_wait3A_404 = tpu.memref_squeeze %dma_wait3A_403 : memref<1x8x128xf32, #tpu.memory_space<vmem>> -> memref<8x128xf32, #tpu.memory_space<vmem>>
    %dma_wait3A_405 = arith.constant 0 : i32
    %dma_wait3A_406 = arith.constant 0 : i32
    %dma_wait3A_407 = tpu.memref_slice %arg4[%dma_wait3A_400, %dma_wait3A_405, %dma_wait3A_406] : memref<25600x8x128xf32, #tpu.memory_space<hbm>> -> memref<1x8x128xf32, #tpu.memory_space<hbm>>
    %dma_wait3A_408 = tpu.memref_squeeze %dma_wait3A_407 : memref<1x8x128xf32, #tpu.memory_space<hbm>> -> memref<8x128xf32, #tpu.memory_space<hbm>>
    %dma_wait3A_409 = arith.constant 0 : i32
    %dma_wait3A_410 = arith.constant 0 : i32
    %dma_wait3A_411 = tpu.memref_slice %arg4[%dma_wait3A_400, %dma_wait3A_409, %dma_wait3A_410] : memref<25600x8x128xf32, #tpu.memory_space<hbm>> -> memref<1x8x128xf32, #tpu.memory_space<hbm>>
    %dma_wait3A_412 = tpu.memref_squeeze %dma_wait3A_411 : memref<1x8x128xf32, #tpu.memory_space<hbm>> -> memref<8x128xf32, #tpu.memory_space<hbm>>
    %dma_wait3A_413 = arith.constant 0 : i32
    %dma_wait3A_414 = arith.constant 0 : i32
    %dma_wait3A_415 = tpu.memref_slice %arg7[%dma_wait3A_399, %dma_wait3A_413, %dma_wait3A_414] : memref<2x32x513xf32, #tpu.memory_space<vmem>> -> memref<1x8x128xf32, #tpu.memory_space<vmem>>
    %dma_wait3A_416 = tpu.memref_squeeze %dma_wait3A_415 : memref<1x8x128xf32, #tpu.memory_space<vmem>> -> memref<8x128xf32, #tpu.memory_space<vmem>>
    tpu.wait_dma2 semaphore(%arg11 : memref<!tpu.dma_semaphore, #tpu.memory_space<semaphore_mem>>) src(%dma_wait3A_416 : memref<8x128xf32, #tpu.memory_space<vmem>>) dst(%dma_wait3A_412 : memref<8x128xf32, #tpu.memory_space<hbm>>)
    %dma_wait3A_417 = arith.constant 1 : i32
    %dma_wait3A_418 = arith.constant 0 : i32
    %dma_wait3A_419 = arith.constant 0 : i32
    %dma_wait3A_420 = arith.constant 0 : i32
    %dma_wait3A_421 = tpu.memref_slice %arg7[%dma_wait3A_417, %dma_wait3A_419, %dma_wait3A_420] : memref<2x32x513xf32, #tpu.memory_space<vmem>> -> memref<1x8x128xf32, #tpu.memory_space<vmem>>
    %dma_wait3A_422 = tpu.memref_squeeze %dma_wait3A_421 : memref<1x8x128xf32, #tpu.memory_space<vmem>> -> memref<8x128xf32, #tpu.memory_space<vmem>>
    %dma_wait3A_423 = arith.constant 0 : i32
    %dma_wait3A_424 = arith.constant 0 : i32
    %dma_wait3A_425 = tpu.memref_slice %arg4[%dma_wait3A_418, %dma_wait3A_423, %dma_wait3A_424] : memref<25600x8x128xf32, #tpu.memory_space<hbm>> -> memref<1x8x128xf32, #tpu.memory_space<hbm>>
    %dma_wait3A_426 = tpu.memref_squeeze %dma_wait3A_425 : memref<1x8x128xf32, #tpu.memory_space<hbm>> -> memref<8x128xf32, #tpu.memory_space<hbm>>
    %dma_wait3A_427 = arith.constant 0 : i32
    %dma_wait3A_428 = arith.constant 0 : i32
    %dma_wait3A_429 = tpu.memref_slice %arg4[%dma_wait3A_418, %dma_wait3A_427, %dma_wait3A_428] : memref<25600x8x128xf32, #tpu.memory_space<hbm>> -> memref<1x8x128xf32, #tpu.memory_space<hbm>>
    %dma_wait3A_430 = tpu.memref_squeeze %dma_wait3A_429 : memref<1x8x128xf32, #tpu.memory_space<hbm>> -> memref<8x128xf32, #tpu.memory_space<hbm>>
    %dma_wait3A_431 = arith.constant 0 : i32
    %dma_wait3A_432 = arith.constant 0 : i32
    %dma_wait3A_433 = tpu.memref_slice %arg7[%dma_wait3A_417, %dma_wait3A_431, %dma_wait3A_432] : memref<2x32x513xf32, #tpu.memory_space<vmem>> -> memref<1x8x128xf32, #tpu.memory_space<vmem>>
    %dma_wait3A_434 = tpu.memref_squeeze %dma_wait3A_433 : memref<1x8x128xf32, #tpu.memory_space<vmem>> -> memref<8x128xf32, #tpu.memory_space<vmem>>
    tpu.wait_dma2 semaphore(%arg11 : memref<!tpu.dma_semaphore, #tpu.memory_space<semaphore_mem>>) src(%dma_wait3A_434 : memref<8x128xf32, #tpu.memory_space<vmem>>) dst(%dma_wait3A_430 : memref<8x128xf32, #tpu.memory_space<hbm>>)
    %dma_wait3A_435 = arith.constant 1 : i32
    %dma_wait3A_436 = arith.constant 0 : i32
    %dma_wait3A_437 = arith.constant 0 : i32
    %dma_wait3A_438 = arith.constant 0 : i32
    %dma_wait3A_439 = tpu.memref_slice %arg7[%dma_wait3A_435, %dma_wait3A_437, %dma_wait3A_438] : memref<2x32x513xf32, #tpu.memory_space<vmem>> -> memref<1x8x128xf32, #tpu.memory_space<vmem>>
    %dma_wait3A_440 = tpu.memref_squeeze %dma_wait3A_439 : memref<1x8x128xf32, #tpu.memory_space<vmem>> -> memref<8x128xf32, #tpu.memory_space<vmem>>
    %dma_wait3A_441 = arith.constant 0 : i32
    %dma_wait3A_442 = arith.constant 0 : i32
    %dma_wait3A_443 = tpu.memref_slice %arg4[%dma_wait3A_436, %dma_wait3A_441, %dma_wait3A_442] : memref<25600x8x128xf32, #tpu.memory_space<hbm>> -> memref<1x8x128xf32, #tpu.memory_space<hbm>>
    %dma_wait3A_444 = tpu.memref_squeeze %dma_wait3A_443 : memref<1x8x128xf32, #tpu.memory_space<hbm>> -> memref<8x128xf32, #tpu.memory_space<hbm>>
    %dma_wait3A_445 = arith.constant 0 : i32
    %dma_wait3A_446 = arith.constant 0 : i32
    %dma_wait3A_447 = tpu.memref_slice %arg4[%dma_wait3A_436, %dma_wait3A_445, %dma_wait3A_446] : memref<25600x8x128xf32, #tpu.memory_space<hbm>> -> memref<1x8x128xf32, #tpu.memory_space<hbm>>
    %dma_wait3A_448 = tpu.memref_squeeze %dma_wait3A_447 : memref<1x8x128xf32, #tpu.memory_space<hbm>> -> memref<8x128xf32, #tpu.memory_space<hbm>>
    %dma_wait3A_449 = arith.constant 0 : i32
    %dma_wait3A_450 = arith.constant 0 : i32
    %dma_wait3A_451 = tpu.memref_slice %arg7[%dma_wait3A_435, %dma_wait3A_449, %dma_wait3A_450] : memref<2x32x513xf32, #tpu.memory_space<vmem>> -> memref<1x8x128xf32, #tpu.memory_space<vmem>>
    %dma_wait3A_452 = tpu.memref_squeeze %dma_wait3A_451 : memref<1x8x128xf32, #tpu.memory_space<vmem>> -> memref<8x128xf32, #tpu.memory_space<vmem>>
    tpu.wait_dma2 semaphore(%arg11 : memref<!tpu.dma_semaphore, #tpu.memory_space<semaphore_mem>>) src(%dma_wait3A_452 : memref<8x128xf32, #tpu.memory_space<vmem>>) dst(%dma_wait3A_448 : memref<8x128xf32, #tpu.memory_space<hbm>>)
    %dma_wait3A_453 = arith.constant 1 : i32
    %dma_wait3A_454 = arith.constant 0 : i32
    %dma_wait3A_455 = arith.constant 0 : i32
    %dma_wait3A_456 = arith.constant 0 : i32
    %dma_wait3A_457 = tpu.memref_slice %arg7[%dma_wait3A_453, %dma_wait3A_455, %dma_wait3A_456] : memref<2x32x513xf32, #tpu.memory_space<vmem>> -> memref<1x8x128xf32, #tpu.memory_space<vmem>>
    %dma_wait3A_458 = tpu.memref_squeeze %dma_wait3A_457 : memref<1x8x128xf32, #tpu.memory_space<vmem>> -> memref<8x128xf32, #tpu.memory_space<vmem>>
    %dma_wait3A_459 = arith.constant 0 : i32
    %dma_wait3A_460 = arith.constant 0 : i32
    %dma_wait3A_461 = tpu.memref_slice %arg4[%dma_wait3A_454, %dma_wait3A_459, %dma_wait3A_460] : memref<25600x8x128xf32, #tpu.memory_space<hbm>> -> memref<1x8x128xf32, #tpu.memory_space<hbm>>
    %dma_wait3A_462 = tpu.memref_squeeze %dma_wait3A_461 : memref<1x8x128xf32, #tpu.memory_space<hbm>> -> memref<8x128xf32, #tpu.memory_space<hbm>>
    %dma_wait3A_463 = arith.constant 0 : i32
    %dma_wait3A_464 = arith.constant 0 : i32
    %dma_wait3A_465 = tpu.memref_slice %arg4[%dma_wait3A_454, %dma_wait3A_463, %dma_wait3A_464] : memref<25600x8x128xf32, #tpu.memory_space<hbm>> -> memref<1x8x128xf32, #tpu.memory_space<hbm>>
    %dma_wait3A_466 = tpu.memref_squeeze %dma_wait3A_465 : memref<1x8x128xf32, #tpu.memory_space<hbm>> -> memref<8x128xf32, #tpu.memory_space<hbm>>
    %dma_wait3A_467 = arith.constant 0 : i32
    %dma_wait3A_468 = arith.constant 0 : i32
    %dma_wait3A_469 = tpu.memref_slice %arg7[%dma_wait3A_453, %dma_wait3A_467, %dma_wait3A_468] : memref<2x32x513xf32, #tpu.memory_space<vmem>> -> memref<1x8x128xf32, #tpu.memory_space<vmem>>
    %dma_wait3A_470 = tpu.memref_squeeze %dma_wait3A_469 : memref<1x8x128xf32, #tpu.memory_space<vmem>> -> memref<8x128xf32, #tpu.memory_space<vmem>>
    tpu.wait_dma2 semaphore(%arg11 : memref<!tpu.dma_semaphore, #tpu.memory_space<semaphore_mem>>) src(%dma_wait3A_470 : memref<8x128xf32, #tpu.memory_space<vmem>>) dst(%dma_wait3A_466 : memref<8x128xf32, #tpu.memory_space<hbm>>)
    %dma_wait3A_471 = arith.constant 1 : i32
    %dma_wait3A_472 = arith.constant 0 : i32
    %dma_wait3A_473 = arith.constant 0 : i32
    %dma_wait3A_474 = arith.constant 0 : i32
    %dma_wait3A_475 = tpu.memref_slice %arg7[%dma_wait3A_471, %dma_wait3A_473, %dma_wait3A_474] : memref<2x32x513xf32, #tpu.memory_space<vmem>> -> memref<1x8x128xf32, #tpu.memory_space<vmem>>
    %dma_wait3A_476 = tpu.memref_squeeze %dma_wait3A_475 : memref<1x8x128xf32, #tpu.memory_space<vmem>> -> memref<8x128xf32, #tpu.memory_space<vmem>>
    %dma_wait3A_477 = arith.constant 0 : i32
    %dma_wait3A_478 = arith.constant 0 : i32
    %dma_wait3A_479 = tpu.memref_slice %arg4[%dma_wait3A_472, %dma_wait3A_477, %dma_wait3A_478] : memref<25600x8x128xf32, #tpu.memory_space<hbm>> -> memref<1x8x128xf32, #tpu.memory_space<hbm>>
    %dma_wait3A_480 = tpu.memref_squeeze %dma_wait3A_479 : memref<1x8x128xf32, #tpu.memory_space<hbm>> -> memref<8x128xf32, #tpu.memory_space<hbm>>
    %dma_wait3A_481 = arith.constant 0 : i32
    %dma_wait3A_482 = arith.constant 0 : i32
    %dma_wait3A_483 = tpu.memref_slice %arg4[%dma_wait3A_472, %dma_wait3A_481, %dma_wait3A_482] : memref<25600x8x128xf32, #tpu.memory_space<hbm>> -> memref<1x8x128xf32, #tpu.memory_space<hbm>>
    %dma_wait3A_484 = tpu.memref_squeeze %dma_wait3A_483 : memref<1x8x128xf32, #tpu.memory_space<hbm>> -> memref<8x128xf32, #tpu.memory_space<hbm>>
    %dma_wait3A_485 = arith.constant 0 : i32
    %dma_wait3A_486 = arith.constant 0 : i32
    %dma_wait3A_487 = tpu.memref_slice %arg7[%dma_wait3A_471, %dma_wait3A_485, %dma_wait3A_486] : memref<2x32x513xf32, #tpu.memory_space<vmem>> -> memref<1x8x128xf32, #tpu.memory_space<vmem>>
    %dma_wait3A_488 = tpu.memref_squeeze %dma_wait3A_487 : memref<1x8x128xf32, #tpu.memory_space<vmem>> -> memref<8x128xf32, #tpu.memory_space<vmem>>
    tpu.wait_dma2 semaphore(%arg11 : memref<!tpu.dma_semaphore, #tpu.memory_space<semaphore_mem>>) src(%dma_wait3A_488 : memref<8x128xf32, #tpu.memory_space<vmem>>) dst(%dma_wait3A_484 : memref<8x128xf32, #tpu.memory_space<hbm>>)
    %dma_wait3A_489 = arith.constant 1 : i32
    %dma_wait3A_490 = arith.constant 0 : i32
    %dma_wait3A_491 = arith.constant 0 : i32
    %dma_wait3A_492 = arith.constant 0 : i32
    %dma_wait3A_493 = tpu.memref_slice %arg7[%dma_wait3A_489, %dma_wait3A_491, %dma_wait3A_492] : memref<2x32x513xf32, #tpu.memory_space<vmem>> -> memref<1x8x128xf32, #tpu.memory_space<vmem>>
    %dma_wait3A_494 = tpu.memref_squeeze %dma_wait3A_493 : memref<1x8x128xf32, #tpu.memory_space<vmem>> -> memref<8x128xf32, #tpu.memory_space<vmem>>
    %dma_wait3A_495 = arith.constant 0 : i32
    %dma_wait3A_496 = arith.constant 0 : i32
    %dma_wait3A_497 = tpu.memref_slice %arg4[%dma_wait3A_490, %dma_wait3A_495, %dma_wait3A_496] : memref<25600x8x128xf32, #tpu.memory_space<hbm>> -> memref<1x8x128xf32, #tpu.memory_space<hbm>>
    %dma_wait3A_498 = tpu.memref_squeeze %dma_wait3A_497 : memref<1x8x128xf32, #tpu.memory_space<hbm>> -> memref<8x128xf32, #tpu.memory_space<hbm>>
    %dma_wait3A_499 = arith.constant 0 : i32
    %dma_wait3A_500 = arith.constant 0 : i32
    %dma_wait3A_501 = tpu.memref_slice %arg4[%dma_wait3A_490, %dma_wait3A_499, %dma_wait3A_500] : memref<25600x8x128xf32, #tpu.memory_space<hbm>> -> memref<1x8x128xf32, #tpu.memory_space<hbm>>
    %dma_wait3A_502 = tpu.memref_squeeze %dma_wait3A_501 : memref<1x8x128xf32, #tpu.memory_space<hbm>> -> memref<8x128xf32, #tpu.memory_space<hbm>>
    %dma_wait3A_503 = arith.constant 0 : i32
    %dma_wait3A_504 = arith.constant 0 : i32
    %dma_wait3A_505 = tpu.memref_slice %arg7[%dma_wait3A_489, %dma_wait3A_503, %dma_wait3A_504] : memref<2x32x513xf32, #tpu.memory_space<vmem>> -> memref<1x8x128xf32, #tpu.memory_space<vmem>>
    %dma_wait3A_506 = tpu.memref_squeeze %dma_wait3A_505 : memref<1x8x128xf32, #tpu.memory_space<vmem>> -> memref<8x128xf32, #tpu.memory_space<vmem>>
    tpu.wait_dma2 semaphore(%arg11 : memref<!tpu.dma_semaphore, #tpu.memory_space<semaphore_mem>>) src(%dma_wait3A_506 : memref<8x128xf32, #tpu.memory_space<vmem>>) dst(%dma_wait3A_502 : memref<8x128xf32, #tpu.memory_space<hbm>>)
    %dma_wait3A_507 = arith.constant 1 : i32
    %dma_wait3A_508 = arith.constant 0 : i32
    %dma_wait3A_509 = arith.constant 0 : i32
    %dma_wait3A_510 = arith.constant 0 : i32
    %dma_wait3A_511 = tpu.memref_slice %arg7[%dma_wait3A_507, %dma_wait3A_509, %dma_wait3A_510] : memref<2x32x513xf32, #tpu.memory_space<vmem>> -> memref<1x8x128xf32, #tpu.memory_space<vmem>>
    %dma_wait3A_512 = tpu.memref_squeeze %dma_wait3A_511 : memref<1x8x128xf32, #tpu.memory_space<vmem>> -> memref<8x128xf32, #tpu.memory_space<vmem>>
    %dma_wait3A_513 = arith.constant 0 : i32
    %dma_wait3A_514 = arith.constant 0 : i32
    %dma_wait3A_515 = tpu.memref_slice %arg4[%dma_wait3A_508, %dma_wait3A_513, %dma_wait3A_514] : memref<25600x8x128xf32, #tpu.memory_space<hbm>> -> memref<1x8x128xf32, #tpu.memory_space<hbm>>
    %dma_wait3A_516 = tpu.memref_squeeze %dma_wait3A_515 : memref<1x8x128xf32, #tpu.memory_space<hbm>> -> memref<8x128xf32, #tpu.memory_space<hbm>>
    %dma_wait3A_517 = arith.constant 0 : i32
    %dma_wait3A_518 = arith.constant 0 : i32
    %dma_wait3A_519 = tpu.memref_slice %arg4[%dma_wait3A_508, %dma_wait3A_517, %dma_wait3A_518] : memref<25600x8x128xf32, #tpu.memory_space<hbm>> -> memref<1x8x128xf32, #tpu.memory_space<hbm>>
    %dma_wait3A_520 = tpu.memref_squeeze %dma_wait3A_519 : memref<1x8x128xf32, #tpu.memory_space<hbm>> -> memref<8x128xf32, #tpu.memory_space<hbm>>
    %dma_wait3A_521 = arith.constant 0 : i32
    %dma_wait3A_522 = arith.constant 0 : i32
    %dma_wait3A_523 = tpu.memref_slice %arg7[%dma_wait3A_507, %dma_wait3A_521, %dma_wait3A_522] : memref<2x32x513xf32, #tpu.memory_space<vmem>> -> memref<1x8x128xf32, #tpu.memory_space<vmem>>
    %dma_wait3A_524 = tpu.memref_squeeze %dma_wait3A_523 : memref<1x8x128xf32, #tpu.memory_space<vmem>> -> memref<8x128xf32, #tpu.memory_space<vmem>>
    tpu.wait_dma2 semaphore(%arg11 : memref<!tpu.dma_semaphore, #tpu.memory_space<semaphore_mem>>) src(%dma_wait3A_524 : memref<8x128xf32, #tpu.memory_space<vmem>>) dst(%dma_wait3A_520 : memref<8x128xf32, #tpu.memory_space<hbm>>)
    %dma_wait3A_525 = arith.constant 1 : i32
    %dma_wait3A_526 = arith.constant 0 : i32
    %dma_wait3A_527 = arith.constant 0 : i32
    %dma_wait3A_528 = arith.constant 0 : i32
    %dma_wait3A_529 = tpu.memref_slice %arg7[%dma_wait3A_525, %dma_wait3A_527, %dma_wait3A_528] : memref<2x32x513xf32, #tpu.memory_space<vmem>> -> memref<1x8x128xf32, #tpu.memory_space<vmem>>
    %dma_wait3A_530 = tpu.memref_squeeze %dma_wait3A_529 : memref<1x8x128xf32, #tpu.memory_space<vmem>> -> memref<8x128xf32, #tpu.memory_space<vmem>>
    %dma_wait3A_531 = arith.constant 0 : i32
    %dma_wait3A_532 = arith.constant 0 : i32
    %dma_wait3A_533 = tpu.memref_slice %arg4[%dma_wait3A_526, %dma_wait3A_531, %dma_wait3A_532] : memref<25600x8x128xf32, #tpu.memory_space<hbm>> -> memref<1x8x128xf32, #tpu.memory_space<hbm>>
    %dma_wait3A_534 = tpu.memref_squeeze %dma_wait3A_533 : memref<1x8x128xf32, #tpu.memory_space<hbm>> -> memref<8x128xf32, #tpu.memory_space<hbm>>
    %dma_wait3A_535 = arith.constant 0 : i32
    %dma_wait3A_536 = arith.constant 0 : i32
    %dma_wait3A_537 = tpu.memref_slice %arg4[%dma_wait3A_526, %dma_wait3A_535, %dma_wait3A_536] : memref<25600x8x128xf32, #tpu.memory_space<hbm>> -> memref<1x8x128xf32, #tpu.memory_space<hbm>>
    %dma_wait3A_538 = tpu.memref_squeeze %dma_wait3A_537 : memref<1x8x128xf32, #tpu.memory_space<hbm>> -> memref<8x128xf32, #tpu.memory_space<hbm>>
    %dma_wait3A_539 = arith.constant 0 : i32
    %dma_wait3A_540 = arith.constant 0 : i32
    %dma_wait3A_541 = tpu.memref_slice %arg7[%dma_wait3A_525, %dma_wait3A_539, %dma_wait3A_540] : memref<2x32x513xf32, #tpu.memory_space<vmem>> -> memref<1x8x128xf32, #tpu.memory_space<vmem>>
    %dma_wait3A_542 = tpu.memref_squeeze %dma_wait3A_541 : memref<1x8x128xf32, #tpu.memory_space<vmem>> -> memref<8x128xf32, #tpu.memory_space<vmem>>
    tpu.wait_dma2 semaphore(%arg11 : memref<!tpu.dma_semaphore, #tpu.memory_space<semaphore_mem>>) src(%dma_wait3A_542 : memref<8x128xf32, #tpu.memory_space<vmem>>) dst(%dma_wait3A_538 : memref<8x128xf32, #tpu.memory_space<hbm>>)
    %dma_wait3A_543 = arith.constant 1 : i32
    %dma_wait3A_544 = arith.constant 0 : i32
    %dma_wait3A_545 = arith.constant 0 : i32
    %dma_wait3A_546 = arith.constant 0 : i32
    %dma_wait3A_547 = tpu.memref_slice %arg7[%dma_wait3A_543, %dma_wait3A_545, %dma_wait3A_546] : memref<2x32x513xf32, #tpu.memory_space<vmem>> -> memref<1x8x128xf32, #tpu.memory_space<vmem>>
    %dma_wait3A_548 = tpu.memref_squeeze %dma_wait3A_547 : memref<1x8x128xf32, #tpu.memory_space<vmem>> -> memref<8x128xf32, #tpu.memory_space<vmem>>
    %dma_wait3A_549 = arith.constant 0 : i32
    %dma_wait3A_550 = arith.constant 0 : i32
    %dma_wait3A_551 = tpu.memref_slice %arg4[%dma_wait3A_544, %dma_wait3A_549, %dma_wait3A_550] : memref<25600x8x128xf32, #tpu.memory_space<hbm>> -> memref<1x8x128xf32, #tpu.memory_space<hbm>>
    %dma_wait3A_552 = tpu.memref_squeeze %dma_wait3A_551 : memref<1x8x128xf32, #tpu.memory_space<hbm>> -> memref<8x128xf32, #tpu.memory_space<hbm>>
    %dma_wait3A_553 = arith.constant 0 : i32
    %dma_wait3A_554 = arith.constant 0 : i32
    %dma_wait3A_555 = tpu.memref_slice %arg4[%dma_wait3A_544, %dma_wait3A_553, %dma_wait3A_554] : memref<25600x8x128xf32, #tpu.memory_space<hbm>> -> memref<1x8x128xf32, #tpu.memory_space<hbm>>
    %dma_wait3A_556 = tpu.memref_squeeze %dma_wait3A_555 : memref<1x8x128xf32, #tpu.memory_space<hbm>> -> memref<8x128xf32, #tpu.memory_space<hbm>>
    %dma_wait3A_557 = arith.constant 0 : i32
    %dma_wait3A_558 = arith.constant 0 : i32
    %dma_wait3A_559 = tpu.memref_slice %arg7[%dma_wait3A_543, %dma_wait3A_557, %dma_wait3A_558] : memref<2x32x513xf32, #tpu.memory_space<vmem>> -> memref<1x8x128xf32, #tpu.memory_space<vmem>>
    %dma_wait3A_560 = tpu.memref_squeeze %dma_wait3A_559 : memref<1x8x128xf32, #tpu.memory_space<vmem>> -> memref<8x128xf32, #tpu.memory_space<vmem>>
    tpu.wait_dma2 semaphore(%arg11 : memref<!tpu.dma_semaphore, #tpu.memory_space<semaphore_mem>>) src(%dma_wait3A_560 : memref<8x128xf32, #tpu.memory_space<vmem>>) dst(%dma_wait3A_556 : memref<8x128xf32, #tpu.memory_space<hbm>>)
    %dma_wait3A_561 = arith.constant 1 : i32
    %dma_wait3A_562 = arith.constant 0 : i32
    %dma_wait3A_563 = arith.constant 0 : i32
    %dma_wait3A_564 = arith.constant 0 : i32
    %dma_wait3A_565 = tpu.memref_slice %arg7[%dma_wait3A_561, %dma_wait3A_563, %dma_wait3A_564] : memref<2x32x513xf32, #tpu.memory_space<vmem>> -> memref<1x8x128xf32, #tpu.memory_space<vmem>>
    %dma_wait3A_566 = tpu.memref_squeeze %dma_wait3A_565 : memref<1x8x128xf32, #tpu.memory_space<vmem>> -> memref<8x128xf32, #tpu.memory_space<vmem>>
    %dma_wait3A_567 = arith.constant 0 : i32
    %dma_wait3A_568 = arith.constant 0 : i32
    %dma_wait3A_569 = tpu.memref_slice %arg4[%dma_wait3A_562, %dma_wait3A_567, %dma_wait3A_568] : memref<25600x8x128xf32, #tpu.memory_space<hbm>> -> memref<1x8x128xf32, #tpu.memory_space<hbm>>
    %dma_wait3A_570 = tpu.memref_squeeze %dma_wait3A_569 : memref<1x8x128xf32, #tpu.memory_space<hbm>> -> memref<8x128xf32, #tpu.memory_space<hbm>>
    %dma_wait3A_571 = arith.constant 0 : i32
    %dma_wait3A_572 = arith.constant 0 : i32
    %dma_wait3A_573 = tpu.memref_slice %arg4[%dma_wait3A_562, %dma_wait3A_571, %dma_wait3A_572] : memref<25600x8x128xf32, #tpu.memory_space<hbm>> -> memref<1x8x128xf32, #tpu.memory_space<hbm>>
    %dma_wait3A_574 = tpu.memref_squeeze %dma_wait3A_573 : memref<1x8x128xf32, #tpu.memory_space<hbm>> -> memref<8x128xf32, #tpu.memory_space<hbm>>
    %dma_wait3A_575 = arith.constant 0 : i32
    %dma_wait3A_576 = arith.constant 0 : i32
    %dma_wait3A_577 = tpu.memref_slice %arg7[%dma_wait3A_561, %dma_wait3A_575, %dma_wait3A_576] : memref<2x32x513xf32, #tpu.memory_space<vmem>> -> memref<1x8x128xf32, #tpu.memory_space<vmem>>
    %dma_wait3A_578 = tpu.memref_squeeze %dma_wait3A_577 : memref<1x8x128xf32, #tpu.memory_space<vmem>> -> memref<8x128xf32, #tpu.memory_space<vmem>>
    tpu.wait_dma2 semaphore(%arg11 : memref<!tpu.dma_semaphore, #tpu.memory_space<semaphore_mem>>) src(%dma_wait3A_578 : memref<8x128xf32, #tpu.memory_space<vmem>>) dst(%dma_wait3A_574 : memref<8x128xf32, #tpu.memory_space<hbm>>)
    %dma_wait3A_579 = arith.constant 1 : i32
    %dma_wait3A_580 = arith.constant 0 : i32
    %dma_wait3A_581 = arith.constant 0 : i32
    %dma_wait3A_582 = arith.constant 0 : i32
    %dma_wait3A_583 = tpu.memref_slice %arg7[%dma_wait3A_579, %dma_wait3A_581, %dma_wait3A_582] : memref<2x32x513xf32, #tpu.memory_space<vmem>> -> memref<1x8x128xf32, #tpu.memory_space<vmem>>
    %dma_wait3A_584 = tpu.memref_squeeze %dma_wait3A_583 : memref<1x8x128xf32, #tpu.memory_space<vmem>> -> memref<8x128xf32, #tpu.memory_space<vmem>>
    %dma_wait3A_585 = arith.constant 0 : i32
    %dma_wait3A_586 = arith.constant 0 : i32
    %dma_wait3A_587 = tpu.memref_slice %arg4[%dma_wait3A_580, %dma_wait3A_585, %dma_wait3A_586] : memref<25600x8x128xf32, #tpu.memory_space<hbm>> -> memref<1x8x128xf32, #tpu.memory_space<hbm>>
    %dma_wait3A_588 = tpu.memref_squeeze %dma_wait3A_587 : memref<1x8x128xf32, #tpu.memory_space<hbm>> -> memref<8x128xf32, #tpu.memory_space<hbm>>
    %dma_wait3A_589 = arith.constant 0 : i32
    %dma_wait3A_590 = arith.constant 0 : i32
    %dma_wait3A_591 = tpu.memref_slice %arg4[%dma_wait3A_580, %dma_wait3A_589, %dma_wait3A_590] : memref<25600x8x128xf32, #tpu.memory_space<hbm>> -> memref<1x8x128xf32, #tpu.memory_space<hbm>>
    %dma_wait3A_592 = tpu.memref_squeeze %dma_wait3A_591 : memref<1x8x128xf32, #tpu.memory_space<hbm>> -> memref<8x128xf32, #tpu.memory_space<hbm>>
    %dma_wait3A_593 = arith.constant 0 : i32
    %dma_wait3A_594 = arith.constant 0 : i32
    %dma_wait3A_595 = tpu.memref_slice %arg7[%dma_wait3A_579, %dma_wait3A_593, %dma_wait3A_594] : memref<2x32x513xf32, #tpu.memory_space<vmem>> -> memref<1x8x128xf32, #tpu.memory_space<vmem>>
    %dma_wait3A_596 = tpu.memref_squeeze %dma_wait3A_595 : memref<1x8x128xf32, #tpu.memory_space<vmem>> -> memref<8x128xf32, #tpu.memory_space<vmem>>
    tpu.wait_dma2 semaphore(%arg11 : memref<!tpu.dma_semaphore, #tpu.memory_space<semaphore_mem>>) src(%dma_wait3A_596 : memref<8x128xf32, #tpu.memory_space<vmem>>) dst(%dma_wait3A_592 : memref<8x128xf32, #tpu.memory_space<hbm>>)
    return
  }
}

</mosaic_0001>

<sc_bundles>
// kernel: kernel.3.cloned.1.call-start
scs
__scs_entry_jumppad:
0x0: {  	(pc) =	sbr.rel $0x88, $3  }
0x1: {  	(tag) =	ssettag $0x0;
	lr =	simm.s32 $0x1  }
0x2: {  	[smem:$0x3F9F] =	sst lr;
	_ =	strace $0xD0000000  }
0x3: {  	_ = 	snop  }
0x4: {  	_ = 	snop  }
0x5: {  	_ = 	snop  }
0x6: {  	_ = 	snop  }
0x7: {  	_ = 	snop  }
__scs_overlays_trampoline_lowered:
0x8: {  	[smem:$0x3FAE] =	sst s0  }
0x9: {  	[smem:$0x3FAF] =	sst s1  }
0xa: {  	[smem:$0x3FB0] =	sst s2  }
0xb: {  	[smem:$0x3FB1] =	sst s3  }
0xc: {  	[smem:$0x3FB2] =	sst s4  }
0xd: {  	[smem:$0x3FB3] =	sst s5  }
0xe: {  	[smem:$0x3FB4] =	sst s6  }
0xf: {  	[smem:$0x3FB5] =	sst s7  }
0x10: {  	[smem:$0x3FB6] =	sst s8  }
0x11: {  	[smem:$0x3FB7] =	sst s9;
	s0 =	simm.s32 @!p0 $0x0  }
0x12: {  	s1 =	sld [smem:$0x3F9D];
	s0 =	simm.s32 @p0 $0x1  }
0x13: {  	[smem:$0x3FB8] =	sst s0;
	s0 =	simm.s32 @!p1 $0x0  }
0x14: {  	s2 =	sld [smem:$0x3F9C];
	s0 =	simm.s32 @p1 $0x1  }
0x15: {  	[smem:$0x3FB9] =	sst s0;
	s0 =	simm.s32 @!p2 $0x0  }
0x16: {  	s3 =	sld [smem:$0x3FDB];
	s0 =	simm.s32 @p2 $0x1  }
0x17: {  	s4 =	simm.s32 $0x1BF5;
	[smem:$0x3FBB] =	sst s0  }
0x18: {  	s0 =	sld [smem:$0x3F9E];
	_ =	swait.ge [sflag:s4], $0x0  }
0x19: {  	s7 =	sld [smem:$0x3F9F]  }
0x1a: {  	s8 =	sadd.s32 $0xFFFFE003, lr  }
0x1b: {  	s9 =	sadd.s32 $0xFFFFFEF7, lr;
	s5 =	simm.s32 $0xFFFFFFFF;
	p2 =	slt.u32 s8, $0xFFFFF086  }
0x1c: {  	p1 =	slt.u32 s9, $0xF7A;
	s5 =	simm.s32 @!p2 $0x0  }
0x1d: {  	s5 =	simm.s32 @p1 $0x1;
	p0 =	seq.s32 s7, s2  }
0x1e: {  	s7 =	smul.u32 @!p0 $0xF7A, s2;
	p2 =	seq.s32 @!p0 s5, $0x0  }
0x1f: {  	s9 =	smul.u32 $0xF7A, s1;
	s8 =	simm.s32 @!p0 $0x1BF5;
	p2 =	por !p2, p0  }
0x20: {  	[sflag:s8] =	ssyncset.s32 @!p0 $0xFFFFF086;
	s6 =	sadd.s32 @!p0 s3, s7;
	s7 =	simm.s32 @!p0 $0x108  }
0x21: {  	s3 =	sadd.s32 s3, s9;
	s6 =	sadd.s32 @!p0 $0x88, s6;
	s7 =	simm.s32 @p2 $0x1082  }
0x22: {  	[simem:s7], [sflag:s8] =	dma.local @!p0 [hbm:s6], $0xF7A  }
0x23: {  	s9 =	sor.u32 $0xD0000000, s2;
	s6 =	simm.s32 $0x108;
	_ =	swait.ge @!p0 [sflag:s8], $0x0  }
0x24: {  	s3 =	sadd.s32 $0x88, s3;
	s6 =	simm.s32 @!p1 $0x1082;
	[sflag:s4] =	ssyncset.s32 $0xFFFFF086  }
0x25: {  	[simem:s6], [sflag:s4] =	dma.local [hbm:s3], $0xF7A  }
0x26: {  	[smem:$0x3F9F] =	sst s1;
	(tag) =	ssettag s2;
	_ =	strace s9  }
0x27: {  	s1 =	sld [smem:$0x3FAF]  }
0x28: {  	s2 =	sld [smem:$0x3FB0]  }
0x29: {  	s4 =	sld [smem:$0x3FB2]  }
0x2a: {  	p0 =	seq.s32 s5, $0x0;
	s5 =	sld [smem:$0x3FB3]  }
0x2b: {  	s6 =	sld [smem:$0x3FB4]  }
0x2c: {  	s7 =	sld [smem:$0x3FB5]  }
0x2d: {  	s3 =	simm.s32 $0x108;
	s8 =	sld [smem:$0x3FB6]  }
0x2e: {  	s3 =	simm.s32 @!p0 $0x1082;
	s9 =	sld [smem:$0x3FB7]  }
0x2f: {  	lr =	sadd.s32 s0, s3;
	s0 =	sld [smem:$0x3FAE]  }
0x30: {  	s3 =	sld [smem:$0x3FB1]  }
0x31: {  	[smem:$0x3FBA] =	sst s10  }
0x32: {  	s10 =	sld [smem:$0x3FB8];
	_ =	sdelay $0x3  }
0x33: {  	p0 =	seq.s32 s10, $0x1;
	s10 =	sld [smem:$0x3FBA];
	_ =	sdelay $0x3  }
0x34: {  	[smem:$0x3FBA] =	sst s10  }
0x35: {  	s10 =	sld [smem:$0x3FB9];
	_ =	sdelay $0x3  }
0x36: {  	p1 =	seq.s32 s10, $0x1;
	s10 =	sld [smem:$0x3FBA];
	_ =	sdelay $0x3  }
0x37: {  	[smem:$0x3FBA] =	sst s10  }
0x38: {  	s10 =	sld [smem:$0x3FBB]  }
0x39: {  	_ = 	snop;
	(pc) =	sbr.ind lr, $3  }
0x3a: {  	_ = 	snop  }
0x3b: {  	_ = 	snop  }
0x3c: {  	p2 =	seq.s32 s10, $0x1;
	s10 =	sld [smem:$0x3FBA]  }
0x3d: {  	_ =	shalt  }
0x3e: {  	_ =	shalt  }
0x3f: {  	_ =	shalt  }
0x40: {  	_ =	shalt  }
0x41: {  	_ =	shalt  }
0x42: {  	_ =	shalt  }
0x43: {  	_ =	shalt  }
0x44: {  	_ =	shalt  }
0x45: {  	_ =	shalt  }
0x46: {  	_ =	shalt  }
0x47: {  	_ =	shalt  }
0x48: {  	_ =	shalt  }
0x49: {  	_ =	shalt  }
0x4a: {  	_ =	shalt  }
0x4b: {  	_ =	shalt  }
0x4c: {  	_ =	shalt  }
0x4d: {  	_ =	shalt  }
0x4e: {  	_ =	shalt  }
0x4f: {  	_ =	shalt  }
0x50: {  	_ =	shalt  }
0x51: {  	_ =	shalt  }
0x52: {  	_ =	shalt  }
0x53: {  	_ =	shalt  }
0x54: {  	_ =	shalt  }
0x55: {  	_ =	shalt  }
0x56: {  	_ =	shalt  }
0x57: {  	_ =	shalt  }
0x58: {  	_ =	shalt  }
0x59: {  	_ =	shalt  }
0x5a: {  	_ =	shalt  }
0x5b: {  	_ =	shalt  }
0x5c: {  	_ =	shalt  }
0x5d: {  	_ =	shalt  }
0x5e: {  	_ =	shalt  }
0x5f: {  	_ =	shalt  }
0x60: {  	_ =	shalt  }
0x61: {  	_ =	shalt  }
0x62: {  	_ =	shalt  }
0x63: {  	_ =	shalt  }
0x64: {  	_ =	shalt  }
0x65: {  	_ =	shalt  }
0x66: {  	_ =	shalt  }
0x67: {  	_ =	shalt  }
0x68: {  	_ =	shalt  }
0x69: {  	_ =	shalt  }
0x6a: {  	_ =	shalt  }
0x6b: {  	_ =	shalt  }
0x6c: {  	_ =	shalt  }
0x6d: {  	_ =	shalt  }
0x6e: {  	_ =	shalt  }
0x6f: {  	_ =	shalt  }
0x70: {  	_ =	shalt  }
0x71: {  	_ =	shalt  }
0x72: {  	_ =	shalt  }
0x73: {  	_ =	shalt  }
0x74: {  	_ =	shalt  }
0x75: {  	_ =	shalt  }
0x76: {  	_ =	shalt  }
0x77: {  	_ =	shalt  }
0x78: {  	_ =	shalt  }
0x79: {  	_ =	shalt  }
0x7a: {  	_ =	shalt  }
0x7b: {  	_ =	shalt  }
0x7c: {  	_ =	shalt  }
0x7d: {  	_ =	shalt  }
0x7e: {  	_ =	shalt  }
0x7f: {  	_ =	shalt  }
0x80: {  	_ =	shalt  }
0x81: {  	_ =	shalt  }
0x82: {  	_ =	shalt  }
0x83: {  	_ =	shalt  }
0x84: {  	_ =	shalt  }
0x85: {  	_ =	shalt  }
0x86: {  	_ =	shalt  }
0x87: {  	_ =	shalt  }
.Lfunc_end0:
.L_simem_size_0:
called_computation_lowered:
.L_overlay_start_0:
0x88: {  	s2 =	sld [smem:$0x3FD9]  }
0x89: {  	s3 =	sld [smem:$0x3FFE];
	_ =	sdelay $0x1  }
0x8a: {  	s1 =	srdreg.scid  }
0x8b: {  	s0 =	sand.u32 $0x1, s1  }
0x8c: {  	s17 =	sshll.u32 s0, $0xA;
	s2 =	sadd.s32 s3, s2  }
0x8d: {  	s2 =	sadd.s32 s2, s17  }
0x8e: {  	[smem:$0x3FC6] =	sst s2  }
0x8f: {  	_ = 	snop  }
0x90: {  	s2 =	sld [smem:$0x3FD0];
	(tm) =	ssettm $0x1  }
0x91: {  	s18 =	sld [smem:$0x3FFB];
	_ =	sdelay $0x3  }
0x92: {  	_ =	strace s18  }
0x93: {  	s3 =	sld [smem:$0x3FFC];
	_ =	sdelay $0x3  }
0x94: {  	_ =	strace s3  }
0x95: {  	s3 =	sld [smem:$0x3FFD];
	_ =	sdelay $0x3  }
0x96: {  	_ =	strace s3  }
0x97: {  	_ =	strace $0x8FFFFFFF  }
0x98: {  	s19 =	sld [smem:$0x3FDB];
	_ =	sdelay $0x1  }
0x99: {  	s4 =	simm.s32 $_scs_section_size  }
0x9a: {  	s5 =	simm.s32 $_size__tile_overlayer_lowered;
	s6 =	simm.s32 $_tile_overlayer_lowered  }
0x9b: {  	s22 =	simm.s32 $0x1BFF;
	s21 =	sshll.u32 s6, $0x1;
	s3 =	sadd.s32 s4, s19  }
0x9c: {  	s7 =	simm.s32 $0x0;
	s20 =	sshll.u32 s5, $0x1;
	s5 =	sadd.s32 s21, s3  }
0x9d: {  	[timem:s7], [sflag:s22] =	dma.local [hbm:s5], s20  }
0x9e: {  	_ =	swait.ge [sflag:s22], s20  }
0x9f: {  	s4 =	ssub.s32 $0x0, s20;
	[sflag:s22] =	ssyncset.done $0x0  }
0xa0: {  	[sflag:s22] =	ssyncadd.s32 s4;
	_ =	sdelay $0x1  }
0xa1: {  	s23 =	simm.s32 $0x1B8B  }
0xa2: {  	_ =	swait.ge [sflag:s23], $0x1  }
0xa3: {  	[sflag:s23] =	ssyncset.done $0x0  }
0xa4: {  	s25 =	simm.s32 $0x1B8E;
	s24 =	sld [smem:$0x3FFE];
	[sflag:s23] =	ssyncadd.s32 $0xFFFFFFFF  }
0xa5: {  	s26 =	simm.s32 $execute0_lowered;
	[smem:$0x3FD2] =	sst s25  }
0xa6: {  	s5 =	sshll.u32 s26, $0x1;
	_ =	strace $0x80000046;
	[dreg:$0x1] =	wrdreg $0xFFFFFFFF  }
0xa7: {  	s28 =	simm.s32 $_size_execute0_lowered;
	s3 =	sadd.s32 s3, s5;
	[dreg:$0x0] =	wrdreg $0x0  }
0xa8: {  	s5 =	sshll.u32 s28, $0x1;
	[dreg:$0x2] =	wrdreg s3  }
0xa9: {  	[dreg:$0x3] =	wrdreg s5  }
0xaa: {  	[dreg:$0x4] =	wrdreg $0xC0  }
0xab: {  	_ =	task [dreg:s7], $0x5FFFF  }
0xac: {  	[dreg:$0x1] =	wrdreg $0xFFFFFFFF  }
0xad: {  	[dreg:$0x0] =	wrdreg $0x60  }
0xae: {  	[dreg:$0x2] =	wrdreg s24  }
0xaf: {  	[dreg:$0x3] =	wrdreg s2  }
0xb0: {  	[dreg:$0x4] =	wrdreg $0x9  }
0xb1: {  	_ =	task.clear_ibuf [dreg:s7], $0x5FFFF;
	_ =	strace $0x90000046  }
0xb2: {  	s29 =	simm.s32 $0x9;
	_ =	strace $0x80000048  }
0xb3: {  	_ =	swait.ge [sflag:s29], $0x1  }
0xb4: {  	[sflag:s29] =	ssyncadd.s32 $0xFFFFFFFF  }
0xb5: {  	_ =	strace $0x90000048  }
0xb6: {  	_ =	sfence  }
0xb7: {  	s30 =	sld [smem:$0x0];
	_ =	sdelay $0x2  }
0xb8: {  	s31 =	sshll.u32 s1, $0xD;
	s1 =	sshrl.u32 s1, $0x2  }
0xb9: {  	s3 =	sand.u32 $0x4000, s31;
	s1 =	sadd.s32 s1, s30  }
0xba: {  	s0 =	sor.u32 s3, s0;
	s1 =	sshll.u32 s1, $0x11  }
0xbb: {  	s0 =	sor.u32 s1, s0  }
0xbc: {  	s0 =	sadd.s32 $0x8F2B, s0  }
0xbd: {  	[sflag:s0] =	ssyncadd.remote.s32 $0x1  }
0xbe: {  	_ =	sfence.sel $0xFFFF  }
0xbf: {  	[dreg:$0x0] =	wrdreg $0xFFFFFFFF;
	(pc) =	sbr.abs _section_cstart, $3  }
0xc0: {  	[dreg:$0x1] =	wrdreg $0xFFFFFFFF  }
0xc1: {  	_ =	task.clear_ibuf [dreg:s7], $0x2FFFF;
	_ =	strace $0x9FFFFFFF  }
0xc2: {  	(tm) =	ssettm $0x7FFFFFFF  }
0xc3: {  	_ =	shalt  }
tec
execute0_lowered:
.L_overlay_start_1:
0x0: {  	(tag) =	ssettag $0x1  }
0x1: {  	s0 =	srdreg.scid  }
0x2: {  	s2 =	stileid.u32;
	s1 =	rddreg [dreg:$0x0]  }
0x3: {  	s26 =	simm.s32 $0x1;
	s29 =	simm.s32 $0xE400;
	s25 =	simm.s32 $0x12500  }
0x4: {  	s24 =	simm.s32 $0x4;
	s0 =	sand.u32 $0x1, s0;
	s3 =	sshll.u32 s2, $0x1  }
0x5: {  	s2 =	rddreg [dreg:$0x1];
	s5 =	sor.u32 s0, s3;
	s3 =	simm.s32 $0x0  }
0x6: {  	s0 =	ssub.s32 $0x2, s0;
	s8 =	sadd.s32 $0x100, s2;
	s9 =	sadd.s32 $0x180, s2  }
0x7: {  	s10 =	sadd.s32 $0x4000, s2;
	s11 =	sadd.s32 $0x4080, s2;
	s12 =	sadd.s32 $0x4100, s2  }
0x8: {  	v0 =	vlaneseq.u32;
	s13 =	sadd.s32 $0x4180, s2;
	s14 =	sadd.s32 $0x8000, s2;
	s15 =	sadd.s32 $0x8080, s2  }
0x9: {  	v1 =	vimm.s32 $0x0;
	vm0 =	vcmask $0x300;
	v0 =	vmul.u32 $0x208, v0;
	s16 =	sadd.s32 $0x8100, s2;
	s17 =	sadd.s32 $0x8180, s2;
	s18 =	sadd.s32 $0xC000, s2  }
0xa: {  	v1 =	vsel vm0, $0x3, v1;
	s19 =	sadd.s32 $0xC080, s2;
	s20 =	sadd.s32 $0xC100, s2;
	s21 =	sadd.s32 $0xC180, s2  }
0xb: {  	s4 =	smul.u32 $0xC80, s5;
	[smem:$0x7FF] =	sst s3;
	s7 =	sshrl.u32 s0, $0x1;
	v2 =	vadd.s32 $0x2080, v0;
	v3 =	vor.u32 $0x1, v0;
	v4 =	vadd.s32 $0x2081, v0  }
0xc: {  	s5 =	smul.u32 $0xC8, s5;
	v5 =	vor.u32 $0x2, v0;
	v6 =	vadd.s32 $0x2082, v0;
	v7 =	vor.u32 $0x3, v0;
	_ =	strace $0x80000047;
	s0 =	ssub.s32 s0, s7  }
0xd: {  	v8 =	vadd.s32 $0x2083, v0;
	v9 =	vor.u32 $0x4, v0;
	v10 =	vadd.s32 $0x2084, v0;
	s7 =	sadd.s32 $0x80, s2;
	s6 =	sadd.s32 s4, s1;
	s0 =	smax.u32 s0, $0x1  }
0xe: {  	v11 =	vor.u32 $0x5, v0;
	v12 =	vadd.s32 $0x2085, v0;
	v13 =	vor.u32 $0x6, v0;
	s4 =	sadd.s32 $0xF42A00, s1;
	s31 =	sadd.s32 $0x600, s6;
	[dreg:$0x4] =	wrdreg s0  }
0xf: {  	v14 =	vadd.s32 $0x2086, v0;
	v15 =	vor.u32 $0x7, v0;
	v16 =	vadd.s32 $0x2087, v0;
	s0 =	simm.s32 $0x2;
	s6 =	simm.s32 $0x0;
	[dreg:$0x3] =	wrdreg s31  }
.LBB2_1:
0x10: {  	[dreg:$0x5] =	wrdreg s6  }
0x11: {  	s1 =	rddreg [dreg:$0x3];
	s28 =	simm.s32 $0x5  }
0x12: {  	[tilespmem:s3], [sflag:$0x5] =	stream.linear.gather [hbm4b:s1+s3], $0x6400, $0x38;
	[tilespmem:$0x16600] =	vst v63  }
0x13: {  	_ =	swait.ge [sflag:s28], $0x6400  }
0x14: {  	s30 =	simm.s32 $0x200;
	[sflag:s28] =	ssyncset.done $0x0  }
0x15: {  	s31 =	simm.s32 $0x6400;
	s6 =	simm.s32 $0x0;
	[sflag:s28] =	ssyncadd.s32 $0xFFFF9C00  }
0x16: {  	[tilespmem:s31], [sflag:$0x1] =	stream.indirect.gather [hbm4b:s4+s30], $0x20, s3, s30, $0xb8;
	[tilespmem:$0x16600] =	vst v63  }
.LBB2_2:
0x17: {  	_ =	swait.ge [sflag:s26], $0x4000;
	s1 =	sshll.u32 s6, $0xA;
	s23 =	simm.s32 $0x200  }
0x18: {  	s28 =	simm.s32 $0xA400;
	[sflag:s26] =	ssyncset.done $0x0;
	s22 =	sand.u32 $0x3FFFFC00, s1  }
0x19: {  	p0 =	seq.s32 s6, $0x0;
	[sflag:s26] =	ssyncadd.s32 $0xFFFFC000;
	s1 =	sor.u32 $0x200, s22  }
0x1a: {  	[tilespmem:s28], [sflag:$0x2] =	stream.indirect.gather [hbm4b:s4+s23], $0x20, s1, s23, $0xb8;
	[tilespmem:$0x16600] =	vst v63  }
0x1b: {  	s1 =	simm.s32 @!p0 $0x3  }
0x1c: {  	_ =	swait.ge @!p0 [sflag:s1], $0x400  }
0x1d: {  	[sflag:s1] =	ssyncset.done @!p0 $0x0  }
0x1e: {  	[sflag:s1] =	ssyncadd.s32 @!p0 $0xFFFFFC00  }
0x1f: {  	_ =	swait.ge @!p0 [sflag:s1], $0x400  }
0x20: {  	[sflag:s1] =	ssyncset.done @!p0 $0x0  }
0x21: {  	[sflag:s1] =	ssyncadd.s32 @!p0 $0xFFFFFC00  }
0x22: {  	_ =	swait.ge @!p0 [sflag:s1], $0x400  }
0x23: {  	[sflag:s1] =	ssyncset.done @!p0 $0x0  }
0x24: {  	[sflag:s1] =	ssyncadd.s32 @!p0 $0xFFFFFC00  }
0x25: {  	_ =	swait.ge @!p0 [sflag:s1], $0x400  }
0x26: {  	[sflag:s1] =	ssyncset.done @!p0 $0x0  }
0x27: {  	[sflag:s1] =	ssyncadd.s32 @!p0 $0xFFFFFC00  }
0x28: {  	_ =	swait.ge @!p0 [sflag:s1], $0x400  }
0x29: {  	[sflag:s1] =	ssyncset.done @!p0 $0x0  }
0x2a: {  	[sflag:s1] =	ssyncadd.s32 @!p0 $0xFFFFFC00  }
0x2b: {  	_ =	swait.ge @!p0 [sflag:s1], $0x400  }
0x2c: {  	[sflag:s1] =	ssyncset.done @!p0 $0x0  }
0x2d: {  	[sflag:s1] =	ssyncadd.s32 @!p0 $0xFFFFFC00  }
0x2e: {  	_ =	swait.ge @!p0 [sflag:s1], $0x400  }
0x2f: {  	[sflag:s1] =	ssyncset.done @!p0 $0x0  }
0x30: {  	[sflag:s1] =	ssyncadd.s32 @!p0 $0xFFFFFC00  }
0x31: {  	_ =	swait.ge @!p0 [sflag:s1], $0x400  }
0x32: {  	[sflag:s1] =	ssyncset.done @!p0 $0x0  }
0x33: {  	[sflag:s1] =	ssyncadd.s32 @!p0 $0xFFFFFC00  }
0x34: {  	_ =	swait.ge @!p0 [sflag:s1], $0x400  }
0x35: {  	[sflag:s1] =	ssyncset.done @!p0 $0x0  }
0x36: {  	[sflag:s1] =	ssyncadd.s32 @!p0 $0xFFFFFC00  }
0x37: {  	_ =	swait.ge @!p0 [sflag:s1], $0x400  }
0x38: {  	[sflag:s1] =	ssyncset.done @!p0 $0x0  }
0x39: {  	[sflag:s1] =	ssyncadd.s32 @!p0 $0xFFFFFC00  }
0x3a: {  	_ =	swait.ge @!p0 [sflag:s1], $0x400  }
0x3b: {  	[sflag:s1] =	ssyncset.done @!p0 $0x0  }
0x3c: {  	[sflag:s1] =	ssyncadd.s32 @!p0 $0xFFFFFC00  }
0x3d: {  	_ =	swait.ge @!p0 [sflag:s1], $0x400  }
0x3e: {  	[sflag:s1] =	ssyncset.done @!p0 $0x0  }
0x3f: {  	[sflag:s1] =	ssyncadd.s32 @!p0 $0xFFFFFC00  }
0x40: {  	_ =	swait.ge @!p0 [sflag:s1], $0x400  }
0x41: {  	[sflag:s1] =	ssyncset.done @!p0 $0x0  }
0x42: {  	[sflag:s1] =	ssyncadd.s32 @!p0 $0xFFFFFC00  }
0x43: {  	_ =	swait.ge @!p0 [sflag:s1], $0x400  }
0x44: {  	[sflag:s1] =	ssyncset.done @!p0 $0x0  }
0x45: {  	[sflag:s1] =	ssyncadd.s32 @!p0 $0xFFFFFC00  }
0x46: {  	s23 =	simm.s32 $0x0;
	_ =	swait.ge @!p0 [sflag:s1], $0x400  }
0x47: {  	v17 =	vmov s23;
	[sflag:s1] =	ssyncset.done @!p0 $0x0  }
0x48: {  	v17 =	vshrl.u32 v17, $0x3;
	[sflag:s1] =	ssyncadd.s32 @!p0 $0xFFFFFC00  }
0x49: {  	v17 =	vshll.u32 v17, v1;
	_ =	swait.ge @!p0 [sflag:s1], $0x400  }
0x4a: {  	v17 =	vbroadcast v17, $0x0;
	[sflag:s1] =	ssyncset.done @!p0 $0x0  }
0x4b: {  	s28 =	simm.s32 $0x6480;
	[sflag:s1] =	ssyncadd.s32 @!p0 $0xFFFFFC00  }
0x4c: {  	v19 =	vadd.s32 v0, v17;
	v18 =	vld [tilespmem:s28+$0xFFFFFF80];
	_ =	sdelay $0x4  }
0x4d: {  	[tilespmem:v19+s29+$0x0] =	vst.idx.msk $0xffff, v18  }
0x4e: {  	s23 =	simm.s32 $0x1;
	v17 =	vadd.s32 v2, v17;
	v18 =	vld [tilespmem:s28+$0xFFFFFF90]  }
0x4f: {  	v19 =	vmov s23  }
0x50: {  	v19 =	vshrl.u32 v19, $0x3  }
0x51: {  	v19 =	vshll.u32 v19, v1  }
0x52: {  	v19 =	vbroadcast v19, $0x0  }
0x53: {  	[tilespmem:v17+s29+$0x0] =	vst.idx.msk $0xffff, v18  }
0x54: {  	v18 =	vadd.s32 v3, v19;
	v17 =	vld [tilespmem:s28+$0xFFFFFFA0];
	_ =	sdelay $0x4  }
0x55: {  	[tilespmem:v18+s29+$0x0] =	vst.idx.msk $0xffff, v17  }
0x56: {  	s23 =	simm.s32 $0x2;
	v18 =	vadd.s32 v4, v19;
	v17 =	vld [tilespmem:s28+$0xFFFFFFB0]  }
0x57: {  	v19 =	vmov s23  }
0x58: {  	v19 =	vshrl.u32 v19, $0x3  }
0x59: {  	v19 =	vshll.u32 v19, v1  }
0x5a: {  	v19 =	vbroadcast v19, $0x0  }
0x5b: {  	[tilespmem:v18+s29+$0x0] =	vst.idx.msk $0xffff, v17  }
0x5c: {  	v18 =	vadd.s32 v5, v19;
	v17 =	vld [tilespmem:s28+$0xFFFFFFC0];
	_ =	sdelay $0x4  }
0x5d: {  	[tilespmem:v18+s29+$0x0] =	vst.idx.msk $0xffff, v17  }
0x5e: {  	s23 =	simm.s32 $0x3;
	v18 =	vadd.s32 v6, v19;
	v17 =	vld [tilespmem:s28+$0xFFFFFFD0]  }
0x5f: {  	v19 =	vmov s23  }
0x60: {  	v19 =	vshrl.u32 v19, $0x3  }
0x61: {  	v19 =	vshll.u32 v19, v1  }
0x62: {  	v19 =	vbroadcast v19, $0x0  }
0x63: {  	[tilespmem:v18+s29+$0x0] =	vst.idx.msk $0xffff, v17  }
0x64: {  	v18 =	vadd.s32 v7, v19;
	v17 =	vld [tilespmem:s28+$0xFFFFFFE0];
	_ =	sdelay $0x4  }
0x65: {  	[tilespmem:v18+s29+$0x0] =	vst.idx.msk $0xffff, v17  }
0x66: {  	s23 =	simm.s32 $0x4;
	v18 =	vadd.s32 v8, v19;
	v17 =	vld [tilespmem:s28+$0xFFFFFFF0]  }
0x67: {  	v19 =	vmov s23  }
0x68: {  	v19 =	vshrl.u32 v19, $0x3  }
0x69: {  	v19 =	vshll.u32 v19, v1  }
0x6a: {  	v19 =	vbroadcast v19, $0x0  }
0x6b: {  	[tilespmem:v18+s29+$0x0] =	vst.idx.msk $0xffff, v17  }
0x6c: {  	v18 =	vadd.s32 v9, v19;
	v17 =	vld [tilespmem:s28+$0x0];
	_ =	sdelay $0x4  }
0x6d: {  	[tilespmem:v18+s29+$0x0] =	vst.idx.msk $0xffff, v17  }
0x6e: {  	s23 =	simm.s32 $0x5;
	v18 =	vadd.s32 v10, v19;
	v17 =	vld [tilespmem:s28+$0x10]  }
0x6f: {  	v19 =	vmov s23  }
0x70: {  	v19 =	vshrl.u32 v19, $0x3  }
0x71: {  	v19 =	vshll.u32 v19, v1  }
0x72: {  	v19 =	vbroadcast v19, $0x0  }
0x73: {  	[tilespmem:v18+s29+$0x0] =	vst.idx.msk $0xffff, v17  }
0x74: {  	v18 =	vadd.s32 v11, v19;
	v17 =	vld [tilespmem:s28+$0x20];
	_ =	sdelay $0x4  }
0x75: {  	[tilespmem:v18+s29+$0x0] =	vst.idx.msk $0xffff, v17  }
0x76: {  	s23 =	simm.s32 $0x6;
	v18 =	vadd.s32 v12, v19;
	v17 =	vld [tilespmem:s28+$0x30]  }
0x77: {  	v19 =	vmov s23  }
0x78: {  	v19 =	vshrl.u32 v19, $0x3  }
0x79: {  	v19 =	vshll.u32 v19, v1  }
0x7a: {  	v19 =	vbroadcast v19, $0x0  }
0x7b: {  	[tilespmem:v18+s29+$0x0] =	vst.idx.msk $0xffff, v17  }
0x7c: {  	v18 =	vadd.s32 v13, v19;
	v17 =	vld [tilespmem:s28+$0x40];
	_ =	sdelay $0x4  }
0x7d: {  	[tilespmem:v18+s29+$0x0] =	vst.idx.msk $0xffff, v17  }
0x7e: {  	s23 =	simm.s32 $0x7;
	v18 =	vadd.s32 v14, v19;
	v17 =	vld [tilespmem:s28+$0x50]  }
0x7f: {  	v19 =	vmov s23  }
0x80: {  	v19 =	vshrl.u32 v19, $0x3  }
0x81: {  	v19 =	vshll.u32 v19, v1  }
0x82: {  	v19 =	vbroadcast v19, $0x0  }
0x83: {  	[tilespmem:v18+s29+$0x0] =	vst.idx.msk $0xffff, v17  }
0x84: {  	v18 =	vadd.s32 v15, v19;
	v17 =	vld [tilespmem:s28+$0x60];
	_ =	sdelay $0x4  }
0x85: {  	s30 =	simm.s32 $0xF;
	[tilespmem:v18+s29+$0x0] =	vst.idx.msk $0xffff, v17  }
0x86: {  	s31 =	simm.s32 $0x17;
	s1 =	simm.s32 $0x8;
	s23 =	sshll.u32 s6, $0x1;
	v18 =	vadd.s32 v16, v19;
	v17 =	vld [tilespmem:s28+$0x70]  }
.LBB2_3:
0x87: {  	p1 =	sne.s32 s31, $0x1FF;
	v19 =	vmov s1  }
0x88: {  	v19 =	vshrl.u32 v19, $0x3  }
0x89: {  	v19 =	vshll.u32 v19, v1  }
0x8a: {  	v19 =	vbroadcast v19, $0x0  }
0x8b: {  	s28 =	sadd.s32 $0x100, s28;
	[tilespmem:v18+s29+$0x0] =	vst.idx.msk $0xffff, v17  }
0x8c: {  	v17 =	vld [tilespmem:s28+$0xFFFFFF80];
	v18 =	vadd.s32 v0, v19;
	_ =	sdelay $0x4  }
0x8d: {  	[tilespmem:v18+s29+$0x0] =	vst.idx.msk $0xffff, v17  }
0x8e: {  	s1 =	sadd.s32 $0xFFFFFFFA, s30;
	v18 =	vadd.s32 v2, v19;
	v17 =	vld [tilespmem:s28+$0xFFFFFF90]  }
0x8f: {  	v19 =	vmov s1  }
0x90: {  	v19 =	vshrl.u32 v19, $0x3  }
0x91: {  	v19 =	vshll.u32 v19, v1  }
0x92: {  	v19 =	vbroadcast v19, $0x0  }
0x93: {  	[tilespmem:v18+s29+$0x0] =	vst.idx.msk $0xffff, v17  }
0x94: {  	v18 =	vadd.s32 v3, v19;
	v17 =	vld [tilespmem:s28+$0xFFFFFFA0];
	_ =	sdelay $0x4  }
0x95: {  	[tilespmem:v18+s29+$0x0] =	vst.idx.msk $0xffff, v17  }
0x96: {  	s1 =	sadd.s32 $0xFFFFFFFB, s30;
	v18 =	vadd.s32 v4, v19;
	v17 =	vld [tilespmem:s28+$0xFFFFFFB0]  }
0x97: {  	v19 =	vmov s1  }
0x98: {  	v19 =	vshrl.u32 v19, $0x3  }
0x99: {  	v19 =	vshll.u32 v19, v1  }
0x9a: {  	v19 =	vbroadcast v19, $0x0  }
0x9b: {  	[tilespmem:v18+s29+$0x0] =	vst.idx.msk $0xffff, v17  }
0x9c: {  	v18 =	vadd.s32 v5, v19;
	v17 =	vld [tilespmem:s28+$0xFFFFFFC0];
	_ =	sdelay $0x4  }
0x9d: {  	[tilespmem:v18+s29+$0x0] =	vst.idx.msk $0xffff, v17  }
0x9e: {  	s1 =	sadd.s32 $0xFFFFFFFC, s30;
	v18 =	vadd.s32 v6, v19;
	v17 =	vld [tilespmem:s28+$0xFFFFFFD0]  }
0x9f: {  	v19 =	vmov s1  }
0xa0: {  	v19 =	vshrl.u32 v19, $0x3  }
0xa1: {  	v19 =	vshll.u32 v19, v1  }
0xa2: {  	v19 =	vbroadcast v19, $0x0  }
0xa3: {  	[tilespmem:v18+s29+$0x0] =	vst.idx.msk $0xffff, v17  }
0xa4: {  	v18 =	vadd.s32 v7, v19;
	v17 =	vld [tilespmem:s28+$0xFFFFFFE0];
	_ =	sdelay $0x4  }
0xa5: {  	[tilespmem:v18+s29+$0x0] =	vst.idx.msk $0xffff, v17  }
0xa6: {  	s1 =	sadd.s32 $0xFFFFFFFD, s30;
	v18 =	vadd.s32 v8, v19;
	v17 =	vld [tilespmem:s28+$0xFFFFFFF0]  }
0xa7: {  	v19 =	vmov s1  }
0xa8: {  	v19 =	vshrl.u32 v19, $0x3  }
0xa9: {  	v19 =	vshll.u32 v19, v1  }
0xaa: {  	v19 =	vbroadcast v19, $0x0  }
0xab: {  	[tilespmem:v18+s29+$0x0] =	vst.idx.msk $0xffff, v17  }
0xac: {  	v18 =	vadd.s32 v9, v19;
	v17 =	vld [tilespmem:s28+$0x0];
	_ =	sdelay $0x4  }
0xad: {  	[tilespmem:v18+s29+$0x0] =	vst.idx.msk $0xffff, v17  }
0xae: {  	s1 =	sadd.s32 $0xFFFFFFFE, s30;
	v18 =	vadd.s32 v10, v19;
	v17 =	vld [tilespmem:s28+$0x10]  }
0xaf: {  	v19 =	vmov s1  }
0xb0: {  	v19 =	vshrl.u32 v19, $0x3  }
0xb1: {  	v19 =	vshll.u32 v19, v1  }
0xb2: {  	v19 =	vbroadcast v19, $0x0  }
0xb3: {  	[tilespmem:v18+s29+$0x0] =	vst.idx.msk $0xffff, v17  }
0xb4: {  	v18 =	vadd.s32 v11, v19;
	v17 =	vld [tilespmem:s28+$0x20];
	_ =	sdelay $0x4  }
0xb5: {  	[tilespmem:v18+s29+$0x0] =	vst.idx.msk $0xffff, v17  }
0xb6: {  	s1 =	sadd.s32 $0xFFFFFFFF, s30;
	v18 =	vadd.s32 v12, v19;
	v17 =	vld [tilespmem:s28+$0x30]  }
0xb7: {  	v19 =	vmov s1  }
0xb8: {  	v19 =	vshrl.u32 v19, $0x3  }
0xb9: {  	v19 =	vshll.u32 v19, v1  }
0xba: {  	v19 =	vbroadcast v19, $0x0  }
0xbb: {  	[tilespmem:v18+s29+$0x0] =	vst.idx.msk $0xffff, v17  }
0xbc: {  	v18 =	vadd.s32 v13, v19;
	v17 =	vld [tilespmem:s28+$0x40];
	_ =	sdelay $0x4  }
0xbd: {  	[tilespmem:v18+s29+$0x0] =	vst.idx.msk $0xffff, v17  }
0xbe: {  	v18 =	vadd.s32 v14, v19;
	v17 =	vld [tilespmem:s28+$0x50]  }
0xbf: {  	v19 =	vmov s30;
	s30 =	smov.u32 s31  }
0xc0: {  	v19 =	vshrl.u32 v19, $0x3  }
0xc1: {  	v19 =	vshll.u32 v19, v1  }
0xc2: {  	v19 =	vbroadcast v19, $0x0  }
0xc3: {  	[tilespmem:v18+s29+$0x0] =	vst.idx.msk $0xffff, v17  }
0xc4: {  	v18 =	vadd.s32 v15, v19;
	v17 =	vld [tilespmem:s28+$0x60];
	_ =	sdelay $0x1  }
.Ltmp0:
0xc5: {  	(pc) =	sbr.rel @p1 .LBB2_3-.Ltmp0, $3  }
0xc6: {  	_ =	sdelay $0x1  }
0xc7: {  	[tilespmem:v18+s29+$0x0] =	vst.idx.msk $0xffff, v17  }
0xc8: {  	s31 =	sadd.s32 $0x8, s31;
	s1 =	sadd.s32 $0xFFFFFFF9, s30;
	v18 =	vadd.s32 v16, v19;
	v17 =	vld [tilespmem:s28+$0x70]  }
0xc9: {  	v19 =	vmov s1  }
0xca: {  	v19 =	vshrl.u32 v19, $0x3  }
0xcb: {  	v19 =	vshll.u32 v19, v1  }
0xcc: {  	v19 =	vbroadcast v19, $0x0  }
0xcd: {  	s28 =	sadd.s32 $0x100, s28;
	[tilespmem:v18+s29+$0x0] =	vst.idx.msk $0xffff, v17  }
0xce: {  	v17 =	vld [tilespmem:s28+$0xFFFFFF80];
	v18 =	vadd.s32 v0, v19;
	_ =	sdelay $0x4  }
0xcf: {  	[tilespmem:v18+s29+$0x0] =	vst.idx.msk $0xffff, v17  }
0xd0: {  	s31 =	sadd.s32 $0xFFFFFFFA, s30;
	v18 =	vadd.s32 v2, v19;
	v17 =	vld [tilespmem:s28+$0xFFFFFF90]  }
0xd1: {  	v19 =	vmov s31  }
0xd2: {  	v19 =	vshrl.u32 v19, $0x3  }
0xd3: {  	v19 =	vshll.u32 v19, v1  }
0xd4: {  	v19 =	vbroadcast v19, $0x0  }
0xd5: {  	[tilespmem:v18+s29+$0x0] =	vst.idx.msk $0xffff, v17  }
0xd6: {  	v18 =	vadd.s32 v3, v19;
	v17 =	vld [tilespmem:s28+$0xFFFFFFA0];
	_ =	sdelay $0x4  }
0xd7: {  	[tilespmem:v18+s29+$0x0] =	vst.idx.msk $0xffff, v17  }
0xd8: {  	s31 =	sadd.s32 $0xFFFFFFFB, s30;
	v18 =	vadd.s32 v4, v19;
	v17 =	vld [tilespmem:s28+$0xFFFFFFB0]  }
0xd9: {  	v19 =	vmov s31  }
0xda: {  	v19 =	vshrl.u32 v19, $0x3  }
0xdb: {  	v19 =	vshll.u32 v19, v1  }
0xdc: {  	v19 =	vbroadcast v19, $0x0  }
0xdd: {  	[tilespmem:v18+s29+$0x0] =	vst.idx.msk $0xffff, v17  }
0xde: {  	v18 =	vadd.s32 v5, v19;
	v17 =	vld [tilespmem:s28+$0xFFFFFFC0];
	_ =	sdelay $0x4  }
0xdf: {  	[tilespmem:v18+s29+$0x0] =	vst.idx.msk $0xffff, v17  }
0xe0: {  	s31 =	sadd.s32 $0xFFFFFFFC, s30;
	v18 =	vadd.s32 v6, v19;
	v17 =	vld [tilespmem:s28+$0xFFFFFFD0]  }
0xe1: {  	v19 =	vmov s31  }
0xe2: {  	v19 =	vshrl.u32 v19, $0x3  }
0xe3: {  	v19 =	vshll.u32 v19, v1  }
0xe4: {  	v19 =	vbroadcast v19, $0x0  }
0xe5: {  	[tilespmem:v18+s29+$0x0] =	vst.idx.msk $0xffff, v17  }
0xe6: {  	v18 =	vadd.s32 v7, v19;
	v17 =	vld [tilespmem:s28+$0xFFFFFFE0];
	_ =	sdelay $0x4  }
0xe7: {  	[tilespmem:v18+s29+$0x0] =	vst.idx.msk $0xffff, v17  }
0xe8: {  	s31 =	sadd.s32 $0xFFFFFFFD, s30;
	v18 =	vadd.s32 v8, v19;
	v17 =	vld [tilespmem:s28+$0xFFFFFFF0]  }
0xe9: {  	v19 =	vmov s31  }
0xea: {  	v19 =	vshrl.u32 v19, $0x3  }
0xeb: {  	v19 =	vshll.u32 v19, v1  }
0xec: {  	v19 =	vbroadcast v19, $0x0  }
0xed: {  	[tilespmem:v18+s29+$0x0] =	vst.idx.msk $0xffff, v17  }
0xee: {  	v18 =	vadd.s32 v9, v19;
	v17 =	vld [tilespmem:s28+$0x0];
	_ =	sdelay $0x4  }
0xef: {  	[tilespmem:v18+s29+$0x0] =	vst.idx.msk $0xffff, v17  }
0xf0: {  	s31 =	sadd.s32 $0xFFFFFFFE, s30;
	v18 =	vadd.s32 v10, v19;
	v17 =	vld [tilespmem:s28+$0x10]  }
0xf1: {  	v19 =	vmov s31  }
0xf2: {  	v19 =	vshrl.u32 v19, $0x3  }
0xf3: {  	v19 =	vshll.u32 v19, v1  }
0xf4: {  	v19 =	vbroadcast v19, $0x0  }
0xf5: {  	[tilespmem:v18+s29+$0x0] =	vst.idx.msk $0xffff, v17  }
0xf6: {  	v18 =	vadd.s32 v11, v19;
	v17 =	vld [tilespmem:s28+$0x20];
	_ =	sdelay $0x4  }
0xf7: {  	[tilespmem:v18+s29+$0x0] =	vst.idx.msk $0xffff, v17  }
0xf8: {  	s31 =	sadd.s32 $0xFFFFFFFF, s30;
	v18 =	vadd.s32 v12, v19;
	v17 =	vld [tilespmem:s28+$0x30]  }
0xf9: {  	v19 =	vmov s31  }
0xfa: {  	v19 =	vshrl.u32 v19, $0x3  }
0xfb: {  	v19 =	vshll.u32 v19, v1  }
0xfc: {  	v19 =	vbroadcast v19, $0x0  }
0xfd: {  	[tilespmem:v18+s29+$0x0] =	vst.idx.msk $0xffff, v17  }
0xfe: {  	v18 =	vadd.s32 v13, v19;
	v17 =	vld [tilespmem:s28+$0x40];
	_ =	sdelay $0x4  }
0xff: {  	[tilespmem:v18+s29+$0x0] =	vst.idx.msk $0xffff, v17  }
0x100: {  	v18 =	vadd.s32 v14, v19;
	v17 =	vld [tilespmem:s28+$0x50]  }
0x101: {  	v19 =	vmov s30  }
0x102: {  	v19 =	vshrl.u32 v19, $0x3  }
0x103: {  	v19 =	vshll.u32 v19, v1  }
0x104: {  	v19 =	vbroadcast v19, $0x0  }
0x105: {  	[tilespmem:v18+s29+$0x0] =	vst.idx.msk $0xffff, v17  }
0x106: {  	v18 =	vadd.s32 v15, v19;
	v17 =	vld [tilespmem:s28+$0x60];
	_ =	sdelay $0x4  }
0x107: {  	s31 =	sshll.u32 s6, $0x3;
	[tilespmem:v18+s29+$0x0] =	vst.idx.msk $0xffff, v17  }
0x108: {  	s1 =	sadd.s32 s5, s31;
	v18 =	vadd.s32 v16, v19;
	v17 =	vld [tilespmem:s28+$0x70]  }
0x109: {  	s28 =	sshll.u32 s1, $0x2  }
0x10a: {  	s1 =	sand.u32 $0x78, s1;
	s28 =	sand.u32 $0x3FFE00, s28  }
0x10b: {  	s1 =	sor.u32 s1, s28  }
0x10c: {  	s28 =	sshll.u32 s1, $0x7  }
0x10d: {  	s1 =	sadd.s32 s2, s28;
	[tilespmem:v18+s29+$0x0] =	vst.idx.msk $0xffff, v17  }
0x10e: {  	[hbm4b:s1+s3] =	stream.linear.scatter [tilespmem:s29], [sflag:$0x3], $0x80, $0x38;
	[tilespmem:$0x16600] =	vst v63  }
0x10f: {  	s31 =	simm.s32 $0xE608;
	s30 =	sadd.s32 $0x10, s1  }
0x110: {  	[hbm4b:s30+s3] =	stream.linear.scatter [tilespmem:s31], [sflag:$0x3], $0x80, $0x38;
	[tilespmem:$0x16600] =	vst v63  }
0x111: {  	s30 =	sadd.s32 $0x20, s1;
	s31 =	simm.s32 $0xE810  }
0x112: {  	[hbm4b:s30+s3] =	stream.linear.scatter [tilespmem:s31], [sflag:$0x3], $0x80, $0x38;
	[tilespmem:$0x16600] =	vst v63  }
0x113: {  	s30 =	sadd.s32 $0x30, s1;
	s31 =	simm.s32 $0xEA18  }
0x114: {  	[hbm4b:s30+s3] =	stream.linear.scatter [tilespmem:s31], [sflag:$0x3], $0x80, $0x38;
	[tilespmem:$0x16600] =	vst v63  }
0x115: {  	s30 =	sadd.s32 $0x40, s1;
	s31 =	simm.s32 $0xEC20  }
0x116: {  	[hbm4b:s30+s3] =	stream.linear.scatter [tilespmem:s31], [sflag:$0x3], $0x80, $0x38;
	[tilespmem:$0x16600] =	vst v63  }
0x117: {  	s30 =	sadd.s32 $0x50, s1;
	s31 =	simm.s32 $0xEE28  }
0x118: {  	[hbm4b:s30+s3] =	stream.linear.scatter [tilespmem:s31], [sflag:$0x3], $0x80, $0x38;
	[tilespmem:$0x16600] =	vst v63  }
0x119: {  	s30 =	sadd.s32 $0x60, s1;
	s31 =	simm.s32 $0xF030  }
0x11a: {  	[hbm4b:s30+s3] =	stream.linear.scatter [tilespmem:s31], [sflag:$0x3], $0x80, $0x38;
	[tilespmem:$0x16600] =	vst v63  }
0x11b: {  	s1 =	sadd.s32 $0x70, s1;
	s30 =	simm.s32 $0xF238  }
0x11c: {  	[hbm4b:s1+s3] =	stream.linear.scatter [tilespmem:s30], [sflag:$0x3], $0x80, $0x38;
	[tilespmem:$0x16600] =	vst v63  }
0x11d: {  	s1 =	sadd.s32 s28, s7;
	s30 =	simm.s32 $0xE480  }
0x11e: {  	[hbm4b:s1+s3] =	stream.linear.scatter [tilespmem:s30], [sflag:$0x3], $0x80, $0x38;
	[tilespmem:$0x16600] =	vst v63  }
0x11f: {  	s31 =	simm.s32 $0xE688;
	s30 =	sadd.s32 $0x10, s1  }
0x120: {  	[hbm4b:s30+s3] =	stream.linear.scatter [tilespmem:s31], [sflag:$0x3], $0x80, $0x38;
	[tilespmem:$0x16600] =	vst v63  }
0x121: {  	s30 =	sadd.s32 $0x20, s1;
	s31 =	simm.s32 $0xE890  }
0x122: {  	[hbm4b:s30+s3] =	stream.linear.scatter [tilespmem:s31], [sflag:$0x3], $0x80, $0x38;
	[tilespmem:$0x16600] =	vst v63  }
0x123: {  	s30 =	sadd.s32 $0x30, s1;
	s31 =	simm.s32 $0xEA98  }
0x124: {  	[hbm4b:s30+s3] =	stream.linear.scatter [tilespmem:s31], [sflag:$0x3], $0x80, $0x38;
	[tilespmem:$0x16600] =	vst v63  }
0x125: {  	s30 =	sadd.s32 $0x40, s1;
	s31 =	simm.s32 $0xECA0  }
0x126: {  	[hbm4b:s30+s3] =	stream.linear.scatter [tilespmem:s31], [sflag:$0x3], $0x80, $0x38;
	[tilespmem:$0x16600] =	vst v63  }
0x127: {  	s30 =	sadd.s32 $0x50, s1;
	s31 =	simm.s32 $0xEEA8  }
0x128: {  	[hbm4b:s30+s3] =	stream.linear.scatter [tilespmem:s31], [sflag:$0x3], $0x80, $0x38;
	[tilespmem:$0x16600] =	vst v63  }
0x129: {  	s30 =	sadd.s32 $0x60, s1;
	s31 =	simm.s32 $0xF0B0  }
0x12a: {  	[hbm4b:s30+s3] =	stream.linear.scatter [tilespmem:s31], [sflag:$0x3], $0x80, $0x38;
	[tilespmem:$0x16600] =	vst v63  }
0x12b: {  	s1 =	sadd.s32 $0x70, s1;
	s30 =	simm.s32 $0xF2B8  }
0x12c: {  	[hbm4b:s1+s3] =	stream.linear.scatter [tilespmem:s30], [sflag:$0x3], $0x80, $0x38;
	[tilespmem:$0x16600] =	vst v63  }
0x12d: {  	s1 =	sadd.s32 s28, s8;
	s30 =	simm.s32 $0xE500  }
0x12e: {  	[hbm4b:s1+s3] =	stream.linear.scatter [tilespmem:s30], [sflag:$0x3], $0x80, $0x38;
	[tilespmem:$0x16600] =	vst v63  }
0x12f: {  	s31 =	simm.s32 $0xE708;
	s30 =	sadd.s32 $0x10, s1  }
0x130: {  	[hbm4b:s30+s3] =	stream.linear.scatter [tilespmem:s31], [sflag:$0x3], $0x80, $0x38;
	[tilespmem:$0x16600] =	vst v63  }
0x131: {  	s30 =	sadd.s32 $0x20, s1;
	s31 =	simm.s32 $0xE910  }
0x132: {  	[hbm4b:s30+s3] =	stream.linear.scatter [tilespmem:s31], [sflag:$0x3], $0x80, $0x38;
	[tilespmem:$0x16600] =	vst v63  }
0x133: {  	s30 =	sadd.s32 $0x30, s1;
	s31 =	simm.s32 $0xEB18  }
0x134: {  	[hbm4b:s30+s3] =	stream.linear.scatter [tilespmem:s31], [sflag:$0x3], $0x80, $0x38;
	[tilespmem:$0x16600] =	vst v63  }
0x135: {  	s30 =	sadd.s32 $0x40, s1;
	s31 =	simm.s32 $0xED20  }
0x136: {  	[hbm4b:s30+s3] =	stream.linear.scatter [tilespmem:s31], [sflag:$0x3], $0x80, $0x38;
	[tilespmem:$0x16600] =	vst v63  }
0x137: {  	s30 =	sadd.s32 $0x50, s1;
	s31 =	simm.s32 $0xEF28  }
0x138: {  	[hbm4b:s30+s3] =	stream.linear.scatter [tilespmem:s31], [sflag:$0x3], $0x80, $0x38;
	[tilespmem:$0x16600] =	vst v63  }
0x139: {  	s30 =	sadd.s32 $0x60, s1;
	s31 =	simm.s32 $0xF130  }
0x13a: {  	[hbm4b:s30+s3] =	stream.linear.scatter [tilespmem:s31], [sflag:$0x3], $0x80, $0x38;
	[tilespmem:$0x16600] =	vst v63  }
0x13b: {  	s1 =	sadd.s32 $0x70, s1;
	s30 =	simm.s32 $0xF338  }
0x13c: {  	[hbm4b:s1+s3] =	stream.linear.scatter [tilespmem:s30], [sflag:$0x3], $0x80, $0x38;
	[tilespmem:$0x16600] =	vst v63  }
0x13d: {  	s1 =	sadd.s32 s28, s9;
	s30 =	simm.s32 $0xE580  }
0x13e: {  	[hbm4b:s1+s3] =	stream.linear.scatter [tilespmem:s30], [sflag:$0x3], $0x80, $0x38;
	[tilespmem:$0x16600] =	vst v63  }
0x13f: {  	s31 =	simm.s32 $0xE788;
	s30 =	sadd.s32 $0x10, s1  }
0x140: {  	[hbm4b:s30+s3] =	stream.linear.scatter [tilespmem:s31], [sflag:$0x3], $0x80, $0x38;
	[tilespmem:$0x16600] =	vst v63  }
0x141: {  	s30 =	sadd.s32 $0x20, s1;
	s31 =	simm.s32 $0xE990  }
0x142: {  	[hbm4b:s30+s3] =	stream.linear.scatter [tilespmem:s31], [sflag:$0x3], $0x80, $0x38;
	[tilespmem:$0x16600] =	vst v63  }
0x143: {  	s30 =	sadd.s32 $0x30, s1;
	s31 =	simm.s32 $0xEB98  }
0x144: {  	[hbm4b:s30+s3] =	stream.linear.scatter [tilespmem:s31], [sflag:$0x3], $0x80, $0x38;
	[tilespmem:$0x16600] =	vst v63  }
0x145: {  	s30 =	sadd.s32 $0x40, s1;
	s31 =	simm.s32 $0xEDA0  }
0x146: {  	[hbm4b:s30+s3] =	stream.linear.scatter [tilespmem:s31], [sflag:$0x3], $0x80, $0x38;
	[tilespmem:$0x16600] =	vst v63  }
0x147: {  	s30 =	sadd.s32 $0x50, s1;
	s31 =	simm.s32 $0xEFA8  }
0x148: {  	[hbm4b:s30+s3] =	stream.linear.scatter [tilespmem:s31], [sflag:$0x3], $0x80, $0x38;
	[tilespmem:$0x16600] =	vst v63  }
0x149: {  	s30 =	sadd.s32 $0x60, s1;
	s31 =	simm.s32 $0xF1B0  }
0x14a: {  	[hbm4b:s30+s3] =	stream.linear.scatter [tilespmem:s31], [sflag:$0x3], $0x80, $0x38;
	[tilespmem:$0x16600] =	vst v63  }
0x14b: {  	s1 =	sadd.s32 $0x70, s1;
	s30 =	simm.s32 $0xF3B8  }
0x14c: {  	[hbm4b:s1+s3] =	stream.linear.scatter [tilespmem:s30], [sflag:$0x3], $0x80, $0x38;
	[tilespmem:$0x16600] =	vst v63  }
0x14d: {  	s1 =	sadd.s32 s28, s10;
	s30 =	simm.s32 $0xF440  }
0x14e: {  	[hbm4b:s1+s3] =	stream.linear.scatter [tilespmem:s30], [sflag:$0x3], $0x80, $0x38;
	[tilespmem:$0x16600] =	vst v63  }
0x14f: {  	s31 =	simm.s32 $0xF648;
	s30 =	sadd.s32 $0x10, s1  }
0x150: {  	[hbm4b:s30+s3] =	stream.linear.scatter [tilespmem:s31], [sflag:$0x3], $0x80, $0x38;
	[tilespmem:$0x16600] =	vst v63  }
0x151: {  	s30 =	sadd.s32 $0x20, s1;
	s31 =	simm.s32 $0xF850  }
0x152: {  	[hbm4b:s30+s3] =	stream.linear.scatter [tilespmem:s31], [sflag:$0x3], $0x80, $0x38;
	[tilespmem:$0x16600] =	vst v63  }
0x153: {  	s30 =	sadd.s32 $0x30, s1;
	s31 =	simm.s32 $0xFA58  }
0x154: {  	[hbm4b:s30+s3] =	stream.linear.scatter [tilespmem:s31], [sflag:$0x3], $0x80, $0x38;
	[tilespmem:$0x16600] =	vst v63  }
0x155: {  	s30 =	sadd.s32 $0x40, s1;
	s31 =	simm.s32 $0xFC60  }
0x156: {  	[hbm4b:s30+s3] =	stream.linear.scatter [tilespmem:s31], [sflag:$0x3], $0x80, $0x38;
	[tilespmem:$0x16600] =	vst v63  }
0x157: {  	s30 =	sadd.s32 $0x50, s1;
	s31 =	simm.s32 $0xFE68  }
0x158: {  	[hbm4b:s30+s3] =	stream.linear.scatter [tilespmem:s31], [sflag:$0x3], $0x80, $0x38;
	[tilespmem:$0x16600] =	vst v63  }
0x159: {  	s30 =	sadd.s32 $0x60, s1;
	s31 =	simm.s32 $0x10070  }
0x15a: {  	[hbm4b:s30+s3] =	stream.linear.scatter [tilespmem:s31], [sflag:$0x3], $0x80, $0x38;
	[tilespmem:$0x16600] =	vst v63  }
0x15b: {  	s1 =	sadd.s32 $0x70, s1;
	s30 =	simm.s32 $0x10278  }
0x15c: {  	[hbm4b:s1+s3] =	stream.linear.scatter [tilespmem:s30], [sflag:$0x3], $0x80, $0x38;
	[tilespmem:$0x16600] =	vst v63  }
0x15d: {  	s1 =	sadd.s32 s28, s11;
	s30 =	simm.s32 $0xF4C0  }
0x15e: {  	[hbm4b:s1+s3] =	stream.linear.scatter [tilespmem:s30], [sflag:$0x3], $0x80, $0x38;
	[tilespmem:$0x16600] =	vst v63  }
0x15f: {  	s31 =	simm.s32 $0xF6C8;
	s30 =	sadd.s32 $0x10, s1  }
0x160: {  	[hbm4b:s30+s3] =	stream.linear.scatter [tilespmem:s31], [sflag:$0x3], $0x80, $0x38;
	[tilespmem:$0x16600] =	vst v63  }
0x161: {  	s30 =	sadd.s32 $0x20, s1;
	s31 =	simm.s32 $0xF8D0  }
0x162: {  	[hbm4b:s30+s3] =	stream.linear.scatter [tilespmem:s31], [sflag:$0x3], $0x80, $0x38;
	[tilespmem:$0x16600] =	vst v63  }
0x163: {  	s30 =	sadd.s32 $0x30, s1;
	s31 =	simm.s32 $0xFAD8  }
0x164: {  	[hbm4b:s30+s3] =	stream.linear.scatter [tilespmem:s31], [sflag:$0x3], $0x80, $0x38;
	[tilespmem:$0x16600] =	vst v63  }
0x165: {  	s30 =	sadd.s32 $0x40, s1;
	s31 =	simm.s32 $0xFCE0  }
0x166: {  	[hbm4b:s30+s3] =	stream.linear.scatter [tilespmem:s31], [sflag:$0x3], $0x80, $0x38;
	[tilespmem:$0x16600] =	vst v63  }
0x167: {  	s30 =	sadd.s32 $0x50, s1;
	s31 =	simm.s32 $0xFEE8  }
0x168: {  	[hbm4b:s30+s3] =	stream.linear.scatter [tilespmem:s31], [sflag:$0x3], $0x80, $0x38;
	[tilespmem:$0x16600] =	vst v63  }
0x169: {  	s30 =	sadd.s32 $0x60, s1;
	s31 =	simm.s32 $0x100F0  }
0x16a: {  	[hbm4b:s30+s3] =	stream.linear.scatter [tilespmem:s31], [sflag:$0x3], $0x80, $0x38;
	[tilespmem:$0x16600] =	vst v63  }
0x16b: {  	s1 =	sadd.s32 $0x70, s1;
	s30 =	simm.s32 $0x102F8  }
0x16c: {  	[hbm4b:s1+s3] =	stream.linear.scatter [tilespmem:s30], [sflag:$0x3], $0x80, $0x38;
	[tilespmem:$0x16600] =	vst v63  }
0x16d: {  	s1 =	sadd.s32 s28, s12;
	s30 =	simm.s32 $0xF540  }
0x16e: {  	[hbm4b:s1+s3] =	stream.linear.scatter [tilespmem:s30], [sflag:$0x3], $0x80, $0x38;
	[tilespmem:$0x16600] =	vst v63  }
0x16f: {  	s31 =	simm.s32 $0xF748;
	s30 =	sadd.s32 $0x10, s1  }
0x170: {  	[hbm4b:s30+s3] =	stream.linear.scatter [tilespmem:s31], [sflag:$0x3], $0x80, $0x38;
	[tilespmem:$0x16600] =	vst v63  }
0x171: {  	s30 =	sadd.s32 $0x20, s1;
	s31 =	simm.s32 $0xF950  }
0x172: {  	[hbm4b:s30+s3] =	stream.linear.scatter [tilespmem:s31], [sflag:$0x3], $0x80, $0x38;
	[tilespmem:$0x16600] =	vst v63  }
0x173: {  	s30 =	sadd.s32 $0x30, s1;
	s31 =	simm.s32 $0xFB58  }
0x174: {  	[hbm4b:s30+s3] =	stream.linear.scatter [tilespmem:s31], [sflag:$0x3], $0x80, $0x38;
	[tilespmem:$0x16600] =	vst v63  }
0x175: {  	s30 =	sadd.s32 $0x40, s1;
	s31 =	simm.s32 $0xFD60  }
0x176: {  	[hbm4b:s30+s3] =	stream.linear.scatter [tilespmem:s31], [sflag:$0x3], $0x80, $0x38;
	[tilespmem:$0x16600] =	vst v63  }
0x177: {  	s30 =	sadd.s32 $0x50, s1;
	s31 =	simm.s32 $0xFF68  }
0x178: {  	[hbm4b:s30+s3] =	stream.linear.scatter [tilespmem:s31], [sflag:$0x3], $0x80, $0x38;
	[tilespmem:$0x16600] =	vst v63  }
0x179: {  	s30 =	sadd.s32 $0x60, s1;
	s31 =	simm.s32 $0x10170  }
0x17a: {  	[hbm4b:s30+s3] =	stream.linear.scatter [tilespmem:s31], [sflag:$0x3], $0x80, $0x38;
	[tilespmem:$0x16600] =	vst v63  }
0x17b: {  	s1 =	sadd.s32 $0x70, s1;
	s30 =	simm.s32 $0x10378  }
0x17c: {  	[hbm4b:s1+s3] =	stream.linear.scatter [tilespmem:s30], [sflag:$0x3], $0x80, $0x38;
	[tilespmem:$0x16600] =	vst v63  }
0x17d: {  	s1 =	sadd.s32 s28, s13;
	s30 =	simm.s32 $0xF5C0  }
0x17e: {  	[hbm4b:s1+s3] =	stream.linear.scatter [tilespmem:s30], [sflag:$0x3], $0x80, $0x38;
	[tilespmem:$0x16600] =	vst v63  }
0x17f: {  	s31 =	simm.s32 $0xF7C8;
	s30 =	sadd.s32 $0x10, s1  }
0x180: {  	[hbm4b:s30+s3] =	stream.linear.scatter [tilespmem:s31], [sflag:$0x3], $0x80, $0x38;
	[tilespmem:$0x16600] =	vst v63  }
0x181: {  	s30 =	sadd.s32 $0x20, s1;
	s31 =	simm.s32 $0xF9D0  }
0x182: {  	[hbm4b:s30+s3] =	stream.linear.scatter [tilespmem:s31], [sflag:$0x3], $0x80, $0x38;
	[tilespmem:$0x16600] =	vst v63  }
0x183: {  	s30 =	sadd.s32 $0x30, s1;
	s31 =	simm.s32 $0xFBD8  }
0x184: {  	[hbm4b:s30+s3] =	stream.linear.scatter [tilespmem:s31], [sflag:$0x3], $0x80, $0x38;
	[tilespmem:$0x16600] =	vst v63  }
0x185: {  	s30 =	sadd.s32 $0x40, s1;
	s31 =	simm.s32 $0xFDE0  }
0x186: {  	[hbm4b:s30+s3] =	stream.linear.scatter [tilespmem:s31], [sflag:$0x3], $0x80, $0x38;
	[tilespmem:$0x16600] =	vst v63  }
0x187: {  	s30 =	sadd.s32 $0x50, s1;
	s31 =	simm.s32 $0xFFE8  }
0x188: {  	[hbm4b:s30+s3] =	stream.linear.scatter [tilespmem:s31], [sflag:$0x3], $0x80, $0x38;
	[tilespmem:$0x16600] =	vst v63  }
0x189: {  	s30 =	sadd.s32 $0x60, s1;
	s31 =	simm.s32 $0x101F0  }
0x18a: {  	[hbm4b:s30+s3] =	stream.linear.scatter [tilespmem:s31], [sflag:$0x3], $0x80, $0x38;
	[tilespmem:$0x16600] =	vst v63  }
0x18b: {  	s1 =	sadd.s32 $0x70, s1;
	s30 =	simm.s32 $0x103F8  }
0x18c: {  	[hbm4b:s1+s3] =	stream.linear.scatter [tilespmem:s30], [sflag:$0x3], $0x80, $0x38;
	[tilespmem:$0x16600] =	vst v63  }
0x18d: {  	s1 =	sadd.s32 s28, s14;
	s30 =	simm.s32 $0x10480  }
0x18e: {  	[hbm4b:s1+s3] =	stream.linear.scatter [tilespmem:s30], [sflag:$0x3], $0x80, $0x38;
	[tilespmem:$0x16600] =	vst v63  }
0x18f: {  	s31 =	simm.s32 $0x10688;
	s30 =	sadd.s32 $0x10, s1  }
0x190: {  	[hbm4b:s30+s3] =	stream.linear.scatter [tilespmem:s31], [sflag:$0x3], $0x80, $0x38;
	[tilespmem:$0x16600] =	vst v63  }
0x191: {  	s30 =	sadd.s32 $0x20, s1;
	s31 =	simm.s32 $0x10890  }
0x192: {  	[hbm4b:s30+s3] =	stream.linear.scatter [tilespmem:s31], [sflag:$0x3], $0x80, $0x38;
	[tilespmem:$0x16600] =	vst v63  }
0x193: {  	s30 =	sadd.s32 $0x30, s1;
	s31 =	simm.s32 $0x10A98  }
0x194: {  	[hbm4b:s30+s3] =	stream.linear.scatter [tilespmem:s31], [sflag:$0x3], $0x80, $0x38;
	[tilespmem:$0x16600] =	vst v63  }
0x195: {  	s30 =	sadd.s32 $0x40, s1;
	s31 =	simm.s32 $0x10CA0  }
0x196: {  	[hbm4b:s30+s3] =	stream.linear.scatter [tilespmem:s31], [sflag:$0x3], $0x80, $0x38;
	[tilespmem:$0x16600] =	vst v63  }
0x197: {  	s30 =	sadd.s32 $0x50, s1;
	s31 =	simm.s32 $0x10EA8  }
0x198: {  	[hbm4b:s30+s3] =	stream.linear.scatter [tilespmem:s31], [sflag:$0x3], $0x80, $0x38;
	[tilespmem:$0x16600] =	vst v63  }
0x199: {  	s30 =	sadd.s32 $0x60, s1;
	s31 =	simm.s32 $0x110B0  }
0x19a: {  	[hbm4b:s30+s3] =	stream.linear.scatter [tilespmem:s31], [sflag:$0x3], $0x80, $0x38;
	[tilespmem:$0x16600] =	vst v63  }
0x19b: {  	s1 =	sadd.s32 $0x70, s1;
	s30 =	simm.s32 $0x112B8  }
0x19c: {  	[hbm4b:s1+s3] =	stream.linear.scatter [tilespmem:s30], [sflag:$0x3], $0x80, $0x38;
	[tilespmem:$0x16600] =	vst v63  }
0x19d: {  	s1 =	sadd.s32 s28, s15;
	s30 =	simm.s32 $0x10500  }
0x19e: {  	[hbm4b:s1+s3] =	stream.linear.scatter [tilespmem:s30], [sflag:$0x3], $0x80, $0x38;
	[tilespmem:$0x16600] =	vst v63  }
0x19f: {  	s31 =	simm.s32 $0x10708;
	s30 =	sadd.s32 $0x10, s1  }
0x1a0: {  	[hbm4b:s30+s3] =	stream.linear.scatter [tilespmem:s31], [sflag:$0x3], $0x80, $0x38;
	[tilespmem:$0x16600] =	vst v63  }
0x1a1: {  	s30 =	sadd.s32 $0x20, s1;
	s31 =	simm.s32 $0x10910  }
0x1a2: {  	[hbm4b:s30+s3] =	stream.linear.scatter [tilespmem:s31], [sflag:$0x3], $0x80, $0x38;
	[tilespmem:$0x16600] =	vst v63  }
0x1a3: {  	s30 =	sadd.s32 $0x30, s1;
	s31 =	simm.s32 $0x10B18  }
0x1a4: {  	[hbm4b:s30+s3] =	stream.linear.scatter [tilespmem:s31], [sflag:$0x3], $0x80, $0x38;
	[tilespmem:$0x16600] =	vst v63  }
0x1a5: {  	s30 =	sadd.s32 $0x40, s1;
	s31 =	simm.s32 $0x10D20  }
0x1a6: {  	[hbm4b:s30+s3] =	stream.linear.scatter [tilespmem:s31], [sflag:$0x3], $0x80, $0x38;
	[tilespmem:$0x16600] =	vst v63  }
0x1a7: {  	s30 =	sadd.s32 $0x50, s1;
	s31 =	simm.s32 $0x10F28  }
0x1a8: {  	[hbm4b:s30+s3] =	stream.linear.scatter [tilespmem:s31], [sflag:$0x3], $0x80, $0x38;
	[tilespmem:$0x16600] =	vst v63  }
0x1a9: {  	s30 =	sadd.s32 $0x60, s1;
	s31 =	simm.s32 $0x11130  }
0x1aa: {  	[hbm4b:s30+s3] =	stream.linear.scatter [tilespmem:s31], [sflag:$0x3], $0x80, $0x38;
	[tilespmem:$0x16600] =	vst v63  }
0x1ab: {  	s1 =	sadd.s32 $0x70, s1;
	s30 =	simm.s32 $0x11338  }
0x1ac: {  	[hbm4b:s1+s3] =	stream.linear.scatter [tilespmem:s30], [sflag:$0x3], $0x80, $0x38;
	[tilespmem:$0x16600] =	vst v63  }
0x1ad: {  	s1 =	sadd.s32 s28, s16;
	s30 =	simm.s32 $0x10580  }
0x1ae: {  	[hbm4b:s1+s3] =	stream.linear.scatter [tilespmem:s30], [sflag:$0x3], $0x80, $0x38;
	[tilespmem:$0x16600] =	vst v63  }
0x1af: {  	s31 =	simm.s32 $0x10788;
	s30 =	sadd.s32 $0x10, s1  }
0x1b0: {  	[hbm4b:s30+s3] =	stream.linear.scatter [tilespmem:s31], [sflag:$0x3], $0x80, $0x38;
	[tilespmem:$0x16600] =	vst v63  }
0x1b1: {  	s30 =	sadd.s32 $0x20, s1;
	s31 =	simm.s32 $0x10990  }
0x1b2: {  	[hbm4b:s30+s3] =	stream.linear.scatter [tilespmem:s31], [sflag:$0x3], $0x80, $0x38;
	[tilespmem:$0x16600] =	vst v63  }
0x1b3: {  	s30 =	sadd.s32 $0x30, s1;
	s31 =	simm.s32 $0x10B98  }
0x1b4: {  	[hbm4b:s30+s3] =	stream.linear.scatter [tilespmem:s31], [sflag:$0x3], $0x80, $0x38;
	[tilespmem:$0x16600] =	vst v63  }
0x1b5: {  	s30 =	sadd.s32 $0x40, s1;
	s31 =	simm.s32 $0x10DA0  }
0x1b6: {  	[hbm4b:s30+s3] =	stream.linear.scatter [tilespmem:s31], [sflag:$0x3], $0x80, $0x38;
	[tilespmem:$0x16600] =	vst v63  }
0x1b7: {  	s30 =	sadd.s32 $0x50, s1;
	s31 =	simm.s32 $0x10FA8  }
0x1b8: {  	[hbm4b:s30+s3] =	stream.linear.scatter [tilespmem:s31], [sflag:$0x3], $0x80, $0x38;
	[tilespmem:$0x16600] =	vst v63  }
0x1b9: {  	s30 =	sadd.s32 $0x60, s1;
	s31 =	simm.s32 $0x111B0  }
0x1ba: {  	[hbm4b:s30+s3] =	stream.linear.scatter [tilespmem:s31], [sflag:$0x3], $0x80, $0x38;
	[tilespmem:$0x16600] =	vst v63  }
0x1bb: {  	s1 =	sadd.s32 $0x70, s1;
	s30 =	simm.s32 $0x113B8  }
0x1bc: {  	[hbm4b:s1+s3] =	stream.linear.scatter [tilespmem:s30], [sflag:$0x3], $0x80, $0x38;
	[tilespmem:$0x16600] =	vst v63  }
0x1bd: {  	s1 =	sadd.s32 s28, s17;
	s30 =	simm.s32 $0x10600  }
0x1be: {  	[hbm4b:s1+s3] =	stream.linear.scatter [tilespmem:s30], [sflag:$0x3], $0x80, $0x38;
	[tilespmem:$0x16600] =	vst v63  }
0x1bf: {  	s31 =	simm.s32 $0x10808;
	s30 =	sadd.s32 $0x10, s1  }
0x1c0: {  	[hbm4b:s30+s3] =	stream.linear.scatter [tilespmem:s31], [sflag:$0x3], $0x80, $0x38;
	[tilespmem:$0x16600] =	vst v63  }
0x1c1: {  	s30 =	sadd.s32 $0x20, s1;
	s31 =	simm.s32 $0x10A10  }
0x1c2: {  	[hbm4b:s30+s3] =	stream.linear.scatter [tilespmem:s31], [sflag:$0x3], $0x80, $0x38;
	[tilespmem:$0x16600] =	vst v63  }
0x1c3: {  	s30 =	sadd.s32 $0x30, s1;
	s31 =	simm.s32 $0x10C18  }
0x1c4: {  	[hbm4b:s30+s3] =	stream.linear.scatter [tilespmem:s31], [sflag:$0x3], $0x80, $0x38;
	[tilespmem:$0x16600] =	vst v63  }
0x1c5: {  	s30 =	sadd.s32 $0x40, s1;
	s31 =	simm.s32 $0x10E20  }
0x1c6: {  	[hbm4b:s30+s3] =	stream.linear.scatter [tilespmem:s31], [sflag:$0x3], $0x80, $0x38;
	[tilespmem:$0x16600] =	vst v63  }
0x1c7: {  	s30 =	sadd.s32 $0x50, s1;
	s31 =	simm.s32 $0x11028  }
0x1c8: {  	[hbm4b:s30+s3] =	stream.linear.scatter [tilespmem:s31], [sflag:$0x3], $0x80, $0x38;
	[tilespmem:$0x16600] =	vst v63  }
0x1c9: {  	s30 =	sadd.s32 $0x60, s1;
	s31 =	simm.s32 $0x11230  }
0x1ca: {  	[hbm4b:s30+s3] =	stream.linear.scatter [tilespmem:s31], [sflag:$0x3], $0x80, $0x38;
	[tilespmem:$0x16600] =	vst v63  }
0x1cb: {  	s1 =	sadd.s32 $0x70, s1;
	s30 =	simm.s32 $0x11438  }
0x1cc: {  	[hbm4b:s1+s3] =	stream.linear.scatter [tilespmem:s30], [sflag:$0x3], $0x80, $0x38;
	[tilespmem:$0x16600] =	vst v63  }
0x1cd: {  	s1 =	sadd.s32 s28, s18;
	s30 =	simm.s32 $0x114C0  }
0x1ce: {  	[hbm4b:s1+s3] =	stream.linear.scatter [tilespmem:s30], [sflag:$0x3], $0x80, $0x38;
	[tilespmem:$0x16600] =	vst v63  }
0x1cf: {  	s31 =	simm.s32 $0x116C8;
	s30 =	sadd.s32 $0x10, s1  }
0x1d0: {  	[hbm4b:s30+s3] =	stream.linear.scatter [tilespmem:s31], [sflag:$0x3], $0x80, $0x38;
	[tilespmem:$0x16600] =	vst v63  }
0x1d1: {  	s30 =	sadd.s32 $0x20, s1;
	s31 =	simm.s32 $0x118D0  }
0x1d2: {  	[hbm4b:s30+s3] =	stream.linear.scatter [tilespmem:s31], [sflag:$0x3], $0x80, $0x38;
	[tilespmem:$0x16600] =	vst v63  }
0x1d3: {  	s30 =	sadd.s32 $0x30, s1;
	s31 =	simm.s32 $0x11AD8  }
0x1d4: {  	[hbm4b:s30+s3] =	stream.linear.scatter [tilespmem:s31], [sflag:$0x3], $0x80, $0x38;
	[tilespmem:$0x16600] =	vst v63  }
0x1d5: {  	s30 =	sadd.s32 $0x40, s1;
	s31 =	simm.s32 $0x11CE0  }
0x1d6: {  	[hbm4b:s30+s3] =	stream.linear.scatter [tilespmem:s31], [sflag:$0x3], $0x80, $0x38;
	[tilespmem:$0x16600] =	vst v63  }
0x1d7: {  	s30 =	sadd.s32 $0x50, s1;
	s31 =	simm.s32 $0x11EE8  }
0x1d8: {  	[hbm4b:s30+s3] =	stream.linear.scatter [tilespmem:s31], [sflag:$0x3], $0x80, $0x38;
	[tilespmem:$0x16600] =	vst v63  }
0x1d9: {  	s30 =	sadd.s32 $0x60, s1;
	s31 =	simm.s32 $0x120F0  }
0x1da: {  	[hbm4b:s30+s3] =	stream.linear.scatter [tilespmem:s31], [sflag:$0x3], $0x80, $0x38;
	[tilespmem:$0x16600] =	vst v63  }
0x1db: {  	s1 =	sadd.s32 $0x70, s1;
	s30 =	simm.s32 $0x122F8  }
0x1dc: {  	[hbm4b:s1+s3] =	stream.linear.scatter [tilespmem:s30], [sflag:$0x3], $0x80, $0x38;
	[tilespmem:$0x16600] =	vst v63  }
0x1dd: {  	s1 =	sadd.s32 s28, s19;
	s30 =	simm.s32 $0x11540  }
0x1de: {  	[hbm4b:s1+s3] =	stream.linear.scatter [tilespmem:s30], [sflag:$0x3], $0x80, $0x38;
	[tilespmem:$0x16600] =	vst v63  }
0x1df: {  	s31 =	simm.s32 $0x11748;
	s30 =	sadd.s32 $0x10, s1  }
0x1e0: {  	[hbm4b:s30+s3] =	stream.linear.scatter [tilespmem:s31], [sflag:$0x3], $0x80, $0x38;
	[tilespmem:$0x16600] =	vst v63  }
0x1e1: {  	s30 =	sadd.s32 $0x20, s1;
	s31 =	simm.s32 $0x11950  }
0x1e2: {  	[hbm4b:s30+s3] =	stream.linear.scatter [tilespmem:s31], [sflag:$0x3], $0x80, $0x38;
	[tilespmem:$0x16600] =	vst v63  }
0x1e3: {  	s30 =	sadd.s32 $0x30, s1;
	s31 =	simm.s32 $0x11B58  }
0x1e4: {  	[hbm4b:s30+s3] =	stream.linear.scatter [tilespmem:s31], [sflag:$0x3], $0x80, $0x38;
	[tilespmem:$0x16600] =	vst v63  }
0x1e5: {  	s30 =	sadd.s32 $0x40, s1;
	s31 =	simm.s32 $0x11D60  }
0x1e6: {  	[hbm4b:s30+s3] =	stream.linear.scatter [tilespmem:s31], [sflag:$0x3], $0x80, $0x38;
	[tilespmem:$0x16600] =	vst v63  }
0x1e7: {  	s30 =	sadd.s32 $0x50, s1;
	s31 =	simm.s32 $0x11F68  }
0x1e8: {  	[hbm4b:s30+s3] =	stream.linear.scatter [tilespmem:s31], [sflag:$0x3], $0x80, $0x38;
	[tilespmem:$0x16600] =	vst v63  }
0x1e9: {  	s30 =	sadd.s32 $0x60, s1;
	s31 =	simm.s32 $0x12170  }
0x1ea: {  	[hbm4b:s30+s3] =	stream.linear.scatter [tilespmem:s31], [sflag:$0x3], $0x80, $0x38;
	[tilespmem:$0x16600] =	vst v63  }
0x1eb: {  	s1 =	sadd.s32 $0x70, s1;
	s30 =	simm.s32 $0x12378  }
0x1ec: {  	[hbm4b:s1+s3] =	stream.linear.scatter [tilespmem:s30], [sflag:$0x3], $0x80, $0x38;
	[tilespmem:$0x16600] =	vst v63  }
0x1ed: {  	s1 =	sadd.s32 s28, s20;
	s30 =	simm.s32 $0x115C0  }
0x1ee: {  	[hbm4b:s1+s3] =	stream.linear.scatter [tilespmem:s30], [sflag:$0x3], $0x80, $0x38;
	[tilespmem:$0x16600] =	vst v63  }
0x1ef: {  	s31 =	simm.s32 $0x117C8;
	s30 =	sadd.s32 $0x10, s1  }
0x1f0: {  	[hbm4b:s30+s3] =	stream.linear.scatter [tilespmem:s31], [sflag:$0x3], $0x80, $0x38;
	[tilespmem:$0x16600] =	vst v63  }
0x1f1: {  	s30 =	sadd.s32 $0x20, s1;
	s31 =	simm.s32 $0x119D0  }
0x1f2: {  	[hbm4b:s30+s3] =	stream.linear.scatter [tilespmem:s31], [sflag:$0x3], $0x80, $0x38;
	[tilespmem:$0x16600] =	vst v63  }
0x1f3: {  	s30 =	sadd.s32 $0x30, s1;
	s31 =	simm.s32 $0x11BD8  }
0x1f4: {  	[hbm4b:s30+s3] =	stream.linear.scatter [tilespmem:s31], [sflag:$0x3], $0x80, $0x38;
	[tilespmem:$0x16600] =	vst v63  }
0x1f5: {  	s30 =	sadd.s32 $0x40, s1;
	s31 =	simm.s32 $0x11DE0  }
0x1f6: {  	[hbm4b:s30+s3] =	stream.linear.scatter [tilespmem:s31], [sflag:$0x3], $0x80, $0x38;
	[tilespmem:$0x16600] =	vst v63  }
0x1f7: {  	s30 =	sadd.s32 $0x50, s1;
	s31 =	simm.s32 $0x11FE8  }
0x1f8: {  	[hbm4b:s30+s3] =	stream.linear.scatter [tilespmem:s31], [sflag:$0x3], $0x80, $0x38;
	[tilespmem:$0x16600] =	vst v63  }
0x1f9: {  	s30 =	sadd.s32 $0x60, s1;
	s31 =	simm.s32 $0x121F0  }
0x1fa: {  	[hbm4b:s30+s3] =	stream.linear.scatter [tilespmem:s31], [sflag:$0x3], $0x80, $0x38;
	[tilespmem:$0x16600] =	vst v63  }
0x1fb: {  	s1 =	sadd.s32 $0x70, s1;
	s30 =	simm.s32 $0x123F8  }
0x1fc: {  	[hbm4b:s1+s3] =	stream.linear.scatter [tilespmem:s30], [sflag:$0x3], $0x80, $0x38;
	[tilespmem:$0x16600] =	vst v63  }
0x1fd: {  	s31 =	sadd.s32 s28, s21;
	s28 =	simm.s32 $0x11640  }
0x1fe: {  	[hbm4b:s31+s3] =	stream.linear.scatter [tilespmem:s28], [sflag:$0x3], $0x80, $0x38;
	[tilespmem:$0x16600] =	vst v63  }
0x1ff: {  	s30 =	simm.s32 $0x11848;
	s28 =	sadd.s32 $0x10, s31  }
0x200: {  	[hbm4b:s28+s3] =	stream.linear.scatter [tilespmem:s30], [sflag:$0x3], $0x80, $0x38;
	[tilespmem:$0x16600] =	vst v63  }
0x201: {  	s28 =	sadd.s32 $0x20, s31;
	s30 =	simm.s32 $0x11A50  }
0x202: {  	[hbm4b:s28+s3] =	stream.linear.scatter [tilespmem:s30], [sflag:$0x3], $0x80, $0x38;
	[tilespmem:$0x16600] =	vst v63  }
0x203: {  	s28 =	sadd.s32 $0x30, s31;
	s30 =	simm.s32 $0x11C58  }
0x204: {  	[hbm4b:s28+s3] =	stream.linear.scatter [tilespmem:s30], [sflag:$0x3], $0x80, $0x38;
	[tilespmem:$0x16600] =	vst v63  }
0x205: {  	s28 =	sadd.s32 $0x40, s31;
	s30 =	simm.s32 $0x11E60  }
0x206: {  	[hbm4b:s28+s3] =	stream.linear.scatter [tilespmem:s30], [sflag:$0x3], $0x80, $0x38;
	[tilespmem:$0x16600] =	vst v63  }
0x207: {  	s28 =	sadd.s32 $0x50, s31;
	s30 =	simm.s32 $0x12068  }
0x208: {  	[hbm4b:s28+s3] =	stream.linear.scatter [tilespmem:s30], [sflag:$0x3], $0x80, $0x38;
	[tilespmem:$0x16600] =	vst v63  }
0x209: {  	s28 =	sadd.s32 $0x60, s31;
	s30 =	simm.s32 $0x12270  }
0x20a: {  	[hbm4b:s28+s3] =	stream.linear.scatter [tilespmem:s30], [sflag:$0x3], $0x80, $0x38;
	[tilespmem:$0x16600] =	vst v63  }
0x20b: {  	s23 =	sor.u32 $0x1, s23;
	s1 =	sadd.s32 $0x70, s31;
	s28 =	simm.s32 $0x12478  }
0x20c: {  	[hbm4b:s1+s3] =	stream.linear.scatter [tilespmem:s28], [sflag:$0x3], $0x80, $0x38;
	[tilespmem:$0x16600] =	vst v63  }
0x20d: {  	p1 =	sgt.u32 s23, $0x30;
	_ =	swait.ge [sflag:s0], $0x4000  }
0x20e: {  	s1 =	sadd.s32 @!p1 $0x400, s22;
	[sflag:s0] =	ssyncset.done $0x0  }
0x20f: {  	s22 =	simm.s32 @!p1 $0x200;
	s28 =	simm.s32 @!p1 $0x6400;
	[sflag:s0] =	ssyncadd.s32 $0xFFFFC000  }
0x210: {  	[tilespmem:s28], [sflag:$0x1] =	stream.indirect.gather @!p1 [hbm4b:s4+s22], $0x20, s1, s22, $0xb8;
	[tilespmem:$0x16600] =	vst v63  }
0x211: {  	s1 =	simm.s32 @!p0 $0x4  }
0x212: {  	_ =	swait.ge @!p0 [sflag:s1], $0x400  }
0x213: {  	[sflag:s1] =	ssyncset.done @!p0 $0x0  }
0x214: {  	[sflag:s1] =	ssyncadd.s32 @!p0 $0xFFFFFC00  }
0x215: {  	_ =	swait.ge @!p0 [sflag:s1], $0x400  }
0x216: {  	[sflag:s1] =	ssyncset.done @!p0 $0x0  }
0x217: {  	[sflag:s1] =	ssyncadd.s32 @!p0 $0xFFFFFC00  }
0x218: {  	_ =	swait.ge @!p0 [sflag:s1], $0x400  }
0x219: {  	[sflag:s1] =	ssyncset.done @!p0 $0x0  }
0x21a: {  	[sflag:s1] =	ssyncadd.s32 @!p0 $0xFFFFFC00  }
0x21b: {  	_ =	swait.ge @!p0 [sflag:s1], $0x400  }
0x21c: {  	[sflag:s1] =	ssyncset.done @!p0 $0x0  }
0x21d: {  	[sflag:s1] =	ssyncadd.s32 @!p0 $0xFFFFFC00  }
0x21e: {  	_ =	swait.ge @!p0 [sflag:s1], $0x400  }
0x21f: {  	[sflag:s1] =	ssyncset.done @!p0 $0x0  }
0x220: {  	[sflag:s1] =	ssyncadd.s32 @!p0 $0xFFFFFC00  }
0x221: {  	_ =	swait.ge @!p0 [sflag:s1], $0x400  }
0x222: {  	[sflag:s1] =	ssyncset.done @!p0 $0x0  }
0x223: {  	[sflag:s1] =	ssyncadd.s32 @!p0 $0xFFFFFC00  }
0x224: {  	_ =	swait.ge @!p0 [sflag:s1], $0x400  }
0x225: {  	[sflag:s1] =	ssyncset.done @!p0 $0x0  }
0x226: {  	[sflag:s1] =	ssyncadd.s32 @!p0 $0xFFFFFC00  }
0x227: {  	_ =	swait.ge @!p0 [sflag:s1], $0x400  }
0x228: {  	[sflag:s1] =	ssyncset.done @!p0 $0x0  }
0x229: {  	[sflag:s1] =	ssyncadd.s32 @!p0 $0xFFFFFC00  }
0x22a: {  	_ =	swait.ge @!p0 [sflag:s1], $0x400  }
0x22b: {  	[sflag:s1] =	ssyncset.done @!p0 $0x0  }
0x22c: {  	[sflag:s1] =	ssyncadd.s32 @!p0 $0xFFFFFC00  }
0x22d: {  	_ =	swait.ge @!p0 [sflag:s1], $0x400  }
0x22e: {  	[sflag:s1] =	ssyncset.done @!p0 $0x0  }
0x22f: {  	[sflag:s1] =	ssyncadd.s32 @!p0 $0xFFFFFC00  }
0x230: {  	_ =	swait.ge @!p0 [sflag:s1], $0x400  }
0x231: {  	[sflag:s1] =	ssyncset.done @!p0 $0x0  }
0x232: {  	[sflag:s1] =	ssyncadd.s32 @!p0 $0xFFFFFC00  }
0x233: {  	_ =	swait.ge @!p0 [sflag:s1], $0x400  }
0x234: {  	[sflag:s1] =	ssyncset.done @!p0 $0x0  }
0x235: {  	[sflag:s1] =	ssyncadd.s32 @!p0 $0xFFFFFC00  }
0x236: {  	_ =	swait.ge @!p0 [sflag:s1], $0x400  }
0x237: {  	[sflag:s1] =	ssyncset.done @!p0 $0x0  }
0x238: {  	[sflag:s1] =	ssyncadd.s32 @!p0 $0xFFFFFC00  }
0x239: {  	_ =	swait.ge @!p0 [sflag:s1], $0x400  }
0x23a: {  	[sflag:s1] =	ssyncset.done @!p0 $0x0  }
0x23b: {  	[sflag:s1] =	ssyncadd.s32 @!p0 $0xFFFFFC00  }
0x23c: {  	s31 =	simm.s32 $0x0;
	_ =	swait.ge @!p0 [sflag:s1], $0x400  }
0x23d: {  	v17 =	vmov s31;
	[sflag:s1] =	ssyncset.done @!p0 $0x0  }
0x23e: {  	v17 =	vshrl.u32 v17, $0x3;
	[sflag:s1] =	ssyncadd.s32 @!p0 $0xFFFFFC00  }
0x23f: {  	v17 =	vshll.u32 v17, v1;
	_ =	swait.ge @!p0 [sflag:s1], $0x400  }
0x240: {  	v17 =	vbroadcast v17, $0x0;
	[sflag:s1] =	ssyncset.done @!p0 $0x0  }
0x241: {  	s30 =	simm.s32 $0x0;
	[sflag:s1] =	ssyncadd.s32 @!p0 $0xFFFFFC00  }
0x242: {  	v19 =	vadd.s32 v0, v17;
	v18 =	vld [tilespmem:s30+$0xA400];
	_ =	sdelay $0x4  }
0x243: {  	[tilespmem:v19+s25+$0x0] =	vst.idx.msk $0xffff, v18  }
0x244: {  	s31 =	simm.s32 $0x1;
	v17 =	vadd.s32 v2, v17;
	v18 =	vld [tilespmem:s30+$0xA410]  }
0x245: {  	v19 =	vmov s31  }
0x246: {  	v19 =	vshrl.u32 v19, $0x3  }
0x247: {  	v19 =	vshll.u32 v19, v1  }
0x248: {  	v19 =	vbroadcast v19, $0x0  }
0x249: {  	[tilespmem:v17+s25+$0x0] =	vst.idx.msk $0xffff, v18  }
0x24a: {  	v18 =	vadd.s32 v3, v19;
	v17 =	vld [tilespmem:s30+$0xA420];
	_ =	sdelay $0x4  }
0x24b: {  	[tilespmem:v18+s25+$0x0] =	vst.idx.msk $0xffff, v17  }
0x24c: {  	s22 =	simm.s32 $0x2;
	v18 =	vadd.s32 v4, v19;
	v17 =	vld [tilespmem:s30+$0xA430]  }
0x24d: {  	v19 =	vmov s22  }
0x24e: {  	v19 =	vshrl.u32 v19, $0x3  }
0x24f: {  	v19 =	vshll.u32 v19, v1  }
0x250: {  	v19 =	vbroadcast v19, $0x0  }
0x251: {  	[tilespmem:v18+s25+$0x0] =	vst.idx.msk $0xffff, v17  }
0x252: {  	v18 =	vadd.s32 v5, v19;
	v17 =	vld [tilespmem:s30+$0xA440];
	_ =	sdelay $0x4  }
0x253: {  	[tilespmem:v18+s25+$0x0] =	vst.idx.msk $0xffff, v17  }
0x254: {  	s31 =	simm.s32 $0x3;
	v18 =	vadd.s32 v6, v19;
	v17 =	vld [tilespmem:s30+$0xA450]  }
0x255: {  	v19 =	vmov s31  }
0x256: {  	v19 =	vshrl.u32 v19, $0x3  }
0x257: {  	v19 =	vshll.u32 v19, v1  }
0x258: {  	v19 =	vbroadcast v19, $0x0  }
0x259: {  	[tilespmem:v18+s25+$0x0] =	vst.idx.msk $0xffff, v17  }
0x25a: {  	v18 =	vadd.s32 v7, v19;
	v17 =	vld [tilespmem:s30+$0xA460];
	_ =	sdelay $0x4  }
0x25b: {  	[tilespmem:v18+s25+$0x0] =	vst.idx.msk $0xffff, v17  }
0x25c: {  	s22 =	simm.s32 $0x4;
	v18 =	vadd.s32 v8, v19;
	v17 =	vld [tilespmem:s30+$0xA470]  }
0x25d: {  	v19 =	vmov s22  }
0x25e: {  	v19 =	vshrl.u32 v19, $0x3  }
0x25f: {  	v19 =	vshll.u32 v19, v1  }
0x260: {  	v19 =	vbroadcast v19, $0x0  }
0x261: {  	[tilespmem:v18+s25+$0x0] =	vst.idx.msk $0xffff, v17  }
0x262: {  	v18 =	vadd.s32 v9, v19;
	v17 =	vld [tilespmem:s30+$0xA480];
	_ =	sdelay $0x4  }
0x263: {  	[tilespmem:v18+s25+$0x0] =	vst.idx.msk $0xffff, v17  }
0x264: {  	s31 =	simm.s32 $0x5;
	v18 =	vadd.s32 v10, v19;
	v17 =	vld [tilespmem:s30+$0xA490]  }
0x265: {  	v19 =	vmov s31  }
0x266: {  	v19 =	vshrl.u32 v19, $0x3  }
0x267: {  	v19 =	vshll.u32 v19, v1  }
0x268: {  	v19 =	vbroadcast v19, $0x0  }
0x269: {  	[tilespmem:v18+s25+$0x0] =	vst.idx.msk $0xffff, v17  }
0x26a: {  	v18 =	vadd.s32 v11, v19;
	v17 =	vld [tilespmem:s30+$0xA4A0];
	_ =	sdelay $0x4  }
0x26b: {  	[tilespmem:v18+s25+$0x0] =	vst.idx.msk $0xffff, v17  }
0x26c: {  	s22 =	simm.s32 $0x6;
	v18 =	vadd.s32 v12, v19;
	v17 =	vld [tilespmem:s30+$0xA4B0]  }
0x26d: {  	v19 =	vmov s22  }
0x26e: {  	v19 =	vshrl.u32 v19, $0x3  }
0x26f: {  	v19 =	vshll.u32 v19, v1  }
0x270: {  	v19 =	vbroadcast v19, $0x0  }
0x271: {  	[tilespmem:v18+s25+$0x0] =	vst.idx.msk $0xffff, v17  }
0x272: {  	v18 =	vadd.s32 v13, v19;
	v17 =	vld [tilespmem:s30+$0xA4C0];
	_ =	sdelay $0x4  }
0x273: {  	[tilespmem:v18+s25+$0x0] =	vst.idx.msk $0xffff, v17  }
0x274: {  	s31 =	simm.s32 $0x7;
	v18 =	vadd.s32 v14, v19;
	v17 =	vld [tilespmem:s30+$0xA4D0]  }
0x275: {  	v19 =	vmov s31  }
0x276: {  	v19 =	vshrl.u32 v19, $0x3  }
0x277: {  	v19 =	vshll.u32 v19, v1  }
0x278: {  	v19 =	vbroadcast v19, $0x0  }
0x279: {  	[tilespmem:v18+s25+$0x0] =	vst.idx.msk $0xffff, v17  }
0x27a: {  	v18 =	vadd.s32 v15, v19;
	v17 =	vld [tilespmem:s30+$0xA4E0];
	_ =	sdelay $0x4  }
0x27b: {  	s28 =	simm.s32 $0x400;
	[tilespmem:v18+s25+$0x0] =	vst.idx.msk $0xffff, v17  }
0x27c: {  	s1 =	simm.s32 $0x8;
	s22 =	simm.s32 $0xF;
	v18 =	vadd.s32 v16, v19;
	v17 =	vld [tilespmem:s30+$0xA4F0];
	s30 =	simm.s32 $0x800  }
.LBB2_5:
0x27d: {  	p0 =	sne.s32 s30, $0xFC00;
	v19 =	vmov s1  }
0x27e: {  	v19 =	vshrl.u32 v19, $0x3  }
0x27f: {  	v19 =	vshll.u32 v19, v1  }
0x280: {  	v19 =	vbroadcast v19, $0x0  }
0x281: {  	s31 =	sshra.s32 s28, $0x2;
	s28 =	smov.u32 s30;
	[tilespmem:v18+s25+$0x0] =	vst.idx.msk $0xffff, v17  }
0x282: {  	v17 =	vld [tilespmem:s31+$0xA400];
	v18 =	vadd.s32 v0, v19;
	_ =	sdelay $0x4  }
0x283: {  	[tilespmem:v18+s25+$0x0] =	vst.idx.msk $0xffff, v17  }
0x284: {  	s1 =	sadd.s32 $0xFFFFFFFA, s22;
	v18 =	vadd.s32 v2, v19;
	v17 =	vld [tilespmem:s31+$0xA410]  }
0x285: {  	v19 =	vmov s1  }
0x286: {  	v19 =	vshrl.u32 v19, $0x3  }
0x287: {  	v19 =	vshll.u32 v19, v1  }
0x288: {  	v19 =	vbroadcast v19, $0x0  }
0x289: {  	[tilespmem:v18+s25+$0x0] =	vst.idx.msk $0xffff, v17  }
0x28a: {  	v18 =	vadd.s32 v3, v19;
	v17 =	vld [tilespmem:s31+$0xA420];
	_ =	sdelay $0x4  }
0x28b: {  	[tilespmem:v18+s25+$0x0] =	vst.idx.msk $0xffff, v17  }
0x28c: {  	s1 =	sadd.s32 $0xFFFFFFFB, s22;
	v18 =	vadd.s32 v4, v19;
	v17 =	vld [tilespmem:s31+$0xA430]  }
0x28d: {  	v19 =	vmov s1  }
0x28e: {  	v19 =	vshrl.u32 v19, $0x3  }
0x28f: {  	v19 =	vshll.u32 v19, v1  }
0x290: {  	v19 =	vbroadcast v19, $0x0  }
0x291: {  	[tilespmem:v18+s25+$0x0] =	vst.idx.msk $0xffff, v17  }
0x292: {  	v18 =	vadd.s32 v5, v19;
	v17 =	vld [tilespmem:s31+$0xA440];
	_ =	sdelay $0x4  }
0x293: {  	[tilespmem:v18+s25+$0x0] =	vst.idx.msk $0xffff, v17  }
0x294: {  	s1 =	sadd.s32 $0xFFFFFFFC, s22;
	v18 =	vadd.s32 v6, v19;
	v17 =	vld [tilespmem:s31+$0xA450]  }
0x295: {  	v19 =	vmov s1  }
0x296: {  	v19 =	vshrl.u32 v19, $0x3  }
0x297: {  	v19 =	vshll.u32 v19, v1  }
0x298: {  	v19 =	vbroadcast v19, $0x0  }
0x299: {  	[tilespmem:v18+s25+$0x0] =	vst.idx.msk $0xffff, v17  }
0x29a: {  	v18 =	vadd.s32 v7, v19;
	v17 =	vld [tilespmem:s31+$0xA460];
	_ =	sdelay $0x4  }
0x29b: {  	[tilespmem:v18+s25+$0x0] =	vst.idx.msk $0xffff, v17  }
0x29c: {  	s1 =	sadd.s32 $0xFFFFFFFD, s22;
	v18 =	vadd.s32 v8, v19;
	v17 =	vld [tilespmem:s31+$0xA470]  }
0x29d: {  	v19 =	vmov s1  }
0x29e: {  	v19 =	vshrl.u32 v19, $0x3  }
0x29f: {  	v19 =	vshll.u32 v19, v1  }
0x2a0: {  	v19 =	vbroadcast v19, $0x0  }
0x2a1: {  	[tilespmem:v18+s25+$0x0] =	vst.idx.msk $0xffff, v17  }
0x2a2: {  	v18 =	vadd.s32 v9, v19;
	v17 =	vld [tilespmem:s31+$0xA480];
	_ =	sdelay $0x4  }
0x2a3: {  	[tilespmem:v18+s25+$0x0] =	vst.idx.msk $0xffff, v17  }
0x2a4: {  	s1 =	sadd.s32 $0xFFFFFFFE, s22;
	v18 =	vadd.s32 v10, v19;
	v17 =	vld [tilespmem:s31+$0xA490]  }
0x2a5: {  	v19 =	vmov s1  }
0x2a6: {  	v19 =	vshrl.u32 v19, $0x3  }
0x2a7: {  	v19 =	vshll.u32 v19, v1  }
0x2a8: {  	v19 =	vbroadcast v19, $0x0  }
0x2a9: {  	[tilespmem:v18+s25+$0x0] =	vst.idx.msk $0xffff, v17  }
0x2aa: {  	v18 =	vadd.s32 v11, v19;
	v17 =	vld [tilespmem:s31+$0xA4A0];
	_ =	sdelay $0x4  }
0x2ab: {  	[tilespmem:v18+s25+$0x0] =	vst.idx.msk $0xffff, v17  }
0x2ac: {  	s1 =	sadd.s32 $0xFFFFFFFF, s22;
	v18 =	vadd.s32 v12, v19;
	v17 =	vld [tilespmem:s31+$0xA4B0]  }
0x2ad: {  	v19 =	vmov s1  }
0x2ae: {  	v19 =	vshrl.u32 v19, $0x3  }
0x2af: {  	v19 =	vshll.u32 v19, v1  }
0x2b0: {  	v19 =	vbroadcast v19, $0x0  }
0x2b1: {  	[tilespmem:v18+s25+$0x0] =	vst.idx.msk $0xffff, v17  }
0x2b2: {  	v18 =	vadd.s32 v13, v19;
	v17 =	vld [tilespmem:s31+$0xA4C0];
	_ =	sdelay $0x4  }
0x2b3: {  	[tilespmem:v18+s25+$0x0] =	vst.idx.msk $0xffff, v17  }
0x2b4: {  	v18 =	vadd.s32 v14, v19;
	v17 =	vld [tilespmem:s31+$0xA4D0]  }
0x2b5: {  	v19 =	vmov s22  }
0x2b6: {  	v19 =	vshrl.u32 v19, $0x3  }
0x2b7: {  	v19 =	vshll.u32 v19, v1  }
0x2b8: {  	v19 =	vbroadcast v19, $0x0  }
0x2b9: {  	[tilespmem:v18+s25+$0x0] =	vst.idx.msk $0xffff, v17  }
0x2ba: {  	v18 =	vadd.s32 v15, v19;
	v17 =	vld [tilespmem:s31+$0xA4E0];
	_ =	sdelay $0x1  }
.Ltmp1:
0x2bb: {  	(pc) =	sbr.rel @p0 .LBB2_5-.Ltmp1, $3  }
0x2bc: {  	_ =	sdelay $0x1  }
0x2bd: {  	s22 =	sadd.s32 $0x8, s22;
	[tilespmem:v18+s25+$0x0] =	vst.idx.msk $0xffff, v17  }
0x2be: {  	s30 =	sadd.s32 $0x400, s30;
	s1 =	sadd.s32 $0xFFFFFFF9, s22;
	v18 =	vadd.s32 v16, v19;
	v17 =	vld [tilespmem:s31+$0xA4F0]  }
0x2bf: {  	v19 =	vmov s1  }
0x2c0: {  	v19 =	vshrl.u32 v19, $0x3  }
0x2c1: {  	v19 =	vshll.u32 v19, v1  }
0x2c2: {  	v19 =	vbroadcast v19, $0x0  }
0x2c3: {  	s28 =	sshra.s32 s28, $0x2;
	[tilespmem:v18+s25+$0x0] =	vst.idx.msk $0xffff, v17  }
0x2c4: {  	v17 =	vld [tilespmem:s28+$0xA400];
	v18 =	vadd.s32 v0, v19;
	_ =	sdelay $0x4  }
0x2c5: {  	[tilespmem:v18+s25+$0x0] =	vst.idx.msk $0xffff, v17  }
0x2c6: {  	s30 =	sadd.s32 $0xFFFFFFFA, s22;
	v18 =	vadd.s32 v2, v19;
	v17 =	vld [tilespmem:s28+$0xA410]  }
0x2c7: {  	v19 =	vmov s30  }
0x2c8: {  	v19 =	vshrl.u32 v19, $0x3  }
0x2c9: {  	v19 =	vshll.u32 v19, v1  }
0x2ca: {  	v19 =	vbroadcast v19, $0x0  }
0x2cb: {  	[tilespmem:v18+s25+$0x0] =	vst.idx.msk $0xffff, v17  }
0x2cc: {  	v18 =	vadd.s32 v3, v19;
	v17 =	vld [tilespmem:s28+$0xA420];
	_ =	sdelay $0x4  }
0x2cd: {  	[tilespmem:v18+s25+$0x0] =	vst.idx.msk $0xffff, v17  }
0x2ce: {  	s31 =	sadd.s32 $0xFFFFFFFB, s22;
	v18 =	vadd.s32 v4, v19;
	v17 =	vld [tilespmem:s28+$0xA430]  }
0x2cf: {  	v19 =	vmov s31  }
0x2d0: {  	v19 =	vshrl.u32 v19, $0x3  }
0x2d1: {  	v19 =	vshll.u32 v19, v1  }
0x2d2: {  	v19 =	vbroadcast v19, $0x0  }
0x2d3: {  	[tilespmem:v18+s25+$0x0] =	vst.idx.msk $0xffff, v17  }
0x2d4: {  	v18 =	vadd.s32 v5, v19;
	v17 =	vld [tilespmem:s28+$0xA440];
	_ =	sdelay $0x4  }
0x2d5: {  	[tilespmem:v18+s25+$0x0] =	vst.idx.msk $0xffff, v17  }
0x2d6: {  	s30 =	sadd.s32 $0xFFFFFFFC, s22;
	v18 =	vadd.s32 v6, v19;
	v17 =	vld [tilespmem:s28+$0xA450]  }
0x2d7: {  	v19 =	vmov s30  }
0x2d8: {  	v19 =	vshrl.u32 v19, $0x3  }
0x2d9: {  	v19 =	vshll.u32 v19, v1  }
0x2da: {  	v19 =	vbroadcast v19, $0x0  }
0x2db: {  	[tilespmem:v18+s25+$0x0] =	vst.idx.msk $0xffff, v17  }
0x2dc: {  	v18 =	vadd.s32 v7, v19;
	v17 =	vld [tilespmem:s28+$0xA460];
	_ =	sdelay $0x4  }
0x2dd: {  	[tilespmem:v18+s25+$0x0] =	vst.idx.msk $0xffff, v17  }
0x2de: {  	s31 =	sadd.s32 $0xFFFFFFFD, s22;
	v18 =	vadd.s32 v8, v19;
	v17 =	vld [tilespmem:s28+$0xA470]  }
0x2df: {  	v19 =	vmov s31  }
0x2e0: {  	v19 =	vshrl.u32 v19, $0x3  }
0x2e1: {  	v19 =	vshll.u32 v19, v1  }
0x2e2: {  	v19 =	vbroadcast v19, $0x0  }
0x2e3: {  	[tilespmem:v18+s25+$0x0] =	vst.idx.msk $0xffff, v17  }
0x2e4: {  	v18 =	vadd.s32 v9, v19;
	v17 =	vld [tilespmem:s28+$0xA480];
	_ =	sdelay $0x4  }
0x2e5: {  	[tilespmem:v18+s25+$0x0] =	vst.idx.msk $0xffff, v17  }
0x2e6: {  	s30 =	sadd.s32 $0xFFFFFFFE, s22;
	v18 =	vadd.s32 v10, v19;
	v17 =	vld [tilespmem:s28+$0xA490]  }
0x2e7: {  	v19 =	vmov s30  }
0x2e8: {  	v19 =	vshrl.u32 v19, $0x3  }
0x2e9: {  	v19 =	vshll.u32 v19, v1  }
0x2ea: {  	v19 =	vbroadcast v19, $0x0  }
0x2eb: {  	[tilespmem:v18+s25+$0x0] =	vst.idx.msk $0xffff, v17  }
0x2ec: {  	v18 =	vadd.s32 v11, v19;
	v17 =	vld [tilespmem:s28+$0xA4A0];
	_ =	sdelay $0x4  }
0x2ed: {  	[tilespmem:v18+s25+$0x0] =	vst.idx.msk $0xffff, v17  }
0x2ee: {  	s31 =	sadd.s32 $0xFFFFFFFF, s22;
	v18 =	vadd.s32 v12, v19;
	v17 =	vld [tilespmem:s28+$0xA4B0]  }
0x2ef: {  	v19 =	vmov s31  }
0x2f0: {  	v19 =	vshrl.u32 v19, $0x3  }
0x2f1: {  	v19 =	vshll.u32 v19, v1  }
0x2f2: {  	v19 =	vbroadcast v19, $0x0  }
0x2f3: {  	[tilespmem:v18+s25+$0x0] =	vst.idx.msk $0xffff, v17  }
0x2f4: {  	v18 =	vadd.s32 v13, v19;
	v17 =	vld [tilespmem:s28+$0xA4C0];
	_ =	sdelay $0x4  }
0x2f5: {  	[tilespmem:v18+s25+$0x0] =	vst.idx.msk $0xffff, v17  }
0x2f6: {  	v18 =	vadd.s32 v14, v19;
	v17 =	vld [tilespmem:s28+$0xA4D0]  }
0x2f7: {  	v19 =	vmov s22  }
0x2f8: {  	v19 =	vshrl.u32 v19, $0x3  }
0x2f9: {  	v19 =	vshll.u32 v19, v1  }
0x2fa: {  	v19 =	vbroadcast v19, $0x0  }
0x2fb: {  	[tilespmem:v18+s25+$0x0] =	vst.idx.msk $0xffff, v17  }
0x2fc: {  	v18 =	vadd.s32 v15, v19;
	v17 =	vld [tilespmem:s28+$0xA4E0];
	_ =	sdelay $0x4  }
0x2fd: {  	s23 =	sshll.u32 s23, $0x2;
	[tilespmem:v18+s25+$0x0] =	vst.idx.msk $0xffff, v17  }
0x2fe: {  	s1 =	sadd.s32 s5, s23;
	v18 =	vadd.s32 v16, v19;
	v17 =	vld [tilespmem:s28+$0xA4F0]  }
0x2ff: {  	s30 =	sshll.u32 s1, $0x2  }
0x300: {  	s1 =	sand.u32 $0x7C, s1;
	s22 =	sand.u32 $0x3FFE00, s30  }
0x301: {  	s1 =	sor.u32 s1, s22  }
0x302: {  	s22 =	sshll.u32 s1, $0x7  }
0x303: {  	s1 =	sadd.s32 s2, s22;
	[tilespmem:v18+s25+$0x0] =	vst.idx.msk $0xffff, v17  }
0x304: {  	[hbm4b:s1+s3] =	stream.linear.scatter [tilespmem:s25], [sflag:$0x4], $0x80, $0x38;
	[tilespmem:$0x16600] =	vst v63  }
0x305: {  	s30 =	simm.s32 $0x12708;
	s31 =	sadd.s32 $0x10, s1  }
0x306: {  	[hbm4b:s31+s3] =	stream.linear.scatter [tilespmem:s30], [sflag:$0x4], $0x80, $0x38;
	[tilespmem:$0x16600] =	vst v63  }
0x307: {  	s31 =	sadd.s32 $0x20, s1;
	s30 =	simm.s32 $0x12910  }
0x308: {  	[hbm4b:s31+s3] =	stream.linear.scatter [tilespmem:s30], [sflag:$0x4], $0x80, $0x38;
	[tilespmem:$0x16600] =	vst v63  }
0x309: {  	s31 =	sadd.s32 $0x30, s1;
	s30 =	simm.s32 $0x12B18  }
0x30a: {  	[hbm4b:s31+s3] =	stream.linear.scatter [tilespmem:s30], [sflag:$0x4], $0x80, $0x38;
	[tilespmem:$0x16600] =	vst v63  }
0x30b: {  	s31 =	sadd.s32 $0x40, s1;
	s30 =	simm.s32 $0x12D20  }
0x30c: {  	[hbm4b:s31+s3] =	stream.linear.scatter [tilespmem:s30], [sflag:$0x4], $0x80, $0x38;
	[tilespmem:$0x16600] =	vst v63  }
0x30d: {  	s31 =	sadd.s32 $0x50, s1;
	s30 =	simm.s32 $0x12F28  }
0x30e: {  	[hbm4b:s31+s3] =	stream.linear.scatter [tilespmem:s30], [sflag:$0x4], $0x80, $0x38;
	[tilespmem:$0x16600] =	vst v63  }
0x30f: {  	s31 =	sadd.s32 $0x60, s1;
	s30 =	simm.s32 $0x13130  }
0x310: {  	[hbm4b:s31+s3] =	stream.linear.scatter [tilespmem:s30], [sflag:$0x4], $0x80, $0x38;
	[tilespmem:$0x16600] =	vst v63  }
0x311: {  	s1 =	sadd.s32 $0x70, s1;
	s31 =	simm.s32 $0x13338  }
0x312: {  	[hbm4b:s1+s3] =	stream.linear.scatter [tilespmem:s31], [sflag:$0x4], $0x80, $0x38;
	[tilespmem:$0x16600] =	vst v63  }
0x313: {  	s28 =	simm.s32 $0x12580;
	s1 =	sadd.s32 s22, s7  }
0x314: {  	[hbm4b:s1+s3] =	stream.linear.scatter [tilespmem:s28], [sflag:$0x4], $0x80, $0x38;
	[tilespmem:$0x16600] =	vst v63  }
0x315: {  	s31 =	simm.s32 $0x12788;
	s30 =	sadd.s32 $0x10, s1  }
0x316: {  	[hbm4b:s30+s3] =	stream.linear.scatter [tilespmem:s31], [sflag:$0x4], $0x80, $0x38;
	[tilespmem:$0x16600] =	vst v63  }
0x317: {  	s30 =	sadd.s32 $0x20, s1;
	s31 =	simm.s32 $0x12990  }
0x318: {  	[hbm4b:s30+s3] =	stream.linear.scatter [tilespmem:s31], [sflag:$0x4], $0x80, $0x38;
	[tilespmem:$0x16600] =	vst v63  }
0x319: {  	s30 =	sadd.s32 $0x30, s1;
	s31 =	simm.s32 $0x12B98  }
0x31a: {  	[hbm4b:s30+s3] =	stream.linear.scatter [tilespmem:s31], [sflag:$0x4], $0x80, $0x38;
	[tilespmem:$0x16600] =	vst v63  }
0x31b: {  	s30 =	sadd.s32 $0x40, s1;
	s31 =	simm.s32 $0x12DA0  }
0x31c: {  	[hbm4b:s30+s3] =	stream.linear.scatter [tilespmem:s31], [sflag:$0x4], $0x80, $0x38;
	[tilespmem:$0x16600] =	vst v63  }
0x31d: {  	s30 =	sadd.s32 $0x50, s1;
	s31 =	simm.s32 $0x12FA8  }
0x31e: {  	[hbm4b:s30+s3] =	stream.linear.scatter [tilespmem:s31], [sflag:$0x4], $0x80, $0x38;
	[tilespmem:$0x16600] =	vst v63  }
0x31f: {  	s30 =	sadd.s32 $0x60, s1;
	s31 =	simm.s32 $0x131B0  }
0x320: {  	[hbm4b:s30+s3] =	stream.linear.scatter [tilespmem:s31], [sflag:$0x4], $0x80, $0x38;
	[tilespmem:$0x16600] =	vst v63  }
0x321: {  	s28 =	simm.s32 $0x133B8;
	s1 =	sadd.s32 $0x70, s1  }
0x322: {  	[hbm4b:s1+s3] =	stream.linear.scatter [tilespmem:s28], [sflag:$0x4], $0x80, $0x38;
	[tilespmem:$0x16600] =	vst v63  }
0x323: {  	s30 =	simm.s32 $0x12600;
	s1 =	sadd.s32 s22, s8  }
0x324: {  	[hbm4b:s1+s3] =	stream.linear.scatter [tilespmem:s30], [sflag:$0x4], $0x80, $0x38;
	[tilespmem:$0x16600] =	vst v63  }
0x325: {  	s31 =	sadd.s32 $0x10, s1;
	s30 =	simm.s32 $0x12808  }
0x326: {  	[hbm4b:s31+s3] =	stream.linear.scatter [tilespmem:s30], [sflag:$0x4], $0x80, $0x38;
	[tilespmem:$0x16600] =	vst v63  }
0x327: {  	s31 =	sadd.s32 $0x20, s1;
	s30 =	simm.s32 $0x12A10  }
0x328: {  	[hbm4b:s31+s3] =	stream.linear.scatter [tilespmem:s30], [sflag:$0x4], $0x80, $0x38;
	[tilespmem:$0x16600] =	vst v63  }
0x329: {  	s31 =	sadd.s32 $0x30, s1;
	s30 =	simm.s32 $0x12C18  }
0x32a: {  	[hbm4b:s31+s3] =	stream.linear.scatter [tilespmem:s30], [sflag:$0x4], $0x80, $0x38;
	[tilespmem:$0x16600] =	vst v63  }
0x32b: {  	s31 =	sadd.s32 $0x40, s1;
	s30 =	simm.s32 $0x12E20  }
0x32c: {  	[hbm4b:s31+s3] =	stream.linear.scatter [tilespmem:s30], [sflag:$0x4], $0x80, $0x38;
	[tilespmem:$0x16600] =	vst v63  }
0x32d: {  	s31 =	sadd.s32 $0x50, s1;
	s30 =	simm.s32 $0x13028  }
0x32e: {  	[hbm4b:s31+s3] =	stream.linear.scatter [tilespmem:s30], [sflag:$0x4], $0x80, $0x38;
	[tilespmem:$0x16600] =	vst v63  }
0x32f: {  	s31 =	sadd.s32 $0x60, s1;
	s30 =	simm.s32 $0x13230  }
0x330: {  	[hbm4b:s31+s3] =	stream.linear.scatter [tilespmem:s30], [sflag:$0x4], $0x80, $0x38;
	[tilespmem:$0x16600] =	vst v63  }
0x331: {  	s1 =	sadd.s32 $0x70, s1;
	s31 =	simm.s32 $0x13438  }
0x332: {  	[hbm4b:s1+s3] =	stream.linear.scatter [tilespmem:s31], [sflag:$0x4], $0x80, $0x38;
	[tilespmem:$0x16600] =	vst v63  }
0x333: {  	s28 =	simm.s32 $0x12680;
	s1 =	sadd.s32 s22, s9  }
0x334: {  	[hbm4b:s1+s3] =	stream.linear.scatter [tilespmem:s28], [sflag:$0x4], $0x80, $0x38;
	[tilespmem:$0x16600] =	vst v63  }
0x335: {  	s31 =	simm.s32 $0x12888;
	s30 =	sadd.s32 $0x10, s1  }
0x336: {  	[hbm4b:s30+s3] =	stream.linear.scatter [tilespmem:s31], [sflag:$0x4], $0x80, $0x38;
	[tilespmem:$0x16600] =	vst v63  }
0x337: {  	s30 =	sadd.s32 $0x20, s1;
	s31 =	simm.s32 $0x12A90  }
0x338: {  	[hbm4b:s30+s3] =	stream.linear.scatter [tilespmem:s31], [sflag:$0x4], $0x80, $0x38;
	[tilespmem:$0x16600] =	vst v63  }
0x339: {  	s30 =	sadd.s32 $0x30, s1;
	s31 =	simm.s32 $0x12C98  }
0x33a: {  	[hbm4b:s30+s3] =	stream.linear.scatter [tilespmem:s31], [sflag:$0x4], $0x80, $0x38;
	[tilespmem:$0x16600] =	vst v63  }
0x33b: {  	s30 =	sadd.s32 $0x40, s1;
	s31 =	simm.s32 $0x12EA0  }
0x33c: {  	[hbm4b:s30+s3] =	stream.linear.scatter [tilespmem:s31], [sflag:$0x4], $0x80, $0x38;
	[tilespmem:$0x16600] =	vst v63  }
0x33d: {  	s30 =	sadd.s32 $0x50, s1;
	s31 =	simm.s32 $0x130A8  }
0x33e: {  	[hbm4b:s30+s3] =	stream.linear.scatter [tilespmem:s31], [sflag:$0x4], $0x80, $0x38;
	[tilespmem:$0x16600] =	vst v63  }
0x33f: {  	s30 =	sadd.s32 $0x60, s1;
	s31 =	simm.s32 $0x132B0  }
0x340: {  	[hbm4b:s30+s3] =	stream.linear.scatter [tilespmem:s31], [sflag:$0x4], $0x80, $0x38;
	[tilespmem:$0x16600] =	vst v63  }
0x341: {  	s28 =	simm.s32 $0x134B8;
	s1 =	sadd.s32 $0x70, s1  }
0x342: {  	[hbm4b:s1+s3] =	stream.linear.scatter [tilespmem:s28], [sflag:$0x4], $0x80, $0x38;
	[tilespmem:$0x16600] =	vst v63  }
0x343: {  	s30 =	simm.s32 $0x13540;
	s1 =	sadd.s32 s22, s10  }
0x344: {  	[hbm4b:s1+s3] =	stream.linear.scatter [tilespmem:s30], [sflag:$0x4], $0x80, $0x38;
	[tilespmem:$0x16600] =	vst v63  }
0x345: {  	s31 =	sadd.s32 $0x10, s1;
	s30 =	simm.s32 $0x13748  }
0x346: {  	[hbm4b:s31+s3] =	stream.linear.scatter [tilespmem:s30], [sflag:$0x4], $0x80, $0x38;
	[tilespmem:$0x16600] =	vst v63  }
0x347: {  	s31 =	sadd.s32 $0x20, s1;
	s30 =	simm.s32 $0x13950  }
0x348: {  	[hbm4b:s31+s3] =	stream.linear.scatter [tilespmem:s30], [sflag:$0x4], $0x80, $0x38;
	[tilespmem:$0x16600] =	vst v63  }
0x349: {  	s31 =	sadd.s32 $0x30, s1;
	s30 =	simm.s32 $0x13B58  }
0x34a: {  	[hbm4b:s31+s3] =	stream.linear.scatter [tilespmem:s30], [sflag:$0x4], $0x80, $0x38;
	[tilespmem:$0x16600] =	vst v63  }
0x34b: {  	s31 =	sadd.s32 $0x40, s1;
	s30 =	simm.s32 $0x13D60  }
0x34c: {  	[hbm4b:s31+s3] =	stream.linear.scatter [tilespmem:s30], [sflag:$0x4], $0x80, $0x38;
	[tilespmem:$0x16600] =	vst v63  }
0x34d: {  	s31 =	sadd.s32 $0x50, s1;
	s30 =	simm.s32 $0x13F68  }
0x34e: {  	[hbm4b:s31+s3] =	stream.linear.scatter [tilespmem:s30], [sflag:$0x4], $0x80, $0x38;
	[tilespmem:$0x16600] =	vst v63  }
0x34f: {  	s31 =	sadd.s32 $0x60, s1;
	s30 =	simm.s32 $0x14170  }
0x350: {  	[hbm4b:s31+s3] =	stream.linear.scatter [tilespmem:s30], [sflag:$0x4], $0x80, $0x38;
	[tilespmem:$0x16600] =	vst v63  }
0x351: {  	s1 =	sadd.s32 $0x70, s1;
	s31 =	simm.s32 $0x14378  }
0x352: {  	[hbm4b:s1+s3] =	stream.linear.scatter [tilespmem:s31], [sflag:$0x4], $0x80, $0x38;
	[tilespmem:$0x16600] =	vst v63  }
0x353: {  	s28 =	simm.s32 $0x135C0;
	s1 =	sadd.s32 s22, s11  }
0x354: {  	[hbm4b:s1+s3] =	stream.linear.scatter [tilespmem:s28], [sflag:$0x4], $0x80, $0x38;
	[tilespmem:$0x16600] =	vst v63  }
0x355: {  	s31 =	simm.s32 $0x137C8;
	s30 =	sadd.s32 $0x10, s1  }
0x356: {  	[hbm4b:s30+s3] =	stream.linear.scatter [tilespmem:s31], [sflag:$0x4], $0x80, $0x38;
	[tilespmem:$0x16600] =	vst v63  }
0x357: {  	s30 =	sadd.s32 $0x20, s1;
	s31 =	simm.s32 $0x139D0  }
0x358: {  	[hbm4b:s30+s3] =	stream.linear.scatter [tilespmem:s31], [sflag:$0x4], $0x80, $0x38;
	[tilespmem:$0x16600] =	vst v63  }
0x359: {  	s30 =	sadd.s32 $0x30, s1;
	s31 =	simm.s32 $0x13BD8  }
0x35a: {  	[hbm4b:s30+s3] =	stream.linear.scatter [tilespmem:s31], [sflag:$0x4], $0x80, $0x38;
	[tilespmem:$0x16600] =	vst v63  }
0x35b: {  	s30 =	sadd.s32 $0x40, s1;
	s31 =	simm.s32 $0x13DE0  }
0x35c: {  	[hbm4b:s30+s3] =	stream.linear.scatter [tilespmem:s31], [sflag:$0x4], $0x80, $0x38;
	[tilespmem:$0x16600] =	vst v63  }
0x35d: {  	s30 =	sadd.s32 $0x50, s1;
	s31 =	simm.s32 $0x13FE8  }
0x35e: {  	[hbm4b:s30+s3] =	stream.linear.scatter [tilespmem:s31], [sflag:$0x4], $0x80, $0x38;
	[tilespmem:$0x16600] =	vst v63  }
0x35f: {  	s30 =	sadd.s32 $0x60, s1;
	s31 =	simm.s32 $0x141F0  }
0x360: {  	[hbm4b:s30+s3] =	stream.linear.scatter [tilespmem:s31], [sflag:$0x4], $0x80, $0x38;
	[tilespmem:$0x16600] =	vst v63  }
0x361: {  	s28 =	simm.s32 $0x143F8;
	s1 =	sadd.s32 $0x70, s1  }
0x362: {  	[hbm4b:s1+s3] =	stream.linear.scatter [tilespmem:s28], [sflag:$0x4], $0x80, $0x38;
	[tilespmem:$0x16600] =	vst v63  }
0x363: {  	s30 =	simm.s32 $0x13640;
	s1 =	sadd.s32 s22, s12  }
0x364: {  	[hbm4b:s1+s3] =	stream.linear.scatter [tilespmem:s30], [sflag:$0x4], $0x80, $0x38;
	[tilespmem:$0x16600] =	vst v63  }
0x365: {  	s31 =	sadd.s32 $0x10, s1;
	s30 =	simm.s32 $0x13848  }
0x366: {  	[hbm4b:s31+s3] =	stream.linear.scatter [tilespmem:s30], [sflag:$0x4], $0x80, $0x38;
	[tilespmem:$0x16600] =	vst v63  }
0x367: {  	s31 =	sadd.s32 $0x20, s1;
	s30 =	simm.s32 $0x13A50  }
0x368: {  	[hbm4b:s31+s3] =	stream.linear.scatter [tilespmem:s30], [sflag:$0x4], $0x80, $0x38;
	[tilespmem:$0x16600] =	vst v63  }
0x369: {  	s31 =	sadd.s32 $0x30, s1;
	s30 =	simm.s32 $0x13C58  }
0x36a: {  	[hbm4b:s31+s3] =	stream.linear.scatter [tilespmem:s30], [sflag:$0x4], $0x80, $0x38;
	[tilespmem:$0x16600] =	vst v63  }
0x36b: {  	s31 =	sadd.s32 $0x40, s1;
	s30 =	simm.s32 $0x13E60  }
0x36c: {  	[hbm4b:s31+s3] =	stream.linear.scatter [tilespmem:s30], [sflag:$0x4], $0x80, $0x38;
	[tilespmem:$0x16600] =	vst v63  }
0x36d: {  	s31 =	sadd.s32 $0x50, s1;
	s30 =	simm.s32 $0x14068  }
0x36e: {  	[hbm4b:s31+s3] =	stream.linear.scatter [tilespmem:s30], [sflag:$0x4], $0x80, $0x38;
	[tilespmem:$0x16600] =	vst v63  }
0x36f: {  	s31 =	sadd.s32 $0x60, s1;
	s30 =	simm.s32 $0x14270  }
0x370: {  	[hbm4b:s31+s3] =	stream.linear.scatter [tilespmem:s30], [sflag:$0x4], $0x80, $0x38;
	[tilespmem:$0x16600] =	vst v63  }
0x371: {  	s1 =	sadd.s32 $0x70, s1;
	s31 =	simm.s32 $0x14478  }
0x372: {  	[hbm4b:s1+s3] =	stream.linear.scatter [tilespmem:s31], [sflag:$0x4], $0x80, $0x38;
	[tilespmem:$0x16600] =	vst v63  }
0x373: {  	s28 =	simm.s32 $0x136C0;
	s1 =	sadd.s32 s22, s13  }
0x374: {  	[hbm4b:s1+s3] =	stream.linear.scatter [tilespmem:s28], [sflag:$0x4], $0x80, $0x38;
	[tilespmem:$0x16600] =	vst v63  }
0x375: {  	s31 =	simm.s32 $0x138C8;
	s30 =	sadd.s32 $0x10, s1  }
0x376: {  	[hbm4b:s30+s3] =	stream.linear.scatter [tilespmem:s31], [sflag:$0x4], $0x80, $0x38;
	[tilespmem:$0x16600] =	vst v63  }
0x377: {  	s30 =	sadd.s32 $0x20, s1;
	s31 =	simm.s32 $0x13AD0  }
0x378: {  	[hbm4b:s30+s3] =	stream.linear.scatter [tilespmem:s31], [sflag:$0x4], $0x80, $0x38;
	[tilespmem:$0x16600] =	vst v63  }
0x379: {  	s30 =	sadd.s32 $0x30, s1;
	s31 =	simm.s32 $0x13CD8  }
0x37a: {  	[hbm4b:s30+s3] =	stream.linear.scatter [tilespmem:s31], [sflag:$0x4], $0x80, $0x38;
	[tilespmem:$0x16600] =	vst v63  }
0x37b: {  	s30 =	sadd.s32 $0x40, s1;
	s31 =	simm.s32 $0x13EE0  }
0x37c: {  	[hbm4b:s30+s3] =	stream.linear.scatter [tilespmem:s31], [sflag:$0x4], $0x80, $0x38;
	[tilespmem:$0x16600] =	vst v63  }
0x37d: {  	s30 =	sadd.s32 $0x50, s1;
	s31 =	simm.s32 $0x140E8  }
0x37e: {  	[hbm4b:s30+s3] =	stream.linear.scatter [tilespmem:s31], [sflag:$0x4], $0x80, $0x38;
	[tilespmem:$0x16600] =	vst v63  }
0x37f: {  	s30 =	sadd.s32 $0x60, s1;
	s31 =	simm.s32 $0x142F0  }
0x380: {  	[hbm4b:s30+s3] =	stream.linear.scatter [tilespmem:s31], [sflag:$0x4], $0x80, $0x38;
	[tilespmem:$0x16600] =	vst v63  }
0x381: {  	s28 =	simm.s32 $0x144F8;
	s1 =	sadd.s32 $0x70, s1  }
0x382: {  	[hbm4b:s1+s3] =	stream.linear.scatter [tilespmem:s28], [sflag:$0x4], $0x80, $0x38;
	[tilespmem:$0x16600] =	vst v63  }
0x383: {  	s30 =	simm.s32 $0x14580;
	s1 =	sadd.s32 s22, s14  }
0x384: {  	[hbm4b:s1+s3] =	stream.linear.scatter [tilespmem:s30], [sflag:$0x4], $0x80, $0x38;
	[tilespmem:$0x16600] =	vst v63  }
0x385: {  	s31 =	sadd.s32 $0x10, s1;
	s30 =	simm.s32 $0x14788  }
0x386: {  	[hbm4b:s31+s3] =	stream.linear.scatter [tilespmem:s30], [sflag:$0x4], $0x80, $0x38;
	[tilespmem:$0x16600] =	vst v63  }
0x387: {  	s31 =	sadd.s32 $0x20, s1;
	s30 =	simm.s32 $0x14990  }
0x388: {  	[hbm4b:s31+s3] =	stream.linear.scatter [tilespmem:s30], [sflag:$0x4], $0x80, $0x38;
	[tilespmem:$0x16600] =	vst v63  }
0x389: {  	s31 =	sadd.s32 $0x30, s1;
	s30 =	simm.s32 $0x14B98  }
0x38a: {  	[hbm4b:s31+s3] =	stream.linear.scatter [tilespmem:s30], [sflag:$0x4], $0x80, $0x38;
	[tilespmem:$0x16600] =	vst v63  }
0x38b: {  	s31 =	sadd.s32 $0x40, s1;
	s30 =	simm.s32 $0x14DA0  }
0x38c: {  	[hbm4b:s31+s3] =	stream.linear.scatter [tilespmem:s30], [sflag:$0x4], $0x80, $0x38;
	[tilespmem:$0x16600] =	vst v63  }
0x38d: {  	s31 =	sadd.s32 $0x50, s1;
	s30 =	simm.s32 $0x14FA8  }
0x38e: {  	[hbm4b:s31+s3] =	stream.linear.scatter [tilespmem:s30], [sflag:$0x4], $0x80, $0x38;
	[tilespmem:$0x16600] =	vst v63  }
0x38f: {  	s31 =	sadd.s32 $0x60, s1;
	s30 =	simm.s32 $0x151B0  }
0x390: {  	[hbm4b:s31+s3] =	stream.linear.scatter [tilespmem:s30], [sflag:$0x4], $0x80, $0x38;
	[tilespmem:$0x16600] =	vst v63  }
0x391: {  	s1 =	sadd.s32 $0x70, s1;
	s31 =	simm.s32 $0x153B8  }
0x392: {  	[hbm4b:s1+s3] =	stream.linear.scatter [tilespmem:s31], [sflag:$0x4], $0x80, $0x38;
	[tilespmem:$0x16600] =	vst v63  }
0x393: {  	s28 =	simm.s32 $0x14600;
	s1 =	sadd.s32 s22, s15  }
0x394: {  	[hbm4b:s1+s3] =	stream.linear.scatter [tilespmem:s28], [sflag:$0x4], $0x80, $0x38;
	[tilespmem:$0x16600] =	vst v63  }
0x395: {  	s31 =	simm.s32 $0x14808;
	s30 =	sadd.s32 $0x10, s1  }
0x396: {  	[hbm4b:s30+s3] =	stream.linear.scatter [tilespmem:s31], [sflag:$0x4], $0x80, $0x38;
	[tilespmem:$0x16600] =	vst v63  }
0x397: {  	s30 =	sadd.s32 $0x20, s1;
	s31 =	simm.s32 $0x14A10  }
0x398: {  	[hbm4b:s30+s3] =	stream.linear.scatter [tilespmem:s31], [sflag:$0x4], $0x80, $0x38;
	[tilespmem:$0x16600] =	vst v63  }
0x399: {  	s30 =	sadd.s32 $0x30, s1;
	s31 =	simm.s32 $0x14C18  }
0x39a: {  	[hbm4b:s30+s3] =	stream.linear.scatter [tilespmem:s31], [sflag:$0x4], $0x80, $0x38;
	[tilespmem:$0x16600] =	vst v63  }
0x39b: {  	s30 =	sadd.s32 $0x40, s1;
	s31 =	simm.s32 $0x14E20  }
0x39c: {  	[hbm4b:s30+s3] =	stream.linear.scatter [tilespmem:s31], [sflag:$0x4], $0x80, $0x38;
	[tilespmem:$0x16600] =	vst v63  }
0x39d: {  	s30 =	sadd.s32 $0x50, s1;
	s31 =	simm.s32 $0x15028  }
0x39e: {  	[hbm4b:s30+s3] =	stream.linear.scatter [tilespmem:s31], [sflag:$0x4], $0x80, $0x38;
	[tilespmem:$0x16600] =	vst v63  }
0x39f: {  	s30 =	sadd.s32 $0x60, s1;
	s31 =	simm.s32 $0x15230  }
0x3a0: {  	[hbm4b:s30+s3] =	stream.linear.scatter [tilespmem:s31], [sflag:$0x4], $0x80, $0x38;
	[tilespmem:$0x16600] =	vst v63  }
0x3a1: {  	s28 =	simm.s32 $0x15438;
	s1 =	sadd.s32 $0x70, s1  }
0x3a2: {  	[hbm4b:s1+s3] =	stream.linear.scatter [tilespmem:s28], [sflag:$0x4], $0x80, $0x38;
	[tilespmem:$0x16600] =	vst v63  }
0x3a3: {  	s30 =	simm.s32 $0x14680;
	s1 =	sadd.s32 s22, s16  }
0x3a4: {  	[hbm4b:s1+s3] =	stream.linear.scatter [tilespmem:s30], [sflag:$0x4], $0x80, $0x38;
	[tilespmem:$0x16600] =	vst v63  }
0x3a5: {  	s31 =	sadd.s32 $0x10, s1;
	s30 =	simm.s32 $0x14888  }
0x3a6: {  	[hbm4b:s31+s3] =	stream.linear.scatter [tilespmem:s30], [sflag:$0x4], $0x80, $0x38;
	[tilespmem:$0x16600] =	vst v63  }
0x3a7: {  	s31 =	sadd.s32 $0x20, s1;
	s30 =	simm.s32 $0x14A90  }
0x3a8: {  	[hbm4b:s31+s3] =	stream.linear.scatter [tilespmem:s30], [sflag:$0x4], $0x80, $0x38;
	[tilespmem:$0x16600] =	vst v63  }
0x3a9: {  	s31 =	sadd.s32 $0x30, s1;
	s30 =	simm.s32 $0x14C98  }
0x3aa: {  	[hbm4b:s31+s3] =	stream.linear.scatter [tilespmem:s30], [sflag:$0x4], $0x80, $0x38;
	[tilespmem:$0x16600] =	vst v63  }
0x3ab: {  	s31 =	sadd.s32 $0x40, s1;
	s30 =	simm.s32 $0x14EA0  }
0x3ac: {  	[hbm4b:s31+s3] =	stream.linear.scatter [tilespmem:s30], [sflag:$0x4], $0x80, $0x38;
	[tilespmem:$0x16600] =	vst v63  }
0x3ad: {  	s31 =	sadd.s32 $0x50, s1;
	s30 =	simm.s32 $0x150A8  }
0x3ae: {  	[hbm4b:s31+s3] =	stream.linear.scatter [tilespmem:s30], [sflag:$0x4], $0x80, $0x38;
	[tilespmem:$0x16600] =	vst v63  }
0x3af: {  	s31 =	sadd.s32 $0x60, s1;
	s30 =	simm.s32 $0x152B0  }
0x3b0: {  	[hbm4b:s31+s3] =	stream.linear.scatter [tilespmem:s30], [sflag:$0x4], $0x80, $0x38;
	[tilespmem:$0x16600] =	vst v63  }
0x3b1: {  	s1 =	sadd.s32 $0x70, s1;
	s31 =	simm.s32 $0x154B8  }
0x3b2: {  	[hbm4b:s1+s3] =	stream.linear.scatter [tilespmem:s31], [sflag:$0x4], $0x80, $0x38;
	[tilespmem:$0x16600] =	vst v63  }
0x3b3: {  	s28 =	simm.s32 $0x14700;
	s1 =	sadd.s32 s22, s17  }
0x3b4: {  	[hbm4b:s1+s3] =	stream.linear.scatter [tilespmem:s28], [sflag:$0x4], $0x80, $0x38;
	[tilespmem:$0x16600] =	vst v63  }
0x3b5: {  	s31 =	simm.s32 $0x14908;
	s30 =	sadd.s32 $0x10, s1  }
0x3b6: {  	[hbm4b:s30+s3] =	stream.linear.scatter [tilespmem:s31], [sflag:$0x4], $0x80, $0x38;
	[tilespmem:$0x16600] =	vst v63  }
0x3b7: {  	s30 =	sadd.s32 $0x20, s1;
	s31 =	simm.s32 $0x14B10  }
0x3b8: {  	[hbm4b:s30+s3] =	stream.linear.scatter [tilespmem:s31], [sflag:$0x4], $0x80, $0x38;
	[tilespmem:$0x16600] =	vst v63  }
0x3b9: {  	s30 =	sadd.s32 $0x30, s1;
	s31 =	simm.s32 $0x14D18  }
0x3ba: {  	[hbm4b:s30+s3] =	stream.linear.scatter [tilespmem:s31], [sflag:$0x4], $0x80, $0x38;
	[tilespmem:$0x16600] =	vst v63  }
0x3bb: {  	s30 =	sadd.s32 $0x40, s1;
	s31 =	simm.s32 $0x14F20  }
0x3bc: {  	[hbm4b:s30+s3] =	stream.linear.scatter [tilespmem:s31], [sflag:$0x4], $0x80, $0x38;
	[tilespmem:$0x16600] =	vst v63  }
0x3bd: {  	s30 =	sadd.s32 $0x50, s1;
	s31 =	simm.s32 $0x15128  }
0x3be: {  	[hbm4b:s30+s3] =	stream.linear.scatter [tilespmem:s31], [sflag:$0x4], $0x80, $0x38;
	[tilespmem:$0x16600] =	vst v63  }
0x3bf: {  	s30 =	sadd.s32 $0x60, s1;
	s31 =	simm.s32 $0x15330  }
0x3c0: {  	[hbm4b:s30+s3] =	stream.linear.scatter [tilespmem:s31], [sflag:$0x4], $0x80, $0x38;
	[tilespmem:$0x16600] =	vst v63  }
0x3c1: {  	s28 =	simm.s32 $0x15538;
	s1 =	sadd.s32 $0x70, s1  }
0x3c2: {  	[hbm4b:s1+s3] =	stream.linear.scatter [tilespmem:s28], [sflag:$0x4], $0x80, $0x38;
	[tilespmem:$0x16600] =	vst v63  }
0x3c3: {  	s30 =	simm.s32 $0x155C0;
	s1 =	sadd.s32 s22, s18  }
0x3c4: {  	[hbm4b:s1+s3] =	stream.linear.scatter [tilespmem:s30], [sflag:$0x4], $0x80, $0x38;
	[tilespmem:$0x16600] =	vst v63  }
0x3c5: {  	s31 =	sadd.s32 $0x10, s1;
	s30 =	simm.s32 $0x157C8  }
0x3c6: {  	[hbm4b:s31+s3] =	stream.linear.scatter [tilespmem:s30], [sflag:$0x4], $0x80, $0x38;
	[tilespmem:$0x16600] =	vst v63  }
0x3c7: {  	s31 =	sadd.s32 $0x20, s1;
	s30 =	simm.s32 $0x159D0  }
0x3c8: {  	[hbm4b:s31+s3] =	stream.linear.scatter [tilespmem:s30], [sflag:$0x4], $0x80, $0x38;
	[tilespmem:$0x16600] =	vst v63  }
0x3c9: {  	s31 =	sadd.s32 $0x30, s1;
	s30 =	simm.s32 $0x15BD8  }
0x3ca: {  	[hbm4b:s31+s3] =	stream.linear.scatter [tilespmem:s30], [sflag:$0x4], $0x80, $0x38;
	[tilespmem:$0x16600] =	vst v63  }
0x3cb: {  	s31 =	sadd.s32 $0x40, s1;
	s30 =	simm.s32 $0x15DE0  }
0x3cc: {  	[hbm4b:s31+s3] =	stream.linear.scatter [tilespmem:s30], [sflag:$0x4], $0x80, $0x38;
	[tilespmem:$0x16600] =	vst v63  }
0x3cd: {  	s31 =	sadd.s32 $0x50, s1;
	s30 =	simm.s32 $0x15FE8  }
0x3ce: {  	[hbm4b:s31+s3] =	stream.linear.scatter [tilespmem:s30], [sflag:$0x4], $0x80, $0x38;
	[tilespmem:$0x16600] =	vst v63  }
0x3cf: {  	s31 =	sadd.s32 $0x60, s1;
	s30 =	simm.s32 $0x161F0  }
0x3d0: {  	[hbm4b:s31+s3] =	stream.linear.scatter [tilespmem:s30], [sflag:$0x4], $0x80, $0x38;
	[tilespmem:$0x16600] =	vst v63  }
0x3d1: {  	s1 =	sadd.s32 $0x70, s1;
	s31 =	simm.s32 $0x163F8  }
0x3d2: {  	[hbm4b:s1+s3] =	stream.linear.scatter [tilespmem:s31], [sflag:$0x4], $0x80, $0x38;
	[tilespmem:$0x16600] =	vst v63  }
0x3d3: {  	s28 =	simm.s32 $0x15640;
	s1 =	sadd.s32 s22, s19  }
0x3d4: {  	[hbm4b:s1+s3] =	stream.linear.scatter [tilespmem:s28], [sflag:$0x4], $0x80, $0x38;
	[tilespmem:$0x16600] =	vst v63  }
0x3d5: {  	s31 =	simm.s32 $0x15848;
	s30 =	sadd.s32 $0x10, s1  }
0x3d6: {  	[hbm4b:s30+s3] =	stream.linear.scatter [tilespmem:s31], [sflag:$0x4], $0x80, $0x38;
	[tilespmem:$0x16600] =	vst v63  }
0x3d7: {  	s30 =	sadd.s32 $0x20, s1;
	s31 =	simm.s32 $0x15A50  }
0x3d8: {  	[hbm4b:s30+s3] =	stream.linear.scatter [tilespmem:s31], [sflag:$0x4], $0x80, $0x38;
	[tilespmem:$0x16600] =	vst v63  }
0x3d9: {  	s30 =	sadd.s32 $0x30, s1;
	s31 =	simm.s32 $0x15C58  }
0x3da: {  	[hbm4b:s30+s3] =	stream.linear.scatter [tilespmem:s31], [sflag:$0x4], $0x80, $0x38;
	[tilespmem:$0x16600] =	vst v63  }
0x3db: {  	s30 =	sadd.s32 $0x40, s1;
	s31 =	simm.s32 $0x15E60  }
0x3dc: {  	[hbm4b:s30+s3] =	stream.linear.scatter [tilespmem:s31], [sflag:$0x4], $0x80, $0x38;
	[tilespmem:$0x16600] =	vst v63  }
0x3dd: {  	s30 =	sadd.s32 $0x50, s1;
	s31 =	simm.s32 $0x16068  }
0x3de: {  	[hbm4b:s30+s3] =	stream.linear.scatter [tilespmem:s31], [sflag:$0x4], $0x80, $0x38;
	[tilespmem:$0x16600] =	vst v63  }
0x3df: {  	s30 =	sadd.s32 $0x60, s1;
	s31 =	simm.s32 $0x16270  }
0x3e0: {  	[hbm4b:s30+s3] =	stream.linear.scatter [tilespmem:s31], [sflag:$0x4], $0x80, $0x38;
	[tilespmem:$0x16600] =	vst v63  }
0x3e1: {  	s28 =	simm.s32 $0x16478;
	s1 =	sadd.s32 $0x70, s1  }
0x3e2: {  	[hbm4b:s1+s3] =	stream.linear.scatter [tilespmem:s28], [sflag:$0x4], $0x80, $0x38;
	[tilespmem:$0x16600] =	vst v63  }
0x3e3: {  	s30 =	simm.s32 $0x156C0;
	s1 =	sadd.s32 s22, s20  }
0x3e4: {  	[hbm4b:s1+s3] =	stream.linear.scatter [tilespmem:s30], [sflag:$0x4], $0x80, $0x38;
	[tilespmem:$0x16600] =	vst v63  }
0x3e5: {  	s31 =	sadd.s32 $0x10, s1;
	s30 =	simm.s32 $0x158C8  }
0x3e6: {  	[hbm4b:s31+s3] =	stream.linear.scatter [tilespmem:s30], [sflag:$0x4], $0x80, $0x38;
	[tilespmem:$0x16600] =	vst v63  }
0x3e7: {  	s31 =	sadd.s32 $0x20, s1;
	s30 =	simm.s32 $0x15AD0  }
0x3e8: {  	[hbm4b:s31+s3] =	stream.linear.scatter [tilespmem:s30], [sflag:$0x4], $0x80, $0x38;
	[tilespmem:$0x16600] =	vst v63  }
0x3e9: {  	s31 =	sadd.s32 $0x30, s1;
	s30 =	simm.s32 $0x15CD8  }
0x3ea: {  	[hbm4b:s31+s3] =	stream.linear.scatter [tilespmem:s30], [sflag:$0x4], $0x80, $0x38;
	[tilespmem:$0x16600] =	vst v63  }
0x3eb: {  	s31 =	sadd.s32 $0x40, s1;
	s30 =	simm.s32 $0x15EE0  }
0x3ec: {  	[hbm4b:s31+s3] =	stream.linear.scatter [tilespmem:s30], [sflag:$0x4], $0x80, $0x38;
	[tilespmem:$0x16600] =	vst v63  }
0x3ed: {  	s31 =	sadd.s32 $0x50, s1;
	s30 =	simm.s32 $0x160E8  }
0x3ee: {  	[hbm4b:s31+s3] =	stream.linear.scatter [tilespmem:s30], [sflag:$0x4], $0x80, $0x38;
	[tilespmem:$0x16600] =	vst v63  }
0x3ef: {  	s31 =	sadd.s32 $0x60, s1;
	s30 =	simm.s32 $0x162F0  }
0x3f0: {  	[hbm4b:s31+s3] =	stream.linear.scatter [tilespmem:s30], [sflag:$0x4], $0x80, $0x38;
	[tilespmem:$0x16600] =	vst v63  }
0x3f1: {  	s1 =	sadd.s32 $0x70, s1;
	s31 =	simm.s32 $0x164F8  }
0x3f2: {  	[hbm4b:s1+s3] =	stream.linear.scatter [tilespmem:s31], [sflag:$0x4], $0x80, $0x38;
	[tilespmem:$0x16600] =	vst v63  }
0x3f3: {  	s28 =	simm.s32 $0x15740;
	s1 =	sadd.s32 s22, s21  }
0x3f4: {  	[hbm4b:s1+s3] =	stream.linear.scatter [tilespmem:s28], [sflag:$0x4], $0x80, $0x38;
	[tilespmem:$0x16600] =	vst v63  }
0x3f5: {  	s31 =	simm.s32 $0x15948;
	s30 =	sadd.s32 $0x10, s1  }
0x3f6: {  	[hbm4b:s30+s3] =	stream.linear.scatter [tilespmem:s31], [sflag:$0x4], $0x80, $0x38;
	[tilespmem:$0x16600] =	vst v63  }
0x3f7: {  	s23 =	sadd.s32 $0x20, s1;
	s28 =	simm.s32 $0x15B50  }
0x3f8: {  	[hbm4b:s23+s3] =	stream.linear.scatter [tilespmem:s28], [sflag:$0x4], $0x80, $0x38;
	[tilespmem:$0x16600] =	vst v63  }
0x3f9: {  	s30 =	sadd.s32 $0x30, s1;
	s31 =	simm.s32 $0x15D58  }
0x3fa: {  	[hbm4b:s30+s3] =	stream.linear.scatter [tilespmem:s31], [sflag:$0x4], $0x80, $0x38;
	[tilespmem:$0x16600] =	vst v63  }
0x3fb: {  	s6 =	sadd.s32 $0x1, s6;
	s23 =	sadd.s32 $0x40, s1;
	s28 =	simm.s32 $0x15F60  }
0x3fc: {  	[hbm4b:s23+s3] =	stream.linear.scatter [tilespmem:s28], [sflag:$0x4], $0x80, $0x38;
	[tilespmem:$0x16600] =	vst v63  }
0x3fd: {  	p0 =	sne.s32 s6, $0x19;
	s30 =	sadd.s32 $0x50, s1;
	s31 =	simm.s32 $0x16168  }
0x3fe: {  	[hbm4b:s30+s3] =	stream.linear.scatter [tilespmem:s31], [sflag:$0x4], $0x80, $0x38;
	[tilespmem:$0x16600] =	vst v63  }
.Ltmp2:
0x3ff: {  	_ = 	snop;
	(pc) =	sbr.rel @p0 .LBB2_2-.Ltmp2, $4  }
0x400: {  	s28 =	sadd.s32 $0x60, s1;
	s30 =	simm.s32 $0x16370  }
0x401: {  	[hbm4b:s28+s3] =	stream.linear.scatter [tilespmem:s30], [sflag:$0x4], $0x80, $0x38;
	[tilespmem:$0x16600] =	vst v63  }
0x402: {  	s1 =	sadd.s32 $0x70, s1;
	s31 =	simm.s32 $0x16578  }
0x403: {  	[hbm4b:s1+s3] =	stream.linear.scatter [tilespmem:s31], [sflag:$0x4], $0x80, $0x38;
	[tilespmem:$0x16600] =	vst v63  }
0x404: {  	s1 =	simm.s32 $0x3  }
0x405: {  	_ =	swait.ge [sflag:s1], $0x400  }
0x406: {  	[sflag:s1] =	ssyncset.done $0x0  }
0x407: {  	[sflag:s1] =	ssyncadd.s32 $0xFFFFFC00  }
0x408: {  	_ =	swait.ge [sflag:s1], $0x400  }
0x409: {  	[sflag:s1] =	ssyncset.done $0x0  }
0x40a: {  	[sflag:s1] =	ssyncadd.s32 $0xFFFFFC00  }
0x40b: {  	_ =	swait.ge [sflag:s1], $0x400  }
0x40c: {  	[sflag:s1] =	ssyncset.done $0x0  }
0x40d: {  	[sflag:s1] =	ssyncadd.s32 $0xFFFFFC00  }
0x40e: {  	_ =	swait.ge [sflag:s1], $0x400  }
0x40f: {  	[sflag:s1] =	ssyncset.done $0x0  }
0x410: {  	[sflag:s1] =	ssyncadd.s32 $0xFFFFFC00  }
0x411: {  	_ =	swait.ge [sflag:s1], $0x400  }
0x412: {  	[sflag:s1] =	ssyncset.done $0x0  }
0x413: {  	[sflag:s1] =	ssyncadd.s32 $0xFFFFFC00  }
0x414: {  	_ =	swait.ge [sflag:s1], $0x400  }
0x415: {  	[sflag:s1] =	ssyncset.done $0x0  }
0x416: {  	[sflag:s1] =	ssyncadd.s32 $0xFFFFFC00  }
0x417: {  	_ =	swait.ge [sflag:s1], $0x400  }
0x418: {  	[sflag:s1] =	ssyncset.done $0x0  }
0x419: {  	[sflag:s1] =	ssyncadd.s32 $0xFFFFFC00  }
0x41a: {  	_ =	swait.ge [sflag:s1], $0x400  }
0x41b: {  	[sflag:s1] =	ssyncset.done $0x0  }
0x41c: {  	[sflag:s1] =	ssyncadd.s32 $0xFFFFFC00  }
0x41d: {  	_ =	swait.ge [sflag:s1], $0x400  }
0x41e: {  	[sflag:s1] =	ssyncset.done $0x0  }
0x41f: {  	[sflag:s1] =	ssyncadd.s32 $0xFFFFFC00  }
0x420: {  	_ =	swait.ge [sflag:s1], $0x400  }
0x421: {  	[sflag:s1] =	ssyncset.done $0x0  }
0x422: {  	[sflag:s1] =	ssyncadd.s32 $0xFFFFFC00  }
0x423: {  	_ =	swait.ge [sflag:s1], $0x400  }
0x424: {  	[sflag:s1] =	ssyncset.done $0x0  }
0x425: {  	[sflag:s1] =	ssyncadd.s32 $0xFFFFFC00  }
0x426: {  	_ =	swait.ge [sflag:s1], $0x400  }
0x427: {  	[sflag:s1] =	ssyncset.done $0x0  }
0x428: {  	[sflag:s1] =	ssyncadd.s32 $0xFFFFFC00  }
0x429: {  	_ =	swait.ge [sflag:s1], $0x400  }
0x42a: {  	[sflag:s1] =	ssyncset.done $0x0  }
0x42b: {  	[sflag:s1] =	ssyncadd.s32 $0xFFFFFC00  }
0x42c: {  	_ =	swait.ge [sflag:s1], $0x400  }
0x42d: {  	[sflag:s1] =	ssyncset.done $0x0  }
0x42e: {  	[sflag:s1] =	ssyncadd.s32 $0xFFFFFC00  }
0x42f: {  	_ =	swait.ge [sflag:s1], $0x400  }
0x430: {  	[sflag:s1] =	ssyncset.done $0x0  }
0x431: {  	[sflag:s1] =	ssyncadd.s32 $0xFFFFFC00  }
0x432: {  	_ =	swait.ge [sflag:s1], $0x400  }
0x433: {  	[sflag:s1] =	ssyncset.done $0x0  }
0x434: {  	[sflag:s1] =	ssyncadd.s32 $0xFFFFFC00  }
0x435: {  	_ =	swait.ge [sflag:s24], $0x400  }
0x436: {  	[sflag:s24] =	ssyncset.done $0x0  }
0x437: {  	[sflag:s24] =	ssyncadd.s32 $0xFFFFFC00  }
0x438: {  	_ =	swait.ge [sflag:s24], $0x400  }
0x439: {  	[sflag:s24] =	ssyncset.done $0x0  }
0x43a: {  	[sflag:s24] =	ssyncadd.s32 $0xFFFFFC00  }
0x43b: {  	_ =	swait.ge [sflag:s24], $0x400  }
0x43c: {  	[sflag:s24] =	ssyncset.done $0x0  }
0x43d: {  	[sflag:s24] =	ssyncadd.s32 $0xFFFFFC00  }
0x43e: {  	_ =	swait.ge [sflag:s24], $0x400  }
0x43f: {  	[sflag:s24] =	ssyncset.done $0x0  }
0x440: {  	[sflag:s24] =	ssyncadd.s32 $0xFFFFFC00  }
0x441: {  	_ =	swait.ge [sflag:s24], $0x400  }
0x442: {  	[sflag:s24] =	ssyncset.done $0x0  }
0x443: {  	[sflag:s24] =	ssyncadd.s32 $0xFFFFFC00  }
0x444: {  	_ =	swait.ge [sflag:s24], $0x400  }
0x445: {  	[sflag:s24] =	ssyncset.done $0x0  }
0x446: {  	[sflag:s24] =	ssyncadd.s32 $0xFFFFFC00  }
0x447: {  	_ =	swait.ge [sflag:s24], $0x400  }
0x448: {  	[sflag:s24] =	ssyncset.done $0x0  }
0x449: {  	[sflag:s24] =	ssyncadd.s32 $0xFFFFFC00  }
0x44a: {  	_ =	swait.ge [sflag:s24], $0x400  }
0x44b: {  	[sflag:s24] =	ssyncset.done $0x0  }
0x44c: {  	[sflag:s24] =	ssyncadd.s32 $0xFFFFFC00  }
0x44d: {  	_ =	swait.ge [sflag:s24], $0x400  }
0x44e: {  	[sflag:s24] =	ssyncset.done $0x0  }
0x44f: {  	[sflag:s24] =	ssyncadd.s32 $0xFFFFFC00  }
0x450: {  	_ =	swait.ge [sflag:s24], $0x400  }
0x451: {  	[sflag:s24] =	ssyncset.done $0x0  }
0x452: {  	[sflag:s24] =	ssyncadd.s32 $0xFFFFFC00  }
0x453: {  	_ =	swait.ge [sflag:s24], $0x400  }
0x454: {  	[sflag:s24] =	ssyncset.done $0x0  }
0x455: {  	[sflag:s24] =	ssyncadd.s32 $0xFFFFFC00  }
0x456: {  	_ =	swait.ge [sflag:s24], $0x400  }
0x457: {  	[sflag:s24] =	ssyncset.done $0x0  }
0x458: {  	[sflag:s24] =	ssyncadd.s32 $0xFFFFFC00  }
0x459: {  	_ =	swait.ge [sflag:s24], $0x400  }
0x45a: {  	[sflag:s24] =	ssyncset.done $0x0  }
0x45b: {  	[sflag:s24] =	ssyncadd.s32 $0xFFFFFC00  }
0x45c: {  	_ =	swait.ge [sflag:s24], $0x400  }
0x45d: {  	[sflag:s24] =	ssyncset.done $0x0  }
0x45e: {  	[sflag:s24] =	ssyncadd.s32 $0xFFFFFC00  }
0x45f: {  	_ =	swait.ge [sflag:s24], $0x400  }
0x460: {  	[sflag:s24] =	ssyncset.done $0x0  }
0x461: {  	[sflag:s24] =	ssyncadd.s32 $0xFFFFFC00  }
0x462: {  	_ =	swait.ge [sflag:s24], $0x400  }
0x463: {  	s6 =	rddreg [dreg:$0x5]  }
0x464: {  	s31 =	rddreg [dreg:$0x4];
	s6 =	sadd.s32 $0x1, s6  }
0x465: {  	p0 =	sne.s32 s6, s31  }
.Ltmp3:
0x466: {  	_ = 	snop;
	(pc) =	sbr.rel @p0 .LBB2_1-.Ltmp3, $3  }
0x467: {  	_ =	sdelay $0x1  }
0x468: {  	[sflag:s24] =	ssyncset.done $0x0  }
0x469: {  	[sflag:s24] =	ssyncadd.s32 $0xFFFFFC00  }
0x46a: {  	_ =	sfence.sel $0x180000  }
0x46b: {  	[bflag:$0x0] =	sbarrier.arrive $0xFFFF  }
0x46c: {  	_ =	strace $0x90000047  }
0x46d: {  	s0 =	stileid.u32;
	[bflag:$0x2] =	sbarrier.arrive $0xFFFF  }
0x46e: {  	p0 =	sne.s32 s0, $0x0;
	s0 =	rddreg [dreg:$0x2]  }
0x46f: {  	s0 =	sadd.s32 @!p0 $0x100000, s0  }
0x470: {  	[sflag:s0] =	ssyncadd.tile.s32 @!p0 $0x1;
	_ =	shalt  }
.Lfunc_end2:
_tile_overlayer_lowered:
.L_overlay_start_2:
0x471: {  	(tag) =	ssettag $0x2  }
0x472: {  	s0 =	rddreg [dreg:$0x0];
	s2 =	stileid.u32  }
0x473: {  	s1 =	rddreg [dreg:$0x1];
	p0 =	sne.s32 s2, $0x0  }
0x474: {  	s3 =	rddreg [dreg:$0x2];
	[bflag:$0x3] =	sbarrier.arrive $0xFFFF;
	s2 =	simm.s32 @!p0 $0x1C05  }
0x475: {  	[timem:s3], [sflag:s2] =	dma.local @!p0 [hbm:s0], s1  }
0x476: {  	s0 =	simm.s32 @!p0 $0x5  }
0x477: {  	_ =	swait.ge @!p0 [sflag:s0], s1  }
0x478: {  	s1 =	ssub.s32 @!p0 $0x0, s1;
	[sflag:s0] =	ssyncset.done @!p0 $0x0  }
0x479: {  	[sflag:s0] =	ssyncadd.s32 @!p0 s1  }
0x47a: {  	[bflag:$0x3] =	sbarrier.arrive $0xFFFF  }
0x47b: {  	_ =	shalt  }

</sc_bundles>
